<compile_context>
chip_gen: v7x
topology: tpu7x:2x2x1
jax: 0.10.2.dev20260603
libtpu: 0.0.44.dev20260713+nightly
codegen_flags: <defaults>
</compile_context>

<pallas_src>
import functools

import jax
import jax.numpy as jnp
from jax import lax
from jax.experimental import pallas as pl
from jax.experimental.pallas import tpu as pltpu
from jax.experimental.pallas import tpu_sc as plsc

N = 10000
NPAD = 10240
IN_CH = 128
HID = 32
OUT = 16
E_RAW = 320000

NC, NS, L = 2, 16, 16
NW = NC * NS
SLICE = NPAD // NS
CHUNK = 128
CPT = 82
EPT = CPT * CHUNK
E_PAD = EPT * NW


def _mesh():
    return plsc.VectorSubcoreMesh(core_axis_name="c", subcore_axis_name="s",
                                  num_cores=NC, num_subcores=NS)


def _deg_call(dst3, ew3):
    @functools.partial(
        pl.kernel,
        out_type=jax.ShapeDtypeStruct((NC, NPAD), jnp.float32),
        mesh=_mesh(),
        scratch_types=[
            pltpu.VMEM((CPT, CHUNK), jnp.int32),
            pltpu.VMEM((CPT, CHUNK), jnp.float32),
            pltpu.VMEM((SLICE,), jnp.float32),
            pltpu.VMEM_SHARED((NPAD,), jnp.float32),
        ],
    )
    def deg_kernel(dst_hbm, ew_hbm, out_hbm, dst_v, ew_v, zbuf, acc):
        cid = lax.axis_index("c")
        sid = lax.axis_index("s")
        wid = sid * NC + cid

        def zb(i, c):
            zbuf[pl.ds(i * L, L)] = jnp.zeros((L,), jnp.float32)
            return c

        lax.fori_loop(0, SLICE // L, zb, 0)
        pltpu.sync_copy(zbuf, acc.at[pl.ds(sid * SLICE, SLICE)])
        pltpu.sync_copy(dst_hbm.at[wid], dst_v)
        pltpu.sync_copy(ew_hbm.at[wid], ew_v)
        plsc.subcore_barrier()

        def body(j, c):
            pltpu.sync_copy(ew_v.at[j], acc.at[dst_v.at[j]], add=True)
            return c

        lax.fori_loop(0, CPT, body, 0)
        plsc.subcore_barrier()
        pltpu.sync_copy(acc.at[pl.ds(sid * SLICE, SLICE)],
                        out_hbm.at[cid, pl.ds(sid * SLICE, SLICE)])

    return deg_kernel(dst3, ew3)


def _agg_call(src3, dst3, ew3, h, zrs, D):
    @functools.partial(
        pl.kernel,
        out_type=jax.ShapeDtypeStruct((NC, NPAD, D), jnp.float32),
        mesh=_mesh(),
        compiler_params=pltpu.CompilerParams(use_tc_tiling_on_sc=False),
        scratch_types=[
            pltpu.VMEM((CPT, CHUNK), jnp.int32),
            pltpu.VMEM((CPT, CHUNK), jnp.int32),
            pltpu.VMEM((CPT, CHUNK), jnp.float32),
            pltpu.VMEM((2, CHUNK, D), jnp.float32),
            pltpu.VMEM((CHUNK, D), jnp.float32),
            pltpu.VMEM_SHARED((NPAD, D), jnp.float32),
            pltpu.SemaphoreType.DMA,
            pltpu.SemaphoreType.DMA,
        ],
    )
    def agg_kernel(src_hbm, dst_hbm, ew_hbm, h_hbm, z_hbm, out_hbm,
                   src_v, dst_v, ew_v, rows, obuf, acc, sem0, sem1):
        cid = lax.axis_index("c")
        sid = lax.axis_index("s")
        wid = sid * NC + cid
        sems = (sem0, sem1)
        nsl = pl.ds(sid * SLICE, SLICE)
        pltpu.sync_copy(z_hbm.at[nsl], acc.at[nsl])
        pltpu.sync_copy(src_hbm.at[wid], src_v)
        pltpu.sync_copy(dst_hbm.at[wid], dst_v)
        pltpu.sync_copy(ew_hbm.at[wid], ew_v)
        plsc.subcore_barrier()

        def fire(j, b):
            pltpu.async_copy(h_hbm.at[src_v.at[j]], rows.at[b], sems[b])

        def wait(j, b):
            pltpu.make_async_copy(h_hbm.at[src_v.at[j]], rows.at[b],
                                  sems[b]).wait()

        def scale(j, b):
            def kb(g, c):
                ewv = ew_v[j, pl.ds(g * L, L)]
                for e in range(L):
                    k = g * L + e
                    s = ewv[e]
                    for f in range(D // L):
                        sl = pl.ds(f * L, L)
                        rows[b, k, sl] = rows[b, k, sl] * s
                return c

            lax.fori_loop(0, CHUNK // L, kb, 0, unroll=2)

        def scat(j, b):
            pltpu.sync_copy(rows.at[b], acc.at[dst_v.at[j]], add=True)

        fire(0, 0)

        def outer(jo, c):
            j0 = 2 * jo
            fire(j0 + 1, 1)
            wait(j0, 0)
            scale(j0, 0)
            scat(j0, 0)

            @pl.when(j0 + 2 < CPT)
            def _():
                fire(j0 + 2, 0)

            wait(j0 + 1, 1)
            scale(j0 + 1, 1)
            scat(j0 + 1, 1)
            return c

        lax.fori_loop(0, CPT // 2, outer, 0)
        plsc.subcore_barrier()

        def oc(t, c):
            osl = pl.ds(sid * SLICE + t * CHUNK, CHUNK)
            pltpu.sync_copy(acc.at[osl], obuf)
            pltpu.sync_copy(obuf, out_hbm.at[cid, osl])
            return c

        lax.fori_loop(0, SLICE // CHUNK, oc, 0)

    return agg_kernel(src3, dst3, ew3, h, zrs)


def _tc_prep(degp, x_pad, W1):
    def body(deg_ref, x_ref, w_ref, dinv_ref, h_ref):
        deg = deg_ref[0, :] + deg_ref[1, :]
        dinv = jnp.where(deg > 0, lax.rsqrt(jnp.maximum(deg, 1e-12)), 0.0)
        dinv_ref[...] = dinv
        h = jnp.dot(x_ref[...], w_ref[...], preferred_element_type=jnp.float32)
        h_ref[...] = h * dinv[:, None]

    return pl.pallas_call(
        body,
        out_shape=(jax.ShapeDtypeStruct((NPAD,), jnp.float32),
                   jax.ShapeDtypeStruct((NPAD, HID), jnp.float32)),
    )(degp, x_pad, W1)


def _tc_mid(p1, dinv, b1, W2):
    def body(p_ref, dinv_ref, b_ref, w_ref, h2_ref):
        dinv = dinv_ref[...]
        s = (p_ref[0] + p_ref[1]) * dinv[:, None] + b_ref[...][None, :]
        a = jnp.maximum(s, 0.0)
        h2 = jnp.dot(a, w_ref[...], preferred_element_type=jnp.float32)
        h2_ref[...] = h2 * dinv[:, None]

    return pl.pallas_call(
        body,
        out_shape=jax.ShapeDtypeStruct((NPAD, OUT), jnp.float32),
    )(p1, dinv, b1, W2)


def _tc_fin(p2, dinv, b2):
    def body(p_ref, dinv_ref, b_ref, o_ref):
        o_ref[...] = ((p_ref[0] + p_ref[1]) * dinv_ref[...][:, None]
                      + b_ref[...][None, :])

    return pl.pallas_call(
        body,
        out_shape=jax.ShapeDtypeStruct((NPAD, OUT), jnp.float32),
    )(p2, dinv, b2)


def kernel(x, edge_index, edge_weight, W1, b1, W2, b2):
    loop = jnp.arange(N, dtype=jnp.int32)
    src = jnp.concatenate([edge_index[0].astype(jnp.int32), loop])
    dst = jnp.concatenate([edge_index[1].astype(jnp.int32), loop])
    ew = jnp.concatenate([edge_weight.astype(jnp.float32),
                          jnp.ones((N,), jnp.float32)])
    pad = E_PAD - (E_RAW + N)
    src3 = jnp.pad(src, (0, pad)).reshape(NW, CPT, CHUNK)
    dst3 = jnp.pad(dst, (0, pad)).reshape(NW, CPT, CHUNK)
    ew3 = jnp.pad(ew, (0, pad)).reshape(NW, CPT, CHUNK)
    x_pad = jnp.pad(x, ((0, NPAD - N), (0, 0)))

    degp = _deg_call(dst3, ew3)
    dinv, h1 = _tc_prep(degp, x_pad, W1)
    p1 = _agg_call(src3, dst3, ew3, h1,
                   jnp.zeros((NPAD, HID), jnp.float32), HID)
    h2 = _tc_mid(p1, dinv, b1, W2)
    p2 = _agg_call(src3, dst3, ew3, h2,
                   jnp.zeros((NPAD, OUT), jnp.float32), OUT)
    out = _tc_fin(p2, dinv, b2)
    return out[:N]

# --- scband reference (transcript-rebuilt; emitter-appended) ---
"""Pipeline reference for scband-neighborhood-gcn-52055003627816 (READ-ONLY COPY).

The authoritative reference and input builder live on the scoring server;
editing this copy changes nothing except your own understanding.
"""

import jax, jax.numpy as jnp
import numpy as np

N_NODES = 10000
N_EDGES = 320000
IN_CH = 128
HID_CH = 32
OUT_CH = 16


def setup_inputs(seed: int = 0) -> dict:
    key = jax.random.key(seed)
    k1, k2, k3, k4, k5, k6, k7 = jax.random.split(key, 7)
    x = jax.random.normal(k1, (N_NODES, IN_CH), dtype=jnp.float32)
    edge_index = jax.random.randint(k2, (2, N_EDGES), 0, N_NODES, dtype=jnp.int64)
    edge_weight = jax.random.uniform(k3, (N_EDGES,), dtype=jnp.float32)
    W1 = jax.random.normal(k4, (IN_CH, HID_CH), dtype=jnp.float32) * (1.0 / np.sqrt(IN_CH))
    b1 = jnp.zeros((HID_CH,), dtype=jnp.float32)
    W2 = jax.random.normal(k5, (HID_CH, OUT_CH), dtype=jnp.float32) * (1.0 / np.sqrt(HID_CH))
    b2 = jnp.zeros((OUT_CH,), dtype=jnp.float32)
    return {"x": x, "edge_index": edge_index, "edge_weight": edge_weight,
            "W1": W1, "b1": b1, "W2": W2, "b2": b2}


def _gcn_layer(x, src, dst, ew, W, b, n):
    # GCNConv: h = X W; out[dst] += norm * h[src]; out += b
    h = x @ W
    deg = jax.ops.segment_sum(ew, dst, num_segments=n)
    dinv = jnp.where(deg > 0, jax.lax.rsqrt(jnp.maximum(deg, 1e-12)), 0.0)
    norm = dinv[src] * ew * dinv[dst]
    msgs = norm[:, None] * h[src]
    out = jax.ops.segment_sum(msgs, dst, num_segments=n)
    return out + b


def reference(x, edge_index, edge_weight, W1, b1, W2, b2):
    n = x.shape[0]
    # gcn_norm: add self-loops with weight 1.0 (PyG default fill_value=1.0)
    loop = jnp.arange(n, dtype=edge_index.dtype)
    src = jnp.concatenate([edge_index[0], loop])
    dst = jnp.concatenate([edge_index[1], loop])
    ew = jnp.concatenate([edge_weight, jnp.ones((n,), dtype=x.dtype)])
    h = _gcn_layer(x, src, dst, ew, W1, b1, n)
    h = jax.nn.relu(h)
    out = _gcn_layer(h, src, dst, ew, W2, b2, n)
    return out

if __name__ == "__main__":
    import jax
    _d = setup_inputs()
    print(jax.jit(kernel)(*tuple(_d.values())))

</pallas_src>

<mosaic_0001>
#map = affine_map<(d0, d1) -> (0, 0, 0)>
#map1 = affine_map<(d0, d1) -> (0, 0)>
module attributes {stable_mosaic.version = 14 : i64} {
  func.func @agg_kernel(%arg0: i32, %arg1: i32, %arg2: memref<32x82x128xi32, #tpu.memory_space<hbm>>, %arg3: memref<32x82x128xi32, #tpu.memory_space<hbm>>, %arg4: memref<32x82x128xf32, #tpu.memory_space<hbm>>, %arg5: memref<10240x32xf32, #tpu.memory_space<hbm>>, %arg6: memref<10240x32xf32, #tpu.memory_space<hbm>>, %arg7: memref<2x10240x32xf32, #tpu.memory_space<hbm>>, %arg8: memref<82x128xi32, #tpu.memory_space<vmem>>, %arg9: memref<82x128xi32, #tpu.memory_space<vmem>>, %arg10: memref<82x128xf32, #tpu.memory_space<vmem>>, %arg11: memref<2x128x32xf32, #tpu.memory_space<vmem>>, %arg12: memref<128x32xf32, #tpu.memory_space<vmem>>, %arg13: memref<10240x32xf32, #tpu.memory_space<vmem_shared>>, %arg14: memref<!tpu.dma_semaphore, #tpu.memory_space<semaphore_mem>>, %arg15: memref<!tpu.dma_semaphore, #tpu.memory_space<semaphore_mem>>) attributes {dimension_semantics = [#tpu.dimension_semantics<core_parallel>, #tpu.dimension_semantics<subcore_parallel>], iteration_bounds = array<i64: 2, 16>, scalar_prefetch = 0 : i64, scratch_operands = 8 : i64, tpu.core_type = #tpu.core_type<sc_vector_subcore>, window_params = [{transform_indices = #map}, {transform_indices = #map}, {transform_indices = #map}, {transform_indices = #map1}, {transform_indices = #map1}, {transform_indices = #map}]} {
    %mul3A = arith.constant 2 : i32
    %mul3A_0 = arith.muli %arg1, %mul3A : i32
    %add3A = arith.addi %mul3A_0, %arg0 : i32
    %mul3A_1 = arith.constant 640 : i32
    %mul3A_2 = arith.muli %arg1, %mul3A_1 : i32
    "tpu.region"() ({
      %run_scoped3A = tpu.sem_alloc : memref<!tpu.dma_semaphore, #tpu.memory_space<semaphore_mem>>
      %dma_start3A_26 = arith.constant 0 : i32
      %dma_start3A_27 = tpu.memref_slice %arg13[%mul3A_2, %dma_start3A_26] : memref<10240x32xf32, #tpu.memory_space<vmem_shared>> -> memref<640x32xf32, #tpu.memory_space<vmem_shared>>
      %dma_start3A_28 = arith.constant 0 : i32
      %dma_start3A_29 = tpu.memref_slice %arg6[%mul3A_2, %dma_start3A_28] : memref<10240x32xf32, #tpu.memory_space<hbm>> -> memref<640x32xf32, #tpu.memory_space<hbm>>
      tpu.enqueue_dma source(%dma_start3A_29 : memref<640x32xf32, #tpu.memory_space<hbm>>) target(%dma_start3A_27 : memref<640x32xf32, #tpu.memory_space<vmem_shared>>) target_semaphore(%run_scoped3A : memref<!tpu.dma_semaphore, #tpu.memory_space<semaphore_mem>>)
      %dma_wait3A = arith.constant 0 : i32
      %dma_wait3A_30 = tpu.memref_slice %arg13[%mul3A_2, %dma_wait3A] : memref<10240x32xf32, #tpu.memory_space<vmem_shared>> -> memref<640x32xf32, #tpu.memory_space<vmem_shared>>
      %dma_wait3A_31 = arith.constant 0 : i32
      %dma_wait3A_32 = tpu.memref_slice %arg6[%mul3A_2, %dma_wait3A_31] : memref<10240x32xf32, #tpu.memory_space<hbm>> -> memref<640x32xf32, #tpu.memory_space<hbm>>
      tpu.wait_dma2 semaphore(%run_scoped3A : memref<!tpu.dma_semaphore, #tpu.memory_space<semaphore_mem>>) src(%dma_wait3A_32 : memref<640x32xf32, #tpu.memory_space<hbm>>) dst(%dma_wait3A_30 : memref<640x32xf32, #tpu.memory_space<vmem_shared>>)
      tpu.yield
    }) : () -> ()
    "tpu.region"() ({
      %run_scoped3A = tpu.sem_alloc : memref<!tpu.dma_semaphore, #tpu.memory_space<semaphore_mem>>
      %dma_start3A_26 = arith.constant 0 : i32
      %dma_start3A_27 = arith.constant 0 : i32
      %dma_start3A_28 = tpu.memref_slice %arg2[%add3A, %dma_start3A_26, %dma_start3A_27] : memref<32x82x128xi32, #tpu.memory_space<hbm>> -> memref<1x82x128xi32, #tpu.memory_space<hbm>>
      %dma_start3A_29 = tpu.memref_squeeze %dma_start3A_28 : memref<1x82x128xi32, #tpu.memory_space<hbm>> -> memref<82x128xi32, #tpu.memory_space<hbm>>
      %dma_start3A_30 = arith.constant 0 : i32
      %dma_start3A_31 = arith.constant 0 : i32
      %dma_start3A_32 = tpu.memref_slice %arg2[%add3A, %dma_start3A_30, %dma_start3A_31] : memref<32x82x128xi32, #tpu.memory_space<hbm>> -> memref<1x82x128xi32, #tpu.memory_space<hbm>>
      %dma_start3A_33 = tpu.memref_squeeze %dma_start3A_32 : memref<1x82x128xi32, #tpu.memory_space<hbm>> -> memref<82x128xi32, #tpu.memory_space<hbm>>
      tpu.enqueue_dma source(%dma_start3A_33 : memref<82x128xi32, #tpu.memory_space<hbm>>) target(%arg8 : memref<82x128xi32, #tpu.memory_space<vmem>>) target_semaphore(%run_scoped3A : memref<!tpu.dma_semaphore, #tpu.memory_space<semaphore_mem>>)
      %dma_wait3A = arith.constant 0 : i32
      %dma_wait3A_34 = arith.constant 0 : i32
      %dma_wait3A_35 = tpu.memref_slice %arg2[%add3A, %dma_wait3A, %dma_wait3A_34] : memref<32x82x128xi32, #tpu.memory_space<hbm>> -> memref<1x82x128xi32, #tpu.memory_space<hbm>>
      %dma_wait3A_36 = tpu.memref_squeeze %dma_wait3A_35 : memref<1x82x128xi32, #tpu.memory_space<hbm>> -> memref<82x128xi32, #tpu.memory_space<hbm>>
      %dma_wait3A_37 = arith.constant 0 : i32
      %dma_wait3A_38 = arith.constant 0 : i32
      %dma_wait3A_39 = tpu.memref_slice %arg2[%add3A, %dma_wait3A_37, %dma_wait3A_38] : memref<32x82x128xi32, #tpu.memory_space<hbm>> -> memref<1x82x128xi32, #tpu.memory_space<hbm>>
      %dma_wait3A_40 = tpu.memref_squeeze %dma_wait3A_39 : memref<1x82x128xi32, #tpu.memory_space<hbm>> -> memref<82x128xi32, #tpu.memory_space<hbm>>
      tpu.wait_dma2 semaphore(%run_scoped3A : memref<!tpu.dma_semaphore, #tpu.memory_space<semaphore_mem>>) src(%dma_wait3A_40 : memref<82x128xi32, #tpu.memory_space<hbm>>) dst(%arg8 : memref<82x128xi32, #tpu.memory_space<vmem>>)
      tpu.yield
    }) : () -> ()
    "tpu.region"() ({
      %run_scoped3A = tpu.sem_alloc : memref<!tpu.dma_semaphore, #tpu.memory_space<semaphore_mem>>
      %dma_start3A_26 = arith.constant 0 : i32
      %dma_start3A_27 = arith.constant 0 : i32
      %dma_start3A_28 = tpu.memref_slice %arg3[%add3A, %dma_start3A_26, %dma_start3A_27] : memref<32x82x128xi32, #tpu.memory_space<hbm>> -> memref<1x82x128xi32, #tpu.memory_space<hbm>>
      %dma_start3A_29 = tpu.memref_squeeze %dma_start3A_28 : memref<1x82x128xi32, #tpu.memory_space<hbm>> -> memref<82x128xi32, #tpu.memory_space<hbm>>
      %dma_start3A_30 = arith.constant 0 : i32
      %dma_start3A_31 = arith.constant 0 : i32
      %dma_start3A_32 = tpu.memref_slice %arg3[%add3A, %dma_start3A_30, %dma_start3A_31] : memref<32x82x128xi32, #tpu.memory_space<hbm>> -> memref<1x82x128xi32, #tpu.memory_space<hbm>>
      %dma_start3A_33 = tpu.memref_squeeze %dma_start3A_32 : memref<1x82x128xi32, #tpu.memory_space<hbm>> -> memref<82x128xi32, #tpu.memory_space<hbm>>
      tpu.enqueue_dma source(%dma_start3A_33 : memref<82x128xi32, #tpu.memory_space<hbm>>) target(%arg9 : memref<82x128xi32, #tpu.memory_space<vmem>>) target_semaphore(%run_scoped3A : memref<!tpu.dma_semaphore, #tpu.memory_space<semaphore_mem>>)
      %dma_wait3A = arith.constant 0 : i32
      %dma_wait3A_34 = arith.constant 0 : i32
      %dma_wait3A_35 = tpu.memref_slice %arg3[%add3A, %dma_wait3A, %dma_wait3A_34] : memref<32x82x128xi32, #tpu.memory_space<hbm>> -> memref<1x82x128xi32, #tpu.memory_space<hbm>>
      %dma_wait3A_36 = tpu.memref_squeeze %dma_wait3A_35 : memref<1x82x128xi32, #tpu.memory_space<hbm>> -> memref<82x128xi32, #tpu.memory_space<hbm>>
      %dma_wait3A_37 = arith.constant 0 : i32
      %dma_wait3A_38 = arith.constant 0 : i32
      %dma_wait3A_39 = tpu.memref_slice %arg3[%add3A, %dma_wait3A_37, %dma_wait3A_38] : memref<32x82x128xi32, #tpu.memory_space<hbm>> -> memref<1x82x128xi32, #tpu.memory_space<hbm>>
      %dma_wait3A_40 = tpu.memref_squeeze %dma_wait3A_39 : memref<1x82x128xi32, #tpu.memory_space<hbm>> -> memref<82x128xi32, #tpu.memory_space<hbm>>
      tpu.wait_dma2 semaphore(%run_scoped3A : memref<!tpu.dma_semaphore, #tpu.memory_space<semaphore_mem>>) src(%dma_wait3A_40 : memref<82x128xi32, #tpu.memory_space<hbm>>) dst(%arg9 : memref<82x128xi32, #tpu.memory_space<vmem>>)
      tpu.yield
    }) : () -> ()
    "tpu.region"() ({
      %run_scoped3A = tpu.sem_alloc : memref<!tpu.dma_semaphore, #tpu.memory_space<semaphore_mem>>
      %dma_start3A_26 = arith.constant 0 : i32
      %dma_start3A_27 = arith.constant 0 : i32
      %dma_start3A_28 = tpu.memref_slice %arg4[%add3A, %dma_start3A_26, %dma_start3A_27] : memref<32x82x128xf32, #tpu.memory_space<hbm>> -> memref<1x82x128xf32, #tpu.memory_space<hbm>>
      %dma_start3A_29 = tpu.memref_squeeze %dma_start3A_28 : memref<1x82x128xf32, #tpu.memory_space<hbm>> -> memref<82x128xf32, #tpu.memory_space<hbm>>
      %dma_start3A_30 = arith.constant 0 : i32
      %dma_start3A_31 = arith.constant 0 : i32
      %dma_start3A_32 = tpu.memref_slice %arg4[%add3A, %dma_start3A_30, %dma_start3A_31] : memref<32x82x128xf32, #tpu.memory_space<hbm>> -> memref<1x82x128xf32, #tpu.memory_space<hbm>>
      %dma_start3A_33 = tpu.memref_squeeze %dma_start3A_32 : memref<1x82x128xf32, #tpu.memory_space<hbm>> -> memref<82x128xf32, #tpu.memory_space<hbm>>
      tpu.enqueue_dma source(%dma_start3A_33 : memref<82x128xf32, #tpu.memory_space<hbm>>) target(%arg10 : memref<82x128xf32, #tpu.memory_space<vmem>>) target_semaphore(%run_scoped3A : memref<!tpu.dma_semaphore, #tpu.memory_space<semaphore_mem>>)
      %dma_wait3A = arith.constant 0 : i32
      %dma_wait3A_34 = arith.constant 0 : i32
      %dma_wait3A_35 = tpu.memref_slice %arg4[%add3A, %dma_wait3A, %dma_wait3A_34] : memref<32x82x128xf32, #tpu.memory_space<hbm>> -> memref<1x82x128xf32, #tpu.memory_space<hbm>>
      %dma_wait3A_36 = tpu.memref_squeeze %dma_wait3A_35 : memref<1x82x128xf32, #tpu.memory_space<hbm>> -> memref<82x128xf32, #tpu.memory_space<hbm>>
      %dma_wait3A_37 = arith.constant 0 : i32
      %dma_wait3A_38 = arith.constant 0 : i32
      %dma_wait3A_39 = tpu.memref_slice %arg4[%add3A, %dma_wait3A_37, %dma_wait3A_38] : memref<32x82x128xf32, #tpu.memory_space<hbm>> -> memref<1x82x128xf32, #tpu.memory_space<hbm>>
      %dma_wait3A_40 = tpu.memref_squeeze %dma_wait3A_39 : memref<1x82x128xf32, #tpu.memory_space<hbm>> -> memref<82x128xf32, #tpu.memory_space<hbm>>
      tpu.wait_dma2 semaphore(%run_scoped3A : memref<!tpu.dma_semaphore, #tpu.memory_space<semaphore_mem>>) src(%dma_wait3A_40 : memref<82x128xf32, #tpu.memory_space<hbm>>) dst(%arg10 : memref<82x128xf32, #tpu.memory_space<vmem>>)
      tpu.yield
    }) : () -> ()
    %barrier3A = arith.constant 0 : index
    tpu.barrier barrier_id(%barrier3A)
    %dma_start3A = arith.constant 0 : i32
    %dma_start3A_3 = arith.constant 0 : i32
    %dma_start3A_4 = arith.constant 0 : i32
    %dma_start3A_5 = arith.constant 0 : i32
    %dma_start3A_6 = tpu.memref_slice %arg11[%dma_start3A_3, %dma_start3A_4, %dma_start3A_5] : memref<2x128x32xf32, #tpu.memory_space<vmem>> -> memref<1x128x32xf32, #tpu.memory_space<vmem>>
    %dma_start3A_7 = tpu.memref_squeeze %dma_start3A_6 : memref<1x128x32xf32, #tpu.memory_space<vmem>> -> memref<128x32xf32, #tpu.memory_space<vmem>>
    %dma_start3A_8 = arith.constant 0 : i32
    %dma_start3A_9 = tpu.memref_slice %arg8[%dma_start3A, %dma_start3A_8] : memref<82x128xi32, #tpu.memory_space<vmem>> -> memref<1x128xi32, #tpu.memory_space<vmem>>
    %dma_start3A_10 = tpu.memref_squeeze %dma_start3A_9 : memref<1x128xi32, #tpu.memory_space<vmem>> -> memref<128xi32, #tpu.memory_space<vmem>>
    %dma_start3A_11 = arith.constant 0 : i32
    %dma_start3A_12 = arith.constant 0 : i32
    %dma_start3A_13 = tpu.memref_slice %arg5[%dma_start3A_11, %dma_start3A_12] : memref<10240x32xf32, #tpu.memory_space<hbm>> -> memref<10240x32xf32, #tpu.memory_space<hbm>>
    tpu.enqueue_indirect_dma source(%dma_start3A_13 : memref<10240x32xf32, #tpu.memory_space<hbm>>) target(%dma_start3A_7 : memref<128x32xf32, #tpu.memory_space<vmem>>) offsets(%dma_start3A_10 : memref<128xi32, #tpu.memory_space<vmem>>) semaphore(%arg14 : memref<!tpu.dma_semaphore, #tpu.memory_space<semaphore_mem>>)
    %scan3A = arith.constant 0 : i32
    %scan3A_14 = arith.constant 0 : i32
    %scan3A_15 = arith.constant 41 : i32
    %scan3A_16 = arith.addi %scan3A_14, %scan3A_15 : i32
    %scan3A_17 = arith.constant 1 : i32
    scf.for %scan3A_26 = %scan3A_14 to %scan3A_16 step %scan3A_17  : i32 {
      %mul3A_27 = arith.constant 2 : i32
      %mul3A_28 = arith.muli %mul3A_27, %scan3A_26 : i32
      %add3A_29 = arith.constant 1 : i32
      %add3A_30 = arith.addi %mul3A_28, %add3A_29 : i32
      %dma_start3A_31 = arith.constant 1 : i32
      %dma_start3A_32 = arith.constant 0 : i32
      %dma_start3A_33 = arith.constant 0 : i32
      %dma_start3A_34 = tpu.memref_slice %arg11[%dma_start3A_31, %dma_start3A_32, %dma_start3A_33] : memref<2x128x32xf32, #tpu.memory_space<vmem>> -> memref<1x128x32xf32, #tpu.memory_space<vmem>>
      %dma_start3A_35 = tpu.memref_squeeze %dma_start3A_34 : memref<1x128x32xf32, #tpu.memory_space<vmem>> -> memref<128x32xf32, #tpu.memory_space<vmem>>
      %dma_start3A_36 = arith.constant 0 : i32
      %dma_start3A_37 = tpu.memref_slice %arg8[%add3A_30, %dma_start3A_36] : memref<82x128xi32, #tpu.memory_space<vmem>> -> memref<1x128xi32, #tpu.memory_space<vmem>>
      %dma_start3A_38 = tpu.memref_squeeze %dma_start3A_37 : memref<1x128xi32, #tpu.memory_space<vmem>> -> memref<128xi32, #tpu.memory_space<vmem>>
      %dma_start3A_39 = arith.constant 0 : i32
      %dma_start3A_40 = arith.constant 0 : i32
      %dma_start3A_41 = tpu.memref_slice %arg5[%dma_start3A_39, %dma_start3A_40] : memref<10240x32xf32, #tpu.memory_space<hbm>> -> memref<10240x32xf32, #tpu.memory_space<hbm>>
      tpu.enqueue_indirect_dma source(%dma_start3A_41 : memref<10240x32xf32, #tpu.memory_space<hbm>>) target(%dma_start3A_35 : memref<128x32xf32, #tpu.memory_space<vmem>>) offsets(%dma_start3A_38 : memref<128xi32, #tpu.memory_space<vmem>>) semaphore(%arg15 : memref<!tpu.dma_semaphore, #tpu.memory_space<semaphore_mem>>)
      %dma_wait3A = arith.constant 0 : i32
      %dma_wait3A_42 = arith.constant 0 : i32
      %dma_wait3A_43 = arith.constant 0 : i32
      %dma_wait3A_44 = tpu.memref_slice %arg11[%dma_wait3A, %dma_wait3A_42, %dma_wait3A_43] : memref<2x128x32xf32, #tpu.memory_space<vmem>> -> memref<1x128x32xf32, #tpu.memory_space<vmem>>
      %dma_wait3A_45 = tpu.memref_squeeze %dma_wait3A_44 : memref<1x128x32xf32, #tpu.memory_space<vmem>> -> memref<128x32xf32, #tpu.memory_space<vmem>>
      %dma_wait3A_46 = arith.constant 0 : i32
      %dma_wait3A_47 = tpu.memref_slice %arg8[%mul3A_28, %dma_wait3A_46] : memref<82x128xi32, #tpu.memory_space<vmem>> -> memref<1x128xi32, #tpu.memory_space<vmem>>
      %dma_wait3A_48 = tpu.memref_squeeze %dma_wait3A_47 : memref<1x128xi32, #tpu.memory_space<vmem>> -> memref<128xi32, #tpu.memory_space<vmem>>
      %dma_wait3A_49 = arith.constant 0 : i32
      %dma_wait3A_50 = arith.constant 0 : i32
      %dma_wait3A_51 = tpu.memref_slice %arg5[%dma_wait3A_49, %dma_wait3A_50] : memref<10240x32xf32, #tpu.memory_space<hbm>> -> memref<10240x32xf32, #tpu.memory_space<hbm>>
      tpu.wait_indirect_dma semaphore(%arg14 : memref<!tpu.dma_semaphore, #tpu.memory_space<semaphore_mem>>) src(%dma_wait3A_51 : memref<10240x32xf32, #tpu.memory_space<hbm>>) dst(%dma_wait3A_45 : memref<128x32xf32, #tpu.memory_space<vmem>>)
      %scan3A_52 = arith.constant 0 : i32
      %scan3A_53 = arith.constant 0 : i32
      %scan3A_54 = arith.constant 8 : i32
      %scan3A_55 = arith.addi %scan3A_53, %scan3A_54 : i32
      %scan3A_56 = arith.constant 2 : i32
      scf.for %scan3A_86 = %scan3A_53 to %scan3A_55 step %scan3A_56  : i32 {
        %mul3A_87 = arith.constant 16 : i32
        %mul3A_88 = arith.muli %scan3A_86, %mul3A_87 : i32
        %get3A = arith.index_cast %mul3A_28 : i32 to index
        %get3A_89 = arith.index_cast %mul3A_88 : i32 to index
        %get3A_90 = tpu.vector_load %arg10[%get3A, %get3A_89] {strides = array<i32>} : memref<82x128xf32, #tpu.memory_space<vmem>>, vector<1x16xf32>,
        %get3A_91 = vector.shape_cast %get3A_90 : vector<1x16xf32> to vector<16xf32>
        %mul3A_92 = arith.constant 16 : i32
        %mul3A_93 = arith.muli %scan3A_86, %mul3A_92 : i32
        %add3A_94 = arith.constant 0 : i32
        %add3A_95 = arith.addi %mul3A_93, %add3A_94 : i32
        %slice3A = vector.extract_strided_slice %get3A_91 {offsets = [0], sizes = [1], strides = [1]} : vector<16xf32> to vector<1xf32>
        %squeeze3A = vector.extract %slice3A[0] : f32 from vector<1xf32>
        %get3A_96 = arith.constant 0 : i32
        %get3A_97 = arith.index_cast %get3A_96 : i32 to index
        %get3A_98 = arith.index_cast %add3A_95 : i32 to index
        %get3A_99 = arith.constant 0 : index
        %get3A_100 = tpu.vector_load %arg11[%get3A_97, %get3A_98, %get3A_99] {strides = array<i32>} : memref<2x128x32xf32, #tpu.memory_space<vmem>>, vector<1x1x16xf32>,
        %get3A_101 = vector.shape_cast %get3A_100 : vector<1x1x16xf32> to vector<16xf32>
        %mul3A_102 = vector.broadcast %squeeze3A : f32 to vector<16xf32>
        %mul3A_103 = arith.mulf %get3A_101, %mul3A_102 : vector<16xf32>
        %swap3A = arith.constant 0 : i32
        %swap3A_104 = arith.index_cast %swap3A : i32 to index
        %swap3A_105 = arith.index_cast %add3A_95 : i32 to index
        %swap3A_106 = arith.constant 0 : index
        %swap3A_107 = tpu.vector_load %arg11[%swap3A_104, %swap3A_105, %swap3A_106] {strides = array<i32>} : memref<2x128x32xf32, #tpu.memory_space<vmem>>, vector<1x1x16xf32>,
        %swap3A_108 = vector.shape_cast %swap3A_107 : vector<1x1x16xf32> to vector<16xf32>
        %swap3A_109 = vector.shape_cast %mul3A_103 : vector<16xf32> to vector<1x1x16xf32>
        tpu.vector_store %arg11[%swap3A_104, %swap3A_105, %swap3A_106], %swap3A_109 {strides = array<i32>} : memref<2x128x32xf32, #tpu.memory_space<vmem>>, vector<1x1x16xf32>,
        %get3A_110 = arith.constant 0 : i32
        %get3A_111 = arith.index_cast %get3A_110 : i32 to index
        %get3A_112 = arith.index_cast %add3A_95 : i32 to index
        %get3A_113 = arith.constant 16 : index
        %get3A_114 = tpu.vector_load %arg11[%get3A_111, %get3A_112, %get3A_113] {strides = array<i32>} : memref<2x128x32xf32, #tpu.memory_space<vmem>>, vector<1x1x16xf32>,
        %get3A_115 = vector.shape_cast %get3A_114 : vector<1x1x16xf32> to vector<16xf32>
        %mul3A_116 = vector.broadcast %squeeze3A : f32 to vector<16xf32>
        %mul3A_117 = arith.mulf %get3A_115, %mul3A_116 : vector<16xf32>
        %swap3A_118 = arith.constant 0 : i32
        %swap3A_119 = arith.index_cast %swap3A_118 : i32 to index
        %swap3A_120 = arith.index_cast %add3A_95 : i32 to index
        %swap3A_121 = arith.constant 16 : index
        %swap3A_122 = tpu.vector_load %arg11[%swap3A_119, %swap3A_120, %swap3A_121] {strides = array<i32>} : memref<2x128x32xf32, #tpu.memory_space<vmem>>, vector<1x1x16xf32>,
        %swap3A_123 = vector.shape_cast %swap3A_122 : vector<1x1x16xf32> to vector<16xf32>
        %swap3A_124 = vector.shape_cast %mul3A_117 : vector<16xf32> to vector<1x1x16xf32>
        tpu.vector_store %arg11[%swap3A_119, %swap3A_120, %swap3A_121], %swap3A_124 {strides = array<i32>} : memref<2x128x32xf32, #tpu.memory_space<vmem>>, vector<1x1x16xf32>,
        %mul3A_125 = arith.constant 16 : i32
        %mul3A_126 = arith.muli %scan3A_86, %mul3A_125 : i32
        %add3A_127 = arith.constant 1 : i32
        %add3A_128 = arith.addi %mul3A_126, %add3A_127 : i32
        %slice3A_129 = vector.extract_strided_slice %get3A_91 {offsets = [1], sizes = [1], strides = [1]} : vector<16xf32> to vector<1xf32>
        %squeeze3A_130 = vector.extract %slice3A_129[0] : f32 from vector<1xf32>
        %get3A_131 = arith.constant 0 : i32
        %get3A_132 = arith.index_cast %get3A_131 : i32 to index
        %get3A_133 = arith.index_cast %add3A_128 : i32 to index
        %get3A_134 = arith.constant 0 : index
        %get3A_135 = tpu.vector_load %arg11[%get3A_132, %get3A_133, %get3A_134] {strides = array<i32>} : memref<2x128x32xf32, #tpu.memory_space<vmem>>, vector<1x1x16xf32>,
        %get3A_136 = vector.shape_cast %get3A_135 : vector<1x1x16xf32> to vector<16xf32>
        %mul3A_137 = vector.broadcast %squeeze3A_130 : f32 to vector<16xf32>
        %mul3A_138 = arith.mulf %get3A_136, %mul3A_137 : vector<16xf32>
        %swap3A_139 = arith.constant 0 : i32
        %swap3A_140 = arith.index_cast %swap3A_139 : i32 to index
        %swap3A_141 = arith.index_cast %add3A_128 : i32 to index
        %swap3A_142 = arith.constant 0 : index
        %swap3A_143 = tpu.vector_load %arg11[%swap3A_140, %swap3A_141, %swap3A_142] {strides = array<i32>} : memref<2x128x32xf32, #tpu.memory_space<vmem>>, vector<1x1x16xf32>,
        %swap3A_144 = vector.shape_cast %swap3A_143 : vector<1x1x16xf32> to vector<16xf32>
        %swap3A_145 = vector.shape_cast %mul3A_138 : vector<16xf32> to vector<1x1x16xf32>
        tpu.vector_store %arg11[%swap3A_140, %swap3A_141, %swap3A_142], %swap3A_145 {strides = array<i32>} : memref<2x128x32xf32, #tpu.memory_space<vmem>>, vector<1x1x16xf32>,
        %get3A_146 = arith.constant 0 : i32
        %get3A_147 = arith.index_cast %get3A_146 : i32 to index
        %get3A_148 = arith.index_cast %add3A_128 : i32 to index
        %get3A_149 = arith.constant 16 : index
        %get3A_150 = tpu.vector_load %arg11[%get3A_147, %get3A_148, %get3A_149] {strides = array<i32>} : memref<2x128x32xf32, #tpu.memory_space<vmem>>, vector<1x1x16xf32>,
        %get3A_151 = vector.shape_cast %get3A_150 : vector<1x1x16xf32> to vector<16xf32>
        %mul3A_152 = vector.broadcast %squeeze3A_130 : f32 to vector<16xf32>
        %mul3A_153 = arith.mulf %get3A_151, %mul3A_152 : vector<16xf32>
        %swap3A_154 = arith.constant 0 : i32
        %swap3A_155 = arith.index_cast %swap3A_154 : i32 to index
        %swap3A_156 = arith.index_cast %add3A_128 : i32 to index
        %swap3A_157 = arith.constant 16 : index
        %swap3A_158 = tpu.vector_load %arg11[%swap3A_155, %swap3A_156, %swap3A_157] {strides = array<i32>} : memref<2x128x32xf32, #tpu.memory_space<vmem>>, vector<1x1x16xf32>,
        %swap3A_159 = vector.shape_cast %swap3A_158 : vector<1x1x16xf32> to vector<16xf32>
        %swap3A_160 = vector.shape_cast %mul3A_153 : vector<16xf32> to vector<1x1x16xf32>
        tpu.vector_store %arg11[%swap3A_155, %swap3A_156, %swap3A_157], %swap3A_160 {strides = array<i32>} : memref<2x128x32xf32, #tpu.memory_space<vmem>>, vector<1x1x16xf32>,
        %mul3A_161 = arith.constant 16 : i32
        %mul3A_162 = arith.muli %scan3A_86, %mul3A_161 : i32
        %add3A_163 = arith.constant 2 : i32
        %add3A_164 = arith.addi %mul3A_162, %add3A_163 : i32
        %slice3A_165 = vector.extract_strided_slice %get3A_91 {offsets = [2], sizes = [1], strides = [1]} : vector<16xf32> to vector<1xf32>
        %squeeze3A_166 = vector.extract %slice3A_165[0] : f32 from vector<1xf32>
        %get3A_167 = arith.constant 0 : i32
        %get3A_168 = arith.index_cast %get3A_167 : i32 to index
        %get3A_169 = arith.index_cast %add3A_164 : i32 to index
        %get3A_170 = arith.constant 0 : index
        %get3A_171 = tpu.vector_load %arg11[%get3A_168, %get3A_169, %get3A_170] {strides = array<i32>} : memref<2x128x32xf32, #tpu.memory_space<vmem>>, vector<1x1x16xf32>,
        %get3A_172 = vector.shape_cast %get3A_171 : vector<1x1x16xf32> to vector<16xf32>
        %mul3A_173 = vector.broadcast %squeeze3A_166 : f32 to vector<16xf32>
        %mul3A_174 = arith.mulf %get3A_172, %mul3A_173 : vector<16xf32>
        %swap3A_175 = arith.constant 0 : i32
        %swap3A_176 = arith.index_cast %swap3A_175 : i32 to index
        %swap3A_177 = arith.index_cast %add3A_164 : i32 to index
        %swap3A_178 = arith.constant 0 : index
        %swap3A_179 = tpu.vector_load %arg11[%swap3A_176, %swap3A_177, %swap3A_178] {strides = array<i32>} : memref<2x128x32xf32, #tpu.memory_space<vmem>>, vector<1x1x16xf32>,
        %swap3A_180 = vector.shape_cast %swap3A_179 : vector<1x1x16xf32> to vector<16xf32>
        %swap3A_181 = vector.shape_cast %mul3A_174 : vector<16xf32> to vector<1x1x16xf32>
        tpu.vector_store %arg11[%swap3A_176, %swap3A_177, %swap3A_178], %swap3A_181 {strides = array<i32>} : memref<2x128x32xf32, #tpu.memory_space<vmem>>, vector<1x1x16xf32>,
        %get3A_182 = arith.constant 0 : i32
        %get3A_183 = arith.index_cast %get3A_182 : i32 to index
        %get3A_184 = arith.index_cast %add3A_164 : i32 to index
        %get3A_185 = arith.constant 16 : index
        %get3A_186 = tpu.vector_load %arg11[%get3A_183, %get3A_184, %get3A_185] {strides = array<i32>} : memref<2x128x32xf32, #tpu.memory_space<vmem>>, vector<1x1x16xf32>,
        %get3A_187 = vector.shape_cast %get3A_186 : vector<1x1x16xf32> to vector<16xf32>
        %mul3A_188 = vector.broadcast %squeeze3A_166 : f32 to vector<16xf32>
        %mul3A_189 = arith.mulf %get3A_187, %mul3A_188 : vector<16xf32>
        %swap3A_190 = arith.constant 0 : i32
        %swap3A_191 = arith.index_cast %swap3A_190 : i32 to index
        %swap3A_192 = arith.index_cast %add3A_164 : i32 to index
        %swap3A_193 = arith.constant 16 : index
        %swap3A_194 = tpu.vector_load %arg11[%swap3A_191, %swap3A_192, %swap3A_193] {strides = array<i32>} : memref<2x128x32xf32, #tpu.memory_space<vmem>>, vector<1x1x16xf32>,
        %swap3A_195 = vector.shape_cast %swap3A_194 : vector<1x1x16xf32> to vector<16xf32>
        %swap3A_196 = vector.shape_cast %mul3A_189 : vector<16xf32> to vector<1x1x16xf32>
        tpu.vector_store %arg11[%swap3A_191, %swap3A_192, %swap3A_193], %swap3A_196 {strides = array<i32>} : memref<2x128x32xf32, #tpu.memory_space<vmem>>, vector<1x1x16xf32>,
        %mul3A_197 = arith.constant 16 : i32
        %mul3A_198 = arith.muli %scan3A_86, %mul3A_197 : i32
        %add3A_199 = arith.constant 3 : i32
        %add3A_200 = arith.addi %mul3A_198, %add3A_199 : i32
        %slice3A_201 = vector.extract_strided_slice %get3A_91 {offsets = [3], sizes = [1], strides = [1]} : vector<16xf32> to vector<1xf32>
        %squeeze3A_202 = vector.extract %slice3A_201[0] : f32 from vector<1xf32>
        %get3A_203 = arith.constant 0 : i32
        %get3A_204 = arith.index_cast %get3A_203 : i32 to index
        %get3A_205 = arith.index_cast %add3A_200 : i32 to index
        %get3A_206 = arith.constant 0 : index
        %get3A_207 = tpu.vector_load %arg11[%get3A_204, %get3A_205, %get3A_206] {strides = array<i32>} : memref<2x128x32xf32, #tpu.memory_space<vmem>>, vector<1x1x16xf32>,
        %get3A_208 = vector.shape_cast %get3A_207 : vector<1x1x16xf32> to vector<16xf32>
        %mul3A_209 = vector.broadcast %squeeze3A_202 : f32 to vector<16xf32>
        %mul3A_210 = arith.mulf %get3A_208, %mul3A_209 : vector<16xf32>
        %swap3A_211 = arith.constant 0 : i32
        %swap3A_212 = arith.index_cast %swap3A_211 : i32 to index
        %swap3A_213 = arith.index_cast %add3A_200 : i32 to index
        %swap3A_214 = arith.constant 0 : index
        %swap3A_215 = tpu.vector_load %arg11[%swap3A_212, %swap3A_213, %swap3A_214] {strides = array<i32>} : memref<2x128x32xf32, #tpu.memory_space<vmem>>, vector<1x1x16xf32>,
        %swap3A_216 = vector.shape_cast %swap3A_215 : vector<1x1x16xf32> to vector<16xf32>
        %swap3A_217 = vector.shape_cast %mul3A_210 : vector<16xf32> to vector<1x1x16xf32>
        tpu.vector_store %arg11[%swap3A_212, %swap3A_213, %swap3A_214], %swap3A_217 {strides = array<i32>} : memref<2x128x32xf32, #tpu.memory_space<vmem>>, vector<1x1x16xf32>,
        %get3A_218 = arith.constant 0 : i32
        %get3A_219 = arith.index_cast %get3A_218 : i32 to index
        %get3A_220 = arith.index_cast %add3A_200 : i32 to index
        %get3A_221 = arith.constant 16 : index
        %get3A_222 = tpu.vector_load %arg11[%get3A_219, %get3A_220, %get3A_221] {strides = array<i32>} : memref<2x128x32xf32, #tpu.memory_space<vmem>>, vector<1x1x16xf32>,
        %get3A_223 = vector.shape_cast %get3A_222 : vector<1x1x16xf32> to vector<16xf32>
        %mul3A_224 = vector.broadcast %squeeze3A_202 : f32 to vector<16xf32>
        %mul3A_225 = arith.mulf %get3A_223, %mul3A_224 : vector<16xf32>
        %swap3A_226 = arith.constant 0 : i32
        %swap3A_227 = arith.index_cast %swap3A_226 : i32 to index
        %swap3A_228 = arith.index_cast %add3A_200 : i32 to index
        %swap3A_229 = arith.constant 16 : index
        %swap3A_230 = tpu.vector_load %arg11[%swap3A_227, %swap3A_228, %swap3A_229] {strides = array<i32>} : memref<2x128x32xf32, #tpu.memory_space<vmem>>, vector<1x1x16xf32>,
        %swap3A_231 = vector.shape_cast %swap3A_230 : vector<1x1x16xf32> to vector<16xf32>
        %swap3A_232 = vector.shape_cast %mul3A_225 : vector<16xf32> to vector<1x1x16xf32>
        tpu.vector_store %arg11[%swap3A_227, %swap3A_228, %swap3A_229], %swap3A_232 {strides = array<i32>} : memref<2x128x32xf32, #tpu.memory_space<vmem>>, vector<1x1x16xf32>,
        %mul3A_233 = arith.constant 16 : i32
        %mul3A_234 = arith.muli %scan3A_86, %mul3A_233 : i32
        %add3A_235 = arith.constant 4 : i32
        %add3A_236 = arith.addi %mul3A_234, %add3A_235 : i32
        %slice3A_237 = vector.extract_strided_slice %get3A_91 {offsets = [4], sizes = [1], strides = [1]} : vector<16xf32> to vector<1xf32>
        %squeeze3A_238 = vector.extract %slice3A_237[0] : f32 from vector<1xf32>
        %get3A_239 = arith.constant 0 : i32
        %get3A_240 = arith.index_cast %get3A_239 : i32 to index
        %get3A_241 = arith.index_cast %add3A_236 : i32 to index
        %get3A_242 = arith.constant 0 : index
        %get3A_243 = tpu.vector_load %arg11[%get3A_240, %get3A_241, %get3A_242] {strides = array<i32>} : memref<2x128x32xf32, #tpu.memory_space<vmem>>, vector<1x1x16xf32>,
        %get3A_244 = vector.shape_cast %get3A_243 : vector<1x1x16xf32> to vector<16xf32>
        %mul3A_245 = vector.broadcast %squeeze3A_238 : f32 to vector<16xf32>
        %mul3A_246 = arith.mulf %get3A_244, %mul3A_245 : vector<16xf32>
        %swap3A_247 = arith.constant 0 : i32
        %swap3A_248 = arith.index_cast %swap3A_247 : i32 to index
        %swap3A_249 = arith.index_cast %add3A_236 : i32 to index
        %swap3A_250 = arith.constant 0 : index
        %swap3A_251 = tpu.vector_load %arg11[%swap3A_248, %swap3A_249, %swap3A_250] {strides = array<i32>} : memref<2x128x32xf32, #tpu.memory_space<vmem>>, vector<1x1x16xf32>,
        %swap3A_252 = vector.shape_cast %swap3A_251 : vector<1x1x16xf32> to vector<16xf32>
        %swap3A_253 = vector.shape_cast %mul3A_246 : vector<16xf32> to vector<1x1x16xf32>
        tpu.vector_store %arg11[%swap3A_248, %swap3A_249, %swap3A_250], %swap3A_253 {strides = array<i32>} : memref<2x128x32xf32, #tpu.memory_space<vmem>>, vector<1x1x16xf32>,
        %get3A_254 = arith.constant 0 : i32
        %get3A_255 = arith.index_cast %get3A_254 : i32 to index
        %get3A_256 = arith.index_cast %add3A_236 : i32 to index
        %get3A_257 = arith.constant 16 : index
        %get3A_258 = tpu.vector_load %arg11[%get3A_255, %get3A_256, %get3A_257] {strides = array<i32>} : memref<2x128x32xf32, #tpu.memory_space<vmem>>, vector<1x1x16xf32>,
        %get3A_259 = vector.shape_cast %get3A_258 : vector<1x1x16xf32> to vector<16xf32>
        %mul3A_260 = vector.broadcast %squeeze3A_238 : f32 to vector<16xf32>
        %mul3A_261 = arith.mulf %get3A_259, %mul3A_260 : vector<16xf32>
        %swap3A_262 = arith.constant 0 : i32
        %swap3A_263 = arith.index_cast %swap3A_262 : i32 to index
        %swap3A_264 = arith.index_cast %add3A_236 : i32 to index
        %swap3A_265 = arith.constant 16 : index
        %swap3A_266 = tpu.vector_load %arg11[%swap3A_263, %swap3A_264, %swap3A_265] {strides = array<i32>} : memref<2x128x32xf32, #tpu.memory_space<vmem>>, vector<1x1x16xf32>,
        %swap3A_267 = vector.shape_cast %swap3A_266 : vector<1x1x16xf32> to vector<16xf32>
        %swap3A_268 = vector.shape_cast %mul3A_261 : vector<16xf32> to vector<1x1x16xf32>
        tpu.vector_store %arg11[%swap3A_263, %swap3A_264, %swap3A_265], %swap3A_268 {strides = array<i32>} : memref<2x128x32xf32, #tpu.memory_space<vmem>>, vector<1x1x16xf32>,
        %mul3A_269 = arith.constant 16 : i32
        %mul3A_270 = arith.muli %scan3A_86, %mul3A_269 : i32
        %add3A_271 = arith.constant 5 : i32
        %add3A_272 = arith.addi %mul3A_270, %add3A_271 : i32
        %slice3A_273 = vector.extract_strided_slice %get3A_91 {offsets = [5], sizes = [1], strides = [1]} : vector<16xf32> to vector<1xf32>
        %squeeze3A_274 = vector.extract %slice3A_273[0] : f32 from vector<1xf32>
        %get3A_275 = arith.constant 0 : i32
        %get3A_276 = arith.index_cast %get3A_275 : i32 to index
        %get3A_277 = arith.index_cast %add3A_272 : i32 to index
        %get3A_278 = arith.constant 0 : index
        %get3A_279 = tpu.vector_load %arg11[%get3A_276, %get3A_277, %get3A_278] {strides = array<i32>} : memref<2x128x32xf32, #tpu.memory_space<vmem>>, vector<1x1x16xf32>,
        %get3A_280 = vector.shape_cast %get3A_279 : vector<1x1x16xf32> to vector<16xf32>
        %mul3A_281 = vector.broadcast %squeeze3A_274 : f32 to vector<16xf32>
        %mul3A_282 = arith.mulf %get3A_280, %mul3A_281 : vector<16xf32>
        %swap3A_283 = arith.constant 0 : i32
        %swap3A_284 = arith.index_cast %swap3A_283 : i32 to index
        %swap3A_285 = arith.index_cast %add3A_272 : i32 to index
        %swap3A_286 = arith.constant 0 : index
        %swap3A_287 = tpu.vector_load %arg11[%swap3A_284, %swap3A_285, %swap3A_286] {strides = array<i32>} : memref<2x128x32xf32, #tpu.memory_space<vmem>>, vector<1x1x16xf32>,
        %swap3A_288 = vector.shape_cast %swap3A_287 : vector<1x1x16xf32> to vector<16xf32>
        %swap3A_289 = vector.shape_cast %mul3A_282 : vector<16xf32> to vector<1x1x16xf32>
        tpu.vector_store %arg11[%swap3A_284, %swap3A_285, %swap3A_286], %swap3A_289 {strides = array<i32>} : memref<2x128x32xf32, #tpu.memory_space<vmem>>, vector<1x1x16xf32>,
        %get3A_290 = arith.constant 0 : i32
        %get3A_291 = arith.index_cast %get3A_290 : i32 to index
        %get3A_292 = arith.index_cast %add3A_272 : i32 to index
        %get3A_293 = arith.constant 16 : index
        %get3A_294 = tpu.vector_load %arg11[%get3A_291, %get3A_292, %get3A_293] {strides = array<i32>} : memref<2x128x32xf32, #tpu.memory_space<vmem>>, vector<1x1x16xf32>,
        %get3A_295 = vector.shape_cast %get3A_294 : vector<1x1x16xf32> to vector<16xf32>
        %mul3A_296 = vector.broadcast %squeeze3A_274 : f32 to vector<16xf32>
        %mul3A_297 = arith.mulf %get3A_295, %mul3A_296 : vector<16xf32>
        %swap3A_298 = arith.constant 0 : i32
        %swap3A_299 = arith.index_cast %swap3A_298 : i32 to index
        %swap3A_300 = arith.index_cast %add3A_272 : i32 to index
        %swap3A_301 = arith.constant 16 : index
        %swap3A_302 = tpu.vector_load %arg11[%swap3A_299, %swap3A_300, %swap3A_301] {strides = array<i32>} : memref<2x128x32xf32, #tpu.memory_space<vmem>>, vector<1x1x16xf32>,
        %swap3A_303 = vector.shape_cast %swap3A_302 : vector<1x1x16xf32> to vector<16xf32>
        %swap3A_304 = vector.shape_cast %mul3A_297 : vector<16xf32> to vector<1x1x16xf32>
        tpu.vector_store %arg11[%swap3A_299, %swap3A_300, %swap3A_301], %swap3A_304 {strides = array<i32>} : memref<2x128x32xf32, #tpu.memory_space<vmem>>, vector<1x1x16xf32>,
        %mul3A_305 = arith.constant 16 : i32
        %mul3A_306 = arith.muli %scan3A_86, %mul3A_305 : i32
        %add3A_307 = arith.constant 6 : i32
        %add3A_308 = arith.addi %mul3A_306, %add3A_307 : i32
        %slice3A_309 = vector.extract_strided_slice %get3A_91 {offsets = [6], sizes = [1], strides = [1]} : vector<16xf32> to vector<1xf32>
        %squeeze3A_310 = vector.extract %slice3A_309[0] : f32 from vector<1xf32>
        %get3A_311 = arith.constant 0 : i32
        %get3A_312 = arith.index_cast %get3A_311 : i32 to index
        %get3A_313 = arith.index_cast %add3A_308 : i32 to index
        %get3A_314 = arith.constant 0 : index
        %get3A_315 = tpu.vector_load %arg11[%get3A_312, %get3A_313, %get3A_314] {strides = array<i32>} : memref<2x128x32xf32, #tpu.memory_space<vmem>>, vector<1x1x16xf32>,
        %get3A_316 = vector.shape_cast %get3A_315 : vector<1x1x16xf32> to vector<16xf32>
        %mul3A_317 = vector.broadcast %squeeze3A_310 : f32 to vector<16xf32>
        %mul3A_318 = arith.mulf %get3A_316, %mul3A_317 : vector<16xf32>
        %swap3A_319 = arith.constant 0 : i32
        %swap3A_320 = arith.index_cast %swap3A_319 : i32 to index
        %swap3A_321 = arith.index_cast %add3A_308 : i32 to index
        %swap3A_322 = arith.constant 0 : index
        %swap3A_323 = tpu.vector_load %arg11[%swap3A_320, %swap3A_321, %swap3A_322] {strides = array<i32>} : memref<2x128x32xf32, #tpu.memory_space<vmem>>, vector<1x1x16xf32>,
        %swap3A_324 = vector.shape_cast %swap3A_323 : vector<1x1x16xf32> to vector<16xf32>
        %swap3A_325 = vector.shape_cast %mul3A_318 : vector<16xf32> to vector<1x1x16xf32>
        tpu.vector_store %arg11[%swap3A_320, %swap3A_321, %swap3A_322], %swap3A_325 {strides = array<i32>} : memref<2x128x32xf32, #tpu.memory_space<vmem>>, vector<1x1x16xf32>,
        %get3A_326 = arith.constant 0 : i32
        %get3A_327 = arith.index_cast %get3A_326 : i32 to index
        %get3A_328 = arith.index_cast %add3A_308 : i32 to index
        %get3A_329 = arith.constant 16 : index
        %get3A_330 = tpu.vector_load %arg11[%get3A_327, %get3A_328, %get3A_329] {strides = array<i32>} : memref<2x128x32xf32, #tpu.memory_space<vmem>>, vector<1x1x16xf32>,
        %get3A_331 = vector.shape_cast %get3A_330 : vector<1x1x16xf32> to vector<16xf32>
        %mul3A_332 = vector.broadcast %squeeze3A_310 : f32 to vector<16xf32>
        %mul3A_333 = arith.mulf %get3A_331, %mul3A_332 : vector<16xf32>
        %swap3A_334 = arith.constant 0 : i32
        %swap3A_335 = arith.index_cast %swap3A_334 : i32 to index
        %swap3A_336 = arith.index_cast %add3A_308 : i32 to index
        %swap3A_337 = arith.constant 16 : index
        %swap3A_338 = tpu.vector_load %arg11[%swap3A_335, %swap3A_336, %swap3A_337] {strides = array<i32>} : memref<2x128x32xf32, #tpu.memory_space<vmem>>, vector<1x1x16xf32>,
        %swap3A_339 = vector.shape_cast %swap3A_338 : vector<1x1x16xf32> to vector<16xf32>
        %swap3A_340 = vector.shape_cast %mul3A_333 : vector<16xf32> to vector<1x1x16xf32>
        tpu.vector_store %arg11[%swap3A_335, %swap3A_336, %swap3A_337], %swap3A_340 {strides = array<i32>} : memref<2x128x32xf32, #tpu.memory_space<vmem>>, vector<1x1x16xf32>,
        %mul3A_341 = arith.constant 16 : i32
        %mul3A_342 = arith.muli %scan3A_86, %mul3A_341 : i32
        %add3A_343 = arith.constant 7 : i32
        %add3A_344 = arith.addi %mul3A_342, %add3A_343 : i32
        %slice3A_345 = vector.extract_strided_slice %get3A_91 {offsets = [7], sizes = [1], strides = [1]} : vector<16xf32> to vector<1xf32>
        %squeeze3A_346 = vector.extract %slice3A_345[0] : f32 from vector<1xf32>
        %get3A_347 = arith.constant 0 : i32
        %get3A_348 = arith.index_cast %get3A_347 : i32 to index
        %get3A_349 = arith.index_cast %add3A_344 : i32 to index
        %get3A_350 = arith.constant 0 : index
        %get3A_351 = tpu.vector_load %arg11[%get3A_348, %get3A_349, %get3A_350] {strides = array<i32>} : memref<2x128x32xf32, #tpu.memory_space<vmem>>, vector<1x1x16xf32>,
        %get3A_352 = vector.shape_cast %get3A_351 : vector<1x1x16xf32> to vector<16xf32>
        %mul3A_353 = vector.broadcast %squeeze3A_346 : f32 to vector<16xf32>
        %mul3A_354 = arith.mulf %get3A_352, %mul3A_353 : vector<16xf32>
        %swap3A_355 = arith.constant 0 : i32
        %swap3A_356 = arith.index_cast %swap3A_355 : i32 to index
        %swap3A_357 = arith.index_cast %add3A_344 : i32 to index
        %swap3A_358 = arith.constant 0 : index
        %swap3A_359 = tpu.vector_load %arg11[%swap3A_356, %swap3A_357, %swap3A_358] {strides = array<i32>} : memref<2x128x32xf32, #tpu.memory_space<vmem>>, vector<1x1x16xf32>,
        %swap3A_360 = vector.shape_cast %swap3A_359 : vector<1x1x16xf32> to vector<16xf32>
        %swap3A_361 = vector.shape_cast %mul3A_354 : vector<16xf32> to vector<1x1x16xf32>
        tpu.vector_store %arg11[%swap3A_356, %swap3A_357, %swap3A_358], %swap3A_361 {strides = array<i32>} : memref<2x128x32xf32, #tpu.memory_space<vmem>>, vector<1x1x16xf32>,
        %get3A_362 = arith.constant 0 : i32
        %get3A_363 = arith.index_cast %get3A_362 : i32 to index
        %get3A_364 = arith.index_cast %add3A_344 : i32 to index
        %get3A_365 = arith.constant 16 : index
        %get3A_366 = tpu.vector_load %arg11[%get3A_363, %get3A_364, %get3A_365] {strides = array<i32>} : memref<2x128x32xf32, #tpu.memory_space<vmem>>, vector<1x1x16xf32>,
        %get3A_367 = vector.shape_cast %get3A_366 : vector<1x1x16xf32> to vector<16xf32>
        %mul3A_368 = vector.broadcast %squeeze3A_346 : f32 to vector<16xf32>
        %mul3A_369 = arith.mulf %get3A_367, %mul3A_368 : vector<16xf32>
        %swap3A_370 = arith.constant 0 : i32
        %swap3A_371 = arith.index_cast %swap3A_370 : i32 to index
        %swap3A_372 = arith.index_cast %add3A_344 : i32 to index
        %swap3A_373 = arith.constant 16 : index
        %swap3A_374 = tpu.vector_load %arg11[%swap3A_371, %swap3A_372, %swap3A_373] {strides = array<i32>} : memref<2x128x32xf32, #tpu.memory_space<vmem>>, vector<1x1x16xf32>,
        %swap3A_375 = vector.shape_cast %swap3A_374 : vector<1x1x16xf32> to vector<16xf32>
        %swap3A_376 = vector.shape_cast %mul3A_369 : vector<16xf32> to vector<1x1x16xf32>
        tpu.vector_store %arg11[%swap3A_371, %swap3A_372, %swap3A_373], %swap3A_376 {strides = array<i32>} : memref<2x128x32xf32, #tpu.memory_space<vmem>>, vector<1x1x16xf32>,
        %mul3A_377 = arith.constant 16 : i32
        %mul3A_378 = arith.muli %scan3A_86, %mul3A_377 : i32
        %add3A_379 = arith.constant 8 : i32
        %add3A_380 = arith.addi %mul3A_378, %add3A_379 : i32
        %slice3A_381 = vector.extract_strided_slice %get3A_91 {offsets = [8], sizes = [1], strides = [1]} : vector<16xf32> to vector<1xf32>
        %squeeze3A_382 = vector.extract %slice3A_381[0] : f32 from vector<1xf32>
        %get3A_383 = arith.constant 0 : i32
        %get3A_384 = arith.index_cast %get3A_383 : i32 to index
        %get3A_385 = arith.index_cast %add3A_380 : i32 to index
        %get3A_386 = arith.constant 0 : index
        %get3A_387 = tpu.vector_load %arg11[%get3A_384, %get3A_385, %get3A_386] {strides = array<i32>} : memref<2x128x32xf32, #tpu.memory_space<vmem>>, vector<1x1x16xf32>,
        %get3A_388 = vector.shape_cast %get3A_387 : vector<1x1x16xf32> to vector<16xf32>
        %mul3A_389 = vector.broadcast %squeeze3A_382 : f32 to vector<16xf32>
        %mul3A_390 = arith.mulf %get3A_388, %mul3A_389 : vector<16xf32>
        %swap3A_391 = arith.constant 0 : i32
        %swap3A_392 = arith.index_cast %swap3A_391 : i32 to index
        %swap3A_393 = arith.index_cast %add3A_380 : i32 to index
        %swap3A_394 = arith.constant 0 : index
        %swap3A_395 = tpu.vector_load %arg11[%swap3A_392, %swap3A_393, %swap3A_394] {strides = array<i32>} : memref<2x128x32xf32, #tpu.memory_space<vmem>>, vector<1x1x16xf32>,
        %swap3A_396 = vector.shape_cast %swap3A_395 : vector<1x1x16xf32> to vector<16xf32>
        %swap3A_397 = vector.shape_cast %mul3A_390 : vector<16xf32> to vector<1x1x16xf32>
        tpu.vector_store %arg11[%swap3A_392, %swap3A_393, %swap3A_394], %swap3A_397 {strides = array<i32>} : memref<2x128x32xf32, #tpu.memory_space<vmem>>, vector<1x1x16xf32>,
        %get3A_398 = arith.constant 0 : i32
        %get3A_399 = arith.index_cast %get3A_398 : i32 to index
        %get3A_400 = arith.index_cast %add3A_380 : i32 to index
        %get3A_401 = arith.constant 16 : index
        %get3A_402 = tpu.vector_load %arg11[%get3A_399, %get3A_400, %get3A_401] {strides = array<i32>} : memref<2x128x32xf32, #tpu.memory_space<vmem>>, vector<1x1x16xf32>,
        %get3A_403 = vector.shape_cast %get3A_402 : vector<1x1x16xf32> to vector<16xf32>
        %mul3A_404 = vector.broadcast %squeeze3A_382 : f32 to vector<16xf32>
        %mul3A_405 = arith.mulf %get3A_403, %mul3A_404 : vector<16xf32>
        %swap3A_406 = arith.constant 0 : i32
        %swap3A_407 = arith.index_cast %swap3A_406 : i32 to index
        %swap3A_408 = arith.index_cast %add3A_380 : i32 to index
        %swap3A_409 = arith.constant 16 : index
        %swap3A_410 = tpu.vector_load %arg11[%swap3A_407, %swap3A_408, %swap3A_409] {strides = array<i32>} : memref<2x128x32xf32, #tpu.memory_space<vmem>>, vector<1x1x16xf32>,
        %swap3A_411 = vector.shape_cast %swap3A_410 : vector<1x1x16xf32> to vector<16xf32>
        %swap3A_412 = vector.shape_cast %mul3A_405 : vector<16xf32> to vector<1x1x16xf32>
        tpu.vector_store %arg11[%swap3A_407, %swap3A_408, %swap3A_409], %swap3A_412 {strides = array<i32>} : memref<2x128x32xf32, #tpu.memory_space<vmem>>, vector<1x1x16xf32>,
        %mul3A_413 = arith.constant 16 : i32
        %mul3A_414 = arith.muli %scan3A_86, %mul3A_413 : i32
        %add3A_415 = arith.constant 9 : i32
        %add3A_416 = arith.addi %mul3A_414, %add3A_415 : i32
        %slice3A_417 = vector.extract_strided_slice %get3A_91 {offsets = [9], sizes = [1], strides = [1]} : vector<16xf32> to vector<1xf32>
        %squeeze3A_418 = vector.extract %slice3A_417[0] : f32 from vector<1xf32>
        %get3A_419 = arith.constant 0 : i32
        %get3A_420 = arith.index_cast %get3A_419 : i32 to index
        %get3A_421 = arith.index_cast %add3A_416 : i32 to index
        %get3A_422 = arith.constant 0 : index
        %get3A_423 = tpu.vector_load %arg11[%get3A_420, %get3A_421, %get3A_422] {strides = array<i32>} : memref<2x128x32xf32, #tpu.memory_space<vmem>>, vector<1x1x16xf32>,
        %get3A_424 = vector.shape_cast %get3A_423 : vector<1x1x16xf32> to vector<16xf32>
        %mul3A_425 = vector.broadcast %squeeze3A_418 : f32 to vector<16xf32>
        %mul3A_426 = arith.mulf %get3A_424, %mul3A_425 : vector<16xf32>
        %swap3A_427 = arith.constant 0 : i32
        %swap3A_428 = arith.index_cast %swap3A_427 : i32 to index
        %swap3A_429 = arith.index_cast %add3A_416 : i32 to index
        %swap3A_430 = arith.constant 0 : index
        %swap3A_431 = tpu.vector_load %arg11[%swap3A_428, %swap3A_429, %swap3A_430] {strides = array<i32>} : memref<2x128x32xf32, #tpu.memory_space<vmem>>, vector<1x1x16xf32>,
        %swap3A_432 = vector.shape_cast %swap3A_431 : vector<1x1x16xf32> to vector<16xf32>
        %swap3A_433 = vector.shape_cast %mul3A_426 : vector<16xf32> to vector<1x1x16xf32>
        tpu.vector_store %arg11[%swap3A_428, %swap3A_429, %swap3A_430], %swap3A_433 {strides = array<i32>} : memref<2x128x32xf32, #tpu.memory_space<vmem>>, vector<1x1x16xf32>,
        %get3A_434 = arith.constant 0 : i32
        %get3A_435 = arith.index_cast %get3A_434 : i32 to index
        %get3A_436 = arith.index_cast %add3A_416 : i32 to index
        %get3A_437 = arith.constant 16 : index
        %get3A_438 = tpu.vector_load %arg11[%get3A_435, %get3A_436, %get3A_437] {strides = array<i32>} : memref<2x128x32xf32, #tpu.memory_space<vmem>>, vector<1x1x16xf32>,
        %get3A_439 = vector.shape_cast %get3A_438 : vector<1x1x16xf32> to vector<16xf32>
        %mul3A_440 = vector.broadcast %squeeze3A_418 : f32 to vector<16xf32>
        %mul3A_441 = arith.mulf %get3A_439, %mul3A_440 : vector<16xf32>
        %swap3A_442 = arith.constant 0 : i32
        %swap3A_443 = arith.index_cast %swap3A_442 : i32 to index
        %swap3A_444 = arith.index_cast %add3A_416 : i32 to index
        %swap3A_445 = arith.constant 16 : index
        %swap3A_446 = tpu.vector_load %arg11[%swap3A_443, %swap3A_444, %swap3A_445] {strides = array<i32>} : memref<2x128x32xf32, #tpu.memory_space<vmem>>, vector<1x1x16xf32>,
        %swap3A_447 = vector.shape_cast %swap3A_446 : vector<1x1x16xf32> to vector<16xf32>
        %swap3A_448 = vector.shape_cast %mul3A_441 : vector<16xf32> to vector<1x1x16xf32>
        tpu.vector_store %arg11[%swap3A_443, %swap3A_444, %swap3A_445], %swap3A_448 {strides = array<i32>} : memref<2x128x32xf32, #tpu.memory_space<vmem>>, vector<1x1x16xf32>,
        %mul3A_449 = arith.constant 16 : i32
        %mul3A_450 = arith.muli %scan3A_86, %mul3A_449 : i32
        %add3A_451 = arith.constant 10 : i32
        %add3A_452 = arith.addi %mul3A_450, %add3A_451 : i32
        %slice3A_453 = vector.extract_strided_slice %get3A_91 {offsets = [10], sizes = [1], strides = [1]} : vector<16xf32> to vector<1xf32>
        %squeeze3A_454 = vector.extract %slice3A_453[0] : f32 from vector<1xf32>
        %get3A_455 = arith.constant 0 : i32
        %get3A_456 = arith.index_cast %get3A_455 : i32 to index
        %get3A_457 = arith.index_cast %add3A_452 : i32 to index
        %get3A_458 = arith.constant 0 : index
        %get3A_459 = tpu.vector_load %arg11[%get3A_456, %get3A_457, %get3A_458] {strides = array<i32>} : memref<2x128x32xf32, #tpu.memory_space<vmem>>, vector<1x1x16xf32>,
        %get3A_460 = vector.shape_cast %get3A_459 : vector<1x1x16xf32> to vector<16xf32>
        %mul3A_461 = vector.broadcast %squeeze3A_454 : f32 to vector<16xf32>
        %mul3A_462 = arith.mulf %get3A_460, %mul3A_461 : vector<16xf32>
        %swap3A_463 = arith.constant 0 : i32
        %swap3A_464 = arith.index_cast %swap3A_463 : i32 to index
        %swap3A_465 = arith.index_cast %add3A_452 : i32 to index
        %swap3A_466 = arith.constant 0 : index
        %swap3A_467 = tpu.vector_load %arg11[%swap3A_464, %swap3A_465, %swap3A_466] {strides = array<i32>} : memref<2x128x32xf32, #tpu.memory_space<vmem>>, vector<1x1x16xf32>,
        %swap3A_468 = vector.shape_cast %swap3A_467 : vector<1x1x16xf32> to vector<16xf32>
        %swap3A_469 = vector.shape_cast %mul3A_462 : vector<16xf32> to vector<1x1x16xf32>
        tpu.vector_store %arg11[%swap3A_464, %swap3A_465, %swap3A_466], %swap3A_469 {strides = array<i32>} : memref<2x128x32xf32, #tpu.memory_space<vmem>>, vector<1x1x16xf32>,
        %get3A_470 = arith.constant 0 : i32
        %get3A_471 = arith.index_cast %get3A_470 : i32 to index
        %get3A_472 = arith.index_cast %add3A_452 : i32 to index
        %get3A_473 = arith.constant 16 : index
        %get3A_474 = tpu.vector_load %arg11[%get3A_471, %get3A_472, %get3A_473] {strides = array<i32>} : memref<2x128x32xf32, #tpu.memory_space<vmem>>, vector<1x1x16xf32>,
        %get3A_475 = vector.shape_cast %get3A_474 : vector<1x1x16xf32> to vector<16xf32>
        %mul3A_476 = vector.broadcast %squeeze3A_454 : f32 to vector<16xf32>
        %mul3A_477 = arith.mulf %get3A_475, %mul3A_476 : vector<16xf32>
        %swap3A_478 = arith.constant 0 : i32
        %swap3A_479 = arith.index_cast %swap3A_478 : i32 to index
        %swap3A_480 = arith.index_cast %add3A_452 : i32 to index
        %swap3A_481 = arith.constant 16 : index
        %swap3A_482 = tpu.vector_load %arg11[%swap3A_479, %swap3A_480, %swap3A_481] {strides = array<i32>} : memref<2x128x32xf32, #tpu.memory_space<vmem>>, vector<1x1x16xf32>,
        %swap3A_483 = vector.shape_cast %swap3A_482 : vector<1x1x16xf32> to vector<16xf32>
        %swap3A_484 = vector.shape_cast %mul3A_477 : vector<16xf32> to vector<1x1x16xf32>
        tpu.vector_store %arg11[%swap3A_479, %swap3A_480, %swap3A_481], %swap3A_484 {strides = array<i32>} : memref<2x128x32xf32, #tpu.memory_space<vmem>>, vector<1x1x16xf32>,
        %mul3A_485 = arith.constant 16 : i32
        %mul3A_486 = arith.muli %scan3A_86, %mul3A_485 : i32
        %add3A_487 = arith.constant 11 : i32
        %add3A_488 = arith.addi %mul3A_486, %add3A_487 : i32
        %slice3A_489 = vector.extract_strided_slice %get3A_91 {offsets = [11], sizes = [1], strides = [1]} : vector<16xf32> to vector<1xf32>
        %squeeze3A_490 = vector.extract %slice3A_489[0] : f32 from vector<1xf32>
        %get3A_491 = arith.constant 0 : i32
        %get3A_492 = arith.index_cast %get3A_491 : i32 to index
        %get3A_493 = arith.index_cast %add3A_488 : i32 to index
        %get3A_494 = arith.constant 0 : index
        %get3A_495 = tpu.vector_load %arg11[%get3A_492, %get3A_493, %get3A_494] {strides = array<i32>} : memref<2x128x32xf32, #tpu.memory_space<vmem>>, vector<1x1x16xf32>,
        %get3A_496 = vector.shape_cast %get3A_495 : vector<1x1x16xf32> to vector<16xf32>
        %mul3A_497 = vector.broadcast %squeeze3A_490 : f32 to vector<16xf32>
        %mul3A_498 = arith.mulf %get3A_496, %mul3A_497 : vector<16xf32>
        %swap3A_499 = arith.constant 0 : i32
        %swap3A_500 = arith.index_cast %swap3A_499 : i32 to index
        %swap3A_501 = arith.index_cast %add3A_488 : i32 to index
        %swap3A_502 = arith.constant 0 : index
        %swap3A_503 = tpu.vector_load %arg11[%swap3A_500, %swap3A_501, %swap3A_502] {strides = array<i32>} : memref<2x128x32xf32, #tpu.memory_space<vmem>>, vector<1x1x16xf32>,
        %swap3A_504 = vector.shape_cast %swap3A_503 : vector<1x1x16xf32> to vector<16xf32>
        %swap3A_505 = vector.shape_cast %mul3A_498 : vector<16xf32> to vector<1x1x16xf32>
        tpu.vector_store %arg11[%swap3A_500, %swap3A_501, %swap3A_502], %swap3A_505 {strides = array<i32>} : memref<2x128x32xf32, #tpu.memory_space<vmem>>, vector<1x1x16xf32>,
        %get3A_506 = arith.constant 0 : i32
        %get3A_507 = arith.index_cast %get3A_506 : i32 to index
        %get3A_508 = arith.index_cast %add3A_488 : i32 to index
        %get3A_509 = arith.constant 16 : index
        %get3A_510 = tpu.vector_load %arg11[%get3A_507, %get3A_508, %get3A_509] {strides = array<i32>} : memref<2x128x32xf32, #tpu.memory_space<vmem>>, vector<1x1x16xf32>,
        %get3A_511 = vector.shape_cast %get3A_510 : vector<1x1x16xf32> to vector<16xf32>
        %mul3A_512 = vector.broadcast %squeeze3A_490 : f32 to vector<16xf32>
        %mul3A_513 = arith.mulf %get3A_511, %mul3A_512 : vector<16xf32>
        %swap3A_514 = arith.constant 0 : i32
        %swap3A_515 = arith.index_cast %swap3A_514 : i32 to index
        %swap3A_516 = arith.index_cast %add3A_488 : i32 to index
        %swap3A_517 = arith.constant 16 : index
        %swap3A_518 = tpu.vector_load %arg11[%swap3A_515, %swap3A_516, %swap3A_517] {strides = array<i32>} : memref<2x128x32xf32, #tpu.memory_space<vmem>>, vector<1x1x16xf32>,
        %swap3A_519 = vector.shape_cast %swap3A_518 : vector<1x1x16xf32> to vector<16xf32>
        %swap3A_520 = vector.shape_cast %mul3A_513 : vector<16xf32> to vector<1x1x16xf32>
        tpu.vector_store %arg11[%swap3A_515, %swap3A_516, %swap3A_517], %swap3A_520 {strides = array<i32>} : memref<2x128x32xf32, #tpu.memory_space<vmem>>, vector<1x1x16xf32>,
        %mul3A_521 = arith.constant 16 : i32
        %mul3A_522 = arith.muli %scan3A_86, %mul3A_521 : i32
        %add3A_523 = arith.constant 12 : i32
        %add3A_524 = arith.addi %mul3A_522, %add3A_523 : i32
        %slice3A_525 = vector.extract_strided_slice %get3A_91 {offsets = [12], sizes = [1], strides = [1]} : vector<16xf32> to vector<1xf32>
        %squeeze3A_526 = vector.extract %slice3A_525[0] : f32 from vector<1xf32>
        %get3A_527 = arith.constant 0 : i32
        %get3A_528 = arith.index_cast %get3A_527 : i32 to index
        %get3A_529 = arith.index_cast %add3A_524 : i32 to index
        %get3A_530 = arith.constant 0 : index
        %get3A_531 = tpu.vector_load %arg11[%get3A_528, %get3A_529, %get3A_530] {strides = array<i32>} : memref<2x128x32xf32, #tpu.memory_space<vmem>>, vector<1x1x16xf32>,
        %get3A_532 = vector.shape_cast %get3A_531 : vector<1x1x16xf32> to vector<16xf32>
        %mul3A_533 = vector.broadcast %squeeze3A_526 : f32 to vector<16xf32>
        %mul3A_534 = arith.mulf %get3A_532, %mul3A_533 : vector<16xf32>
        %swap3A_535 = arith.constant 0 : i32
        %swap3A_536 = arith.index_cast %swap3A_535 : i32 to index
        %swap3A_537 = arith.index_cast %add3A_524 : i32 to index
        %swap3A_538 = arith.constant 0 : index
        %swap3A_539 = tpu.vector_load %arg11[%swap3A_536, %swap3A_537, %swap3A_538] {strides = array<i32>} : memref<2x128x32xf32, #tpu.memory_space<vmem>>, vector<1x1x16xf32>,
        %swap3A_540 = vector.shape_cast %swap3A_539 : vector<1x1x16xf32> to vector<16xf32>
        %swap3A_541 = vector.shape_cast %mul3A_534 : vector<16xf32> to vector<1x1x16xf32>
        tpu.vector_store %arg11[%swap3A_536, %swap3A_537, %swap3A_538], %swap3A_541 {strides = array<i32>} : memref<2x128x32xf32, #tpu.memory_space<vmem>>, vector<1x1x16xf32>,
        %get3A_542 = arith.constant 0 : i32
        %get3A_543 = arith.index_cast %get3A_542 : i32 to index
        %get3A_544 = arith.index_cast %add3A_524 : i32 to index
        %get3A_545 = arith.constant 16 : index
        %get3A_546 = tpu.vector_load %arg11[%get3A_543, %get3A_544, %get3A_545] {strides = array<i32>} : memref<2x128x32xf32, #tpu.memory_space<vmem>>, vector<1x1x16xf32>,
        %get3A_547 = vector.shape_cast %get3A_546 : vector<1x1x16xf32> to vector<16xf32>
        %mul3A_548 = vector.broadcast %squeeze3A_526 : f32 to vector<16xf32>
        %mul3A_549 = arith.mulf %get3A_547, %mul3A_548 : vector<16xf32>
        %swap3A_550 = arith.constant 0 : i32
        %swap3A_551 = arith.index_cast %swap3A_550 : i32 to index
        %swap3A_552 = arith.index_cast %add3A_524 : i32 to index
        %swap3A_553 = arith.constant 16 : index
        %swap3A_554 = tpu.vector_load %arg11[%swap3A_551, %swap3A_552, %swap3A_553] {strides = array<i32>} : memref<2x128x32xf32, #tpu.memory_space<vmem>>, vector<1x1x16xf32>,
        %swap3A_555 = vector.shape_cast %swap3A_554 : vector<1x1x16xf32> to vector<16xf32>
        %swap3A_556 = vector.shape_cast %mul3A_549 : vector<16xf32> to vector<1x1x16xf32>
        tpu.vector_store %arg11[%swap3A_551, %swap3A_552, %swap3A_553], %swap3A_556 {strides = array<i32>} : memref<2x128x32xf32, #tpu.memory_space<vmem>>, vector<1x1x16xf32>,
        %mul3A_557 = arith.constant 16 : i32
        %mul3A_558 = arith.muli %scan3A_86, %mul3A_557 : i32
        %add3A_559 = arith.constant 13 : i32
        %add3A_560 = arith.addi %mul3A_558, %add3A_559 : i32
        %slice3A_561 = vector.extract_strided_slice %get3A_91 {offsets = [13], sizes = [1], strides = [1]} : vector<16xf32> to vector<1xf32>
        %squeeze3A_562 = vector.extract %slice3A_561[0] : f32 from vector<1xf32>
        %get3A_563 = arith.constant 0 : i32
        %get3A_564 = arith.index_cast %get3A_563 : i32 to index
        %get3A_565 = arith.index_cast %add3A_560 : i32 to index
        %get3A_566 = arith.constant 0 : index
        %get3A_567 = tpu.vector_load %arg11[%get3A_564, %get3A_565, %get3A_566] {strides = array<i32>} : memref<2x128x32xf32, #tpu.memory_space<vmem>>, vector<1x1x16xf32>,
        %get3A_568 = vector.shape_cast %get3A_567 : vector<1x1x16xf32> to vector<16xf32>
        %mul3A_569 = vector.broadcast %squeeze3A_562 : f32 to vector<16xf32>
        %mul3A_570 = arith.mulf %get3A_568, %mul3A_569 : vector<16xf32>
        %swap3A_571 = arith.constant 0 : i32
        %swap3A_572 = arith.index_cast %swap3A_571 : i32 to index
        %swap3A_573 = arith.index_cast %add3A_560 : i32 to index
        %swap3A_574 = arith.constant 0 : index
        %swap3A_575 = tpu.vector_load %arg11[%swap3A_572, %swap3A_573, %swap3A_574] {strides = array<i32>} : memref<2x128x32xf32, #tpu.memory_space<vmem>>, vector<1x1x16xf32>,
        %swap3A_576 = vector.shape_cast %swap3A_575 : vector<1x1x16xf32> to vector<16xf32>
        %swap3A_577 = vector.shape_cast %mul3A_570 : vector<16xf32> to vector<1x1x16xf32>
        tpu.vector_store %arg11[%swap3A_572, %swap3A_573, %swap3A_574], %swap3A_577 {strides = array<i32>} : memref<2x128x32xf32, #tpu.memory_space<vmem>>, vector<1x1x16xf32>,
        %get3A_578 = arith.constant 0 : i32
        %get3A_579 = arith.index_cast %get3A_578 : i32 to index
        %get3A_580 = arith.index_cast %add3A_560 : i32 to index
        %get3A_581 = arith.constant 16 : index
        %get3A_582 = tpu.vector_load %arg11[%get3A_579, %get3A_580, %get3A_581] {strides = array<i32>} : memref<2x128x32xf32, #tpu.memory_space<vmem>>, vector<1x1x16xf32>,
        %get3A_583 = vector.shape_cast %get3A_582 : vector<1x1x16xf32> to vector<16xf32>
        %mul3A_584 = vector.broadcast %squeeze3A_562 : f32 to vector<16xf32>
        %mul3A_585 = arith.mulf %get3A_583, %mul3A_584 : vector<16xf32>
        %swap3A_586 = arith.constant 0 : i32
        %swap3A_587 = arith.index_cast %swap3A_586 : i32 to index
        %swap3A_588 = arith.index_cast %add3A_560 : i32 to index
        %swap3A_589 = arith.constant 16 : index
        %swap3A_590 = tpu.vector_load %arg11[%swap3A_587, %swap3A_588, %swap3A_589] {strides = array<i32>} : memref<2x128x32xf32, #tpu.memory_space<vmem>>, vector<1x1x16xf32>,
        %swap3A_591 = vector.shape_cast %swap3A_590 : vector<1x1x16xf32> to vector<16xf32>
        %swap3A_592 = vector.shape_cast %mul3A_585 : vector<16xf32> to vector<1x1x16xf32>
        tpu.vector_store %arg11[%swap3A_587, %swap3A_588, %swap3A_589], %swap3A_592 {strides = array<i32>} : memref<2x128x32xf32, #tpu.memory_space<vmem>>, vector<1x1x16xf32>,
        %mul3A_593 = arith.constant 16 : i32
        %mul3A_594 = arith.muli %scan3A_86, %mul3A_593 : i32
        %add3A_595 = arith.constant 14 : i32
        %add3A_596 = arith.addi %mul3A_594, %add3A_595 : i32
        %slice3A_597 = vector.extract_strided_slice %get3A_91 {offsets = [14], sizes = [1], strides = [1]} : vector<16xf32> to vector<1xf32>
        %squeeze3A_598 = vector.extract %slice3A_597[0] : f32 from vector<1xf32>
        %get3A_599 = arith.constant 0 : i32
        %get3A_600 = arith.index_cast %get3A_599 : i32 to index
        %get3A_601 = arith.index_cast %add3A_596 : i32 to index
        %get3A_602 = arith.constant 0 : index
        %get3A_603 = tpu.vector_load %arg11[%get3A_600, %get3A_601, %get3A_602] {strides = array<i32>} : memref<2x128x32xf32, #tpu.memory_space<vmem>>, vector<1x1x16xf32>,
        %get3A_604 = vector.shape_cast %get3A_603 : vector<1x1x16xf32> to vector<16xf32>
        %mul3A_605 = vector.broadcast %squeeze3A_598 : f32 to vector<16xf32>
        %mul3A_606 = arith.mulf %get3A_604, %mul3A_605 : vector<16xf32>
        %swap3A_607 = arith.constant 0 : i32
        %swap3A_608 = arith.index_cast %swap3A_607 : i32 to index
        %swap3A_609 = arith.index_cast %add3A_596 : i32 to index
        %swap3A_610 = arith.constant 0 : index
        %swap3A_611 = tpu.vector_load %arg11[%swap3A_608, %swap3A_609, %swap3A_610] {strides = array<i32>} : memref<2x128x32xf32, #tpu.memory_space<vmem>>, vector<1x1x16xf32>,
        %swap3A_612 = vector.shape_cast %swap3A_611 : vector<1x1x16xf32> to vector<16xf32>
        %swap3A_613 = vector.shape_cast %mul3A_606 : vector<16xf32> to vector<1x1x16xf32>
        tpu.vector_store %arg11[%swap3A_608, %swap3A_609, %swap3A_610], %swap3A_613 {strides = array<i32>} : memref<2x128x32xf32, #tpu.memory_space<vmem>>, vector<1x1x16xf32>,
        %get3A_614 = arith.constant 0 : i32
        %get3A_615 = arith.index_cast %get3A_614 : i32 to index
        %get3A_616 = arith.index_cast %add3A_596 : i32 to index
        %get3A_617 = arith.constant 16 : index
        %get3A_618 = tpu.vector_load %arg11[%get3A_615, %get3A_616, %get3A_617] {strides = array<i32>} : memref<2x128x32xf32, #tpu.memory_space<vmem>>, vector<1x1x16xf32>,
        %get3A_619 = vector.shape_cast %get3A_618 : vector<1x1x16xf32> to vector<16xf32>
        %mul3A_620 = vector.broadcast %squeeze3A_598 : f32 to vector<16xf32>
        %mul3A_621 = arith.mulf %get3A_619, %mul3A_620 : vector<16xf32>
        %swap3A_622 = arith.constant 0 : i32
        %swap3A_623 = arith.index_cast %swap3A_622 : i32 to index
        %swap3A_624 = arith.index_cast %add3A_596 : i32 to index
        %swap3A_625 = arith.constant 16 : index
        %swap3A_626 = tpu.vector_load %arg11[%swap3A_623, %swap3A_624, %swap3A_625] {strides = array<i32>} : memref<2x128x32xf32, #tpu.memory_space<vmem>>, vector<1x1x16xf32>,
        %swap3A_627 = vector.shape_cast %swap3A_626 : vector<1x1x16xf32> to vector<16xf32>
        %swap3A_628 = vector.shape_cast %mul3A_621 : vector<16xf32> to vector<1x1x16xf32>
        tpu.vector_store %arg11[%swap3A_623, %swap3A_624, %swap3A_625], %swap3A_628 {strides = array<i32>} : memref<2x128x32xf32, #tpu.memory_space<vmem>>, vector<1x1x16xf32>,
        %mul3A_629 = arith.constant 16 : i32
        %mul3A_630 = arith.muli %scan3A_86, %mul3A_629 : i32
        %add3A_631 = arith.constant 15 : i32
        %add3A_632 = arith.addi %mul3A_630, %add3A_631 : i32
        %slice3A_633 = vector.extract_strided_slice %get3A_91 {offsets = [15], sizes = [1], strides = [1]} : vector<16xf32> to vector<1xf32>
        %squeeze3A_634 = vector.extract %slice3A_633[0] : f32 from vector<1xf32>
        %get3A_635 = arith.constant 0 : i32
        %get3A_636 = arith.index_cast %get3A_635 : i32 to index
        %get3A_637 = arith.index_cast %add3A_632 : i32 to index
        %get3A_638 = arith.constant 0 : index
        %get3A_639 = tpu.vector_load %arg11[%get3A_636, %get3A_637, %get3A_638] {strides = array<i32>} : memref<2x128x32xf32, #tpu.memory_space<vmem>>, vector<1x1x16xf32>,
        %get3A_640 = vector.shape_cast %get3A_639 : vector<1x1x16xf32> to vector<16xf32>
        %mul3A_641 = vector.broadcast %squeeze3A_634 : f32 to vector<16xf32>
        %mul3A_642 = arith.mulf %get3A_640, %mul3A_641 : vector<16xf32>
        %swap3A_643 = arith.constant 0 : i32
        %swap3A_644 = arith.index_cast %swap3A_643 : i32 to index
        %swap3A_645 = arith.index_cast %add3A_632 : i32 to index
        %swap3A_646 = arith.constant 0 : index
        %swap3A_647 = tpu.vector_load %arg11[%swap3A_644, %swap3A_645, %swap3A_646] {strides = array<i32>} : memref<2x128x32xf32, #tpu.memory_space<vmem>>, vector<1x1x16xf32>,
        %swap3A_648 = vector.shape_cast %swap3A_647 : vector<1x1x16xf32> to vector<16xf32>
        %swap3A_649 = vector.shape_cast %mul3A_642 : vector<16xf32> to vector<1x1x16xf32>
        tpu.vector_store %arg11[%swap3A_644, %swap3A_645, %swap3A_646], %swap3A_649 {strides = array<i32>} : memref<2x128x32xf32, #tpu.memory_space<vmem>>, vector<1x1x16xf32>,
        %get3A_650 = arith.constant 0 : i32
        %get3A_651 = arith.index_cast %get3A_650 : i32 to index
        %get3A_652 = arith.index_cast %add3A_632 : i32 to index
        %get3A_653 = arith.constant 16 : index
        %get3A_654 = tpu.vector_load %arg11[%get3A_651, %get3A_652, %get3A_653] {strides = array<i32>} : memref<2x128x32xf32, #tpu.memory_space<vmem>>, vector<1x1x16xf32>,
        %get3A_655 = vector.shape_cast %get3A_654 : vector<1x1x16xf32> to vector<16xf32>
        %mul3A_656 = vector.broadcast %squeeze3A_634 : f32 to vector<16xf32>
        %mul3A_657 = arith.mulf %get3A_655, %mul3A_656 : vector<16xf32>
        %swap3A_658 = arith.constant 0 : i32
        %swap3A_659 = arith.index_cast %swap3A_658 : i32 to index
        %swap3A_660 = arith.index_cast %add3A_632 : i32 to index
        %swap3A_661 = arith.constant 16 : index
        %swap3A_662 = tpu.vector_load %arg11[%swap3A_659, %swap3A_660, %swap3A_661] {strides = array<i32>} : memref<2x128x32xf32, #tpu.memory_space<vmem>>, vector<1x1x16xf32>,
        %swap3A_663 = vector.shape_cast %swap3A_662 : vector<1x1x16xf32> to vector<16xf32>
        %swap3A_664 = vector.shape_cast %mul3A_657 : vector<16xf32> to vector<1x1x16xf32>
        tpu.vector_store %arg11[%swap3A_659, %swap3A_660, %swap3A_661], %swap3A_664 {strides = array<i32>} : memref<2x128x32xf32, #tpu.memory_space<vmem>>, vector<1x1x16xf32>,
        %scan3A_665 = arith.constant 1 : i32
        %scan3A_666 = arith.addi %scan3A_86, %scan3A_665 : i32
        %mul3A_667 = arith.constant 16 : i32
        %mul3A_668 = arith.muli %scan3A_666, %mul3A_667 : i32
        %get3A_669 = arith.index_cast %mul3A_28 : i32 to index
        %get3A_670 = arith.index_cast %mul3A_668 : i32 to index
        %get3A_671 = tpu.vector_load %arg10[%get3A_669, %get3A_670] {strides = array<i32>} : memref<82x128xf32, #tpu.memory_space<vmem>>, vector<1x16xf32>,
        %get3A_672 = vector.shape_cast %get3A_671 : vector<1x16xf32> to vector<16xf32>
        %mul3A_673 = arith.constant 16 : i32
        %mul3A_674 = arith.muli %scan3A_666, %mul3A_673 : i32
        %add3A_675 = arith.constant 0 : i32
        %add3A_676 = arith.addi %mul3A_674, %add3A_675 : i32
        %slice3A_677 = vector.extract_strided_slice %get3A_672 {offsets = [0], sizes = [1], strides = [1]} : vector<16xf32> to vector<1xf32>
        %squeeze3A_678 = vector.extract %slice3A_677[0] : f32 from vector<1xf32>
        %get3A_679 = arith.constant 0 : i32
        %get3A_680 = arith.index_cast %get3A_679 : i32 to index
        %get3A_681 = arith.index_cast %add3A_676 : i32 to index
        %get3A_682 = arith.constant 0 : index
        %get3A_683 = tpu.vector_load %arg11[%get3A_680, %get3A_681, %get3A_682] {strides = array<i32>} : memref<2x128x32xf32, #tpu.memory_space<vmem>>, vector<1x1x16xf32>,
        %get3A_684 = vector.shape_cast %get3A_683 : vector<1x1x16xf32> to vector<16xf32>
        %mul3A_685 = vector.broadcast %squeeze3A_678 : f32 to vector<16xf32>
        %mul3A_686 = arith.mulf %get3A_684, %mul3A_685 : vector<16xf32>
        %swap3A_687 = arith.constant 0 : i32
        %swap3A_688 = arith.index_cast %swap3A_687 : i32 to index
        %swap3A_689 = arith.index_cast %add3A_676 : i32 to index
        %swap3A_690 = arith.constant 0 : index
        %swap3A_691 = tpu.vector_load %arg11[%swap3A_688, %swap3A_689, %swap3A_690] {strides = array<i32>} : memref<2x128x32xf32, #tpu.memory_space<vmem>>, vector<1x1x16xf32>,
        %swap3A_692 = vector.shape_cast %swap3A_691 : vector<1x1x16xf32> to vector<16xf32>
        %swap3A_693 = vector.shape_cast %mul3A_686 : vector<16xf32> to vector<1x1x16xf32>
        tpu.vector_store %arg11[%swap3A_688, %swap3A_689, %swap3A_690], %swap3A_693 {strides = array<i32>} : memref<2x128x32xf32, #tpu.memory_space<vmem>>, vector<1x1x16xf32>,
        %get3A_694 = arith.constant 0 : i32
        %get3A_695 = arith.index_cast %get3A_694 : i32 to index
        %get3A_696 = arith.index_cast %add3A_676 : i32 to index
        %get3A_697 = arith.constant 16 : index
        %get3A_698 = tpu.vector_load %arg11[%get3A_695, %get3A_696, %get3A_697] {strides = array<i32>} : memref<2x128x32xf32, #tpu.memory_space<vmem>>, vector<1x1x16xf32>,
        %get3A_699 = vector.shape_cast %get3A_698 : vector<1x1x16xf32> to vector<16xf32>
        %mul3A_700 = vector.broadcast %squeeze3A_678 : f32 to vector<16xf32>
        %mul3A_701 = arith.mulf %get3A_699, %mul3A_700 : vector<16xf32>
        %swap3A_702 = arith.constant 0 : i32
        %swap3A_703 = arith.index_cast %swap3A_702 : i32 to index
        %swap3A_704 = arith.index_cast %add3A_676 : i32 to index
        %swap3A_705 = arith.constant 16 : index
        %swap3A_706 = tpu.vector_load %arg11[%swap3A_703, %swap3A_704, %swap3A_705] {strides = array<i32>} : memref<2x128x32xf32, #tpu.memory_space<vmem>>, vector<1x1x16xf32>,
        %swap3A_707 = vector.shape_cast %swap3A_706 : vector<1x1x16xf32> to vector<16xf32>
        %swap3A_708 = vector.shape_cast %mul3A_701 : vector<16xf32> to vector<1x1x16xf32>
        tpu.vector_store %arg11[%swap3A_703, %swap3A_704, %swap3A_705], %swap3A_708 {strides = array<i32>} : memref<2x128x32xf32, #tpu.memory_space<vmem>>, vector<1x1x16xf32>,
        %mul3A_709 = arith.constant 16 : i32
        %mul3A_710 = arith.muli %scan3A_666, %mul3A_709 : i32
        %add3A_711 = arith.constant 1 : i32
        %add3A_712 = arith.addi %mul3A_710, %add3A_711 : i32
        %slice3A_713 = vector.extract_strided_slice %get3A_672 {offsets = [1], sizes = [1], strides = [1]} : vector<16xf32> to vector<1xf32>
        %squeeze3A_714 = vector.extract %slice3A_713[0] : f32 from vector<1xf32>
        %get3A_715 = arith.constant 0 : i32
        %get3A_716 = arith.index_cast %get3A_715 : i32 to index
        %get3A_717 = arith.index_cast %add3A_712 : i32 to index
        %get3A_718 = arith.constant 0 : index
        %get3A_719 = tpu.vector_load %arg11[%get3A_716, %get3A_717, %get3A_718] {strides = array<i32>} : memref<2x128x32xf32, #tpu.memory_space<vmem>>, vector<1x1x16xf32>,
        %get3A_720 = vector.shape_cast %get3A_719 : vector<1x1x16xf32> to vector<16xf32>
        %mul3A_721 = vector.broadcast %squeeze3A_714 : f32 to vector<16xf32>
        %mul3A_722 = arith.mulf %get3A_720, %mul3A_721 : vector<16xf32>
        %swap3A_723 = arith.constant 0 : i32
        %swap3A_724 = arith.index_cast %swap3A_723 : i32 to index
        %swap3A_725 = arith.index_cast %add3A_712 : i32 to index
        %swap3A_726 = arith.constant 0 : index
        %swap3A_727 = tpu.vector_load %arg11[%swap3A_724, %swap3A_725, %swap3A_726] {strides = array<i32>} : memref<2x128x32xf32, #tpu.memory_space<vmem>>, vector<1x1x16xf32>,
        %swap3A_728 = vector.shape_cast %swap3A_727 : vector<1x1x16xf32> to vector<16xf32>
        %swap3A_729 = vector.shape_cast %mul3A_722 : vector<16xf32> to vector<1x1x16xf32>
        tpu.vector_store %arg11[%swap3A_724, %swap3A_725, %swap3A_726], %swap3A_729 {strides = array<i32>} : memref<2x128x32xf32, #tpu.memory_space<vmem>>, vector<1x1x16xf32>,
        %get3A_730 = arith.constant 0 : i32
        %get3A_731 = arith.index_cast %get3A_730 : i32 to index
        %get3A_732 = arith.index_cast %add3A_712 : i32 to index
        %get3A_733 = arith.constant 16 : index
        %get3A_734 = tpu.vector_load %arg11[%get3A_731, %get3A_732, %get3A_733] {strides = array<i32>} : memref<2x128x32xf32, #tpu.memory_space<vmem>>, vector<1x1x16xf32>,
        %get3A_735 = vector.shape_cast %get3A_734 : vector<1x1x16xf32> to vector<16xf32>
        %mul3A_736 = vector.broadcast %squeeze3A_714 : f32 to vector<16xf32>
        %mul3A_737 = arith.mulf %get3A_735, %mul3A_736 : vector<16xf32>
        %swap3A_738 = arith.constant 0 : i32
        %swap3A_739 = arith.index_cast %swap3A_738 : i32 to index
        %swap3A_740 = arith.index_cast %add3A_712 : i32 to index
        %swap3A_741 = arith.constant 16 : index
        %swap3A_742 = tpu.vector_load %arg11[%swap3A_739, %swap3A_740, %swap3A_741] {strides = array<i32>} : memref<2x128x32xf32, #tpu.memory_space<vmem>>, vector<1x1x16xf32>,
        %swap3A_743 = vector.shape_cast %swap3A_742 : vector<1x1x16xf32> to vector<16xf32>
        %swap3A_744 = vector.shape_cast %mul3A_737 : vector<16xf32> to vector<1x1x16xf32>
        tpu.vector_store %arg11[%swap3A_739, %swap3A_740, %swap3A_741], %swap3A_744 {strides = array<i32>} : memref<2x128x32xf32, #tpu.memory_space<vmem>>, vector<1x1x16xf32>,
        %mul3A_745 = arith.constant 16 : i32
        %mul3A_746 = arith.muli %scan3A_666, %mul3A_745 : i32
        %add3A_747 = arith.constant 2 : i32
        %add3A_748 = arith.addi %mul3A_746, %add3A_747 : i32
        %slice3A_749 = vector.extract_strided_slice %get3A_672 {offsets = [2], sizes = [1], strides = [1]} : vector<16xf32> to vector<1xf32>
        %squeeze3A_750 = vector.extract %slice3A_749[0] : f32 from vector<1xf32>
        %get3A_751 = arith.constant 0 : i32
        %get3A_752 = arith.index_cast %get3A_751 : i32 to index
        %get3A_753 = arith.index_cast %add3A_748 : i32 to index
        %get3A_754 = arith.constant 0 : index
        %get3A_755 = tpu.vector_load %arg11[%get3A_752, %get3A_753, %get3A_754] {strides = array<i32>} : memref<2x128x32xf32, #tpu.memory_space<vmem>>, vector<1x1x16xf32>,
        %get3A_756 = vector.shape_cast %get3A_755 : vector<1x1x16xf32> to vector<16xf32>
        %mul3A_757 = vector.broadcast %squeeze3A_750 : f32 to vector<16xf32>
        %mul3A_758 = arith.mulf %get3A_756, %mul3A_757 : vector<16xf32>
        %swap3A_759 = arith.constant 0 : i32
        %swap3A_760 = arith.index_cast %swap3A_759 : i32 to index
        %swap3A_761 = arith.index_cast %add3A_748 : i32 to index
        %swap3A_762 = arith.constant 0 : index
        %swap3A_763 = tpu.vector_load %arg11[%swap3A_760, %swap3A_761, %swap3A_762] {strides = array<i32>} : memref<2x128x32xf32, #tpu.memory_space<vmem>>, vector<1x1x16xf32>,
        %swap3A_764 = vector.shape_cast %swap3A_763 : vector<1x1x16xf32> to vector<16xf32>
        %swap3A_765 = vector.shape_cast %mul3A_758 : vector<16xf32> to vector<1x1x16xf32>
        tpu.vector_store %arg11[%swap3A_760, %swap3A_761, %swap3A_762], %swap3A_765 {strides = array<i32>} : memref<2x128x32xf32, #tpu.memory_space<vmem>>, vector<1x1x16xf32>,
        %get3A_766 = arith.constant 0 : i32
        %get3A_767 = arith.index_cast %get3A_766 : i32 to index
        %get3A_768 = arith.index_cast %add3A_748 : i32 to index
        %get3A_769 = arith.constant 16 : index
        %get3A_770 = tpu.vector_load %arg11[%get3A_767, %get3A_768, %get3A_769] {strides = array<i32>} : memref<2x128x32xf32, #tpu.memory_space<vmem>>, vector<1x1x16xf32>,
        %get3A_771 = vector.shape_cast %get3A_770 : vector<1x1x16xf32> to vector<16xf32>
        %mul3A_772 = vector.broadcast %squeeze3A_750 : f32 to vector<16xf32>
        %mul3A_773 = arith.mulf %get3A_771, %mul3A_772 : vector<16xf32>
        %swap3A_774 = arith.constant 0 : i32
        %swap3A_775 = arith.index_cast %swap3A_774 : i32 to index
        %swap3A_776 = arith.index_cast %add3A_748 : i32 to index
        %swap3A_777 = arith.constant 16 : index
        %swap3A_778 = tpu.vector_load %arg11[%swap3A_775, %swap3A_776, %swap3A_777] {strides = array<i32>} : memref<2x128x32xf32, #tpu.memory_space<vmem>>, vector<1x1x16xf32>,
        %swap3A_779 = vector.shape_cast %swap3A_778 : vector<1x1x16xf32> to vector<16xf32>
        %swap3A_780 = vector.shape_cast %mul3A_773 : vector<16xf32> to vector<1x1x16xf32>
        tpu.vector_store %arg11[%swap3A_775, %swap3A_776, %swap3A_777], %swap3A_780 {strides = array<i32>} : memref<2x128x32xf32, #tpu.memory_space<vmem>>, vector<1x1x16xf32>,
        %mul3A_781 = arith.constant 16 : i32
        %mul3A_782 = arith.muli %scan3A_666, %mul3A_781 : i32
        %add3A_783 = arith.constant 3 : i32
        %add3A_784 = arith.addi %mul3A_782, %add3A_783 : i32
        %slice3A_785 = vector.extract_strided_slice %get3A_672 {offsets = [3], sizes = [1], strides = [1]} : vector<16xf32> to vector<1xf32>
        %squeeze3A_786 = vector.extract %slice3A_785[0] : f32 from vector<1xf32>
        %get3A_787 = arith.constant 0 : i32
        %get3A_788 = arith.index_cast %get3A_787 : i32 to index
        %get3A_789 = arith.index_cast %add3A_784 : i32 to index
        %get3A_790 = arith.constant 0 : index
        %get3A_791 = tpu.vector_load %arg11[%get3A_788, %get3A_789, %get3A_790] {strides = array<i32>} : memref<2x128x32xf32, #tpu.memory_space<vmem>>, vector<1x1x16xf32>,
        %get3A_792 = vector.shape_cast %get3A_791 : vector<1x1x16xf32> to vector<16xf32>
        %mul3A_793 = vector.broadcast %squeeze3A_786 : f32 to vector<16xf32>
        %mul3A_794 = arith.mulf %get3A_792, %mul3A_793 : vector<16xf32>
        %swap3A_795 = arith.constant 0 : i32
        %swap3A_796 = arith.index_cast %swap3A_795 : i32 to index
        %swap3A_797 = arith.index_cast %add3A_784 : i32 to index
        %swap3A_798 = arith.constant 0 : index
        %swap3A_799 = tpu.vector_load %arg11[%swap3A_796, %swap3A_797, %swap3A_798] {strides = array<i32>} : memref<2x128x32xf32, #tpu.memory_space<vmem>>, vector<1x1x16xf32>,
        %swap3A_800 = vector.shape_cast %swap3A_799 : vector<1x1x16xf32> to vector<16xf32>
        %swap3A_801 = vector.shape_cast %mul3A_794 : vector<16xf32> to vector<1x1x16xf32>
        tpu.vector_store %arg11[%swap3A_796, %swap3A_797, %swap3A_798], %swap3A_801 {strides = array<i32>} : memref<2x128x32xf32, #tpu.memory_space<vmem>>, vector<1x1x16xf32>,
        %get3A_802 = arith.constant 0 : i32
        %get3A_803 = arith.index_cast %get3A_802 : i32 to index
        %get3A_804 = arith.index_cast %add3A_784 : i32 to index
        %get3A_805 = arith.constant 16 : index
        %get3A_806 = tpu.vector_load %arg11[%get3A_803, %get3A_804, %get3A_805] {strides = array<i32>} : memref<2x128x32xf32, #tpu.memory_space<vmem>>, vector<1x1x16xf32>,
        %get3A_807 = vector.shape_cast %get3A_806 : vector<1x1x16xf32> to vector<16xf32>
        %mul3A_808 = vector.broadcast %squeeze3A_786 : f32 to vector<16xf32>
        %mul3A_809 = arith.mulf %get3A_807, %mul3A_808 : vector<16xf32>
        %swap3A_810 = arith.constant 0 : i32
        %swap3A_811 = arith.index_cast %swap3A_810 : i32 to index
        %swap3A_812 = arith.index_cast %add3A_784 : i32 to index
        %swap3A_813 = arith.constant 16 : index
        %swap3A_814 = tpu.vector_load %arg11[%swap3A_811, %swap3A_812, %swap3A_813] {strides = array<i32>} : memref<2x128x32xf32, #tpu.memory_space<vmem>>, vector<1x1x16xf32>,
        %swap3A_815 = vector.shape_cast %swap3A_814 : vector<1x1x16xf32> to vector<16xf32>
        %swap3A_816 = vector.shape_cast %mul3A_809 : vector<16xf32> to vector<1x1x16xf32>
        tpu.vector_store %arg11[%swap3A_811, %swap3A_812, %swap3A_813], %swap3A_816 {strides = array<i32>} : memref<2x128x32xf32, #tpu.memory_space<vmem>>, vector<1x1x16xf32>,
        %mul3A_817 = arith.constant 16 : i32
        %mul3A_818 = arith.muli %scan3A_666, %mul3A_817 : i32
        %add3A_819 = arith.constant 4 : i32
        %add3A_820 = arith.addi %mul3A_818, %add3A_819 : i32
        %slice3A_821 = vector.extract_strided_slice %get3A_672 {offsets = [4], sizes = [1], strides = [1]} : vector<16xf32> to vector<1xf32>
        %squeeze3A_822 = vector.extract %slice3A_821[0] : f32 from vector<1xf32>
        %get3A_823 = arith.constant 0 : i32
        %get3A_824 = arith.index_cast %get3A_823 : i32 to index
        %get3A_825 = arith.index_cast %add3A_820 : i32 to index
        %get3A_826 = arith.constant 0 : index
        %get3A_827 = tpu.vector_load %arg11[%get3A_824, %get3A_825, %get3A_826] {strides = array<i32>} : memref<2x128x32xf32, #tpu.memory_space<vmem>>, vector<1x1x16xf32>,
        %get3A_828 = vector.shape_cast %get3A_827 : vector<1x1x16xf32> to vector<16xf32>
        %mul3A_829 = vector.broadcast %squeeze3A_822 : f32 to vector<16xf32>
        %mul3A_830 = arith.mulf %get3A_828, %mul3A_829 : vector<16xf32>
        %swap3A_831 = arith.constant 0 : i32
        %swap3A_832 = arith.index_cast %swap3A_831 : i32 to index
        %swap3A_833 = arith.index_cast %add3A_820 : i32 to index
        %swap3A_834 = arith.constant 0 : index
        %swap3A_835 = tpu.vector_load %arg11[%swap3A_832, %swap3A_833, %swap3A_834] {strides = array<i32>} : memref<2x128x32xf32, #tpu.memory_space<vmem>>, vector<1x1x16xf32>,
        %swap3A_836 = vector.shape_cast %swap3A_835 : vector<1x1x16xf32> to vector<16xf32>
        %swap3A_837 = vector.shape_cast %mul3A_830 : vector<16xf32> to vector<1x1x16xf32>
        tpu.vector_store %arg11[%swap3A_832, %swap3A_833, %swap3A_834], %swap3A_837 {strides = array<i32>} : memref<2x128x32xf32, #tpu.memory_space<vmem>>, vector<1x1x16xf32>,
        %get3A_838 = arith.constant 0 : i32
        %get3A_839 = arith.index_cast %get3A_838 : i32 to index
        %get3A_840 = arith.index_cast %add3A_820 : i32 to index
        %get3A_841 = arith.constant 16 : index
        %get3A_842 = tpu.vector_load %arg11[%get3A_839, %get3A_840, %get3A_841] {strides = array<i32>} : memref<2x128x32xf32, #tpu.memory_space<vmem>>, vector<1x1x16xf32>,
        %get3A_843 = vector.shape_cast %get3A_842 : vector<1x1x16xf32> to vector<16xf32>
        %mul3A_844 = vector.broadcast %squeeze3A_822 : f32 to vector<16xf32>
        %mul3A_845 = arith.mulf %get3A_843, %mul3A_844 : vector<16xf32>
        %swap3A_846 = arith.constant 0 : i32
        %swap3A_847 = arith.index_cast %swap3A_846 : i32 to index
        %swap3A_848 = arith.index_cast %add3A_820 : i32 to index
        %swap3A_849 = arith.constant 16 : index
        %swap3A_850 = tpu.vector_load %arg11[%swap3A_847, %swap3A_848, %swap3A_849] {strides = array<i32>} : memref<2x128x32xf32, #tpu.memory_space<vmem>>, vector<1x1x16xf32>,
        %swap3A_851 = vector.shape_cast %swap3A_850 : vector<1x1x16xf32> to vector<16xf32>
        %swap3A_852 = vector.shape_cast %mul3A_845 : vector<16xf32> to vector<1x1x16xf32>
        tpu.vector_store %arg11[%swap3A_847, %swap3A_848, %swap3A_849], %swap3A_852 {strides = array<i32>} : memref<2x128x32xf32, #tpu.memory_space<vmem>>, vector<1x1x16xf32>,
        %mul3A_853 = arith.constant 16 : i32
        %mul3A_854 = arith.muli %scan3A_666, %mul3A_853 : i32
        %add3A_855 = arith.constant 5 : i32
        %add3A_856 = arith.addi %mul3A_854, %add3A_855 : i32
        %slice3A_857 = vector.extract_strided_slice %get3A_672 {offsets = [5], sizes = [1], strides = [1]} : vector<16xf32> to vector<1xf32>
        %squeeze3A_858 = vector.extract %slice3A_857[0] : f32 from vector<1xf32>
        %get3A_859 = arith.constant 0 : i32
        %get3A_860 = arith.index_cast %get3A_859 : i32 to index
        %get3A_861 = arith.index_cast %add3A_856 : i32 to index
        %get3A_862 = arith.constant 0 : index
        %get3A_863 = tpu.vector_load %arg11[%get3A_860, %get3A_861, %get3A_862] {strides = array<i32>} : memref<2x128x32xf32, #tpu.memory_space<vmem>>, vector<1x1x16xf32>,
        %get3A_864 = vector.shape_cast %get3A_863 : vector<1x1x16xf32> to vector<16xf32>
        %mul3A_865 = vector.broadcast %squeeze3A_858 : f32 to vector<16xf32>
        %mul3A_866 = arith.mulf %get3A_864, %mul3A_865 : vector<16xf32>
        %swap3A_867 = arith.constant 0 : i32
        %swap3A_868 = arith.index_cast %swap3A_867 : i32 to index
        %swap3A_869 = arith.index_cast %add3A_856 : i32 to index
        %swap3A_870 = arith.constant 0 : index
        %swap3A_871 = tpu.vector_load %arg11[%swap3A_868, %swap3A_869, %swap3A_870] {strides = array<i32>} : memref<2x128x32xf32, #tpu.memory_space<vmem>>, vector<1x1x16xf32>,
        %swap3A_872 = vector.shape_cast %swap3A_871 : vector<1x1x16xf32> to vector<16xf32>
        %swap3A_873 = vector.shape_cast %mul3A_866 : vector<16xf32> to vector<1x1x16xf32>
        tpu.vector_store %arg11[%swap3A_868, %swap3A_869, %swap3A_870], %swap3A_873 {strides = array<i32>} : memref<2x128x32xf32, #tpu.memory_space<vmem>>, vector<1x1x16xf32>,
        %get3A_874 = arith.constant 0 : i32
        %get3A_875 = arith.index_cast %get3A_874 : i32 to index
        %get3A_876 = arith.index_cast %add3A_856 : i32 to index
        %get3A_877 = arith.constant 16 : index
        %get3A_878 = tpu.vector_load %arg11[%get3A_875, %get3A_876, %get3A_877] {strides = array<i32>} : memref<2x128x32xf32, #tpu.memory_space<vmem>>, vector<1x1x16xf32>,
        %get3A_879 = vector.shape_cast %get3A_878 : vector<1x1x16xf32> to vector<16xf32>
        %mul3A_880 = vector.broadcast %squeeze3A_858 : f32 to vector<16xf32>
        %mul3A_881 = arith.mulf %get3A_879, %mul3A_880 : vector<16xf32>
        %swap3A_882 = arith.constant 0 : i32
        %swap3A_883 = arith.index_cast %swap3A_882 : i32 to index
        %swap3A_884 = arith.index_cast %add3A_856 : i32 to index
        %swap3A_885 = arith.constant 16 : index
        %swap3A_886 = tpu.vector_load %arg11[%swap3A_883, %swap3A_884, %swap3A_885] {strides = array<i32>} : memref<2x128x32xf32, #tpu.memory_space<vmem>>, vector<1x1x16xf32>,
        %swap3A_887 = vector.shape_cast %swap3A_886 : vector<1x1x16xf32> to vector<16xf32>
        %swap3A_888 = vector.shape_cast %mul3A_881 : vector<16xf32> to vector<1x1x16xf32>
        tpu.vector_store %arg11[%swap3A_883, %swap3A_884, %swap3A_885], %swap3A_888 {strides = array<i32>} : memref<2x128x32xf32, #tpu.memory_space<vmem>>, vector<1x1x16xf32>,
        %mul3A_889 = arith.constant 16 : i32
        %mul3A_890 = arith.muli %scan3A_666, %mul3A_889 : i32
        %add3A_891 = arith.constant 6 : i32
        %add3A_892 = arith.addi %mul3A_890, %add3A_891 : i32
        %slice3A_893 = vector.extract_strided_slice %get3A_672 {offsets = [6], sizes = [1], strides = [1]} : vector<16xf32> to vector<1xf32>
        %squeeze3A_894 = vector.extract %slice3A_893[0] : f32 from vector<1xf32>
        %get3A_895 = arith.constant 0 : i32
        %get3A_896 = arith.index_cast %get3A_895 : i32 to index
        %get3A_897 = arith.index_cast %add3A_892 : i32 to index
        %get3A_898 = arith.constant 0 : index
        %get3A_899 = tpu.vector_load %arg11[%get3A_896, %get3A_897, %get3A_898] {strides = array<i32>} : memref<2x128x32xf32, #tpu.memory_space<vmem>>, vector<1x1x16xf32>,
        %get3A_900 = vector.shape_cast %get3A_899 : vector<1x1x16xf32> to vector<16xf32>
        %mul3A_901 = vector.broadcast %squeeze3A_894 : f32 to vector<16xf32>
        %mul3A_902 = arith.mulf %get3A_900, %mul3A_901 : vector<16xf32>
        %swap3A_903 = arith.constant 0 : i32
        %swap3A_904 = arith.index_cast %swap3A_903 : i32 to index
        %swap3A_905 = arith.index_cast %add3A_892 : i32 to index
        %swap3A_906 = arith.constant 0 : index
        %swap3A_907 = tpu.vector_load %arg11[%swap3A_904, %swap3A_905, %swap3A_906] {strides = array<i32>} : memref<2x128x32xf32, #tpu.memory_space<vmem>>, vector<1x1x16xf32>,
        %swap3A_908 = vector.shape_cast %swap3A_907 : vector<1x1x16xf32> to vector<16xf32>
        %swap3A_909 = vector.shape_cast %mul3A_902 : vector<16xf32> to vector<1x1x16xf32>
        tpu.vector_store %arg11[%swap3A_904, %swap3A_905, %swap3A_906], %swap3A_909 {strides = array<i32>} : memref<2x128x32xf32, #tpu.memory_space<vmem>>, vector<1x1x16xf32>,
        %get3A_910 = arith.constant 0 : i32
        %get3A_911 = arith.index_cast %get3A_910 : i32 to index
        %get3A_912 = arith.index_cast %add3A_892 : i32 to index
        %get3A_913 = arith.constant 16 : index
        %get3A_914 = tpu.vector_load %arg11[%get3A_911, %get3A_912, %get3A_913] {strides = array<i32>} : memref<2x128x32xf32, #tpu.memory_space<vmem>>, vector<1x1x16xf32>,
        %get3A_915 = vector.shape_cast %get3A_914 : vector<1x1x16xf32> to vector<16xf32>
        %mul3A_916 = vector.broadcast %squeeze3A_894 : f32 to vector<16xf32>
        %mul3A_917 = arith.mulf %get3A_915, %mul3A_916 : vector<16xf32>
        %swap3A_918 = arith.constant 0 : i32
        %swap3A_919 = arith.index_cast %swap3A_918 : i32 to index
        %swap3A_920 = arith.index_cast %add3A_892 : i32 to index
        %swap3A_921 = arith.constant 16 : index
        %swap3A_922 = tpu.vector_load %arg11[%swap3A_919, %swap3A_920, %swap3A_921] {strides = array<i32>} : memref<2x128x32xf32, #tpu.memory_space<vmem>>, vector<1x1x16xf32>,
        %swap3A_923 = vector.shape_cast %swap3A_922 : vector<1x1x16xf32> to vector<16xf32>
        %swap3A_924 = vector.shape_cast %mul3A_917 : vector<16xf32> to vector<1x1x16xf32>
        tpu.vector_store %arg11[%swap3A_919, %swap3A_920, %swap3A_921], %swap3A_924 {strides = array<i32>} : memref<2x128x32xf32, #tpu.memory_space<vmem>>, vector<1x1x16xf32>,
        %mul3A_925 = arith.constant 16 : i32
        %mul3A_926 = arith.muli %scan3A_666, %mul3A_925 : i32
        %add3A_927 = arith.constant 7 : i32
        %add3A_928 = arith.addi %mul3A_926, %add3A_927 : i32
        %slice3A_929 = vector.extract_strided_slice %get3A_672 {offsets = [7], sizes = [1], strides = [1]} : vector<16xf32> to vector<1xf32>
        %squeeze3A_930 = vector.extract %slice3A_929[0] : f32 from vector<1xf32>
        %get3A_931 = arith.constant 0 : i32
        %get3A_932 = arith.index_cast %get3A_931 : i32 to index
        %get3A_933 = arith.index_cast %add3A_928 : i32 to index
        %get3A_934 = arith.constant 0 : index
        %get3A_935 = tpu.vector_load %arg11[%get3A_932, %get3A_933, %get3A_934] {strides = array<i32>} : memref<2x128x32xf32, #tpu.memory_space<vmem>>, vector<1x1x16xf32>,
        %get3A_936 = vector.shape_cast %get3A_935 : vector<1x1x16xf32> to vector<16xf32>
        %mul3A_937 = vector.broadcast %squeeze3A_930 : f32 to vector<16xf32>
        %mul3A_938 = arith.mulf %get3A_936, %mul3A_937 : vector<16xf32>
        %swap3A_939 = arith.constant 0 : i32
        %swap3A_940 = arith.index_cast %swap3A_939 : i32 to index
        %swap3A_941 = arith.index_cast %add3A_928 : i32 to index
        %swap3A_942 = arith.constant 0 : index
        %swap3A_943 = tpu.vector_load %arg11[%swap3A_940, %swap3A_941, %swap3A_942] {strides = array<i32>} : memref<2x128x32xf32, #tpu.memory_space<vmem>>, vector<1x1x16xf32>,
        %swap3A_944 = vector.shape_cast %swap3A_943 : vector<1x1x16xf32> to vector<16xf32>
        %swap3A_945 = vector.shape_cast %mul3A_938 : vector<16xf32> to vector<1x1x16xf32>
        tpu.vector_store %arg11[%swap3A_940, %swap3A_941, %swap3A_942], %swap3A_945 {strides = array<i32>} : memref<2x128x32xf32, #tpu.memory_space<vmem>>, vector<1x1x16xf32>,
        %get3A_946 = arith.constant 0 : i32
        %get3A_947 = arith.index_cast %get3A_946 : i32 to index
        %get3A_948 = arith.index_cast %add3A_928 : i32 to index
        %get3A_949 = arith.constant 16 : index
        %get3A_950 = tpu.vector_load %arg11[%get3A_947, %get3A_948, %get3A_949] {strides = array<i32>} : memref<2x128x32xf32, #tpu.memory_space<vmem>>, vector<1x1x16xf32>,
        %get3A_951 = vector.shape_cast %get3A_950 : vector<1x1x16xf32> to vector<16xf32>
        %mul3A_952 = vector.broadcast %squeeze3A_930 : f32 to vector<16xf32>
        %mul3A_953 = arith.mulf %get3A_951, %mul3A_952 : vector<16xf32>
        %swap3A_954 = arith.constant 0 : i32
        %swap3A_955 = arith.index_cast %swap3A_954 : i32 to index
        %swap3A_956 = arith.index_cast %add3A_928 : i32 to index
        %swap3A_957 = arith.constant 16 : index
        %swap3A_958 = tpu.vector_load %arg11[%swap3A_955, %swap3A_956, %swap3A_957] {strides = array<i32>} : memref<2x128x32xf32, #tpu.memory_space<vmem>>, vector<1x1x16xf32>,
        %swap3A_959 = vector.shape_cast %swap3A_958 : vector<1x1x16xf32> to vector<16xf32>
        %swap3A_960 = vector.shape_cast %mul3A_953 : vector<16xf32> to vector<1x1x16xf32>
        tpu.vector_store %arg11[%swap3A_955, %swap3A_956, %swap3A_957], %swap3A_960 {strides = array<i32>} : memref<2x128x32xf32, #tpu.memory_space<vmem>>, vector<1x1x16xf32>,
        %mul3A_961 = arith.constant 16 : i32
        %mul3A_962 = arith.muli %scan3A_666, %mul3A_961 : i32
        %add3A_963 = arith.constant 8 : i32
        %add3A_964 = arith.addi %mul3A_962, %add3A_963 : i32
        %slice3A_965 = vector.extract_strided_slice %get3A_672 {offsets = [8], sizes = [1], strides = [1]} : vector<16xf32> to vector<1xf32>
        %squeeze3A_966 = vector.extract %slice3A_965[0] : f32 from vector<1xf32>
        %get3A_967 = arith.constant 0 : i32
        %get3A_968 = arith.index_cast %get3A_967 : i32 to index
        %get3A_969 = arith.index_cast %add3A_964 : i32 to index
        %get3A_970 = arith.constant 0 : index
        %get3A_971 = tpu.vector_load %arg11[%get3A_968, %get3A_969, %get3A_970] {strides = array<i32>} : memref<2x128x32xf32, #tpu.memory_space<vmem>>, vector<1x1x16xf32>,
        %get3A_972 = vector.shape_cast %get3A_971 : vector<1x1x16xf32> to vector<16xf32>
        %mul3A_973 = vector.broadcast %squeeze3A_966 : f32 to vector<16xf32>
        %mul3A_974 = arith.mulf %get3A_972, %mul3A_973 : vector<16xf32>
        %swap3A_975 = arith.constant 0 : i32
        %swap3A_976 = arith.index_cast %swap3A_975 : i32 to index
        %swap3A_977 = arith.index_cast %add3A_964 : i32 to index
        %swap3A_978 = arith.constant 0 : index
        %swap3A_979 = tpu.vector_load %arg11[%swap3A_976, %swap3A_977, %swap3A_978] {strides = array<i32>} : memref<2x128x32xf32, #tpu.memory_space<vmem>>, vector<1x1x16xf32>,
        %swap3A_980 = vector.shape_cast %swap3A_979 : vector<1x1x16xf32> to vector<16xf32>
        %swap3A_981 = vector.shape_cast %mul3A_974 : vector<16xf32> to vector<1x1x16xf32>
        tpu.vector_store %arg11[%swap3A_976, %swap3A_977, %swap3A_978], %swap3A_981 {strides = array<i32>} : memref<2x128x32xf32, #tpu.memory_space<vmem>>, vector<1x1x16xf32>,
        %get3A_982 = arith.constant 0 : i32
        %get3A_983 = arith.index_cast %get3A_982 : i32 to index
        %get3A_984 = arith.index_cast %add3A_964 : i32 to index
        %get3A_985 = arith.constant 16 : index
        %get3A_986 = tpu.vector_load %arg11[%get3A_983, %get3A_984, %get3A_985] {strides = array<i32>} : memref<2x128x32xf32, #tpu.memory_space<vmem>>, vector<1x1x16xf32>,
        %get3A_987 = vector.shape_cast %get3A_986 : vector<1x1x16xf32> to vector<16xf32>
        %mul3A_988 = vector.broadcast %squeeze3A_966 : f32 to vector<16xf32>
        %mul3A_989 = arith.mulf %get3A_987, %mul3A_988 : vector<16xf32>
        %swap3A_990 = arith.constant 0 : i32
        %swap3A_991 = arith.index_cast %swap3A_990 : i32 to index
        %swap3A_992 = arith.index_cast %add3A_964 : i32 to index
        %swap3A_993 = arith.constant 16 : index
        %swap3A_994 = tpu.vector_load %arg11[%swap3A_991, %swap3A_992, %swap3A_993] {strides = array<i32>} : memref<2x128x32xf32, #tpu.memory_space<vmem>>, vector<1x1x16xf32>,
        %swap3A_995 = vector.shape_cast %swap3A_994 : vector<1x1x16xf32> to vector<16xf32>
        %swap3A_996 = vector.shape_cast %mul3A_989 : vector<16xf32> to vector<1x1x16xf32>
        tpu.vector_store %arg11[%swap3A_991, %swap3A_992, %swap3A_993], %swap3A_996 {strides = array<i32>} : memref<2x128x32xf32, #tpu.memory_space<vmem>>, vector<1x1x16xf32>,
        %mul3A_997 = arith.constant 16 : i32
        %mul3A_998 = arith.muli %scan3A_666, %mul3A_997 : i32
        %add3A_999 = arith.constant 9 : i32
        %add3A_1000 = arith.addi %mul3A_998, %add3A_999 : i32
        %slice3A_1001 = vector.extract_strided_slice %get3A_672 {offsets = [9], sizes = [1], strides = [1]} : vector<16xf32> to vector<1xf32>
        %squeeze3A_1002 = vector.extract %slice3A_1001[0] : f32 from vector<1xf32>
        %get3A_1003 = arith.constant 0 : i32
        %get3A_1004 = arith.index_cast %get3A_1003 : i32 to index
        %get3A_1005 = arith.index_cast %add3A_1000 : i32 to index
        %get3A_1006 = arith.constant 0 : index
        %get3A_1007 = tpu.vector_load %arg11[%get3A_1004, %get3A_1005, %get3A_1006] {strides = array<i32>} : memref<2x128x32xf32, #tpu.memory_space<vmem>>, vector<1x1x16xf32>,
        %get3A_1008 = vector.shape_cast %get3A_1007 : vector<1x1x16xf32> to vector<16xf32>
        %mul3A_1009 = vector.broadcast %squeeze3A_1002 : f32 to vector<16xf32>
        %mul3A_1010 = arith.mulf %get3A_1008, %mul3A_1009 : vector<16xf32>
        %swap3A_1011 = arith.constant 0 : i32
        %swap3A_1012 = arith.index_cast %swap3A_1011 : i32 to index
        %swap3A_1013 = arith.index_cast %add3A_1000 : i32 to index
        %swap3A_1014 = arith.constant 0 : index
        %swap3A_1015 = tpu.vector_load %arg11[%swap3A_1012, %swap3A_1013, %swap3A_1014] {strides = array<i32>} : memref<2x128x32xf32, #tpu.memory_space<vmem>>, vector<1x1x16xf32>,
        %swap3A_1016 = vector.shape_cast %swap3A_1015 : vector<1x1x16xf32> to vector<16xf32>
        %swap3A_1017 = vector.shape_cast %mul3A_1010 : vector<16xf32> to vector<1x1x16xf32>
        tpu.vector_store %arg11[%swap3A_1012, %swap3A_1013, %swap3A_1014], %swap3A_1017 {strides = array<i32>} : memref<2x128x32xf32, #tpu.memory_space<vmem>>, vector<1x1x16xf32>,
        %get3A_1018 = arith.constant 0 : i32
        %get3A_1019 = arith.index_cast %get3A_1018 : i32 to index
        %get3A_1020 = arith.index_cast %add3A_1000 : i32 to index
        %get3A_1021 = arith.constant 16 : index
        %get3A_1022 = tpu.vector_load %arg11[%get3A_1019, %get3A_1020, %get3A_1021] {strides = array<i32>} : memref<2x128x32xf32, #tpu.memory_space<vmem>>, vector<1x1x16xf32>,
        %get3A_1023 = vector.shape_cast %get3A_1022 : vector<1x1x16xf32> to vector<16xf32>
        %mul3A_1024 = vector.broadcast %squeeze3A_1002 : f32 to vector<16xf32>
        %mul3A_1025 = arith.mulf %get3A_1023, %mul3A_1024 : vector<16xf32>
        %swap3A_1026 = arith.constant 0 : i32
        %swap3A_1027 = arith.index_cast %swap3A_1026 : i32 to index
        %swap3A_1028 = arith.index_cast %add3A_1000 : i32 to index
        %swap3A_1029 = arith.constant 16 : index
        %swap3A_1030 = tpu.vector_load %arg11[%swap3A_1027, %swap3A_1028, %swap3A_1029] {strides = array<i32>} : memref<2x128x32xf32, #tpu.memory_space<vmem>>, vector<1x1x16xf32>,
        %swap3A_1031 = vector.shape_cast %swap3A_1030 : vector<1x1x16xf32> to vector<16xf32>
        %swap3A_1032 = vector.shape_cast %mul3A_1025 : vector<16xf32> to vector<1x1x16xf32>
        tpu.vector_store %arg11[%swap3A_1027, %swap3A_1028, %swap3A_1029], %swap3A_1032 {strides = array<i32>} : memref<2x128x32xf32, #tpu.memory_space<vmem>>, vector<1x1x16xf32>,
        %mul3A_1033 = arith.constant 16 : i32
        %mul3A_1034 = arith.muli %scan3A_666, %mul3A_1033 : i32
        %add3A_1035 = arith.constant 10 : i32
        %add3A_1036 = arith.addi %mul3A_1034, %add3A_1035 : i32
        %slice3A_1037 = vector.extract_strided_slice %get3A_672 {offsets = [10], sizes = [1], strides = [1]} : vector<16xf32> to vector<1xf32>
        %squeeze3A_1038 = vector.extract %slice3A_1037[0] : f32 from vector<1xf32>
        %get3A_1039 = arith.constant 0 : i32
        %get3A_1040 = arith.index_cast %get3A_1039 : i32 to index
        %get3A_1041 = arith.index_cast %add3A_1036 : i32 to index
        %get3A_1042 = arith.constant 0 : index
        %get3A_1043 = tpu.vector_load %arg11[%get3A_1040, %get3A_1041, %get3A_1042] {strides = array<i32>} : memref<2x128x32xf32, #tpu.memory_space<vmem>>, vector<1x1x16xf32>,
        %get3A_1044 = vector.shape_cast %get3A_1043 : vector<1x1x16xf32> to vector<16xf32>
        %mul3A_1045 = vector.broadcast %squeeze3A_1038 : f32 to vector<16xf32>
        %mul3A_1046 = arith.mulf %get3A_1044, %mul3A_1045 : vector<16xf32>
        %swap3A_1047 = arith.constant 0 : i32
        %swap3A_1048 = arith.index_cast %swap3A_1047 : i32 to index
        %swap3A_1049 = arith.index_cast %add3A_1036 : i32 to index
        %swap3A_1050 = arith.constant 0 : index
        %swap3A_1051 = tpu.vector_load %arg11[%swap3A_1048, %swap3A_1049, %swap3A_1050] {strides = array<i32>} : memref<2x128x32xf32, #tpu.memory_space<vmem>>, vector<1x1x16xf32>,
        %swap3A_1052 = vector.shape_cast %swap3A_1051 : vector<1x1x16xf32> to vector<16xf32>
        %swap3A_1053 = vector.shape_cast %mul3A_1046 : vector<16xf32> to vector<1x1x16xf32>
        tpu.vector_store %arg11[%swap3A_1048, %swap3A_1049, %swap3A_1050], %swap3A_1053 {strides = array<i32>} : memref<2x128x32xf32, #tpu.memory_space<vmem>>, vector<1x1x16xf32>,
        %get3A_1054 = arith.constant 0 : i32
        %get3A_1055 = arith.index_cast %get3A_1054 : i32 to index
        %get3A_1056 = arith.index_cast %add3A_1036 : i32 to index
        %get3A_1057 = arith.constant 16 : index
        %get3A_1058 = tpu.vector_load %arg11[%get3A_1055, %get3A_1056, %get3A_1057] {strides = array<i32>} : memref<2x128x32xf32, #tpu.memory_space<vmem>>, vector<1x1x16xf32>,
        %get3A_1059 = vector.shape_cast %get3A_1058 : vector<1x1x16xf32> to vector<16xf32>
        %mul3A_1060 = vector.broadcast %squeeze3A_1038 : f32 to vector<16xf32>
        %mul3A_1061 = arith.mulf %get3A_1059, %mul3A_1060 : vector<16xf32>
        %swap3A_1062 = arith.constant 0 : i32
        %swap3A_1063 = arith.index_cast %swap3A_1062 : i32 to index
        %swap3A_1064 = arith.index_cast %add3A_1036 : i32 to index
        %swap3A_1065 = arith.constant 16 : index
        %swap3A_1066 = tpu.vector_load %arg11[%swap3A_1063, %swap3A_1064, %swap3A_1065] {strides = array<i32>} : memref<2x128x32xf32, #tpu.memory_space<vmem>>, vector<1x1x16xf32>,
        %swap3A_1067 = vector.shape_cast %swap3A_1066 : vector<1x1x16xf32> to vector<16xf32>
        %swap3A_1068 = vector.shape_cast %mul3A_1061 : vector<16xf32> to vector<1x1x16xf32>
        tpu.vector_store %arg11[%swap3A_1063, %swap3A_1064, %swap3A_1065], %swap3A_1068 {strides = array<i32>} : memref<2x128x32xf32, #tpu.memory_space<vmem>>, vector<1x1x16xf32>,
        %mul3A_1069 = arith.constant 16 : i32
        %mul3A_1070 = arith.muli %scan3A_666, %mul3A_1069 : i32
        %add3A_1071 = arith.constant 11 : i32
        %add3A_1072 = arith.addi %mul3A_1070, %add3A_1071 : i32
        %slice3A_1073 = vector.extract_strided_slice %get3A_672 {offsets = [11], sizes = [1], strides = [1]} : vector<16xf32> to vector<1xf32>
        %squeeze3A_1074 = vector.extract %slice3A_1073[0] : f32 from vector<1xf32>
        %get3A_1075 = arith.constant 0 : i32
        %get3A_1076 = arith.index_cast %get3A_1075 : i32 to index
        %get3A_1077 = arith.index_cast %add3A_1072 : i32 to index
        %get3A_1078 = arith.constant 0 : index
        %get3A_1079 = tpu.vector_load %arg11[%get3A_1076, %get3A_1077, %get3A_1078] {strides = array<i32>} : memref<2x128x32xf32, #tpu.memory_space<vmem>>, vector<1x1x16xf32>,
        %get3A_1080 = vector.shape_cast %get3A_1079 : vector<1x1x16xf32> to vector<16xf32>
        %mul3A_1081 = vector.broadcast %squeeze3A_1074 : f32 to vector<16xf32>
        %mul3A_1082 = arith.mulf %get3A_1080, %mul3A_1081 : vector<16xf32>
        %swap3A_1083 = arith.constant 0 : i32
        %swap3A_1084 = arith.index_cast %swap3A_1083 : i32 to index
        %swap3A_1085 = arith.index_cast %add3A_1072 : i32 to index
        %swap3A_1086 = arith.constant 0 : index
        %swap3A_1087 = tpu.vector_load %arg11[%swap3A_1084, %swap3A_1085, %swap3A_1086] {strides = array<i32>} : memref<2x128x32xf32, #tpu.memory_space<vmem>>, vector<1x1x16xf32>,
        %swap3A_1088 = vector.shape_cast %swap3A_1087 : vector<1x1x16xf32> to vector<16xf32>
        %swap3A_1089 = vector.shape_cast %mul3A_1082 : vector<16xf32> to vector<1x1x16xf32>
        tpu.vector_store %arg11[%swap3A_1084, %swap3A_1085, %swap3A_1086], %swap3A_1089 {strides = array<i32>} : memref<2x128x32xf32, #tpu.memory_space<vmem>>, vector<1x1x16xf32>,
        %get3A_1090 = arith.constant 0 : i32
        %get3A_1091 = arith.index_cast %get3A_1090 : i32 to index
        %get3A_1092 = arith.index_cast %add3A_1072 : i32 to index
        %get3A_1093 = arith.constant 16 : index
        %get3A_1094 = tpu.vector_load %arg11[%get3A_1091, %get3A_1092, %get3A_1093] {strides = array<i32>} : memref<2x128x32xf32, #tpu.memory_space<vmem>>, vector<1x1x16xf32>,
        %get3A_1095 = vector.shape_cast %get3A_1094 : vector<1x1x16xf32> to vector<16xf32>
        %mul3A_1096 = vector.broadcast %squeeze3A_1074 : f32 to vector<16xf32>
        %mul3A_1097 = arith.mulf %get3A_1095, %mul3A_1096 : vector<16xf32>
        %swap3A_1098 = arith.constant 0 : i32
        %swap3A_1099 = arith.index_cast %swap3A_1098 : i32 to index
        %swap3A_1100 = arith.index_cast %add3A_1072 : i32 to index
        %swap3A_1101 = arith.constant 16 : index
        %swap3A_1102 = tpu.vector_load %arg11[%swap3A_1099, %swap3A_1100, %swap3A_1101] {strides = array<i32>} : memref<2x128x32xf32, #tpu.memory_space<vmem>>, vector<1x1x16xf32>,
        %swap3A_1103 = vector.shape_cast %swap3A_1102 : vector<1x1x16xf32> to vector<16xf32>
        %swap3A_1104 = vector.shape_cast %mul3A_1097 : vector<16xf32> to vector<1x1x16xf32>
        tpu.vector_store %arg11[%swap3A_1099, %swap3A_1100, %swap3A_1101], %swap3A_1104 {strides = array<i32>} : memref<2x128x32xf32, #tpu.memory_space<vmem>>, vector<1x1x16xf32>,
        %mul3A_1105 = arith.constant 16 : i32
        %mul3A_1106 = arith.muli %scan3A_666, %mul3A_1105 : i32
        %add3A_1107 = arith.constant 12 : i32
        %add3A_1108 = arith.addi %mul3A_1106, %add3A_1107 : i32
        %slice3A_1109 = vector.extract_strided_slice %get3A_672 {offsets = [12], sizes = [1], strides = [1]} : vector<16xf32> to vector<1xf32>
        %squeeze3A_1110 = vector.extract %slice3A_1109[0] : f32 from vector<1xf32>
        %get3A_1111 = arith.constant 0 : i32
        %get3A_1112 = arith.index_cast %get3A_1111 : i32 to index
        %get3A_1113 = arith.index_cast %add3A_1108 : i32 to index
        %get3A_1114 = arith.constant 0 : index
        %get3A_1115 = tpu.vector_load %arg11[%get3A_1112, %get3A_1113, %get3A_1114] {strides = array<i32>} : memref<2x128x32xf32, #tpu.memory_space<vmem>>, vector<1x1x16xf32>,
        %get3A_1116 = vector.shape_cast %get3A_1115 : vector<1x1x16xf32> to vector<16xf32>
        %mul3A_1117 = vector.broadcast %squeeze3A_1110 : f32 to vector<16xf32>
        %mul3A_1118 = arith.mulf %get3A_1116, %mul3A_1117 : vector<16xf32>
        %swap3A_1119 = arith.constant 0 : i32
        %swap3A_1120 = arith.index_cast %swap3A_1119 : i32 to index
        %swap3A_1121 = arith.index_cast %add3A_1108 : i32 to index
        %swap3A_1122 = arith.constant 0 : index
        %swap3A_1123 = tpu.vector_load %arg11[%swap3A_1120, %swap3A_1121, %swap3A_1122] {strides = array<i32>} : memref<2x128x32xf32, #tpu.memory_space<vmem>>, vector<1x1x16xf32>,
        %swap3A_1124 = vector.shape_cast %swap3A_1123 : vector<1x1x16xf32> to vector<16xf32>
        %swap3A_1125 = vector.shape_cast %mul3A_1118 : vector<16xf32> to vector<1x1x16xf32>
        tpu.vector_store %arg11[%swap3A_1120, %swap3A_1121, %swap3A_1122], %swap3A_1125 {strides = array<i32>} : memref<2x128x32xf32, #tpu.memory_space<vmem>>, vector<1x1x16xf32>,
        %get3A_1126 = arith.constant 0 : i32
        %get3A_1127 = arith.index_cast %get3A_1126 : i32 to index
        %get3A_1128 = arith.index_cast %add3A_1108 : i32 to index
        %get3A_1129 = arith.constant 16 : index
        %get3A_1130 = tpu.vector_load %arg11[%get3A_1127, %get3A_1128, %get3A_1129] {strides = array<i32>} : memref<2x128x32xf32, #tpu.memory_space<vmem>>, vector<1x1x16xf32>,
        %get3A_1131 = vector.shape_cast %get3A_1130 : vector<1x1x16xf32> to vector<16xf32>
        %mul3A_1132 = vector.broadcast %squeeze3A_1110 : f32 to vector<16xf32>
        %mul3A_1133 = arith.mulf %get3A_1131, %mul3A_1132 : vector<16xf32>
        %swap3A_1134 = arith.constant 0 : i32
        %swap3A_1135 = arith.index_cast %swap3A_1134 : i32 to index
        %swap3A_1136 = arith.index_cast %add3A_1108 : i32 to index
        %swap3A_1137 = arith.constant 16 : index
        %swap3A_1138 = tpu.vector_load %arg11[%swap3A_1135, %swap3A_1136, %swap3A_1137] {strides = array<i32>} : memref<2x128x32xf32, #tpu.memory_space<vmem>>, vector<1x1x16xf32>,
        %swap3A_1139 = vector.shape_cast %swap3A_1138 : vector<1x1x16xf32> to vector<16xf32>
        %swap3A_1140 = vector.shape_cast %mul3A_1133 : vector<16xf32> to vector<1x1x16xf32>
        tpu.vector_store %arg11[%swap3A_1135, %swap3A_1136, %swap3A_1137], %swap3A_1140 {strides = array<i32>} : memref<2x128x32xf32, #tpu.memory_space<vmem>>, vector<1x1x16xf32>,
        %mul3A_1141 = arith.constant 16 : i32
        %mul3A_1142 = arith.muli %scan3A_666, %mul3A_1141 : i32
        %add3A_1143 = arith.constant 13 : i32
        %add3A_1144 = arith.addi %mul3A_1142, %add3A_1143 : i32
        %slice3A_1145 = vector.extract_strided_slice %get3A_672 {offsets = [13], sizes = [1], strides = [1]} : vector<16xf32> to vector<1xf32>
        %squeeze3A_1146 = vector.extract %slice3A_1145[0] : f32 from vector<1xf32>
        %get3A_1147 = arith.constant 0 : i32
        %get3A_1148 = arith.index_cast %get3A_1147 : i32 to index
        %get3A_1149 = arith.index_cast %add3A_1144 : i32 to index
        %get3A_1150 = arith.constant 0 : index
        %get3A_1151 = tpu.vector_load %arg11[%get3A_1148, %get3A_1149, %get3A_1150] {strides = array<i32>} : memref<2x128x32xf32, #tpu.memory_space<vmem>>, vector<1x1x16xf32>,
        %get3A_1152 = vector.shape_cast %get3A_1151 : vector<1x1x16xf32> to vector<16xf32>
        %mul3A_1153 = vector.broadcast %squeeze3A_1146 : f32 to vector<16xf32>
        %mul3A_1154 = arith.mulf %get3A_1152, %mul3A_1153 : vector<16xf32>
        %swap3A_1155 = arith.constant 0 : i32
        %swap3A_1156 = arith.index_cast %swap3A_1155 : i32 to index
        %swap3A_1157 = arith.index_cast %add3A_1144 : i32 to index
        %swap3A_1158 = arith.constant 0 : index
        %swap3A_1159 = tpu.vector_load %arg11[%swap3A_1156, %swap3A_1157, %swap3A_1158] {strides = array<i32>} : memref<2x128x32xf32, #tpu.memory_space<vmem>>, vector<1x1x16xf32>,
        %swap3A_1160 = vector.shape_cast %swap3A_1159 : vector<1x1x16xf32> to vector<16xf32>
        %swap3A_1161 = vector.shape_cast %mul3A_1154 : vector<16xf32> to vector<1x1x16xf32>
        tpu.vector_store %arg11[%swap3A_1156, %swap3A_1157, %swap3A_1158], %swap3A_1161 {strides = array<i32>} : memref<2x128x32xf32, #tpu.memory_space<vmem>>, vector<1x1x16xf32>,
        %get3A_1162 = arith.constant 0 : i32
        %get3A_1163 = arith.index_cast %get3A_1162 : i32 to index
        %get3A_1164 = arith.index_cast %add3A_1144 : i32 to index
        %get3A_1165 = arith.constant 16 : index
        %get3A_1166 = tpu.vector_load %arg11[%get3A_1163, %get3A_1164, %get3A_1165] {strides = array<i32>} : memref<2x128x32xf32, #tpu.memory_space<vmem>>, vector<1x1x16xf32>,
        %get3A_1167 = vector.shape_cast %get3A_1166 : vector<1x1x16xf32> to vector<16xf32>
        %mul3A_1168 = vector.broadcast %squeeze3A_1146 : f32 to vector<16xf32>
        %mul3A_1169 = arith.mulf %get3A_1167, %mul3A_1168 : vector<16xf32>
        %swap3A_1170 = arith.constant 0 : i32
        %swap3A_1171 = arith.index_cast %swap3A_1170 : i32 to index
        %swap3A_1172 = arith.index_cast %add3A_1144 : i32 to index
        %swap3A_1173 = arith.constant 16 : index
        %swap3A_1174 = tpu.vector_load %arg11[%swap3A_1171, %swap3A_1172, %swap3A_1173] {strides = array<i32>} : memref<2x128x32xf32, #tpu.memory_space<vmem>>, vector<1x1x16xf32>,
        %swap3A_1175 = vector.shape_cast %swap3A_1174 : vector<1x1x16xf32> to vector<16xf32>
        %swap3A_1176 = vector.shape_cast %mul3A_1169 : vector<16xf32> to vector<1x1x16xf32>
        tpu.vector_store %arg11[%swap3A_1171, %swap3A_1172, %swap3A_1173], %swap3A_1176 {strides = array<i32>} : memref<2x128x32xf32, #tpu.memory_space<vmem>>, vector<1x1x16xf32>,
        %mul3A_1177 = arith.constant 16 : i32
        %mul3A_1178 = arith.muli %scan3A_666, %mul3A_1177 : i32
        %add3A_1179 = arith.constant 14 : i32
        %add3A_1180 = arith.addi %mul3A_1178, %add3A_1179 : i32
        %slice3A_1181 = vector.extract_strided_slice %get3A_672 {offsets = [14], sizes = [1], strides = [1]} : vector<16xf32> to vector<1xf32>
        %squeeze3A_1182 = vector.extract %slice3A_1181[0] : f32 from vector<1xf32>
        %get3A_1183 = arith.constant 0 : i32
        %get3A_1184 = arith.index_cast %get3A_1183 : i32 to index
        %get3A_1185 = arith.index_cast %add3A_1180 : i32 to index
        %get3A_1186 = arith.constant 0 : index
        %get3A_1187 = tpu.vector_load %arg11[%get3A_1184, %get3A_1185, %get3A_1186] {strides = array<i32>} : memref<2x128x32xf32, #tpu.memory_space<vmem>>, vector<1x1x16xf32>,
        %get3A_1188 = vector.shape_cast %get3A_1187 : vector<1x1x16xf32> to vector<16xf32>
        %mul3A_1189 = vector.broadcast %squeeze3A_1182 : f32 to vector<16xf32>
        %mul3A_1190 = arith.mulf %get3A_1188, %mul3A_1189 : vector<16xf32>
        %swap3A_1191 = arith.constant 0 : i32
        %swap3A_1192 = arith.index_cast %swap3A_1191 : i32 to index
        %swap3A_1193 = arith.index_cast %add3A_1180 : i32 to index
        %swap3A_1194 = arith.constant 0 : index
        %swap3A_1195 = tpu.vector_load %arg11[%swap3A_1192, %swap3A_1193, %swap3A_1194] {strides = array<i32>} : memref<2x128x32xf32, #tpu.memory_space<vmem>>, vector<1x1x16xf32>,
        %swap3A_1196 = vector.shape_cast %swap3A_1195 : vector<1x1x16xf32> to vector<16xf32>
        %swap3A_1197 = vector.shape_cast %mul3A_1190 : vector<16xf32> to vector<1x1x16xf32>
        tpu.vector_store %arg11[%swap3A_1192, %swap3A_1193, %swap3A_1194], %swap3A_1197 {strides = array<i32>} : memref<2x128x32xf32, #tpu.memory_space<vmem>>, vector<1x1x16xf32>,
        %get3A_1198 = arith.constant 0 : i32
        %get3A_1199 = arith.index_cast %get3A_1198 : i32 to index
        %get3A_1200 = arith.index_cast %add3A_1180 : i32 to index
        %get3A_1201 = arith.constant 16 : index
        %get3A_1202 = tpu.vector_load %arg11[%get3A_1199, %get3A_1200, %get3A_1201] {strides = array<i32>} : memref<2x128x32xf32, #tpu.memory_space<vmem>>, vector<1x1x16xf32>,
        %get3A_1203 = vector.shape_cast %get3A_1202 : vector<1x1x16xf32> to vector<16xf32>
        %mul3A_1204 = vector.broadcast %squeeze3A_1182 : f32 to vector<16xf32>
        %mul3A_1205 = arith.mulf %get3A_1203, %mul3A_1204 : vector<16xf32>
        %swap3A_1206 = arith.constant 0 : i32
        %swap3A_1207 = arith.index_cast %swap3A_1206 : i32 to index
        %swap3A_1208 = arith.index_cast %add3A_1180 : i32 to index
        %swap3A_1209 = arith.constant 16 : index
        %swap3A_1210 = tpu.vector_load %arg11[%swap3A_1207, %swap3A_1208, %swap3A_1209] {strides = array<i32>} : memref<2x128x32xf32, #tpu.memory_space<vmem>>, vector<1x1x16xf32>,
        %swap3A_1211 = vector.shape_cast %swap3A_1210 : vector<1x1x16xf32> to vector<16xf32>
        %swap3A_1212 = vector.shape_cast %mul3A_1205 : vector<16xf32> to vector<1x1x16xf32>
        tpu.vector_store %arg11[%swap3A_1207, %swap3A_1208, %swap3A_1209], %swap3A_1212 {strides = array<i32>} : memref<2x128x32xf32, #tpu.memory_space<vmem>>, vector<1x1x16xf32>,
        %mul3A_1213 = arith.constant 16 : i32
        %mul3A_1214 = arith.muli %scan3A_666, %mul3A_1213 : i32
        %add3A_1215 = arith.constant 15 : i32
        %add3A_1216 = arith.addi %mul3A_1214, %add3A_1215 : i32
        %slice3A_1217 = vector.extract_strided_slice %get3A_672 {offsets = [15], sizes = [1], strides = [1]} : vector<16xf32> to vector<1xf32>
        %squeeze3A_1218 = vector.extract %slice3A_1217[0] : f32 from vector<1xf32>
        %get3A_1219 = arith.constant 0 : i32
        %get3A_1220 = arith.index_cast %get3A_1219 : i32 to index
        %get3A_1221 = arith.index_cast %add3A_1216 : i32 to index
        %get3A_1222 = arith.constant 0 : index
        %get3A_1223 = tpu.vector_load %arg11[%get3A_1220, %get3A_1221, %get3A_1222] {strides = array<i32>} : memref<2x128x32xf32, #tpu.memory_space<vmem>>, vector<1x1x16xf32>,
        %get3A_1224 = vector.shape_cast %get3A_1223 : vector<1x1x16xf32> to vector<16xf32>
        %mul3A_1225 = vector.broadcast %squeeze3A_1218 : f32 to vector<16xf32>
        %mul3A_1226 = arith.mulf %get3A_1224, %mul3A_1225 : vector<16xf32>
        %swap3A_1227 = arith.constant 0 : i32
        %swap3A_1228 = arith.index_cast %swap3A_1227 : i32 to index
        %swap3A_1229 = arith.index_cast %add3A_1216 : i32 to index
        %swap3A_1230 = arith.constant 0 : index
        %swap3A_1231 = tpu.vector_load %arg11[%swap3A_1228, %swap3A_1229, %swap3A_1230] {strides = array<i32>} : memref<2x128x32xf32, #tpu.memory_space<vmem>>, vector<1x1x16xf32>,
        %swap3A_1232 = vector.shape_cast %swap3A_1231 : vector<1x1x16xf32> to vector<16xf32>
        %swap3A_1233 = vector.shape_cast %mul3A_1226 : vector<16xf32> to vector<1x1x16xf32>
        tpu.vector_store %arg11[%swap3A_1228, %swap3A_1229, %swap3A_1230], %swap3A_1233 {strides = array<i32>} : memref<2x128x32xf32, #tpu.memory_space<vmem>>, vector<1x1x16xf32>,
        %get3A_1234 = arith.constant 0 : i32
        %get3A_1235 = arith.index_cast %get3A_1234 : i32 to index
        %get3A_1236 = arith.index_cast %add3A_1216 : i32 to index
        %get3A_1237 = arith.constant 16 : index
        %get3A_1238 = tpu.vector_load %arg11[%get3A_1235, %get3A_1236, %get3A_1237] {strides = array<i32>} : memref<2x128x32xf32, #tpu.memory_space<vmem>>, vector<1x1x16xf32>,
        %get3A_1239 = vector.shape_cast %get3A_1238 : vector<1x1x16xf32> to vector<16xf32>
        %mul3A_1240 = vector.broadcast %squeeze3A_1218 : f32 to vector<16xf32>
        %mul3A_1241 = arith.mulf %get3A_1239, %mul3A_1240 : vector<16xf32>
        %swap3A_1242 = arith.constant 0 : i32
        %swap3A_1243 = arith.index_cast %swap3A_1242 : i32 to index
        %swap3A_1244 = arith.index_cast %add3A_1216 : i32 to index
        %swap3A_1245 = arith.constant 16 : index
        %swap3A_1246 = tpu.vector_load %arg11[%swap3A_1243, %swap3A_1244, %swap3A_1245] {strides = array<i32>} : memref<2x128x32xf32, #tpu.memory_space<vmem>>, vector<1x1x16xf32>,
        %swap3A_1247 = vector.shape_cast %swap3A_1246 : vector<1x1x16xf32> to vector<16xf32>
        %swap3A_1248 = vector.shape_cast %mul3A_1241 : vector<16xf32> to vector<1x1x16xf32>
        tpu.vector_store %arg11[%swap3A_1243, %swap3A_1244, %swap3A_1245], %swap3A_1248 {strides = array<i32>} : memref<2x128x32xf32, #tpu.memory_space<vmem>>, vector<1x1x16xf32>,
      }
      %scan3A_57 = arith.constant 8 : i32
      %run_scoped3A = arith.constant 0 : i32
      "tpu.region"() ({
        %run_scoped3A_86 = tpu.sem_alloc : memref<!tpu.dma_semaphore, #tpu.memory_space<semaphore_mem>>
        %dma_start3A_87 = arith.constant 0 : i32
        %dma_start3A_88 = arith.constant 0 : i32
        %dma_start3A_89 = tpu.memref_slice %arg11[%run_scoped3A, %dma_start3A_87, %dma_start3A_88] : memref<2x128x32xf32, #tpu.memory_space<vmem>> -> memref<1x128x32xf32, #tpu.memory_space<vmem>>
        %dma_start3A_90 = tpu.memref_squeeze %dma_start3A_89 : memref<1x128x32xf32, #tpu.memory_space<vmem>> -> memref<128x32xf32, #tpu.memory_space<vmem>>
        %dma_start3A_91 = arith.constant 0 : i32
        %dma_start3A_92 = tpu.memref_slice %arg9[%mul3A_28, %dma_start3A_91] : memref<82x128xi32, #tpu.memory_space<vmem>> -> memref<1x128xi32, #tpu.memory_space<vmem>>
        %dma_start3A_93 = tpu.memref_squeeze %dma_start3A_92 : memref<1x128xi32, #tpu.memory_space<vmem>> -> memref<128xi32, #tpu.memory_space<vmem>>
        %dma_start3A_94 = arith.constant 0 : i32
        %dma_start3A_95 = arith.constant 0 : i32
        %dma_start3A_96 = tpu.memref_slice %arg13[%dma_start3A_94, %dma_start3A_95] : memref<10240x32xf32, #tpu.memory_space<vmem_shared>> -> memref<10240x32xf32, #tpu.memory_space<vmem_shared>>
        tpu.enqueue_indirect_dma source(%dma_start3A_90 : memref<128x32xf32, #tpu.memory_space<vmem>>) target(%dma_start3A_96 : memref<10240x32xf32, #tpu.memory_space<vmem_shared>>) offsets(%dma_start3A_93 : memref<128xi32, #tpu.memory_space<vmem>>) semaphore(%run_scoped3A_86 : memref<!tpu.dma_semaphore, #tpu.memory_space<semaphore_mem>>) {add = true}
        %dma_wait3A_97 = arith.constant 0 : i32
        %dma_wait3A_98 = arith.constant 0 : i32
        %dma_wait3A_99 = tpu.memref_slice %arg11[%run_scoped3A, %dma_wait3A_97, %dma_wait3A_98] : memref<2x128x32xf32, #tpu.memory_space<vmem>> -> memref<1x128x32xf32, #tpu.memory_space<vmem>>
        %dma_wait3A_100 = tpu.memref_squeeze %dma_wait3A_99 : memref<1x128x32xf32, #tpu.memory_space<vmem>> -> memref<128x32xf32, #tpu.memory_space<vmem>>
        %dma_wait3A_101 = arith.constant 0 : i32
        %dma_wait3A_102 = tpu.memref_slice %arg9[%mul3A_28, %dma_wait3A_101] : memref<82x128xi32, #tpu.memory_space<vmem>> -> memref<1x128xi32, #tpu.memory_space<vmem>>
        %dma_wait3A_103 = tpu.memref_squeeze %dma_wait3A_102 : memref<1x128xi32, #tpu.memory_space<vmem>> -> memref<128xi32, #tpu.memory_space<vmem>>
        %dma_wait3A_104 = arith.constant 0 : i32
        %dma_wait3A_105 = arith.constant 0 : i32
        %dma_wait3A_106 = tpu.memref_slice %arg13[%dma_wait3A_104, %dma_wait3A_105] : memref<10240x32xf32, #tpu.memory_space<vmem_shared>> -> memref<10240x32xf32, #tpu.memory_space<vmem_shared>>
        tpu.wait_indirect_dma semaphore(%run_scoped3A_86 : memref<!tpu.dma_semaphore, #tpu.memory_space<semaphore_mem>>) src(%dma_wait3A_100 : memref<128x32xf32, #tpu.memory_space<vmem>>) dst(%dma_wait3A_106 : memref<10240x32xf32, #tpu.memory_space<vmem_shared>>)
        tpu.yield
      }) : () -> ()
      %add3A_58 = arith.constant 2 : i32
      %add3A_59 = arith.addi %mul3A_28, %add3A_58 : i32
      %lt3A = arith.constant 82 : i32
      %lt3A_60 = arith.cmpi slt, %add3A_59, %lt3A : i32
      %convert_element_type3A = arith.extui %lt3A_60 : i1 to i32
      %cond3A = arith.constant 0 : i32
      %cond3A_61 = arith.cmpi ne, %convert_element_type3A, %cond3A : i32
      scf.if %cond3A_61 {
        %add3A_86 = arith.constant 2 : i32
        %add3A_87 = arith.addi %mul3A_28, %add3A_86 : i32
        %dma_start3A_88 = arith.constant 0 : i32
        %dma_start3A_89 = arith.constant 0 : i32
        %dma_start3A_90 = arith.constant 0 : i32
        %dma_start3A_91 = tpu.memref_slice %arg11[%dma_start3A_88, %dma_start3A_89, %dma_start3A_90] : memref<2x128x32xf32, #tpu.memory_space<vmem>> -> memref<1x128x32xf32, #tpu.memory_space<vmem>>
        %dma_start3A_92 = tpu.memref_squeeze %dma_start3A_91 : memref<1x128x32xf32, #tpu.memory_space<vmem>> -> memref<128x32xf32, #tpu.memory_space<vmem>>
        %dma_start3A_93 = arith.constant 0 : i32
        %dma_start3A_94 = tpu.memref_slice %arg8[%add3A_87, %dma_start3A_93] : memref<82x128xi32, #tpu.memory_space<vmem>> -> memref<1x128xi32, #tpu.memory_space<vmem>>
        %dma_start3A_95 = tpu.memref_squeeze %dma_start3A_94 : memref<1x128xi32, #tpu.memory_space<vmem>> -> memref<128xi32, #tpu.memory_space<vmem>>
        %dma_start3A_96 = arith.constant 0 : i32
        %dma_start3A_97 = arith.constant 0 : i32
        %dma_start3A_98 = tpu.memref_slice %arg5[%dma_start3A_96, %dma_start3A_97] : memref<10240x32xf32, #tpu.memory_space<hbm>> -> memref<10240x32xf32, #tpu.memory_space<hbm>>
        tpu.enqueue_indirect_dma source(%dma_start3A_98 : memref<10240x32xf32, #tpu.memory_space<hbm>>) target(%dma_start3A_92 : memref<128x32xf32, #tpu.memory_space<vmem>>) offsets(%dma_start3A_95 : memref<128xi32, #tpu.memory_space<vmem>>) semaphore(%arg14 : memref<!tpu.dma_semaphore, #tpu.memory_space<semaphore_mem>>)
      } else {
      }
      %add3A_62 = arith.constant 1 : i32
      %add3A_63 = arith.addi %mul3A_28, %add3A_62 : i32
      %dma_wait3A_64 = arith.constant 1 : i32
      %dma_wait3A_65 = arith.constant 0 : i32
      %dma_wait3A_66 = arith.constant 0 : i32
      %dma_wait3A_67 = tpu.memref_slice %arg11[%dma_wait3A_64, %dma_wait3A_65, %dma_wait3A_66] : memref<2x128x32xf32, #tpu.memory_space<vmem>> -> memref<1x128x32xf32, #tpu.memory_space<vmem>>
      %dma_wait3A_68 = tpu.memref_squeeze %dma_wait3A_67 : memref<1x128x32xf32, #tpu.memory_space<vmem>> -> memref<128x32xf32, #tpu.memory_space<vmem>>
      %dma_wait3A_69 = arith.constant 0 : i32
      %dma_wait3A_70 = tpu.memref_slice %arg8[%add3A_63, %dma_wait3A_69] : memref<82x128xi32, #tpu.memory_space<vmem>> -> memref<1x128xi32, #tpu.memory_space<vmem>>
      %dma_wait3A_71 = tpu.memref_squeeze %dma_wait3A_70 : memref<1x128xi32, #tpu.memory_space<vmem>> -> memref<128xi32, #tpu.memory_space<vmem>>
      %dma_wait3A_72 = arith.constant 0 : i32
      %dma_wait3A_73 = arith.constant 0 : i32
      %dma_wait3A_74 = tpu.memref_slice %arg5[%dma_wait3A_72, %dma_wait3A_73] : memref<10240x32xf32, #tpu.memory_space<hbm>> -> memref<10240x32xf32, #tpu.memory_space<hbm>>
      tpu.wait_indirect_dma semaphore(%arg15 : memref<!tpu.dma_semaphore, #tpu.memory_space<semaphore_mem>>) src(%dma_wait3A_74 : memref<10240x32xf32, #tpu.memory_space<hbm>>) dst(%dma_wait3A_68 : memref<128x32xf32, #tpu.memory_space<vmem>>)
      %add3A_75 = arith.constant 1 : i32
      %add3A_76 = arith.addi %mul3A_28, %add3A_75 : i32
      %scan3A_77 = arith.constant 0 : i32
      %scan3A_78 = arith.constant 0 : i32
      %scan3A_79 = arith.constant 8 : i32
      %scan3A_80 = arith.addi %scan3A_78, %scan3A_79 : i32
      %scan3A_81 = arith.constant 2 : i32
      scf.for %scan3A_86 = %scan3A_78 to %scan3A_80 step %scan3A_81  : i32 {
        %mul3A_87 = arith.constant 16 : i32
        %mul3A_88 = arith.muli %scan3A_86, %mul3A_87 : i32
        %get3A = arith.index_cast %add3A_76 : i32 to index
        %get3A_89 = arith.index_cast %mul3A_88 : i32 to index
        %get3A_90 = tpu.vector_load %arg10[%get3A, %get3A_89] {strides = array<i32>} : memref<82x128xf32, #tpu.memory_space<vmem>>, vector<1x16xf32>,
        %get3A_91 = vector.shape_cast %get3A_90 : vector<1x16xf32> to vector<16xf32>
        %mul3A_92 = arith.constant 16 : i32
        %mul3A_93 = arith.muli %scan3A_86, %mul3A_92 : i32
        %add3A_94 = arith.constant 0 : i32
        %add3A_95 = arith.addi %mul3A_93, %add3A_94 : i32
        %slice3A = vector.extract_strided_slice %get3A_91 {offsets = [0], sizes = [1], strides = [1]} : vector<16xf32> to vector<1xf32>
        %squeeze3A = vector.extract %slice3A[0] : f32 from vector<1xf32>
        %get3A_96 = arith.constant 1 : i32
        %get3A_97 = arith.index_cast %get3A_96 : i32 to index
        %get3A_98 = arith.index_cast %add3A_95 : i32 to index
        %get3A_99 = arith.constant 0 : index
        %get3A_100 = tpu.vector_load %arg11[%get3A_97, %get3A_98, %get3A_99] {strides = array<i32>} : memref<2x128x32xf32, #tpu.memory_space<vmem>>, vector<1x1x16xf32>,
        %get3A_101 = vector.shape_cast %get3A_100 : vector<1x1x16xf32> to vector<16xf32>
        %mul3A_102 = vector.broadcast %squeeze3A : f32 to vector<16xf32>
        %mul3A_103 = arith.mulf %get3A_101, %mul3A_102 : vector<16xf32>
        %swap3A = arith.constant 1 : i32
        %swap3A_104 = arith.index_cast %swap3A : i32 to index
        %swap3A_105 = arith.index_cast %add3A_95 : i32 to index
        %swap3A_106 = arith.constant 0 : index
        %swap3A_107 = tpu.vector_load %arg11[%swap3A_104, %swap3A_105, %swap3A_106] {strides = array<i32>} : memref<2x128x32xf32, #tpu.memory_space<vmem>>, vector<1x1x16xf32>,
        %swap3A_108 = vector.shape_cast %swap3A_107 : vector<1x1x16xf32> to vector<16xf32>
        %swap3A_109 = vector.shape_cast %mul3A_103 : vector<16xf32> to vector<1x1x16xf32>
        tpu.vector_store %arg11[%swap3A_104, %swap3A_105, %swap3A_106], %swap3A_109 {strides = array<i32>} : memref<2x128x32xf32, #tpu.memory_space<vmem>>, vector<1x1x16xf32>,
        %get3A_110 = arith.constant 1 : i32
        %get3A_111 = arith.index_cast %get3A_110 : i32 to index
        %get3A_112 = arith.index_cast %add3A_95 : i32 to index
        %get3A_113 = arith.constant 16 : index
        %get3A_114 = tpu.vector_load %arg11[%get3A_111, %get3A_112, %get3A_113] {strides = array<i32>} : memref<2x128x32xf32, #tpu.memory_space<vmem>>, vector<1x1x16xf32>,
        %get3A_115 = vector.shape_cast %get3A_114 : vector<1x1x16xf32> to vector<16xf32>
        %mul3A_116 = vector.broadcast %squeeze3A : f32 to vector<16xf32>
        %mul3A_117 = arith.mulf %get3A_115, %mul3A_116 : vector<16xf32>
        %swap3A_118 = arith.constant 1 : i32
        %swap3A_119 = arith.index_cast %swap3A_118 : i32 to index
        %swap3A_120 = arith.index_cast %add3A_95 : i32 to index
        %swap3A_121 = arith.constant 16 : index
        %swap3A_122 = tpu.vector_load %arg11[%swap3A_119, %swap3A_120, %swap3A_121] {strides = array<i32>} : memref<2x128x32xf32, #tpu.memory_space<vmem>>, vector<1x1x16xf32>,
        %swap3A_123 = vector.shape_cast %swap3A_122 : vector<1x1x16xf32> to vector<16xf32>
        %swap3A_124 = vector.shape_cast %mul3A_117 : vector<16xf32> to vector<1x1x16xf32>
        tpu.vector_store %arg11[%swap3A_119, %swap3A_120, %swap3A_121], %swap3A_124 {strides = array<i32>} : memref<2x128x32xf32, #tpu.memory_space<vmem>>, vector<1x1x16xf32>,
        %mul3A_125 = arith.constant 16 : i32
        %mul3A_126 = arith.muli %scan3A_86, %mul3A_125 : i32
        %add3A_127 = arith.constant 1 : i32
        %add3A_128 = arith.addi %mul3A_126, %add3A_127 : i32
        %slice3A_129 = vector.extract_strided_slice %get3A_91 {offsets = [1], sizes = [1], strides = [1]} : vector<16xf32> to vector<1xf32>
        %squeeze3A_130 = vector.extract %slice3A_129[0] : f32 from vector<1xf32>
        %get3A_131 = arith.constant 1 : i32
        %get3A_132 = arith.index_cast %get3A_131 : i32 to index
        %get3A_133 = arith.index_cast %add3A_128 : i32 to index
        %get3A_134 = arith.constant 0 : index
        %get3A_135 = tpu.vector_load %arg11[%get3A_132, %get3A_133, %get3A_134] {strides = array<i32>} : memref<2x128x32xf32, #tpu.memory_space<vmem>>, vector<1x1x16xf32>,
        %get3A_136 = vector.shape_cast %get3A_135 : vector<1x1x16xf32> to vector<16xf32>
        %mul3A_137 = vector.broadcast %squeeze3A_130 : f32 to vector<16xf32>
        %mul3A_138 = arith.mulf %get3A_136, %mul3A_137 : vector<16xf32>
        %swap3A_139 = arith.constant 1 : i32
        %swap3A_140 = arith.index_cast %swap3A_139 : i32 to index
        %swap3A_141 = arith.index_cast %add3A_128 : i32 to index
        %swap3A_142 = arith.constant 0 : index
        %swap3A_143 = tpu.vector_load %arg11[%swap3A_140, %swap3A_141, %swap3A_142] {strides = array<i32>} : memref<2x128x32xf32, #tpu.memory_space<vmem>>, vector<1x1x16xf32>,
        %swap3A_144 = vector.shape_cast %swap3A_143 : vector<1x1x16xf32> to vector<16xf32>
        %swap3A_145 = vector.shape_cast %mul3A_138 : vector<16xf32> to vector<1x1x16xf32>
        tpu.vector_store %arg11[%swap3A_140, %swap3A_141, %swap3A_142], %swap3A_145 {strides = array<i32>} : memref<2x128x32xf32, #tpu.memory_space<vmem>>, vector<1x1x16xf32>,
        %get3A_146 = arith.constant 1 : i32
        %get3A_147 = arith.index_cast %get3A_146 : i32 to index
        %get3A_148 = arith.index_cast %add3A_128 : i32 to index
        %get3A_149 = arith.constant 16 : index
        %get3A_150 = tpu.vector_load %arg11[%get3A_147, %get3A_148, %get3A_149] {strides = array<i32>} : memref<2x128x32xf32, #tpu.memory_space<vmem>>, vector<1x1x16xf32>,
        %get3A_151 = vector.shape_cast %get3A_150 : vector<1x1x16xf32> to vector<16xf32>
        %mul3A_152 = vector.broadcast %squeeze3A_130 : f32 to vector<16xf32>
        %mul3A_153 = arith.mulf %get3A_151, %mul3A_152 : vector<16xf32>
        %swap3A_154 = arith.constant 1 : i32
        %swap3A_155 = arith.index_cast %swap3A_154 : i32 to index
        %swap3A_156 = arith.index_cast %add3A_128 : i32 to index
        %swap3A_157 = arith.constant 16 : index
        %swap3A_158 = tpu.vector_load %arg11[%swap3A_155, %swap3A_156, %swap3A_157] {strides = array<i32>} : memref<2x128x32xf32, #tpu.memory_space<vmem>>, vector<1x1x16xf32>,
        %swap3A_159 = vector.shape_cast %swap3A_158 : vector<1x1x16xf32> to vector<16xf32>
        %swap3A_160 = vector.shape_cast %mul3A_153 : vector<16xf32> to vector<1x1x16xf32>
        tpu.vector_store %arg11[%swap3A_155, %swap3A_156, %swap3A_157], %swap3A_160 {strides = array<i32>} : memref<2x128x32xf32, #tpu.memory_space<vmem>>, vector<1x1x16xf32>,
        %mul3A_161 = arith.constant 16 : i32
        %mul3A_162 = arith.muli %scan3A_86, %mul3A_161 : i32
        %add3A_163 = arith.constant 2 : i32
        %add3A_164 = arith.addi %mul3A_162, %add3A_163 : i32
        %slice3A_165 = vector.extract_strided_slice %get3A_91 {offsets = [2], sizes = [1], strides = [1]} : vector<16xf32> to vector<1xf32>
        %squeeze3A_166 = vector.extract %slice3A_165[0] : f32 from vector<1xf32>
        %get3A_167 = arith.constant 1 : i32
        %get3A_168 = arith.index_cast %get3A_167 : i32 to index
        %get3A_169 = arith.index_cast %add3A_164 : i32 to index
        %get3A_170 = arith.constant 0 : index
        %get3A_171 = tpu.vector_load %arg11[%get3A_168, %get3A_169, %get3A_170] {strides = array<i32>} : memref<2x128x32xf32, #tpu.memory_space<vmem>>, vector<1x1x16xf32>,
        %get3A_172 = vector.shape_cast %get3A_171 : vector<1x1x16xf32> to vector<16xf32>
        %mul3A_173 = vector.broadcast %squeeze3A_166 : f32 to vector<16xf32>
        %mul3A_174 = arith.mulf %get3A_172, %mul3A_173 : vector<16xf32>
        %swap3A_175 = arith.constant 1 : i32
        %swap3A_176 = arith.index_cast %swap3A_175 : i32 to index
        %swap3A_177 = arith.index_cast %add3A_164 : i32 to index
        %swap3A_178 = arith.constant 0 : index
        %swap3A_179 = tpu.vector_load %arg11[%swap3A_176, %swap3A_177, %swap3A_178] {strides = array<i32>} : memref<2x128x32xf32, #tpu.memory_space<vmem>>, vector<1x1x16xf32>,
        %swap3A_180 = vector.shape_cast %swap3A_179 : vector<1x1x16xf32> to vector<16xf32>
        %swap3A_181 = vector.shape_cast %mul3A_174 : vector<16xf32> to vector<1x1x16xf32>
        tpu.vector_store %arg11[%swap3A_176, %swap3A_177, %swap3A_178], %swap3A_181 {strides = array<i32>} : memref<2x128x32xf32, #tpu.memory_space<vmem>>, vector<1x1x16xf32>,
        %get3A_182 = arith.constant 1 : i32
        %get3A_183 = arith.index_cast %get3A_182 : i32 to index
        %get3A_184 = arith.index_cast %add3A_164 : i32 to index
        %get3A_185 = arith.constant 16 : index
        %get3A_186 = tpu.vector_load %arg11[%get3A_183, %get3A_184, %get3A_185] {strides = array<i32>} : memref<2x128x32xf32, #tpu.memory_space<vmem>>, vector<1x1x16xf32>,
        %get3A_187 = vector.shape_cast %get3A_186 : vector<1x1x16xf32> to vector<16xf32>
        %mul3A_188 = vector.broadcast %squeeze3A_166 : f32 to vector<16xf32>
        %mul3A_189 = arith.mulf %get3A_187, %mul3A_188 : vector<16xf32>
        %swap3A_190 = arith.constant 1 : i32
        %swap3A_191 = arith.index_cast %swap3A_190 : i32 to index
        %swap3A_192 = arith.index_cast %add3A_164 : i32 to index
        %swap3A_193 = arith.constant 16 : index
        %swap3A_194 = tpu.vector_load %arg11[%swap3A_191, %swap3A_192, %swap3A_193] {strides = array<i32>} : memref<2x128x32xf32, #tpu.memory_space<vmem>>, vector<1x1x16xf32>,
        %swap3A_195 = vector.shape_cast %swap3A_194 : vector<1x1x16xf32> to vector<16xf32>
        %swap3A_196 = vector.shape_cast %mul3A_189 : vector<16xf32> to vector<1x1x16xf32>
        tpu.vector_store %arg11[%swap3A_191, %swap3A_192, %swap3A_193], %swap3A_196 {strides = array<i32>} : memref<2x128x32xf32, #tpu.memory_space<vmem>>, vector<1x1x16xf32>,
        %mul3A_197 = arith.constant 16 : i32
        %mul3A_198 = arith.muli %scan3A_86, %mul3A_197 : i32
        %add3A_199 = arith.constant 3 : i32
        %add3A_200 = arith.addi %mul3A_198, %add3A_199 : i32
        %slice3A_201 = vector.extract_strided_slice %get3A_91 {offsets = [3], sizes = [1], strides = [1]} : vector<16xf32> to vector<1xf32>
        %squeeze3A_202 = vector.extract %slice3A_201[0] : f32 from vector<1xf32>
        %get3A_203 = arith.constant 1 : i32
        %get3A_204 = arith.index_cast %get3A_203 : i32 to index
        %get3A_205 = arith.index_cast %add3A_200 : i32 to index
        %get3A_206 = arith.constant 0 : index
        %get3A_207 = tpu.vector_load %arg11[%get3A_204, %get3A_205, %get3A_206] {strides = array<i32>} : memref<2x128x32xf32, #tpu.memory_space<vmem>>, vector<1x1x16xf32>,
        %get3A_208 = vector.shape_cast %get3A_207 : vector<1x1x16xf32> to vector<16xf32>
        %mul3A_209 = vector.broadcast %squeeze3A_202 : f32 to vector<16xf32>
        %mul3A_210 = arith.mulf %get3A_208, %mul3A_209 : vector<16xf32>
        %swap3A_211 = arith.constant 1 : i32
        %swap3A_212 = arith.index_cast %swap3A_211 : i32 to index
        %swap3A_213 = arith.index_cast %add3A_200 : i32 to index
        %swap3A_214 = arith.constant 0 : index
        %swap3A_215 = tpu.vector_load %arg11[%swap3A_212, %swap3A_213, %swap3A_214] {strides = array<i32>} : memref<2x128x32xf32, #tpu.memory_space<vmem>>, vector<1x1x16xf32>,
        %swap3A_216 = vector.shape_cast %swap3A_215 : vector<1x1x16xf32> to vector<16xf32>
        %swap3A_217 = vector.shape_cast %mul3A_210 : vector<16xf32> to vector<1x1x16xf32>
        tpu.vector_store %arg11[%swap3A_212, %swap3A_213, %swap3A_214], %swap3A_217 {strides = array<i32>} : memref<2x128x32xf32, #tpu.memory_space<vmem>>, vector<1x1x16xf32>,
        %get3A_218 = arith.constant 1 : i32
        %get3A_219 = arith.index_cast %get3A_218 : i32 to index
        %get3A_220 = arith.index_cast %add3A_200 : i32 to index
        %get3A_221 = arith.constant 16 : index
        %get3A_222 = tpu.vector_load %arg11[%get3A_219, %get3A_220, %get3A_221] {strides = array<i32>} : memref<2x128x32xf32, #tpu.memory_space<vmem>>, vector<1x1x16xf32>,
        %get3A_223 = vector.shape_cast %get3A_222 : vector<1x1x16xf32> to vector<16xf32>
        %mul3A_224 = vector.broadcast %squeeze3A_202 : f32 to vector<16xf32>
        %mul3A_225 = arith.mulf %get3A_223, %mul3A_224 : vector<16xf32>
        %swap3A_226 = arith.constant 1 : i32
        %swap3A_227 = arith.index_cast %swap3A_226 : i32 to index
        %swap3A_228 = arith.index_cast %add3A_200 : i32 to index
        %swap3A_229 = arith.constant 16 : index
        %swap3A_230 = tpu.vector_load %arg11[%swap3A_227, %swap3A_228, %swap3A_229] {strides = array<i32>} : memref<2x128x32xf32, #tpu.memory_space<vmem>>, vector<1x1x16xf32>,
        %swap3A_231 = vector.shape_cast %swap3A_230 : vector<1x1x16xf32> to vector<16xf32>
        %swap3A_232 = vector.shape_cast %mul3A_225 : vector<16xf32> to vector<1x1x16xf32>
        tpu.vector_store %arg11[%swap3A_227, %swap3A_228, %swap3A_229], %swap3A_232 {strides = array<i32>} : memref<2x128x32xf32, #tpu.memory_space<vmem>>, vector<1x1x16xf32>,
        %mul3A_233 = arith.constant 16 : i32
        %mul3A_234 = arith.muli %scan3A_86, %mul3A_233 : i32
        %add3A_235 = arith.constant 4 : i32
        %add3A_236 = arith.addi %mul3A_234, %add3A_235 : i32
        %slice3A_237 = vector.extract_strided_slice %get3A_91 {offsets = [4], sizes = [1], strides = [1]} : vector<16xf32> to vector<1xf32>
        %squeeze3A_238 = vector.extract %slice3A_237[0] : f32 from vector<1xf32>
        %get3A_239 = arith.constant 1 : i32
        %get3A_240 = arith.index_cast %get3A_239 : i32 to index
        %get3A_241 = arith.index_cast %add3A_236 : i32 to index
        %get3A_242 = arith.constant 0 : index
        %get3A_243 = tpu.vector_load %arg11[%get3A_240, %get3A_241, %get3A_242] {strides = array<i32>} : memref<2x128x32xf32, #tpu.memory_space<vmem>>, vector<1x1x16xf32>,
        %get3A_244 = vector.shape_cast %get3A_243 : vector<1x1x16xf32> to vector<16xf32>
        %mul3A_245 = vector.broadcast %squeeze3A_238 : f32 to vector<16xf32>
        %mul3A_246 = arith.mulf %get3A_244, %mul3A_245 : vector<16xf32>
        %swap3A_247 = arith.constant 1 : i32
        %swap3A_248 = arith.index_cast %swap3A_247 : i32 to index
        %swap3A_249 = arith.index_cast %add3A_236 : i32 to index
        %swap3A_250 = arith.constant 0 : index
        %swap3A_251 = tpu.vector_load %arg11[%swap3A_248, %swap3A_249, %swap3A_250] {strides = array<i32>} : memref<2x128x32xf32, #tpu.memory_space<vmem>>, vector<1x1x16xf32>,
        %swap3A_252 = vector.shape_cast %swap3A_251 : vector<1x1x16xf32> to vector<16xf32>
        %swap3A_253 = vector.shape_cast %mul3A_246 : vector<16xf32> to vector<1x1x16xf32>
        tpu.vector_store %arg11[%swap3A_248, %swap3A_249, %swap3A_250], %swap3A_253 {strides = array<i32>} : memref<2x128x32xf32, #tpu.memory_space<vmem>>, vector<1x1x16xf32>,
        %get3A_254 = arith.constant 1 : i32
        %get3A_255 = arith.index_cast %get3A_254 : i32 to index
        %get3A_256 = arith.index_cast %add3A_236 : i32 to index
        %get3A_257 = arith.constant 16 : index
        %get3A_258 = tpu.vector_load %arg11[%get3A_255, %get3A_256, %get3A_257] {strides = array<i32>} : memref<2x128x32xf32, #tpu.memory_space<vmem>>, vector<1x1x16xf32>,
        %get3A_259 = vector.shape_cast %get3A_258 : vector<1x1x16xf32> to vector<16xf32>
        %mul3A_260 = vector.broadcast %squeeze3A_238 : f32 to vector<16xf32>
        %mul3A_261 = arith.mulf %get3A_259, %mul3A_260 : vector<16xf32>
        %swap3A_262 = arith.constant 1 : i32
        %swap3A_263 = arith.index_cast %swap3A_262 : i32 to index
        %swap3A_264 = arith.index_cast %add3A_236 : i32 to index
        %swap3A_265 = arith.constant 16 : index
        %swap3A_266 = tpu.vector_load %arg11[%swap3A_263, %swap3A_264, %swap3A_265] {strides = array<i32>} : memref<2x128x32xf32, #tpu.memory_space<vmem>>, vector<1x1x16xf32>,
        %swap3A_267 = vector.shape_cast %swap3A_266 : vector<1x1x16xf32> to vector<16xf32>
        %swap3A_268 = vector.shape_cast %mul3A_261 : vector<16xf32> to vector<1x1x16xf32>
        tpu.vector_store %arg11[%swap3A_263, %swap3A_264, %swap3A_265], %swap3A_268 {strides = array<i32>} : memref<2x128x32xf32, #tpu.memory_space<vmem>>, vector<1x1x16xf32>,
        %mul3A_269 = arith.constant 16 : i32
        %mul3A_270 = arith.muli %scan3A_86, %mul3A_269 : i32
        %add3A_271 = arith.constant 5 : i32
        %add3A_272 = arith.addi %mul3A_270, %add3A_271 : i32
        %slice3A_273 = vector.extract_strided_slice %get3A_91 {offsets = [5], sizes = [1], strides = [1]} : vector<16xf32> to vector<1xf32>
        %squeeze3A_274 = vector.extract %slice3A_273[0] : f32 from vector<1xf32>
        %get3A_275 = arith.constant 1 : i32
        %get3A_276 = arith.index_cast %get3A_275 : i32 to index
        %get3A_277 = arith.index_cast %add3A_272 : i32 to index
        %get3A_278 = arith.constant 0 : index
        %get3A_279 = tpu.vector_load %arg11[%get3A_276, %get3A_277, %get3A_278] {strides = array<i32>} : memref<2x128x32xf32, #tpu.memory_space<vmem>>, vector<1x1x16xf32>,
        %get3A_280 = vector.shape_cast %get3A_279 : vector<1x1x16xf32> to vector<16xf32>
        %mul3A_281 = vector.broadcast %squeeze3A_274 : f32 to vector<16xf32>
        %mul3A_282 = arith.mulf %get3A_280, %mul3A_281 : vector<16xf32>
        %swap3A_283 = arith.constant 1 : i32
        %swap3A_284 = arith.index_cast %swap3A_283 : i32 to index
        %swap3A_285 = arith.index_cast %add3A_272 : i32 to index
        %swap3A_286 = arith.constant 0 : index
        %swap3A_287 = tpu.vector_load %arg11[%swap3A_284, %swap3A_285, %swap3A_286] {strides = array<i32>} : memref<2x128x32xf32, #tpu.memory_space<vmem>>, vector<1x1x16xf32>,
        %swap3A_288 = vector.shape_cast %swap3A_287 : vector<1x1x16xf32> to vector<16xf32>
        %swap3A_289 = vector.shape_cast %mul3A_282 : vector<16xf32> to vector<1x1x16xf32>
        tpu.vector_store %arg11[%swap3A_284, %swap3A_285, %swap3A_286], %swap3A_289 {strides = array<i32>} : memref<2x128x32xf32, #tpu.memory_space<vmem>>, vector<1x1x16xf32>,
        %get3A_290 = arith.constant 1 : i32
        %get3A_291 = arith.index_cast %get3A_290 : i32 to index
        %get3A_292 = arith.index_cast %add3A_272 : i32 to index
        %get3A_293 = arith.constant 16 : index
        %get3A_294 = tpu.vector_load %arg11[%get3A_291, %get3A_292, %get3A_293] {strides = array<i32>} : memref<2x128x32xf32, #tpu.memory_space<vmem>>, vector<1x1x16xf32>,
        %get3A_295 = vector.shape_cast %get3A_294 : vector<1x1x16xf32> to vector<16xf32>
        %mul3A_296 = vector.broadcast %squeeze3A_274 : f32 to vector<16xf32>
        %mul3A_297 = arith.mulf %get3A_295, %mul3A_296 : vector<16xf32>
        %swap3A_298 = arith.constant 1 : i32
        %swap3A_299 = arith.index_cast %swap3A_298 : i32 to index
        %swap3A_300 = arith.index_cast %add3A_272 : i32 to index
        %swap3A_301 = arith.constant 16 : index
        %swap3A_302 = tpu.vector_load %arg11[%swap3A_299, %swap3A_300, %swap3A_301] {strides = array<i32>} : memref<2x128x32xf32, #tpu.memory_space<vmem>>, vector<1x1x16xf32>,
        %swap3A_303 = vector.shape_cast %swap3A_302 : vector<1x1x16xf32> to vector<16xf32>
        %swap3A_304 = vector.shape_cast %mul3A_297 : vector<16xf32> to vector<1x1x16xf32>
        tpu.vector_store %arg11[%swap3A_299, %swap3A_300, %swap3A_301], %swap3A_304 {strides = array<i32>} : memref<2x128x32xf32, #tpu.memory_space<vmem>>, vector<1x1x16xf32>,
        %mul3A_305 = arith.constant 16 : i32
        %mul3A_306 = arith.muli %scan3A_86, %mul3A_305 : i32
        %add3A_307 = arith.constant 6 : i32
        %add3A_308 = arith.addi %mul3A_306, %add3A_307 : i32
        %slice3A_309 = vector.extract_strided_slice %get3A_91 {offsets = [6], sizes = [1], strides = [1]} : vector<16xf32> to vector<1xf32>
        %squeeze3A_310 = vector.extract %slice3A_309[0] : f32 from vector<1xf32>
        %get3A_311 = arith.constant 1 : i32
        %get3A_312 = arith.index_cast %get3A_311 : i32 to index
        %get3A_313 = arith.index_cast %add3A_308 : i32 to index
        %get3A_314 = arith.constant 0 : index
        %get3A_315 = tpu.vector_load %arg11[%get3A_312, %get3A_313, %get3A_314] {strides = array<i32>} : memref<2x128x32xf32, #tpu.memory_space<vmem>>, vector<1x1x16xf32>,
        %get3A_316 = vector.shape_cast %get3A_315 : vector<1x1x16xf32> to vector<16xf32>
        %mul3A_317 = vector.broadcast %squeeze3A_310 : f32 to vector<16xf32>
        %mul3A_318 = arith.mulf %get3A_316, %mul3A_317 : vector<16xf32>
        %swap3A_319 = arith.constant 1 : i32
        %swap3A_320 = arith.index_cast %swap3A_319 : i32 to index
        %swap3A_321 = arith.index_cast %add3A_308 : i32 to index
        %swap3A_322 = arith.constant 0 : index
        %swap3A_323 = tpu.vector_load %arg11[%swap3A_320, %swap3A_321, %swap3A_322] {strides = array<i32>} : memref<2x128x32xf32, #tpu.memory_space<vmem>>, vector<1x1x16xf32>,
        %swap3A_324 = vector.shape_cast %swap3A_323 : vector<1x1x16xf32> to vector<16xf32>
        %swap3A_325 = vector.shape_cast %mul3A_318 : vector<16xf32> to vector<1x1x16xf32>
        tpu.vector_store %arg11[%swap3A_320, %swap3A_321, %swap3A_322], %swap3A_325 {strides = array<i32>} : memref<2x128x32xf32, #tpu.memory_space<vmem>>, vector<1x1x16xf32>,
        %get3A_326 = arith.constant 1 : i32
        %get3A_327 = arith.index_cast %get3A_326 : i32 to index
        %get3A_328 = arith.index_cast %add3A_308 : i32 to index
        %get3A_329 = arith.constant 16 : index
        %get3A_330 = tpu.vector_load %arg11[%get3A_327, %get3A_328, %get3A_329] {strides = array<i32>} : memref<2x128x32xf32, #tpu.memory_space<vmem>>, vector<1x1x16xf32>,
        %get3A_331 = vector.shape_cast %get3A_330 : vector<1x1x16xf32> to vector<16xf32>
        %mul3A_332 = vector.broadcast %squeeze3A_310 : f32 to vector<16xf32>
        %mul3A_333 = arith.mulf %get3A_331, %mul3A_332 : vector<16xf32>
        %swap3A_334 = arith.constant 1 : i32
        %swap3A_335 = arith.index_cast %swap3A_334 : i32 to index
        %swap3A_336 = arith.index_cast %add3A_308 : i32 to index
        %swap3A_337 = arith.constant 16 : index
        %swap3A_338 = tpu.vector_load %arg11[%swap3A_335, %swap3A_336, %swap3A_337] {strides = array<i32>} : memref<2x128x32xf32, #tpu.memory_space<vmem>>, vector<1x1x16xf32>,
        %swap3A_339 = vector.shape_cast %swap3A_338 : vector<1x1x16xf32> to vector<16xf32>
        %swap3A_340 = vector.shape_cast %mul3A_333 : vector<16xf32> to vector<1x1x16xf32>
        tpu.vector_store %arg11[%swap3A_335, %swap3A_336, %swap3A_337], %swap3A_340 {strides = array<i32>} : memref<2x128x32xf32, #tpu.memory_space<vmem>>, vector<1x1x16xf32>,
        %mul3A_341 = arith.constant 16 : i32
        %mul3A_342 = arith.muli %scan3A_86, %mul3A_341 : i32
        %add3A_343 = arith.constant 7 : i32
        %add3A_344 = arith.addi %mul3A_342, %add3A_343 : i32
        %slice3A_345 = vector.extract_strided_slice %get3A_91 {offsets = [7], sizes = [1], strides = [1]} : vector<16xf32> to vector<1xf32>
        %squeeze3A_346 = vector.extract %slice3A_345[0] : f32 from vector<1xf32>
        %get3A_347 = arith.constant 1 : i32
        %get3A_348 = arith.index_cast %get3A_347 : i32 to index
        %get3A_349 = arith.index_cast %add3A_344 : i32 to index
        %get3A_350 = arith.constant 0 : index
        %get3A_351 = tpu.vector_load %arg11[%get3A_348, %get3A_349, %get3A_350] {strides = array<i32>} : memref<2x128x32xf32, #tpu.memory_space<vmem>>, vector<1x1x16xf32>,
        %get3A_352 = vector.shape_cast %get3A_351 : vector<1x1x16xf32> to vector<16xf32>
        %mul3A_353 = vector.broadcast %squeeze3A_346 : f32 to vector<16xf32>
        %mul3A_354 = arith.mulf %get3A_352, %mul3A_353 : vector<16xf32>
        %swap3A_355 = arith.constant 1 : i32
        %swap3A_356 = arith.index_cast %swap3A_355 : i32 to index
        %swap3A_357 = arith.index_cast %add3A_344 : i32 to index
        %swap3A_358 = arith.constant 0 : index
        %swap3A_359 = tpu.vector_load %arg11[%swap3A_356, %swap3A_357, %swap3A_358] {strides = array<i32>} : memref<2x128x32xf32, #tpu.memory_space<vmem>>, vector<1x1x16xf32>,
        %swap3A_360 = vector.shape_cast %swap3A_359 : vector<1x1x16xf32> to vector<16xf32>
        %swap3A_361 = vector.shape_cast %mul3A_354 : vector<16xf32> to vector<1x1x16xf32>
        tpu.vector_store %arg11[%swap3A_356, %swap3A_357, %swap3A_358], %swap3A_361 {strides = array<i32>} : memref<2x128x32xf32, #tpu.memory_space<vmem>>, vector<1x1x16xf32>,
        %get3A_362 = arith.constant 1 : i32
        %get3A_363 = arith.index_cast %get3A_362 : i32 to index
        %get3A_364 = arith.index_cast %add3A_344 : i32 to index
        %get3A_365 = arith.constant 16 : index
        %get3A_366 = tpu.vector_load %arg11[%get3A_363, %get3A_364, %get3A_365] {strides = array<i32>} : memref<2x128x32xf32, #tpu.memory_space<vmem>>, vector<1x1x16xf32>,
        %get3A_367 = vector.shape_cast %get3A_366 : vector<1x1x16xf32> to vector<16xf32>
        %mul3A_368 = vector.broadcast %squeeze3A_346 : f32 to vector<16xf32>
        %mul3A_369 = arith.mulf %get3A_367, %mul3A_368 : vector<16xf32>
        %swap3A_370 = arith.constant 1 : i32
        %swap3A_371 = arith.index_cast %swap3A_370 : i32 to index
        %swap3A_372 = arith.index_cast %add3A_344 : i32 to index
        %swap3A_373 = arith.constant 16 : index
        %swap3A_374 = tpu.vector_load %arg11[%swap3A_371, %swap3A_372, %swap3A_373] {strides = array<i32>} : memref<2x128x32xf32, #tpu.memory_space<vmem>>, vector<1x1x16xf32>,
        %swap3A_375 = vector.shape_cast %swap3A_374 : vector<1x1x16xf32> to vector<16xf32>
        %swap3A_376 = vector.shape_cast %mul3A_369 : vector<16xf32> to vector<1x1x16xf32>
        tpu.vector_store %arg11[%swap3A_371, %swap3A_372, %swap3A_373], %swap3A_376 {strides = array<i32>} : memref<2x128x32xf32, #tpu.memory_space<vmem>>, vector<1x1x16xf32>,
        %mul3A_377 = arith.constant 16 : i32
        %mul3A_378 = arith.muli %scan3A_86, %mul3A_377 : i32
        %add3A_379 = arith.constant 8 : i32
        %add3A_380 = arith.addi %mul3A_378, %add3A_379 : i32
        %slice3A_381 = vector.extract_strided_slice %get3A_91 {offsets = [8], sizes = [1], strides = [1]} : vector<16xf32> to vector<1xf32>
        %squeeze3A_382 = vector.extract %slice3A_381[0] : f32 from vector<1xf32>
        %get3A_383 = arith.constant 1 : i32
        %get3A_384 = arith.index_cast %get3A_383 : i32 to index
        %get3A_385 = arith.index_cast %add3A_380 : i32 to index
        %get3A_386 = arith.constant 0 : index
        %get3A_387 = tpu.vector_load %arg11[%get3A_384, %get3A_385, %get3A_386] {strides = array<i32>} : memref<2x128x32xf32, #tpu.memory_space<vmem>>, vector<1x1x16xf32>,
        %get3A_388 = vector.shape_cast %get3A_387 : vector<1x1x16xf32> to vector<16xf32>
        %mul3A_389 = vector.broadcast %squeeze3A_382 : f32 to vector<16xf32>
        %mul3A_390 = arith.mulf %get3A_388, %mul3A_389 : vector<16xf32>
        %swap3A_391 = arith.constant 1 : i32
        %swap3A_392 = arith.index_cast %swap3A_391 : i32 to index
        %swap3A_393 = arith.index_cast %add3A_380 : i32 to index
        %swap3A_394 = arith.constant 0 : index
        %swap3A_395 = tpu.vector_load %arg11[%swap3A_392, %swap3A_393, %swap3A_394] {strides = array<i32>} : memref<2x128x32xf32, #tpu.memory_space<vmem>>, vector<1x1x16xf32>,
        %swap3A_396 = vector.shape_cast %swap3A_395 : vector<1x1x16xf32> to vector<16xf32>
        %swap3A_397 = vector.shape_cast %mul3A_390 : vector<16xf32> to vector<1x1x16xf32>
        tpu.vector_store %arg11[%swap3A_392, %swap3A_393, %swap3A_394], %swap3A_397 {strides = array<i32>} : memref<2x128x32xf32, #tpu.memory_space<vmem>>, vector<1x1x16xf32>,
        %get3A_398 = arith.constant 1 : i32
        %get3A_399 = arith.index_cast %get3A_398 : i32 to index
        %get3A_400 = arith.index_cast %add3A_380 : i32 to index
        %get3A_401 = arith.constant 16 : index
        %get3A_402 = tpu.vector_load %arg11[%get3A_399, %get3A_400, %get3A_401] {strides = array<i32>} : memref<2x128x32xf32, #tpu.memory_space<vmem>>, vector<1x1x16xf32>,
        %get3A_403 = vector.shape_cast %get3A_402 : vector<1x1x16xf32> to vector<16xf32>
        %mul3A_404 = vector.broadcast %squeeze3A_382 : f32 to vector<16xf32>
        %mul3A_405 = arith.mulf %get3A_403, %mul3A_404 : vector<16xf32>
        %swap3A_406 = arith.constant 1 : i32
        %swap3A_407 = arith.index_cast %swap3A_406 : i32 to index
        %swap3A_408 = arith.index_cast %add3A_380 : i32 to index
        %swap3A_409 = arith.constant 16 : index
        %swap3A_410 = tpu.vector_load %arg11[%swap3A_407, %swap3A_408, %swap3A_409] {strides = array<i32>} : memref<2x128x32xf32, #tpu.memory_space<vmem>>, vector<1x1x16xf32>,
        %swap3A_411 = vector.shape_cast %swap3A_410 : vector<1x1x16xf32> to vector<16xf32>
        %swap3A_412 = vector.shape_cast %mul3A_405 : vector<16xf32> to vector<1x1x16xf32>
        tpu.vector_store %arg11[%swap3A_407, %swap3A_408, %swap3A_409], %swap3A_412 {strides = array<i32>} : memref<2x128x32xf32, #tpu.memory_space<vmem>>, vector<1x1x16xf32>,
        %mul3A_413 = arith.constant 16 : i32
        %mul3A_414 = arith.muli %scan3A_86, %mul3A_413 : i32
        %add3A_415 = arith.constant 9 : i32
        %add3A_416 = arith.addi %mul3A_414, %add3A_415 : i32
        %slice3A_417 = vector.extract_strided_slice %get3A_91 {offsets = [9], sizes = [1], strides = [1]} : vector<16xf32> to vector<1xf32>
        %squeeze3A_418 = vector.extract %slice3A_417[0] : f32 from vector<1xf32>
        %get3A_419 = arith.constant 1 : i32
        %get3A_420 = arith.index_cast %get3A_419 : i32 to index
        %get3A_421 = arith.index_cast %add3A_416 : i32 to index
        %get3A_422 = arith.constant 0 : index
        %get3A_423 = tpu.vector_load %arg11[%get3A_420, %get3A_421, %get3A_422] {strides = array<i32>} : memref<2x128x32xf32, #tpu.memory_space<vmem>>, vector<1x1x16xf32>,
        %get3A_424 = vector.shape_cast %get3A_423 : vector<1x1x16xf32> to vector<16xf32>
        %mul3A_425 = vector.broadcast %squeeze3A_418 : f32 to vector<16xf32>
        %mul3A_426 = arith.mulf %get3A_424, %mul3A_425 : vector<16xf32>
        %swap3A_427 = arith.constant 1 : i32
        %swap3A_428 = arith.index_cast %swap3A_427 : i32 to index
        %swap3A_429 = arith.index_cast %add3A_416 : i32 to index
        %swap3A_430 = arith.constant 0 : index
        %swap3A_431 = tpu.vector_load %arg11[%swap3A_428, %swap3A_429, %swap3A_430] {strides = array<i32>} : memref<2x128x32xf32, #tpu.memory_space<vmem>>, vector<1x1x16xf32>,
        %swap3A_432 = vector.shape_cast %swap3A_431 : vector<1x1x16xf32> to vector<16xf32>
        %swap3A_433 = vector.shape_cast %mul3A_426 : vector<16xf32> to vector<1x1x16xf32>
        tpu.vector_store %arg11[%swap3A_428, %swap3A_429, %swap3A_430], %swap3A_433 {strides = array<i32>} : memref<2x128x32xf32, #tpu.memory_space<vmem>>, vector<1x1x16xf32>,
        %get3A_434 = arith.constant 1 : i32
        %get3A_435 = arith.index_cast %get3A_434 : i32 to index
        %get3A_436 = arith.index_cast %add3A_416 : i32 to index
        %get3A_437 = arith.constant 16 : index
        %get3A_438 = tpu.vector_load %arg11[%get3A_435, %get3A_436, %get3A_437] {strides = array<i32>} : memref<2x128x32xf32, #tpu.memory_space<vmem>>, vector<1x1x16xf32>,
        %get3A_439 = vector.shape_cast %get3A_438 : vector<1x1x16xf32> to vector<16xf32>
        %mul3A_440 = vector.broadcast %squeeze3A_418 : f32 to vector<16xf32>
        %mul3A_441 = arith.mulf %get3A_439, %mul3A_440 : vector<16xf32>
        %swap3A_442 = arith.constant 1 : i32
        %swap3A_443 = arith.index_cast %swap3A_442 : i32 to index
        %swap3A_444 = arith.index_cast %add3A_416 : i32 to index
        %swap3A_445 = arith.constant 16 : index
        %swap3A_446 = tpu.vector_load %arg11[%swap3A_443, %swap3A_444, %swap3A_445] {strides = array<i32>} : memref<2x128x32xf32, #tpu.memory_space<vmem>>, vector<1x1x16xf32>,
        %swap3A_447 = vector.shape_cast %swap3A_446 : vector<1x1x16xf32> to vector<16xf32>
        %swap3A_448 = vector.shape_cast %mul3A_441 : vector<16xf32> to vector<1x1x16xf32>
        tpu.vector_store %arg11[%swap3A_443, %swap3A_444, %swap3A_445], %swap3A_448 {strides = array<i32>} : memref<2x128x32xf32, #tpu.memory_space<vmem>>, vector<1x1x16xf32>,
        %mul3A_449 = arith.constant 16 : i32
        %mul3A_450 = arith.muli %scan3A_86, %mul3A_449 : i32
        %add3A_451 = arith.constant 10 : i32
        %add3A_452 = arith.addi %mul3A_450, %add3A_451 : i32
        %slice3A_453 = vector.extract_strided_slice %get3A_91 {offsets = [10], sizes = [1], strides = [1]} : vector<16xf32> to vector<1xf32>
        %squeeze3A_454 = vector.extract %slice3A_453[0] : f32 from vector<1xf32>
        %get3A_455 = arith.constant 1 : i32
        %get3A_456 = arith.index_cast %get3A_455 : i32 to index
        %get3A_457 = arith.index_cast %add3A_452 : i32 to index
        %get3A_458 = arith.constant 0 : index
        %get3A_459 = tpu.vector_load %arg11[%get3A_456, %get3A_457, %get3A_458] {strides = array<i32>} : memref<2x128x32xf32, #tpu.memory_space<vmem>>, vector<1x1x16xf32>,
        %get3A_460 = vector.shape_cast %get3A_459 : vector<1x1x16xf32> to vector<16xf32>
        %mul3A_461 = vector.broadcast %squeeze3A_454 : f32 to vector<16xf32>
        %mul3A_462 = arith.mulf %get3A_460, %mul3A_461 : vector<16xf32>
        %swap3A_463 = arith.constant 1 : i32
        %swap3A_464 = arith.index_cast %swap3A_463 : i32 to index
        %swap3A_465 = arith.index_cast %add3A_452 : i32 to index
        %swap3A_466 = arith.constant 0 : index
        %swap3A_467 = tpu.vector_load %arg11[%swap3A_464, %swap3A_465, %swap3A_466] {strides = array<i32>} : memref<2x128x32xf32, #tpu.memory_space<vmem>>, vector<1x1x16xf32>,
        %swap3A_468 = vector.shape_cast %swap3A_467 : vector<1x1x16xf32> to vector<16xf32>
        %swap3A_469 = vector.shape_cast %mul3A_462 : vector<16xf32> to vector<1x1x16xf32>
        tpu.vector_store %arg11[%swap3A_464, %swap3A_465, %swap3A_466], %swap3A_469 {strides = array<i32>} : memref<2x128x32xf32, #tpu.memory_space<vmem>>, vector<1x1x16xf32>,
        %get3A_470 = arith.constant 1 : i32
        %get3A_471 = arith.index_cast %get3A_470 : i32 to index
        %get3A_472 = arith.index_cast %add3A_452 : i32 to index
        %get3A_473 = arith.constant 16 : index
        %get3A_474 = tpu.vector_load %arg11[%get3A_471, %get3A_472, %get3A_473] {strides = array<i32>} : memref<2x128x32xf32, #tpu.memory_space<vmem>>, vector<1x1x16xf32>,
        %get3A_475 = vector.shape_cast %get3A_474 : vector<1x1x16xf32> to vector<16xf32>
        %mul3A_476 = vector.broadcast %squeeze3A_454 : f32 to vector<16xf32>
        %mul3A_477 = arith.mulf %get3A_475, %mul3A_476 : vector<16xf32>
        %swap3A_478 = arith.constant 1 : i32
        %swap3A_479 = arith.index_cast %swap3A_478 : i32 to index
        %swap3A_480 = arith.index_cast %add3A_452 : i32 to index
        %swap3A_481 = arith.constant 16 : index
        %swap3A_482 = tpu.vector_load %arg11[%swap3A_479, %swap3A_480, %swap3A_481] {strides = array<i32>} : memref<2x128x32xf32, #tpu.memory_space<vmem>>, vector<1x1x16xf32>,
        %swap3A_483 = vector.shape_cast %swap3A_482 : vector<1x1x16xf32> to vector<16xf32>
        %swap3A_484 = vector.shape_cast %mul3A_477 : vector<16xf32> to vector<1x1x16xf32>
        tpu.vector_store %arg11[%swap3A_479, %swap3A_480, %swap3A_481], %swap3A_484 {strides = array<i32>} : memref<2x128x32xf32, #tpu.memory_space<vmem>>, vector<1x1x16xf32>,
        %mul3A_485 = arith.constant 16 : i32
        %mul3A_486 = arith.muli %scan3A_86, %mul3A_485 : i32
        %add3A_487 = arith.constant 11 : i32
        %add3A_488 = arith.addi %mul3A_486, %add3A_487 : i32
        %slice3A_489 = vector.extract_strided_slice %get3A_91 {offsets = [11], sizes = [1], strides = [1]} : vector<16xf32> to vector<1xf32>
        %squeeze3A_490 = vector.extract %slice3A_489[0] : f32 from vector<1xf32>
        %get3A_491 = arith.constant 1 : i32
        %get3A_492 = arith.index_cast %get3A_491 : i32 to index
        %get3A_493 = arith.index_cast %add3A_488 : i32 to index
        %get3A_494 = arith.constant 0 : index
        %get3A_495 = tpu.vector_load %arg11[%get3A_492, %get3A_493, %get3A_494] {strides = array<i32>} : memref<2x128x32xf32, #tpu.memory_space<vmem>>, vector<1x1x16xf32>,
        %get3A_496 = vector.shape_cast %get3A_495 : vector<1x1x16xf32> to vector<16xf32>
        %mul3A_497 = vector.broadcast %squeeze3A_490 : f32 to vector<16xf32>
        %mul3A_498 = arith.mulf %get3A_496, %mul3A_497 : vector<16xf32>
        %swap3A_499 = arith.constant 1 : i32
        %swap3A_500 = arith.index_cast %swap3A_499 : i32 to index
        %swap3A_501 = arith.index_cast %add3A_488 : i32 to index
        %swap3A_502 = arith.constant 0 : index
        %swap3A_503 = tpu.vector_load %arg11[%swap3A_500, %swap3A_501, %swap3A_502] {strides = array<i32>} : memref<2x128x32xf32, #tpu.memory_space<vmem>>, vector<1x1x16xf32>,
        %swap3A_504 = vector.shape_cast %swap3A_503 : vector<1x1x16xf32> to vector<16xf32>
        %swap3A_505 = vector.shape_cast %mul3A_498 : vector<16xf32> to vector<1x1x16xf32>
        tpu.vector_store %arg11[%swap3A_500, %swap3A_501, %swap3A_502], %swap3A_505 {strides = array<i32>} : memref<2x128x32xf32, #tpu.memory_space<vmem>>, vector<1x1x16xf32>,
        %get3A_506 = arith.constant 1 : i32
        %get3A_507 = arith.index_cast %get3A_506 : i32 to index
        %get3A_508 = arith.index_cast %add3A_488 : i32 to index
        %get3A_509 = arith.constant 16 : index
        %get3A_510 = tpu.vector_load %arg11[%get3A_507, %get3A_508, %get3A_509] {strides = array<i32>} : memref<2x128x32xf32, #tpu.memory_space<vmem>>, vector<1x1x16xf32>,
        %get3A_511 = vector.shape_cast %get3A_510 : vector<1x1x16xf32> to vector<16xf32>
        %mul3A_512 = vector.broadcast %squeeze3A_490 : f32 to vector<16xf32>
        %mul3A_513 = arith.mulf %get3A_511, %mul3A_512 : vector<16xf32>
        %swap3A_514 = arith.constant 1 : i32
        %swap3A_515 = arith.index_cast %swap3A_514 : i32 to index
        %swap3A_516 = arith.index_cast %add3A_488 : i32 to index
        %swap3A_517 = arith.constant 16 : index
        %swap3A_518 = tpu.vector_load %arg11[%swap3A_515, %swap3A_516, %swap3A_517] {strides = array<i32>} : memref<2x128x32xf32, #tpu.memory_space<vmem>>, vector<1x1x16xf32>,
        %swap3A_519 = vector.shape_cast %swap3A_518 : vector<1x1x16xf32> to vector<16xf32>
        %swap3A_520 = vector.shape_cast %mul3A_513 : vector<16xf32> to vector<1x1x16xf32>
        tpu.vector_store %arg11[%swap3A_515, %swap3A_516, %swap3A_517], %swap3A_520 {strides = array<i32>} : memref<2x128x32xf32, #tpu.memory_space<vmem>>, vector<1x1x16xf32>,
        %mul3A_521 = arith.constant 16 : i32
        %mul3A_522 = arith.muli %scan3A_86, %mul3A_521 : i32
        %add3A_523 = arith.constant 12 : i32
        %add3A_524 = arith.addi %mul3A_522, %add3A_523 : i32
        %slice3A_525 = vector.extract_strided_slice %get3A_91 {offsets = [12], sizes = [1], strides = [1]} : vector<16xf32> to vector<1xf32>
        %squeeze3A_526 = vector.extract %slice3A_525[0] : f32 from vector<1xf32>
        %get3A_527 = arith.constant 1 : i32
        %get3A_528 = arith.index_cast %get3A_527 : i32 to index
        %get3A_529 = arith.index_cast %add3A_524 : i32 to index
        %get3A_530 = arith.constant 0 : index
        %get3A_531 = tpu.vector_load %arg11[%get3A_528, %get3A_529, %get3A_530] {strides = array<i32>} : memref<2x128x32xf32, #tpu.memory_space<vmem>>, vector<1x1x16xf32>,
        %get3A_532 = vector.shape_cast %get3A_531 : vector<1x1x16xf32> to vector<16xf32>
        %mul3A_533 = vector.broadcast %squeeze3A_526 : f32 to vector<16xf32>
        %mul3A_534 = arith.mulf %get3A_532, %mul3A_533 : vector<16xf32>
        %swap3A_535 = arith.constant 1 : i32
        %swap3A_536 = arith.index_cast %swap3A_535 : i32 to index
        %swap3A_537 = arith.index_cast %add3A_524 : i32 to index
        %swap3A_538 = arith.constant 0 : index
        %swap3A_539 = tpu.vector_load %arg11[%swap3A_536, %swap3A_537, %swap3A_538] {strides = array<i32>} : memref<2x128x32xf32, #tpu.memory_space<vmem>>, vector<1x1x16xf32>,
        %swap3A_540 = vector.shape_cast %swap3A_539 : vector<1x1x16xf32> to vector<16xf32>
        %swap3A_541 = vector.shape_cast %mul3A_534 : vector<16xf32> to vector<1x1x16xf32>
        tpu.vector_store %arg11[%swap3A_536, %swap3A_537, %swap3A_538], %swap3A_541 {strides = array<i32>} : memref<2x128x32xf32, #tpu.memory_space<vmem>>, vector<1x1x16xf32>,
        %get3A_542 = arith.constant 1 : i32
        %get3A_543 = arith.index_cast %get3A_542 : i32 to index
        %get3A_544 = arith.index_cast %add3A_524 : i32 to index
        %get3A_545 = arith.constant 16 : index
        %get3A_546 = tpu.vector_load %arg11[%get3A_543, %get3A_544, %get3A_545] {strides = array<i32>} : memref<2x128x32xf32, #tpu.memory_space<vmem>>, vector<1x1x16xf32>,
        %get3A_547 = vector.shape_cast %get3A_546 : vector<1x1x16xf32> to vector<16xf32>
        %mul3A_548 = vector.broadcast %squeeze3A_526 : f32 to vector<16xf32>
        %mul3A_549 = arith.mulf %get3A_547, %mul3A_548 : vector<16xf32>
        %swap3A_550 = arith.constant 1 : i32
        %swap3A_551 = arith.index_cast %swap3A_550 : i32 to index
        %swap3A_552 = arith.index_cast %add3A_524 : i32 to index
        %swap3A_553 = arith.constant 16 : index
        %swap3A_554 = tpu.vector_load %arg11[%swap3A_551, %swap3A_552, %swap3A_553] {strides = array<i32>} : memref<2x128x32xf32, #tpu.memory_space<vmem>>, vector<1x1x16xf32>,
        %swap3A_555 = vector.shape_cast %swap3A_554 : vector<1x1x16xf32> to vector<16xf32>
        %swap3A_556 = vector.shape_cast %mul3A_549 : vector<16xf32> to vector<1x1x16xf32>
        tpu.vector_store %arg11[%swap3A_551, %swap3A_552, %swap3A_553], %swap3A_556 {strides = array<i32>} : memref<2x128x32xf32, #tpu.memory_space<vmem>>, vector<1x1x16xf32>,
        %mul3A_557 = arith.constant 16 : i32
        %mul3A_558 = arith.muli %scan3A_86, %mul3A_557 : i32
        %add3A_559 = arith.constant 13 : i32
        %add3A_560 = arith.addi %mul3A_558, %add3A_559 : i32
        %slice3A_561 = vector.extract_strided_slice %get3A_91 {offsets = [13], sizes = [1], strides = [1]} : vector<16xf32> to vector<1xf32>
        %squeeze3A_562 = vector.extract %slice3A_561[0] : f32 from vector<1xf32>
        %get3A_563 = arith.constant 1 : i32
        %get3A_564 = arith.index_cast %get3A_563 : i32 to index
        %get3A_565 = arith.index_cast %add3A_560 : i32 to index
        %get3A_566 = arith.constant 0 : index
        %get3A_567 = tpu.vector_load %arg11[%get3A_564, %get3A_565, %get3A_566] {strides = array<i32>} : memref<2x128x32xf32, #tpu.memory_space<vmem>>, vector<1x1x16xf32>,
        %get3A_568 = vector.shape_cast %get3A_567 : vector<1x1x16xf32> to vector<16xf32>
        %mul3A_569 = vector.broadcast %squeeze3A_562 : f32 to vector<16xf32>
        %mul3A_570 = arith.mulf %get3A_568, %mul3A_569 : vector<16xf32>
        %swap3A_571 = arith.constant 1 : i32
        %swap3A_572 = arith.index_cast %swap3A_571 : i32 to index
        %swap3A_573 = arith.index_cast %add3A_560 : i32 to index
        %swap3A_574 = arith.constant 0 : index
        %swap3A_575 = tpu.vector_load %arg11[%swap3A_572, %swap3A_573, %swap3A_574] {strides = array<i32>} : memref<2x128x32xf32, #tpu.memory_space<vmem>>, vector<1x1x16xf32>,
        %swap3A_576 = vector.shape_cast %swap3A_575 : vector<1x1x16xf32> to vector<16xf32>
        %swap3A_577 = vector.shape_cast %mul3A_570 : vector<16xf32> to vector<1x1x16xf32>
        tpu.vector_store %arg11[%swap3A_572, %swap3A_573, %swap3A_574], %swap3A_577 {strides = array<i32>} : memref<2x128x32xf32, #tpu.memory_space<vmem>>, vector<1x1x16xf32>,
        %get3A_578 = arith.constant 1 : i32
        %get3A_579 = arith.index_cast %get3A_578 : i32 to index
        %get3A_580 = arith.index_cast %add3A_560 : i32 to index
        %get3A_581 = arith.constant 16 : index
        %get3A_582 = tpu.vector_load %arg11[%get3A_579, %get3A_580, %get3A_581] {strides = array<i32>} : memref<2x128x32xf32, #tpu.memory_space<vmem>>, vector<1x1x16xf32>,
        %get3A_583 = vector.shape_cast %get3A_582 : vector<1x1x16xf32> to vector<16xf32>
        %mul3A_584 = vector.broadcast %squeeze3A_562 : f32 to vector<16xf32>
        %mul3A_585 = arith.mulf %get3A_583, %mul3A_584 : vector<16xf32>
        %swap3A_586 = arith.constant 1 : i32
        %swap3A_587 = arith.index_cast %swap3A_586 : i32 to index
        %swap3A_588 = arith.index_cast %add3A_560 : i32 to index
        %swap3A_589 = arith.constant 16 : index
        %swap3A_590 = tpu.vector_load %arg11[%swap3A_587, %swap3A_588, %swap3A_589] {strides = array<i32>} : memref<2x128x32xf32, #tpu.memory_space<vmem>>, vector<1x1x16xf32>,
        %swap3A_591 = vector.shape_cast %swap3A_590 : vector<1x1x16xf32> to vector<16xf32>
        %swap3A_592 = vector.shape_cast %mul3A_585 : vector<16xf32> to vector<1x1x16xf32>
        tpu.vector_store %arg11[%swap3A_587, %swap3A_588, %swap3A_589], %swap3A_592 {strides = array<i32>} : memref<2x128x32xf32, #tpu.memory_space<vmem>>, vector<1x1x16xf32>,
        %mul3A_593 = arith.constant 16 : i32
        %mul3A_594 = arith.muli %scan3A_86, %mul3A_593 : i32
        %add3A_595 = arith.constant 14 : i32
        %add3A_596 = arith.addi %mul3A_594, %add3A_595 : i32
        %slice3A_597 = vector.extract_strided_slice %get3A_91 {offsets = [14], sizes = [1], strides = [1]} : vector<16xf32> to vector<1xf32>
        %squeeze3A_598 = vector.extract %slice3A_597[0] : f32 from vector<1xf32>
        %get3A_599 = arith.constant 1 : i32
        %get3A_600 = arith.index_cast %get3A_599 : i32 to index
        %get3A_601 = arith.index_cast %add3A_596 : i32 to index
        %get3A_602 = arith.constant 0 : index
        %get3A_603 = tpu.vector_load %arg11[%get3A_600, %get3A_601, %get3A_602] {strides = array<i32>} : memref<2x128x32xf32, #tpu.memory_space<vmem>>, vector<1x1x16xf32>,
        %get3A_604 = vector.shape_cast %get3A_603 : vector<1x1x16xf32> to vector<16xf32>
        %mul3A_605 = vector.broadcast %squeeze3A_598 : f32 to vector<16xf32>
        %mul3A_606 = arith.mulf %get3A_604, %mul3A_605 : vector<16xf32>
        %swap3A_607 = arith.constant 1 : i32
        %swap3A_608 = arith.index_cast %swap3A_607 : i32 to index
        %swap3A_609 = arith.index_cast %add3A_596 : i32 to index
        %swap3A_610 = arith.constant 0 : index
        %swap3A_611 = tpu.vector_load %arg11[%swap3A_608, %swap3A_609, %swap3A_610] {strides = array<i32>} : memref<2x128x32xf32, #tpu.memory_space<vmem>>, vector<1x1x16xf32>,
        %swap3A_612 = vector.shape_cast %swap3A_611 : vector<1x1x16xf32> to vector<16xf32>
        %swap3A_613 = vector.shape_cast %mul3A_606 : vector<16xf32> to vector<1x1x16xf32>
        tpu.vector_store %arg11[%swap3A_608, %swap3A_609, %swap3A_610], %swap3A_613 {strides = array<i32>} : memref<2x128x32xf32, #tpu.memory_space<vmem>>, vector<1x1x16xf32>,
        %get3A_614 = arith.constant 1 : i32
        %get3A_615 = arith.index_cast %get3A_614 : i32 to index
        %get3A_616 = arith.index_cast %add3A_596 : i32 to index
        %get3A_617 = arith.constant 16 : index
        %get3A_618 = tpu.vector_load %arg11[%get3A_615, %get3A_616, %get3A_617] {strides = array<i32>} : memref<2x128x32xf32, #tpu.memory_space<vmem>>, vector<1x1x16xf32>,
        %get3A_619 = vector.shape_cast %get3A_618 : vector<1x1x16xf32> to vector<16xf32>
        %mul3A_620 = vector.broadcast %squeeze3A_598 : f32 to vector<16xf32>
        %mul3A_621 = arith.mulf %get3A_619, %mul3A_620 : vector<16xf32>
        %swap3A_622 = arith.constant 1 : i32
        %swap3A_623 = arith.index_cast %swap3A_622 : i32 to index
        %swap3A_624 = arith.index_cast %add3A_596 : i32 to index
        %swap3A_625 = arith.constant 16 : index
        %swap3A_626 = tpu.vector_load %arg11[%swap3A_623, %swap3A_624, %swap3A_625] {strides = array<i32>} : memref<2x128x32xf32, #tpu.memory_space<vmem>>, vector<1x1x16xf32>,
        %swap3A_627 = vector.shape_cast %swap3A_626 : vector<1x1x16xf32> to vector<16xf32>
        %swap3A_628 = vector.shape_cast %mul3A_621 : vector<16xf32> to vector<1x1x16xf32>
        tpu.vector_store %arg11[%swap3A_623, %swap3A_624, %swap3A_625], %swap3A_628 {strides = array<i32>} : memref<2x128x32xf32, #tpu.memory_space<vmem>>, vector<1x1x16xf32>,
        %mul3A_629 = arith.constant 16 : i32
        %mul3A_630 = arith.muli %scan3A_86, %mul3A_629 : i32
        %add3A_631 = arith.constant 15 : i32
        %add3A_632 = arith.addi %mul3A_630, %add3A_631 : i32
        %slice3A_633 = vector.extract_strided_slice %get3A_91 {offsets = [15], sizes = [1], strides = [1]} : vector<16xf32> to vector<1xf32>
        %squeeze3A_634 = vector.extract %slice3A_633[0] : f32 from vector<1xf32>
        %get3A_635 = arith.constant 1 : i32
        %get3A_636 = arith.index_cast %get3A_635 : i32 to index
        %get3A_637 = arith.index_cast %add3A_632 : i32 to index
        %get3A_638 = arith.constant 0 : index
        %get3A_639 = tpu.vector_load %arg11[%get3A_636, %get3A_637, %get3A_638] {strides = array<i32>} : memref<2x128x32xf32, #tpu.memory_space<vmem>>, vector<1x1x16xf32>,
        %get3A_640 = vector.shape_cast %get3A_639 : vector<1x1x16xf32> to vector<16xf32>
        %mul3A_641 = vector.broadcast %squeeze3A_634 : f32 to vector<16xf32>
        %mul3A_642 = arith.mulf %get3A_640, %mul3A_641 : vector<16xf32>
        %swap3A_643 = arith.constant 1 : i32
        %swap3A_644 = arith.index_cast %swap3A_643 : i32 to index
        %swap3A_645 = arith.index_cast %add3A_632 : i32 to index
        %swap3A_646 = arith.constant 0 : index
        %swap3A_647 = tpu.vector_load %arg11[%swap3A_644, %swap3A_645, %swap3A_646] {strides = array<i32>} : memref<2x128x32xf32, #tpu.memory_space<vmem>>, vector<1x1x16xf32>,
        %swap3A_648 = vector.shape_cast %swap3A_647 : vector<1x1x16xf32> to vector<16xf32>
        %swap3A_649 = vector.shape_cast %mul3A_642 : vector<16xf32> to vector<1x1x16xf32>
        tpu.vector_store %arg11[%swap3A_644, %swap3A_645, %swap3A_646], %swap3A_649 {strides = array<i32>} : memref<2x128x32xf32, #tpu.memory_space<vmem>>, vector<1x1x16xf32>,
        %get3A_650 = arith.constant 1 : i32
        %get3A_651 = arith.index_cast %get3A_650 : i32 to index
        %get3A_652 = arith.index_cast %add3A_632 : i32 to index
        %get3A_653 = arith.constant 16 : index
        %get3A_654 = tpu.vector_load %arg11[%get3A_651, %get3A_652, %get3A_653] {strides = array<i32>} : memref<2x128x32xf32, #tpu.memory_space<vmem>>, vector<1x1x16xf32>,
        %get3A_655 = vector.shape_cast %get3A_654 : vector<1x1x16xf32> to vector<16xf32>
        %mul3A_656 = vector.broadcast %squeeze3A_634 : f32 to vector<16xf32>
        %mul3A_657 = arith.mulf %get3A_655, %mul3A_656 : vector<16xf32>
        %swap3A_658 = arith.constant 1 : i32
        %swap3A_659 = arith.index_cast %swap3A_658 : i32 to index
        %swap3A_660 = arith.index_cast %add3A_632 : i32 to index
        %swap3A_661 = arith.constant 16 : index
        %swap3A_662 = tpu.vector_load %arg11[%swap3A_659, %swap3A_660, %swap3A_661] {strides = array<i32>} : memref<2x128x32xf32, #tpu.memory_space<vmem>>, vector<1x1x16xf32>,
        %swap3A_663 = vector.shape_cast %swap3A_662 : vector<1x1x16xf32> to vector<16xf32>
        %swap3A_664 = vector.shape_cast %mul3A_657 : vector<16xf32> to vector<1x1x16xf32>
        tpu.vector_store %arg11[%swap3A_659, %swap3A_660, %swap3A_661], %swap3A_664 {strides = array<i32>} : memref<2x128x32xf32, #tpu.memory_space<vmem>>, vector<1x1x16xf32>,
        %scan3A_665 = arith.constant 1 : i32
        %scan3A_666 = arith.addi %scan3A_86, %scan3A_665 : i32
        %mul3A_667 = arith.constant 16 : i32
        %mul3A_668 = arith.muli %scan3A_666, %mul3A_667 : i32
        %get3A_669 = arith.index_cast %add3A_76 : i32 to index
        %get3A_670 = arith.index_cast %mul3A_668 : i32 to index
        %get3A_671 = tpu.vector_load %arg10[%get3A_669, %get3A_670] {strides = array<i32>} : memref<82x128xf32, #tpu.memory_space<vmem>>, vector<1x16xf32>,
        %get3A_672 = vector.shape_cast %get3A_671 : vector<1x16xf32> to vector<16xf32>
        %mul3A_673 = arith.constant 16 : i32
        %mul3A_674 = arith.muli %scan3A_666, %mul3A_673 : i32
        %add3A_675 = arith.constant 0 : i32
        %add3A_676 = arith.addi %mul3A_674, %add3A_675 : i32
        %slice3A_677 = vector.extract_strided_slice %get3A_672 {offsets = [0], sizes = [1], strides = [1]} : vector<16xf32> to vector<1xf32>
        %squeeze3A_678 = vector.extract %slice3A_677[0] : f32 from vector<1xf32>
        %get3A_679 = arith.constant 1 : i32
        %get3A_680 = arith.index_cast %get3A_679 : i32 to index
        %get3A_681 = arith.index_cast %add3A_676 : i32 to index
        %get3A_682 = arith.constant 0 : index
        %get3A_683 = tpu.vector_load %arg11[%get3A_680, %get3A_681, %get3A_682] {strides = array<i32>} : memref<2x128x32xf32, #tpu.memory_space<vmem>>, vector<1x1x16xf32>,
        %get3A_684 = vector.shape_cast %get3A_683 : vector<1x1x16xf32> to vector<16xf32>
        %mul3A_685 = vector.broadcast %squeeze3A_678 : f32 to vector<16xf32>
        %mul3A_686 = arith.mulf %get3A_684, %mul3A_685 : vector<16xf32>
        %swap3A_687 = arith.constant 1 : i32
        %swap3A_688 = arith.index_cast %swap3A_687 : i32 to index
        %swap3A_689 = arith.index_cast %add3A_676 : i32 to index
        %swap3A_690 = arith.constant 0 : index
        %swap3A_691 = tpu.vector_load %arg11[%swap3A_688, %swap3A_689, %swap3A_690] {strides = array<i32>} : memref<2x128x32xf32, #tpu.memory_space<vmem>>, vector<1x1x16xf32>,
        %swap3A_692 = vector.shape_cast %swap3A_691 : vector<1x1x16xf32> to vector<16xf32>
        %swap3A_693 = vector.shape_cast %mul3A_686 : vector<16xf32> to vector<1x1x16xf32>
        tpu.vector_store %arg11[%swap3A_688, %swap3A_689, %swap3A_690], %swap3A_693 {strides = array<i32>} : memref<2x128x32xf32, #tpu.memory_space<vmem>>, vector<1x1x16xf32>,
        %get3A_694 = arith.constant 1 : i32
        %get3A_695 = arith.index_cast %get3A_694 : i32 to index
        %get3A_696 = arith.index_cast %add3A_676 : i32 to index
        %get3A_697 = arith.constant 16 : index
        %get3A_698 = tpu.vector_load %arg11[%get3A_695, %get3A_696, %get3A_697] {strides = array<i32>} : memref<2x128x32xf32, #tpu.memory_space<vmem>>, vector<1x1x16xf32>,
        %get3A_699 = vector.shape_cast %get3A_698 : vector<1x1x16xf32> to vector<16xf32>
        %mul3A_700 = vector.broadcast %squeeze3A_678 : f32 to vector<16xf32>
        %mul3A_701 = arith.mulf %get3A_699, %mul3A_700 : vector<16xf32>
        %swap3A_702 = arith.constant 1 : i32
        %swap3A_703 = arith.index_cast %swap3A_702 : i32 to index
        %swap3A_704 = arith.index_cast %add3A_676 : i32 to index
        %swap3A_705 = arith.constant 16 : index
        %swap3A_706 = tpu.vector_load %arg11[%swap3A_703, %swap3A_704, %swap3A_705] {strides = array<i32>} : memref<2x128x32xf32, #tpu.memory_space<vmem>>, vector<1x1x16xf32>,
        %swap3A_707 = vector.shape_cast %swap3A_706 : vector<1x1x16xf32> to vector<16xf32>
        %swap3A_708 = vector.shape_cast %mul3A_701 : vector<16xf32> to vector<1x1x16xf32>
        tpu.vector_store %arg11[%swap3A_703, %swap3A_704, %swap3A_705], %swap3A_708 {strides = array<i32>} : memref<2x128x32xf32, #tpu.memory_space<vmem>>, vector<1x1x16xf32>,
        %mul3A_709 = arith.constant 16 : i32
        %mul3A_710 = arith.muli %scan3A_666, %mul3A_709 : i32
        %add3A_711 = arith.constant 1 : i32
        %add3A_712 = arith.addi %mul3A_710, %add3A_711 : i32
        %slice3A_713 = vector.extract_strided_slice %get3A_672 {offsets = [1], sizes = [1], strides = [1]} : vector<16xf32> to vector<1xf32>
        %squeeze3A_714 = vector.extract %slice3A_713[0] : f32 from vector<1xf32>
        %get3A_715 = arith.constant 1 : i32
        %get3A_716 = arith.index_cast %get3A_715 : i32 to index
        %get3A_717 = arith.index_cast %add3A_712 : i32 to index
        %get3A_718 = arith.constant 0 : index
        %get3A_719 = tpu.vector_load %arg11[%get3A_716, %get3A_717, %get3A_718] {strides = array<i32>} : memref<2x128x32xf32, #tpu.memory_space<vmem>>, vector<1x1x16xf32>,
        %get3A_720 = vector.shape_cast %get3A_719 : vector<1x1x16xf32> to vector<16xf32>
        %mul3A_721 = vector.broadcast %squeeze3A_714 : f32 to vector<16xf32>
        %mul3A_722 = arith.mulf %get3A_720, %mul3A_721 : vector<16xf32>
        %swap3A_723 = arith.constant 1 : i32
        %swap3A_724 = arith.index_cast %swap3A_723 : i32 to index
        %swap3A_725 = arith.index_cast %add3A_712 : i32 to index
        %swap3A_726 = arith.constant 0 : index
        %swap3A_727 = tpu.vector_load %arg11[%swap3A_724, %swap3A_725, %swap3A_726] {strides = array<i32>} : memref<2x128x32xf32, #tpu.memory_space<vmem>>, vector<1x1x16xf32>,
        %swap3A_728 = vector.shape_cast %swap3A_727 : vector<1x1x16xf32> to vector<16xf32>
        %swap3A_729 = vector.shape_cast %mul3A_722 : vector<16xf32> to vector<1x1x16xf32>
        tpu.vector_store %arg11[%swap3A_724, %swap3A_725, %swap3A_726], %swap3A_729 {strides = array<i32>} : memref<2x128x32xf32, #tpu.memory_space<vmem>>, vector<1x1x16xf32>,
        %get3A_730 = arith.constant 1 : i32
        %get3A_731 = arith.index_cast %get3A_730 : i32 to index
        %get3A_732 = arith.index_cast %add3A_712 : i32 to index
        %get3A_733 = arith.constant 16 : index
        %get3A_734 = tpu.vector_load %arg11[%get3A_731, %get3A_732, %get3A_733] {strides = array<i32>} : memref<2x128x32xf32, #tpu.memory_space<vmem>>, vector<1x1x16xf32>,
        %get3A_735 = vector.shape_cast %get3A_734 : vector<1x1x16xf32> to vector<16xf32>
        %mul3A_736 = vector.broadcast %squeeze3A_714 : f32 to vector<16xf32>
        %mul3A_737 = arith.mulf %get3A_735, %mul3A_736 : vector<16xf32>
        %swap3A_738 = arith.constant 1 : i32
        %swap3A_739 = arith.index_cast %swap3A_738 : i32 to index
        %swap3A_740 = arith.index_cast %add3A_712 : i32 to index
        %swap3A_741 = arith.constant 16 : index
        %swap3A_742 = tpu.vector_load %arg11[%swap3A_739, %swap3A_740, %swap3A_741] {strides = array<i32>} : memref<2x128x32xf32, #tpu.memory_space<vmem>>, vector<1x1x16xf32>,
        %swap3A_743 = vector.shape_cast %swap3A_742 : vector<1x1x16xf32> to vector<16xf32>
        %swap3A_744 = vector.shape_cast %mul3A_737 : vector<16xf32> to vector<1x1x16xf32>
        tpu.vector_store %arg11[%swap3A_739, %swap3A_740, %swap3A_741], %swap3A_744 {strides = array<i32>} : memref<2x128x32xf32, #tpu.memory_space<vmem>>, vector<1x1x16xf32>,
        %mul3A_745 = arith.constant 16 : i32
        %mul3A_746 = arith.muli %scan3A_666, %mul3A_745 : i32
        %add3A_747 = arith.constant 2 : i32
        %add3A_748 = arith.addi %mul3A_746, %add3A_747 : i32
        %slice3A_749 = vector.extract_strided_slice %get3A_672 {offsets = [2], sizes = [1], strides = [1]} : vector<16xf32> to vector<1xf32>
        %squeeze3A_750 = vector.extract %slice3A_749[0] : f32 from vector<1xf32>
        %get3A_751 = arith.constant 1 : i32
        %get3A_752 = arith.index_cast %get3A_751 : i32 to index
        %get3A_753 = arith.index_cast %add3A_748 : i32 to index
        %get3A_754 = arith.constant 0 : index
        %get3A_755 = tpu.vector_load %arg11[%get3A_752, %get3A_753, %get3A_754] {strides = array<i32>} : memref<2x128x32xf32, #tpu.memory_space<vmem>>, vector<1x1x16xf32>,
        %get3A_756 = vector.shape_cast %get3A_755 : vector<1x1x16xf32> to vector<16xf32>
        %mul3A_757 = vector.broadcast %squeeze3A_750 : f32 to vector<16xf32>
        %mul3A_758 = arith.mulf %get3A_756, %mul3A_757 : vector<16xf32>
        %swap3A_759 = arith.constant 1 : i32
        %swap3A_760 = arith.index_cast %swap3A_759 : i32 to index
        %swap3A_761 = arith.index_cast %add3A_748 : i32 to index
        %swap3A_762 = arith.constant 0 : index
        %swap3A_763 = tpu.vector_load %arg11[%swap3A_760, %swap3A_761, %swap3A_762] {strides = array<i32>} : memref<2x128x32xf32, #tpu.memory_space<vmem>>, vector<1x1x16xf32>,
        %swap3A_764 = vector.shape_cast %swap3A_763 : vector<1x1x16xf32> to vector<16xf32>
        %swap3A_765 = vector.shape_cast %mul3A_758 : vector<16xf32> to vector<1x1x16xf32>
        tpu.vector_store %arg11[%swap3A_760, %swap3A_761, %swap3A_762], %swap3A_765 {strides = array<i32>} : memref<2x128x32xf32, #tpu.memory_space<vmem>>, vector<1x1x16xf32>,
        %get3A_766 = arith.constant 1 : i32
        %get3A_767 = arith.index_cast %get3A_766 : i32 to index
        %get3A_768 = arith.index_cast %add3A_748 : i32 to index
        %get3A_769 = arith.constant 16 : index
        %get3A_770 = tpu.vector_load %arg11[%get3A_767, %get3A_768, %get3A_769] {strides = array<i32>} : memref<2x128x32xf32, #tpu.memory_space<vmem>>, vector<1x1x16xf32>,
        %get3A_771 = vector.shape_cast %get3A_770 : vector<1x1x16xf32> to vector<16xf32>
        %mul3A_772 = vector.broadcast %squeeze3A_750 : f32 to vector<16xf32>
        %mul3A_773 = arith.mulf %get3A_771, %mul3A_772 : vector<16xf32>
        %swap3A_774 = arith.constant 1 : i32
        %swap3A_775 = arith.index_cast %swap3A_774 : i32 to index
        %swap3A_776 = arith.index_cast %add3A_748 : i32 to index
        %swap3A_777 = arith.constant 16 : index
        %swap3A_778 = tpu.vector_load %arg11[%swap3A_775, %swap3A_776, %swap3A_777] {strides = array<i32>} : memref<2x128x32xf32, #tpu.memory_space<vmem>>, vector<1x1x16xf32>,
        %swap3A_779 = vector.shape_cast %swap3A_778 : vector<1x1x16xf32> to vector<16xf32>
        %swap3A_780 = vector.shape_cast %mul3A_773 : vector<16xf32> to vector<1x1x16xf32>
        tpu.vector_store %arg11[%swap3A_775, %swap3A_776, %swap3A_777], %swap3A_780 {strides = array<i32>} : memref<2x128x32xf32, #tpu.memory_space<vmem>>, vector<1x1x16xf32>,
        %mul3A_781 = arith.constant 16 : i32
        %mul3A_782 = arith.muli %scan3A_666, %mul3A_781 : i32
        %add3A_783 = arith.constant 3 : i32
        %add3A_784 = arith.addi %mul3A_782, %add3A_783 : i32
        %slice3A_785 = vector.extract_strided_slice %get3A_672 {offsets = [3], sizes = [1], strides = [1]} : vector<16xf32> to vector<1xf32>
        %squeeze3A_786 = vector.extract %slice3A_785[0] : f32 from vector<1xf32>
        %get3A_787 = arith.constant 1 : i32
        %get3A_788 = arith.index_cast %get3A_787 : i32 to index
        %get3A_789 = arith.index_cast %add3A_784 : i32 to index
        %get3A_790 = arith.constant 0 : index
        %get3A_791 = tpu.vector_load %arg11[%get3A_788, %get3A_789, %get3A_790] {strides = array<i32>} : memref<2x128x32xf32, #tpu.memory_space<vmem>>, vector<1x1x16xf32>,
        %get3A_792 = vector.shape_cast %get3A_791 : vector<1x1x16xf32> to vector<16xf32>
        %mul3A_793 = vector.broadcast %squeeze3A_786 : f32 to vector<16xf32>
        %mul3A_794 = arith.mulf %get3A_792, %mul3A_793 : vector<16xf32>
        %swap3A_795 = arith.constant 1 : i32
        %swap3A_796 = arith.index_cast %swap3A_795 : i32 to index
        %swap3A_797 = arith.index_cast %add3A_784 : i32 to index
        %swap3A_798 = arith.constant 0 : index
        %swap3A_799 = tpu.vector_load %arg11[%swap3A_796, %swap3A_797, %swap3A_798] {strides = array<i32>} : memref<2x128x32xf32, #tpu.memory_space<vmem>>, vector<1x1x16xf32>,
        %swap3A_800 = vector.shape_cast %swap3A_799 : vector<1x1x16xf32> to vector<16xf32>
        %swap3A_801 = vector.shape_cast %mul3A_794 : vector<16xf32> to vector<1x1x16xf32>
        tpu.vector_store %arg11[%swap3A_796, %swap3A_797, %swap3A_798], %swap3A_801 {strides = array<i32>} : memref<2x128x32xf32, #tpu.memory_space<vmem>>, vector<1x1x16xf32>,
        %get3A_802 = arith.constant 1 : i32
        %get3A_803 = arith.index_cast %get3A_802 : i32 to index
        %get3A_804 = arith.index_cast %add3A_784 : i32 to index
        %get3A_805 = arith.constant 16 : index
        %get3A_806 = tpu.vector_load %arg11[%get3A_803, %get3A_804, %get3A_805] {strides = array<i32>} : memref<2x128x32xf32, #tpu.memory_space<vmem>>, vector<1x1x16xf32>,
        %get3A_807 = vector.shape_cast %get3A_806 : vector<1x1x16xf32> to vector<16xf32>
        %mul3A_808 = vector.broadcast %squeeze3A_786 : f32 to vector<16xf32>
        %mul3A_809 = arith.mulf %get3A_807, %mul3A_808 : vector<16xf32>
        %swap3A_810 = arith.constant 1 : i32
        %swap3A_811 = arith.index_cast %swap3A_810 : i32 to index
        %swap3A_812 = arith.index_cast %add3A_784 : i32 to index
        %swap3A_813 = arith.constant 16 : index
        %swap3A_814 = tpu.vector_load %arg11[%swap3A_811, %swap3A_812, %swap3A_813] {strides = array<i32>} : memref<2x128x32xf32, #tpu.memory_space<vmem>>, vector<1x1x16xf32>,
        %swap3A_815 = vector.shape_cast %swap3A_814 : vector<1x1x16xf32> to vector<16xf32>
        %swap3A_816 = vector.shape_cast %mul3A_809 : vector<16xf32> to vector<1x1x16xf32>
        tpu.vector_store %arg11[%swap3A_811, %swap3A_812, %swap3A_813], %swap3A_816 {strides = array<i32>} : memref<2x128x32xf32, #tpu.memory_space<vmem>>, vector<1x1x16xf32>,
        %mul3A_817 = arith.constant 16 : i32
        %mul3A_818 = arith.muli %scan3A_666, %mul3A_817 : i32
        %add3A_819 = arith.constant 4 : i32
        %add3A_820 = arith.addi %mul3A_818, %add3A_819 : i32
        %slice3A_821 = vector.extract_strided_slice %get3A_672 {offsets = [4], sizes = [1], strides = [1]} : vector<16xf32> to vector<1xf32>
        %squeeze3A_822 = vector.extract %slice3A_821[0] : f32 from vector<1xf32>
        %get3A_823 = arith.constant 1 : i32
        %get3A_824 = arith.index_cast %get3A_823 : i32 to index
        %get3A_825 = arith.index_cast %add3A_820 : i32 to index
        %get3A_826 = arith.constant 0 : index
        %get3A_827 = tpu.vector_load %arg11[%get3A_824, %get3A_825, %get3A_826] {strides = array<i32>} : memref<2x128x32xf32, #tpu.memory_space<vmem>>, vector<1x1x16xf32>,
        %get3A_828 = vector.shape_cast %get3A_827 : vector<1x1x16xf32> to vector<16xf32>
        %mul3A_829 = vector.broadcast %squeeze3A_822 : f32 to vector<16xf32>
        %mul3A_830 = arith.mulf %get3A_828, %mul3A_829 : vector<16xf32>
        %swap3A_831 = arith.constant 1 : i32
        %swap3A_832 = arith.index_cast %swap3A_831 : i32 to index
        %swap3A_833 = arith.index_cast %add3A_820 : i32 to index
        %swap3A_834 = arith.constant 0 : index
        %swap3A_835 = tpu.vector_load %arg11[%swap3A_832, %swap3A_833, %swap3A_834] {strides = array<i32>} : memref<2x128x32xf32, #tpu.memory_space<vmem>>, vector<1x1x16xf32>,
        %swap3A_836 = vector.shape_cast %swap3A_835 : vector<1x1x16xf32> to vector<16xf32>
        %swap3A_837 = vector.shape_cast %mul3A_830 : vector<16xf32> to vector<1x1x16xf32>
        tpu.vector_store %arg11[%swap3A_832, %swap3A_833, %swap3A_834], %swap3A_837 {strides = array<i32>} : memref<2x128x32xf32, #tpu.memory_space<vmem>>, vector<1x1x16xf32>,
        %get3A_838 = arith.constant 1 : i32
        %get3A_839 = arith.index_cast %get3A_838 : i32 to index
        %get3A_840 = arith.index_cast %add3A_820 : i32 to index
        %get3A_841 = arith.constant 16 : index
        %get3A_842 = tpu.vector_load %arg11[%get3A_839, %get3A_840, %get3A_841] {strides = array<i32>} : memref<2x128x32xf32, #tpu.memory_space<vmem>>, vector<1x1x16xf32>,
        %get3A_843 = vector.shape_cast %get3A_842 : vector<1x1x16xf32> to vector<16xf32>
        %mul3A_844 = vector.broadcast %squeeze3A_822 : f32 to vector<16xf32>
        %mul3A_845 = arith.mulf %get3A_843, %mul3A_844 : vector<16xf32>
        %swap3A_846 = arith.constant 1 : i32
        %swap3A_847 = arith.index_cast %swap3A_846 : i32 to index
        %swap3A_848 = arith.index_cast %add3A_820 : i32 to index
        %swap3A_849 = arith.constant 16 : index
        %swap3A_850 = tpu.vector_load %arg11[%swap3A_847, %swap3A_848, %swap3A_849] {strides = array<i32>} : memref<2x128x32xf32, #tpu.memory_space<vmem>>, vector<1x1x16xf32>,
        %swap3A_851 = vector.shape_cast %swap3A_850 : vector<1x1x16xf32> to vector<16xf32>
        %swap3A_852 = vector.shape_cast %mul3A_845 : vector<16xf32> to vector<1x1x16xf32>
        tpu.vector_store %arg11[%swap3A_847, %swap3A_848, %swap3A_849], %swap3A_852 {strides = array<i32>} : memref<2x128x32xf32, #tpu.memory_space<vmem>>, vector<1x1x16xf32>,
        %mul3A_853 = arith.constant 16 : i32
        %mul3A_854 = arith.muli %scan3A_666, %mul3A_853 : i32
        %add3A_855 = arith.constant 5 : i32
        %add3A_856 = arith.addi %mul3A_854, %add3A_855 : i32
        %slice3A_857 = vector.extract_strided_slice %get3A_672 {offsets = [5], sizes = [1], strides = [1]} : vector<16xf32> to vector<1xf32>
        %squeeze3A_858 = vector.extract %slice3A_857[0] : f32 from vector<1xf32>
        %get3A_859 = arith.constant 1 : i32
        %get3A_860 = arith.index_cast %get3A_859 : i32 to index
        %get3A_861 = arith.index_cast %add3A_856 : i32 to index
        %get3A_862 = arith.constant 0 : index
        %get3A_863 = tpu.vector_load %arg11[%get3A_860, %get3A_861, %get3A_862] {strides = array<i32>} : memref<2x128x32xf32, #tpu.memory_space<vmem>>, vector<1x1x16xf32>,
        %get3A_864 = vector.shape_cast %get3A_863 : vector<1x1x16xf32> to vector<16xf32>
        %mul3A_865 = vector.broadcast %squeeze3A_858 : f32 to vector<16xf32>
        %mul3A_866 = arith.mulf %get3A_864, %mul3A_865 : vector<16xf32>
        %swap3A_867 = arith.constant 1 : i32
        %swap3A_868 = arith.index_cast %swap3A_867 : i32 to index
        %swap3A_869 = arith.index_cast %add3A_856 : i32 to index
        %swap3A_870 = arith.constant 0 : index
        %swap3A_871 = tpu.vector_load %arg11[%swap3A_868, %swap3A_869, %swap3A_870] {strides = array<i32>} : memref<2x128x32xf32, #tpu.memory_space<vmem>>, vector<1x1x16xf32>,
        %swap3A_872 = vector.shape_cast %swap3A_871 : vector<1x1x16xf32> to vector<16xf32>
        %swap3A_873 = vector.shape_cast %mul3A_866 : vector<16xf32> to vector<1x1x16xf32>
        tpu.vector_store %arg11[%swap3A_868, %swap3A_869, %swap3A_870], %swap3A_873 {strides = array<i32>} : memref<2x128x32xf32, #tpu.memory_space<vmem>>, vector<1x1x16xf32>,
        %get3A_874 = arith.constant 1 : i32
        %get3A_875 = arith.index_cast %get3A_874 : i32 to index
        %get3A_876 = arith.index_cast %add3A_856 : i32 to index
        %get3A_877 = arith.constant 16 : index
        %get3A_878 = tpu.vector_load %arg11[%get3A_875, %get3A_876, %get3A_877] {strides = array<i32>} : memref<2x128x32xf32, #tpu.memory_space<vmem>>, vector<1x1x16xf32>,
        %get3A_879 = vector.shape_cast %get3A_878 : vector<1x1x16xf32> to vector<16xf32>
        %mul3A_880 = vector.broadcast %squeeze3A_858 : f32 to vector<16xf32>
        %mul3A_881 = arith.mulf %get3A_879, %mul3A_880 : vector<16xf32>
        %swap3A_882 = arith.constant 1 : i32
        %swap3A_883 = arith.index_cast %swap3A_882 : i32 to index
        %swap3A_884 = arith.index_cast %add3A_856 : i32 to index
        %swap3A_885 = arith.constant 16 : index
        %swap3A_886 = tpu.vector_load %arg11[%swap3A_883, %swap3A_884, %swap3A_885] {strides = array<i32>} : memref<2x128x32xf32, #tpu.memory_space<vmem>>, vector<1x1x16xf32>,
        %swap3A_887 = vector.shape_cast %swap3A_886 : vector<1x1x16xf32> to vector<16xf32>
        %swap3A_888 = vector.shape_cast %mul3A_881 : vector<16xf32> to vector<1x1x16xf32>
        tpu.vector_store %arg11[%swap3A_883, %swap3A_884, %swap3A_885], %swap3A_888 {strides = array<i32>} : memref<2x128x32xf32, #tpu.memory_space<vmem>>, vector<1x1x16xf32>,
        %mul3A_889 = arith.constant 16 : i32
        %mul3A_890 = arith.muli %scan3A_666, %mul3A_889 : i32
        %add3A_891 = arith.constant 6 : i32
        %add3A_892 = arith.addi %mul3A_890, %add3A_891 : i32
        %slice3A_893 = vector.extract_strided_slice %get3A_672 {offsets = [6], sizes = [1], strides = [1]} : vector<16xf32> to vector<1xf32>
        %squeeze3A_894 = vector.extract %slice3A_893[0] : f32 from vector<1xf32>
        %get3A_895 = arith.constant 1 : i32
        %get3A_896 = arith.index_cast %get3A_895 : i32 to index
        %get3A_897 = arith.index_cast %add3A_892 : i32 to index
        %get3A_898 = arith.constant 0 : index
        %get3A_899 = tpu.vector_load %arg11[%get3A_896, %get3A_897, %get3A_898] {strides = array<i32>} : memref<2x128x32xf32, #tpu.memory_space<vmem>>, vector<1x1x16xf32>,
        %get3A_900 = vector.shape_cast %get3A_899 : vector<1x1x16xf32> to vector<16xf32>
        %mul3A_901 = vector.broadcast %squeeze3A_894 : f32 to vector<16xf32>
        %mul3A_902 = arith.mulf %get3A_900, %mul3A_901 : vector<16xf32>
        %swap3A_903 = arith.constant 1 : i32
        %swap3A_904 = arith.index_cast %swap3A_903 : i32 to index
        %swap3A_905 = arith.index_cast %add3A_892 : i32 to index
        %swap3A_906 = arith.constant 0 : index
        %swap3A_907 = tpu.vector_load %arg11[%swap3A_904, %swap3A_905, %swap3A_906] {strides = array<i32>} : memref<2x128x32xf32, #tpu.memory_space<vmem>>, vector<1x1x16xf32>,
        %swap3A_908 = vector.shape_cast %swap3A_907 : vector<1x1x16xf32> to vector<16xf32>
        %swap3A_909 = vector.shape_cast %mul3A_902 : vector<16xf32> to vector<1x1x16xf32>
        tpu.vector_store %arg11[%swap3A_904, %swap3A_905, %swap3A_906], %swap3A_909 {strides = array<i32>} : memref<2x128x32xf32, #tpu.memory_space<vmem>>, vector<1x1x16xf32>,
        %get3A_910 = arith.constant 1 : i32
        %get3A_911 = arith.index_cast %get3A_910 : i32 to index
        %get3A_912 = arith.index_cast %add3A_892 : i32 to index
        %get3A_913 = arith.constant 16 : index
        %get3A_914 = tpu.vector_load %arg11[%get3A_911, %get3A_912, %get3A_913] {strides = array<i32>} : memref<2x128x32xf32, #tpu.memory_space<vmem>>, vector<1x1x16xf32>,
        %get3A_915 = vector.shape_cast %get3A_914 : vector<1x1x16xf32> to vector<16xf32>
        %mul3A_916 = vector.broadcast %squeeze3A_894 : f32 to vector<16xf32>
        %mul3A_917 = arith.mulf %get3A_915, %mul3A_916 : vector<16xf32>
        %swap3A_918 = arith.constant 1 : i32
        %swap3A_919 = arith.index_cast %swap3A_918 : i32 to index
        %swap3A_920 = arith.index_cast %add3A_892 : i32 to index
        %swap3A_921 = arith.constant 16 : index
        %swap3A_922 = tpu.vector_load %arg11[%swap3A_919, %swap3A_920, %swap3A_921] {strides = array<i32>} : memref<2x128x32xf32, #tpu.memory_space<vmem>>, vector<1x1x16xf32>,
        %swap3A_923 = vector.shape_cast %swap3A_922 : vector<1x1x16xf32> to vector<16xf32>
        %swap3A_924 = vector.shape_cast %mul3A_917 : vector<16xf32> to vector<1x1x16xf32>
        tpu.vector_store %arg11[%swap3A_919, %swap3A_920, %swap3A_921], %swap3A_924 {strides = array<i32>} : memref<2x128x32xf32, #tpu.memory_space<vmem>>, vector<1x1x16xf32>,
        %mul3A_925 = arith.constant 16 : i32
        %mul3A_926 = arith.muli %scan3A_666, %mul3A_925 : i32
        %add3A_927 = arith.constant 7 : i32
        %add3A_928 = arith.addi %mul3A_926, %add3A_927 : i32
        %slice3A_929 = vector.extract_strided_slice %get3A_672 {offsets = [7], sizes = [1], strides = [1]} : vector<16xf32> to vector<1xf32>
        %squeeze3A_930 = vector.extract %slice3A_929[0] : f32 from vector<1xf32>
        %get3A_931 = arith.constant 1 : i32
        %get3A_932 = arith.index_cast %get3A_931 : i32 to index
        %get3A_933 = arith.index_cast %add3A_928 : i32 to index
        %get3A_934 = arith.constant 0 : index
        %get3A_935 = tpu.vector_load %arg11[%get3A_932, %get3A_933, %get3A_934] {strides = array<i32>} : memref<2x128x32xf32, #tpu.memory_space<vmem>>, vector<1x1x16xf32>,
        %get3A_936 = vector.shape_cast %get3A_935 : vector<1x1x16xf32> to vector<16xf32>
        %mul3A_937 = vector.broadcast %squeeze3A_930 : f32 to vector<16xf32>
        %mul3A_938 = arith.mulf %get3A_936, %mul3A_937 : vector<16xf32>
        %swap3A_939 = arith.constant 1 : i32
        %swap3A_940 = arith.index_cast %swap3A_939 : i32 to index
        %swap3A_941 = arith.index_cast %add3A_928 : i32 to index
        %swap3A_942 = arith.constant 0 : index
        %swap3A_943 = tpu.vector_load %arg11[%swap3A_940, %swap3A_941, %swap3A_942] {strides = array<i32>} : memref<2x128x32xf32, #tpu.memory_space<vmem>>, vector<1x1x16xf32>,
        %swap3A_944 = vector.shape_cast %swap3A_943 : vector<1x1x16xf32> to vector<16xf32>
        %swap3A_945 = vector.shape_cast %mul3A_938 : vector<16xf32> to vector<1x1x16xf32>
        tpu.vector_store %arg11[%swap3A_940, %swap3A_941, %swap3A_942], %swap3A_945 {strides = array<i32>} : memref<2x128x32xf32, #tpu.memory_space<vmem>>, vector<1x1x16xf32>,
        %get3A_946 = arith.constant 1 : i32
        %get3A_947 = arith.index_cast %get3A_946 : i32 to index
        %get3A_948 = arith.index_cast %add3A_928 : i32 to index
        %get3A_949 = arith.constant 16 : index
        %get3A_950 = tpu.vector_load %arg11[%get3A_947, %get3A_948, %get3A_949] {strides = array<i32>} : memref<2x128x32xf32, #tpu.memory_space<vmem>>, vector<1x1x16xf32>,
        %get3A_951 = vector.shape_cast %get3A_950 : vector<1x1x16xf32> to vector<16xf32>
        %mul3A_952 = vector.broadcast %squeeze3A_930 : f32 to vector<16xf32>
        %mul3A_953 = arith.mulf %get3A_951, %mul3A_952 : vector<16xf32>
        %swap3A_954 = arith.constant 1 : i32
        %swap3A_955 = arith.index_cast %swap3A_954 : i32 to index
        %swap3A_956 = arith.index_cast %add3A_928 : i32 to index
        %swap3A_957 = arith.constant 16 : index
        %swap3A_958 = tpu.vector_load %arg11[%swap3A_955, %swap3A_956, %swap3A_957] {strides = array<i32>} : memref<2x128x32xf32, #tpu.memory_space<vmem>>, vector<1x1x16xf32>,
        %swap3A_959 = vector.shape_cast %swap3A_958 : vector<1x1x16xf32> to vector<16xf32>
        %swap3A_960 = vector.shape_cast %mul3A_953 : vector<16xf32> to vector<1x1x16xf32>
        tpu.vector_store %arg11[%swap3A_955, %swap3A_956, %swap3A_957], %swap3A_960 {strides = array<i32>} : memref<2x128x32xf32, #tpu.memory_space<vmem>>, vector<1x1x16xf32>,
        %mul3A_961 = arith.constant 16 : i32
        %mul3A_962 = arith.muli %scan3A_666, %mul3A_961 : i32
        %add3A_963 = arith.constant 8 : i32
        %add3A_964 = arith.addi %mul3A_962, %add3A_963 : i32
        %slice3A_965 = vector.extract_strided_slice %get3A_672 {offsets = [8], sizes = [1], strides = [1]} : vector<16xf32> to vector<1xf32>
        %squeeze3A_966 = vector.extract %slice3A_965[0] : f32 from vector<1xf32>
        %get3A_967 = arith.constant 1 : i32
        %get3A_968 = arith.index_cast %get3A_967 : i32 to index
        %get3A_969 = arith.index_cast %add3A_964 : i32 to index
        %get3A_970 = arith.constant 0 : index
        %get3A_971 = tpu.vector_load %arg11[%get3A_968, %get3A_969, %get3A_970] {strides = array<i32>} : memref<2x128x32xf32, #tpu.memory_space<vmem>>, vector<1x1x16xf32>,
        %get3A_972 = vector.shape_cast %get3A_971 : vector<1x1x16xf32> to vector<16xf32>
        %mul3A_973 = vector.broadcast %squeeze3A_966 : f32 to vector<16xf32>
        %mul3A_974 = arith.mulf %get3A_972, %mul3A_973 : vector<16xf32>
        %swap3A_975 = arith.constant 1 : i32
        %swap3A_976 = arith.index_cast %swap3A_975 : i32 to index
        %swap3A_977 = arith.index_cast %add3A_964 : i32 to index
        %swap3A_978 = arith.constant 0 : index
        %swap3A_979 = tpu.vector_load %arg11[%swap3A_976, %swap3A_977, %swap3A_978] {strides = array<i32>} : memref<2x128x32xf32, #tpu.memory_space<vmem>>, vector<1x1x16xf32>,
        %swap3A_980 = vector.shape_cast %swap3A_979 : vector<1x1x16xf32> to vector<16xf32>
        %swap3A_981 = vector.shape_cast %mul3A_974 : vector<16xf32> to vector<1x1x16xf32>
        tpu.vector_store %arg11[%swap3A_976, %swap3A_977, %swap3A_978], %swap3A_981 {strides = array<i32>} : memref<2x128x32xf32, #tpu.memory_space<vmem>>, vector<1x1x16xf32>,
        %get3A_982 = arith.constant 1 : i32
        %get3A_983 = arith.index_cast %get3A_982 : i32 to index
        %get3A_984 = arith.index_cast %add3A_964 : i32 to index
        %get3A_985 = arith.constant 16 : index
        %get3A_986 = tpu.vector_load %arg11[%get3A_983, %get3A_984, %get3A_985] {strides = array<i32>} : memref<2x128x32xf32, #tpu.memory_space<vmem>>, vector<1x1x16xf32>,
        %get3A_987 = vector.shape_cast %get3A_986 : vector<1x1x16xf32> to vector<16xf32>
        %mul3A_988 = vector.broadcast %squeeze3A_966 : f32 to vector<16xf32>
        %mul3A_989 = arith.mulf %get3A_987, %mul3A_988 : vector<16xf32>
        %swap3A_990 = arith.constant 1 : i32
        %swap3A_991 = arith.index_cast %swap3A_990 : i32 to index
        %swap3A_992 = arith.index_cast %add3A_964 : i32 to index
        %swap3A_993 = arith.constant 16 : index
        %swap3A_994 = tpu.vector_load %arg11[%swap3A_991, %swap3A_992, %swap3A_993] {strides = array<i32>} : memref<2x128x32xf32, #tpu.memory_space<vmem>>, vector<1x1x16xf32>,
        %swap3A_995 = vector.shape_cast %swap3A_994 : vector<1x1x16xf32> to vector<16xf32>
        %swap3A_996 = vector.shape_cast %mul3A_989 : vector<16xf32> to vector<1x1x16xf32>
        tpu.vector_store %arg11[%swap3A_991, %swap3A_992, %swap3A_993], %swap3A_996 {strides = array<i32>} : memref<2x128x32xf32, #tpu.memory_space<vmem>>, vector<1x1x16xf32>,
        %mul3A_997 = arith.constant 16 : i32
        %mul3A_998 = arith.muli %scan3A_666, %mul3A_997 : i32
        %add3A_999 = arith.constant 9 : i32
        %add3A_1000 = arith.addi %mul3A_998, %add3A_999 : i32
        %slice3A_1001 = vector.extract_strided_slice %get3A_672 {offsets = [9], sizes = [1], strides = [1]} : vector<16xf32> to vector<1xf32>
        %squeeze3A_1002 = vector.extract %slice3A_1001[0] : f32 from vector<1xf32>
        %get3A_1003 = arith.constant 1 : i32
        %get3A_1004 = arith.index_cast %get3A_1003 : i32 to index
        %get3A_1005 = arith.index_cast %add3A_1000 : i32 to index
        %get3A_1006 = arith.constant 0 : index
        %get3A_1007 = tpu.vector_load %arg11[%get3A_1004, %get3A_1005, %get3A_1006] {strides = array<i32>} : memref<2x128x32xf32, #tpu.memory_space<vmem>>, vector<1x1x16xf32>,
        %get3A_1008 = vector.shape_cast %get3A_1007 : vector<1x1x16xf32> to vector<16xf32>
        %mul3A_1009 = vector.broadcast %squeeze3A_1002 : f32 to vector<16xf32>
        %mul3A_1010 = arith.mulf %get3A_1008, %mul3A_1009 : vector<16xf32>
        %swap3A_1011 = arith.constant 1 : i32
        %swap3A_1012 = arith.index_cast %swap3A_1011 : i32 to index
        %swap3A_1013 = arith.index_cast %add3A_1000 : i32 to index
        %swap3A_1014 = arith.constant 0 : index
        %swap3A_1015 = tpu.vector_load %arg11[%swap3A_1012, %swap3A_1013, %swap3A_1014] {strides = array<i32>} : memref<2x128x32xf32, #tpu.memory_space<vmem>>, vector<1x1x16xf32>,
        %swap3A_1016 = vector.shape_cast %swap3A_1015 : vector<1x1x16xf32> to vector<16xf32>
        %swap3A_1017 = vector.shape_cast %mul3A_1010 : vector<16xf32> to vector<1x1x16xf32>
        tpu.vector_store %arg11[%swap3A_1012, %swap3A_1013, %swap3A_1014], %swap3A_1017 {strides = array<i32>} : memref<2x128x32xf32, #tpu.memory_space<vmem>>, vector<1x1x16xf32>,
        %get3A_1018 = arith.constant 1 : i32
        %get3A_1019 = arith.index_cast %get3A_1018 : i32 to index
        %get3A_1020 = arith.index_cast %add3A_1000 : i32 to index
        %get3A_1021 = arith.constant 16 : index
        %get3A_1022 = tpu.vector_load %arg11[%get3A_1019, %get3A_1020, %get3A_1021] {strides = array<i32>} : memref<2x128x32xf32, #tpu.memory_space<vmem>>, vector<1x1x16xf32>,
        %get3A_1023 = vector.shape_cast %get3A_1022 : vector<1x1x16xf32> to vector<16xf32>
        %mul3A_1024 = vector.broadcast %squeeze3A_1002 : f32 to vector<16xf32>
        %mul3A_1025 = arith.mulf %get3A_1023, %mul3A_1024 : vector<16xf32>
        %swap3A_1026 = arith.constant 1 : i32
        %swap3A_1027 = arith.index_cast %swap3A_1026 : i32 to index
        %swap3A_1028 = arith.index_cast %add3A_1000 : i32 to index
        %swap3A_1029 = arith.constant 16 : index
        %swap3A_1030 = tpu.vector_load %arg11[%swap3A_1027, %swap3A_1028, %swap3A_1029] {strides = array<i32>} : memref<2x128x32xf32, #tpu.memory_space<vmem>>, vector<1x1x16xf32>,
        %swap3A_1031 = vector.shape_cast %swap3A_1030 : vector<1x1x16xf32> to vector<16xf32>
        %swap3A_1032 = vector.shape_cast %mul3A_1025 : vector<16xf32> to vector<1x1x16xf32>
        tpu.vector_store %arg11[%swap3A_1027, %swap3A_1028, %swap3A_1029], %swap3A_1032 {strides = array<i32>} : memref<2x128x32xf32, #tpu.memory_space<vmem>>, vector<1x1x16xf32>,
        %mul3A_1033 = arith.constant 16 : i32
        %mul3A_1034 = arith.muli %scan3A_666, %mul3A_1033 : i32
        %add3A_1035 = arith.constant 10 : i32
        %add3A_1036 = arith.addi %mul3A_1034, %add3A_1035 : i32
        %slice3A_1037 = vector.extract_strided_slice %get3A_672 {offsets = [10], sizes = [1], strides = [1]} : vector<16xf32> to vector<1xf32>
        %squeeze3A_1038 = vector.extract %slice3A_1037[0] : f32 from vector<1xf32>
        %get3A_1039 = arith.constant 1 : i32
        %get3A_1040 = arith.index_cast %get3A_1039 : i32 to index
        %get3A_1041 = arith.index_cast %add3A_1036 : i32 to index
        %get3A_1042 = arith.constant 0 : index
        %get3A_1043 = tpu.vector_load %arg11[%get3A_1040, %get3A_1041, %get3A_1042] {strides = array<i32>} : memref<2x128x32xf32, #tpu.memory_space<vmem>>, vector<1x1x16xf32>,
        %get3A_1044 = vector.shape_cast %get3A_1043 : vector<1x1x16xf32> to vector<16xf32>
        %mul3A_1045 = vector.broadcast %squeeze3A_1038 : f32 to vector<16xf32>
        %mul3A_1046 = arith.mulf %get3A_1044, %mul3A_1045 : vector<16xf32>
        %swap3A_1047 = arith.constant 1 : i32
        %swap3A_1048 = arith.index_cast %swap3A_1047 : i32 to index
        %swap3A_1049 = arith.index_cast %add3A_1036 : i32 to index
        %swap3A_1050 = arith.constant 0 : index
        %swap3A_1051 = tpu.vector_load %arg11[%swap3A_1048, %swap3A_1049, %swap3A_1050] {strides = array<i32>} : memref<2x128x32xf32, #tpu.memory_space<vmem>>, vector<1x1x16xf32>,
        %swap3A_1052 = vector.shape_cast %swap3A_1051 : vector<1x1x16xf32> to vector<16xf32>
        %swap3A_1053 = vector.shape_cast %mul3A_1046 : vector<16xf32> to vector<1x1x16xf32>
        tpu.vector_store %arg11[%swap3A_1048, %swap3A_1049, %swap3A_1050], %swap3A_1053 {strides = array<i32>} : memref<2x128x32xf32, #tpu.memory_space<vmem>>, vector<1x1x16xf32>,
        %get3A_1054 = arith.constant 1 : i32
        %get3A_1055 = arith.index_cast %get3A_1054 : i32 to index
        %get3A_1056 = arith.index_cast %add3A_1036 : i32 to index
        %get3A_1057 = arith.constant 16 : index
        %get3A_1058 = tpu.vector_load %arg11[%get3A_1055, %get3A_1056, %get3A_1057] {strides = array<i32>} : memref<2x128x32xf32, #tpu.memory_space<vmem>>, vector<1x1x16xf32>,
        %get3A_1059 = vector.shape_cast %get3A_1058 : vector<1x1x16xf32> to vector<16xf32>
        %mul3A_1060 = vector.broadcast %squeeze3A_1038 : f32 to vector<16xf32>
        %mul3A_1061 = arith.mulf %get3A_1059, %mul3A_1060 : vector<16xf32>
        %swap3A_1062 = arith.constant 1 : i32
        %swap3A_1063 = arith.index_cast %swap3A_1062 : i32 to index
        %swap3A_1064 = arith.index_cast %add3A_1036 : i32 to index
        %swap3A_1065 = arith.constant 16 : index
        %swap3A_1066 = tpu.vector_load %arg11[%swap3A_1063, %swap3A_1064, %swap3A_1065] {strides = array<i32>} : memref<2x128x32xf32, #tpu.memory_space<vmem>>, vector<1x1x16xf32>,
        %swap3A_1067 = vector.shape_cast %swap3A_1066 : vector<1x1x16xf32> to vector<16xf32>
        %swap3A_1068 = vector.shape_cast %mul3A_1061 : vector<16xf32> to vector<1x1x16xf32>
        tpu.vector_store %arg11[%swap3A_1063, %swap3A_1064, %swap3A_1065], %swap3A_1068 {strides = array<i32>} : memref<2x128x32xf32, #tpu.memory_space<vmem>>, vector<1x1x16xf32>,
        %mul3A_1069 = arith.constant 16 : i32
        %mul3A_1070 = arith.muli %scan3A_666, %mul3A_1069 : i32
        %add3A_1071 = arith.constant 11 : i32
        %add3A_1072 = arith.addi %mul3A_1070, %add3A_1071 : i32
        %slice3A_1073 = vector.extract_strided_slice %get3A_672 {offsets = [11], sizes = [1], strides = [1]} : vector<16xf32> to vector<1xf32>
        %squeeze3A_1074 = vector.extract %slice3A_1073[0] : f32 from vector<1xf32>
        %get3A_1075 = arith.constant 1 : i32
        %get3A_1076 = arith.index_cast %get3A_1075 : i32 to index
        %get3A_1077 = arith.index_cast %add3A_1072 : i32 to index
        %get3A_1078 = arith.constant 0 : index
        %get3A_1079 = tpu.vector_load %arg11[%get3A_1076, %get3A_1077, %get3A_1078] {strides = array<i32>} : memref<2x128x32xf32, #tpu.memory_space<vmem>>, vector<1x1x16xf32>,
        %get3A_1080 = vector.shape_cast %get3A_1079 : vector<1x1x16xf32> to vector<16xf32>
        %mul3A_1081 = vector.broadcast %squeeze3A_1074 : f32 to vector<16xf32>
        %mul3A_1082 = arith.mulf %get3A_1080, %mul3A_1081 : vector<16xf32>
        %swap3A_1083 = arith.constant 1 : i32
        %swap3A_1084 = arith.index_cast %swap3A_1083 : i32 to index
        %swap3A_1085 = arith.index_cast %add3A_1072 : i32 to index
        %swap3A_1086 = arith.constant 0 : index
        %swap3A_1087 = tpu.vector_load %arg11[%swap3A_1084, %swap3A_1085, %swap3A_1086] {strides = array<i32>} : memref<2x128x32xf32, #tpu.memory_space<vmem>>, vector<1x1x16xf32>,
        %swap3A_1088 = vector.shape_cast %swap3A_1087 : vector<1x1x16xf32> to vector<16xf32>
        %swap3A_1089 = vector.shape_cast %mul3A_1082 : vector<16xf32> to vector<1x1x16xf32>
        tpu.vector_store %arg11[%swap3A_1084, %swap3A_1085, %swap3A_1086], %swap3A_1089 {strides = array<i32>} : memref<2x128x32xf32, #tpu.memory_space<vmem>>, vector<1x1x16xf32>,
        %get3A_1090 = arith.constant 1 : i32
        %get3A_1091 = arith.index_cast %get3A_1090 : i32 to index
        %get3A_1092 = arith.index_cast %add3A_1072 : i32 to index
        %get3A_1093 = arith.constant 16 : index
        %get3A_1094 = tpu.vector_load %arg11[%get3A_1091, %get3A_1092, %get3A_1093] {strides = array<i32>} : memref<2x128x32xf32, #tpu.memory_space<vmem>>, vector<1x1x16xf32>,
        %get3A_1095 = vector.shape_cast %get3A_1094 : vector<1x1x16xf32> to vector<16xf32>
        %mul3A_1096 = vector.broadcast %squeeze3A_1074 : f32 to vector<16xf32>
        %mul3A_1097 = arith.mulf %get3A_1095, %mul3A_1096 : vector<16xf32>
        %swap3A_1098 = arith.constant 1 : i32
        %swap3A_1099 = arith.index_cast %swap3A_1098 : i32 to index
        %swap3A_1100 = arith.index_cast %add3A_1072 : i32 to index
        %swap3A_1101 = arith.constant 16 : index
        %swap3A_1102 = tpu.vector_load %arg11[%swap3A_1099, %swap3A_1100, %swap3A_1101] {strides = array<i32>} : memref<2x128x32xf32, #tpu.memory_space<vmem>>, vector<1x1x16xf32>,
        %swap3A_1103 = vector.shape_cast %swap3A_1102 : vector<1x1x16xf32> to vector<16xf32>
        %swap3A_1104 = vector.shape_cast %mul3A_1097 : vector<16xf32> to vector<1x1x16xf32>
        tpu.vector_store %arg11[%swap3A_1099, %swap3A_1100, %swap3A_1101], %swap3A_1104 {strides = array<i32>} : memref<2x128x32xf32, #tpu.memory_space<vmem>>, vector<1x1x16xf32>,
        %mul3A_1105 = arith.constant 16 : i32
        %mul3A_1106 = arith.muli %scan3A_666, %mul3A_1105 : i32
        %add3A_1107 = arith.constant 12 : i32
        %add3A_1108 = arith.addi %mul3A_1106, %add3A_1107 : i32
        %slice3A_1109 = vector.extract_strided_slice %get3A_672 {offsets = [12], sizes = [1], strides = [1]} : vector<16xf32> to vector<1xf32>
        %squeeze3A_1110 = vector.extract %slice3A_1109[0] : f32 from vector<1xf32>
        %get3A_1111 = arith.constant 1 : i32
        %get3A_1112 = arith.index_cast %get3A_1111 : i32 to index
        %get3A_1113 = arith.index_cast %add3A_1108 : i32 to index
        %get3A_1114 = arith.constant 0 : index
        %get3A_1115 = tpu.vector_load %arg11[%get3A_1112, %get3A_1113, %get3A_1114] {strides = array<i32>} : memref<2x128x32xf32, #tpu.memory_space<vmem>>, vector<1x1x16xf32>,
        %get3A_1116 = vector.shape_cast %get3A_1115 : vector<1x1x16xf32> to vector<16xf32>
        %mul3A_1117 = vector.broadcast %squeeze3A_1110 : f32 to vector<16xf32>
        %mul3A_1118 = arith.mulf %get3A_1116, %mul3A_1117 : vector<16xf32>
        %swap3A_1119 = arith.constant 1 : i32
        %swap3A_1120 = arith.index_cast %swap3A_1119 : i32 to index
        %swap3A_1121 = arith.index_cast %add3A_1108 : i32 to index
        %swap3A_1122 = arith.constant 0 : index
        %swap3A_1123 = tpu.vector_load %arg11[%swap3A_1120, %swap3A_1121, %swap3A_1122] {strides = array<i32>} : memref<2x128x32xf32, #tpu.memory_space<vmem>>, vector<1x1x16xf32>,
        %swap3A_1124 = vector.shape_cast %swap3A_1123 : vector<1x1x16xf32> to vector<16xf32>
        %swap3A_1125 = vector.shape_cast %mul3A_1118 : vector<16xf32> to vector<1x1x16xf32>
        tpu.vector_store %arg11[%swap3A_1120, %swap3A_1121, %swap3A_1122], %swap3A_1125 {strides = array<i32>} : memref<2x128x32xf32, #tpu.memory_space<vmem>>, vector<1x1x16xf32>,
        %get3A_1126 = arith.constant 1 : i32
        %get3A_1127 = arith.index_cast %get3A_1126 : i32 to index
        %get3A_1128 = arith.index_cast %add3A_1108 : i32 to index
        %get3A_1129 = arith.constant 16 : index
        %get3A_1130 = tpu.vector_load %arg11[%get3A_1127, %get3A_1128, %get3A_1129] {strides = array<i32>} : memref<2x128x32xf32, #tpu.memory_space<vmem>>, vector<1x1x16xf32>,
        %get3A_1131 = vector.shape_cast %get3A_1130 : vector<1x1x16xf32> to vector<16xf32>
        %mul3A_1132 = vector.broadcast %squeeze3A_1110 : f32 to vector<16xf32>
        %mul3A_1133 = arith.mulf %get3A_1131, %mul3A_1132 : vector<16xf32>
        %swap3A_1134 = arith.constant 1 : i32
        %swap3A_1135 = arith.index_cast %swap3A_1134 : i32 to index
        %swap3A_1136 = arith.index_cast %add3A_1108 : i32 to index
        %swap3A_1137 = arith.constant 16 : index
        %swap3A_1138 = tpu.vector_load %arg11[%swap3A_1135, %swap3A_1136, %swap3A_1137] {strides = array<i32>} : memref<2x128x32xf32, #tpu.memory_space<vmem>>, vector<1x1x16xf32>,
        %swap3A_1139 = vector.shape_cast %swap3A_1138 : vector<1x1x16xf32> to vector<16xf32>
        %swap3A_1140 = vector.shape_cast %mul3A_1133 : vector<16xf32> to vector<1x1x16xf32>
        tpu.vector_store %arg11[%swap3A_1135, %swap3A_1136, %swap3A_1137], %swap3A_1140 {strides = array<i32>} : memref<2x128x32xf32, #tpu.memory_space<vmem>>, vector<1x1x16xf32>,
        %mul3A_1141 = arith.constant 16 : i32
        %mul3A_1142 = arith.muli %scan3A_666, %mul3A_1141 : i32
        %add3A_1143 = arith.constant 13 : i32
        %add3A_1144 = arith.addi %mul3A_1142, %add3A_1143 : i32
        %slice3A_1145 = vector.extract_strided_slice %get3A_672 {offsets = [13], sizes = [1], strides = [1]} : vector<16xf32> to vector<1xf32>
        %squeeze3A_1146 = vector.extract %slice3A_1145[0] : f32 from vector<1xf32>
        %get3A_1147 = arith.constant 1 : i32
        %get3A_1148 = arith.index_cast %get3A_1147 : i32 to index
        %get3A_1149 = arith.index_cast %add3A_1144 : i32 to index
        %get3A_1150 = arith.constant 0 : index
        %get3A_1151 = tpu.vector_load %arg11[%get3A_1148, %get3A_1149, %get3A_1150] {strides = array<i32>} : memref<2x128x32xf32, #tpu.memory_space<vmem>>, vector<1x1x16xf32>,
        %get3A_1152 = vector.shape_cast %get3A_1151 : vector<1x1x16xf32> to vector<16xf32>
        %mul3A_1153 = vector.broadcast %squeeze3A_1146 : f32 to vector<16xf32>
        %mul3A_1154 = arith.mulf %get3A_1152, %mul3A_1153 : vector<16xf32>
        %swap3A_1155 = arith.constant 1 : i32
        %swap3A_1156 = arith.index_cast %swap3A_1155 : i32 to index
        %swap3A_1157 = arith.index_cast %add3A_1144 : i32 to index
        %swap3A_1158 = arith.constant 0 : index
        %swap3A_1159 = tpu.vector_load %arg11[%swap3A_1156, %swap3A_1157, %swap3A_1158] {strides = array<i32>} : memref<2x128x32xf32, #tpu.memory_space<vmem>>, vector<1x1x16xf32>,
        %swap3A_1160 = vector.shape_cast %swap3A_1159 : vector<1x1x16xf32> to vector<16xf32>
        %swap3A_1161 = vector.shape_cast %mul3A_1154 : vector<16xf32> to vector<1x1x16xf32>
        tpu.vector_store %arg11[%swap3A_1156, %swap3A_1157, %swap3A_1158], %swap3A_1161 {strides = array<i32>} : memref<2x128x32xf32, #tpu.memory_space<vmem>>, vector<1x1x16xf32>,
        %get3A_1162 = arith.constant 1 : i32
        %get3A_1163 = arith.index_cast %get3A_1162 : i32 to index
        %get3A_1164 = arith.index_cast %add3A_1144 : i32 to index
        %get3A_1165 = arith.constant 16 : index
        %get3A_1166 = tpu.vector_load %arg11[%get3A_1163, %get3A_1164, %get3A_1165] {strides = array<i32>} : memref<2x128x32xf32, #tpu.memory_space<vmem>>, vector<1x1x16xf32>,
        %get3A_1167 = vector.shape_cast %get3A_1166 : vector<1x1x16xf32> to vector<16xf32>
        %mul3A_1168 = vector.broadcast %squeeze3A_1146 : f32 to vector<16xf32>
        %mul3A_1169 = arith.mulf %get3A_1167, %mul3A_1168 : vector<16xf32>
        %swap3A_1170 = arith.constant 1 : i32
        %swap3A_1171 = arith.index_cast %swap3A_1170 : i32 to index
        %swap3A_1172 = arith.index_cast %add3A_1144 : i32 to index
        %swap3A_1173 = arith.constant 16 : index
        %swap3A_1174 = tpu.vector_load %arg11[%swap3A_1171, %swap3A_1172, %swap3A_1173] {strides = array<i32>} : memref<2x128x32xf32, #tpu.memory_space<vmem>>, vector<1x1x16xf32>,
        %swap3A_1175 = vector.shape_cast %swap3A_1174 : vector<1x1x16xf32> to vector<16xf32>
        %swap3A_1176 = vector.shape_cast %mul3A_1169 : vector<16xf32> to vector<1x1x16xf32>
        tpu.vector_store %arg11[%swap3A_1171, %swap3A_1172, %swap3A_1173], %swap3A_1176 {strides = array<i32>} : memref<2x128x32xf32, #tpu.memory_space<vmem>>, vector<1x1x16xf32>,
        %mul3A_1177 = arith.constant 16 : i32
        %mul3A_1178 = arith.muli %scan3A_666, %mul3A_1177 : i32
        %add3A_1179 = arith.constant 14 : i32
        %add3A_1180 = arith.addi %mul3A_1178, %add3A_1179 : i32
        %slice3A_1181 = vector.extract_strided_slice %get3A_672 {offsets = [14], sizes = [1], strides = [1]} : vector<16xf32> to vector<1xf32>
        %squeeze3A_1182 = vector.extract %slice3A_1181[0] : f32 from vector<1xf32>
        %get3A_1183 = arith.constant 1 : i32
        %get3A_1184 = arith.index_cast %get3A_1183 : i32 to index
        %get3A_1185 = arith.index_cast %add3A_1180 : i32 to index
        %get3A_1186 = arith.constant 0 : index
        %get3A_1187 = tpu.vector_load %arg11[%get3A_1184, %get3A_1185, %get3A_1186] {strides = array<i32>} : memref<2x128x32xf32, #tpu.memory_space<vmem>>, vector<1x1x16xf32>,
        %get3A_1188 = vector.shape_cast %get3A_1187 : vector<1x1x16xf32> to vector<16xf32>
        %mul3A_1189 = vector.broadcast %squeeze3A_1182 : f32 to vector<16xf32>
        %mul3A_1190 = arith.mulf %get3A_1188, %mul3A_1189 : vector<16xf32>
        %swap3A_1191 = arith.constant 1 : i32
        %swap3A_1192 = arith.index_cast %swap3A_1191 : i32 to index
        %swap3A_1193 = arith.index_cast %add3A_1180 : i32 to index
        %swap3A_1194 = arith.constant 0 : index
        %swap3A_1195 = tpu.vector_load %arg11[%swap3A_1192, %swap3A_1193, %swap3A_1194] {strides = array<i32>} : memref<2x128x32xf32, #tpu.memory_space<vmem>>, vector<1x1x16xf32>,
        %swap3A_1196 = vector.shape_cast %swap3A_1195 : vector<1x1x16xf32> to vector<16xf32>
        %swap3A_1197 = vector.shape_cast %mul3A_1190 : vector<16xf32> to vector<1x1x16xf32>
        tpu.vector_store %arg11[%swap3A_1192, %swap3A_1193, %swap3A_1194], %swap3A_1197 {strides = array<i32>} : memref<2x128x32xf32, #tpu.memory_space<vmem>>, vector<1x1x16xf32>,
        %get3A_1198 = arith.constant 1 : i32
        %get3A_1199 = arith.index_cast %get3A_1198 : i32 to index
        %get3A_1200 = arith.index_cast %add3A_1180 : i32 to index
        %get3A_1201 = arith.constant 16 : index
        %get3A_1202 = tpu.vector_load %arg11[%get3A_1199, %get3A_1200, %get3A_1201] {strides = array<i32>} : memref<2x128x32xf32, #tpu.memory_space<vmem>>, vector<1x1x16xf32>,
        %get3A_1203 = vector.shape_cast %get3A_1202 : vector<1x1x16xf32> to vector<16xf32>
        %mul3A_1204 = vector.broadcast %squeeze3A_1182 : f32 to vector<16xf32>
        %mul3A_1205 = arith.mulf %get3A_1203, %mul3A_1204 : vector<16xf32>
        %swap3A_1206 = arith.constant 1 : i32
        %swap3A_1207 = arith.index_cast %swap3A_1206 : i32 to index
        %swap3A_1208 = arith.index_cast %add3A_1180 : i32 to index
        %swap3A_1209 = arith.constant 16 : index
        %swap3A_1210 = tpu.vector_load %arg11[%swap3A_1207, %swap3A_1208, %swap3A_1209] {strides = array<i32>} : memref<2x128x32xf32, #tpu.memory_space<vmem>>, vector<1x1x16xf32>,
        %swap3A_1211 = vector.shape_cast %swap3A_1210 : vector<1x1x16xf32> to vector<16xf32>
        %swap3A_1212 = vector.shape_cast %mul3A_1205 : vector<16xf32> to vector<1x1x16xf32>
        tpu.vector_store %arg11[%swap3A_1207, %swap3A_1208, %swap3A_1209], %swap3A_1212 {strides = array<i32>} : memref<2x128x32xf32, #tpu.memory_space<vmem>>, vector<1x1x16xf32>,
        %mul3A_1213 = arith.constant 16 : i32
        %mul3A_1214 = arith.muli %scan3A_666, %mul3A_1213 : i32
        %add3A_1215 = arith.constant 15 : i32
        %add3A_1216 = arith.addi %mul3A_1214, %add3A_1215 : i32
        %slice3A_1217 = vector.extract_strided_slice %get3A_672 {offsets = [15], sizes = [1], strides = [1]} : vector<16xf32> to vector<1xf32>
        %squeeze3A_1218 = vector.extract %slice3A_1217[0] : f32 from vector<1xf32>
        %get3A_1219 = arith.constant 1 : i32
        %get3A_1220 = arith.index_cast %get3A_1219 : i32 to index
        %get3A_1221 = arith.index_cast %add3A_1216 : i32 to index
        %get3A_1222 = arith.constant 0 : index
        %get3A_1223 = tpu.vector_load %arg11[%get3A_1220, %get3A_1221, %get3A_1222] {strides = array<i32>} : memref<2x128x32xf32, #tpu.memory_space<vmem>>, vector<1x1x16xf32>,
        %get3A_1224 = vector.shape_cast %get3A_1223 : vector<1x1x16xf32> to vector<16xf32>
        %mul3A_1225 = vector.broadcast %squeeze3A_1218 : f32 to vector<16xf32>
        %mul3A_1226 = arith.mulf %get3A_1224, %mul3A_1225 : vector<16xf32>
        %swap3A_1227 = arith.constant 1 : i32
        %swap3A_1228 = arith.index_cast %swap3A_1227 : i32 to index
        %swap3A_1229 = arith.index_cast %add3A_1216 : i32 to index
        %swap3A_1230 = arith.constant 0 : index
        %swap3A_1231 = tpu.vector_load %arg11[%swap3A_1228, %swap3A_1229, %swap3A_1230] {strides = array<i32>} : memref<2x128x32xf32, #tpu.memory_space<vmem>>, vector<1x1x16xf32>,
        %swap3A_1232 = vector.shape_cast %swap3A_1231 : vector<1x1x16xf32> to vector<16xf32>
        %swap3A_1233 = vector.shape_cast %mul3A_1226 : vector<16xf32> to vector<1x1x16xf32>
        tpu.vector_store %arg11[%swap3A_1228, %swap3A_1229, %swap3A_1230], %swap3A_1233 {strides = array<i32>} : memref<2x128x32xf32, #tpu.memory_space<vmem>>, vector<1x1x16xf32>,
        %get3A_1234 = arith.constant 1 : i32
        %get3A_1235 = arith.index_cast %get3A_1234 : i32 to index
        %get3A_1236 = arith.index_cast %add3A_1216 : i32 to index
        %get3A_1237 = arith.constant 16 : index
        %get3A_1238 = tpu.vector_load %arg11[%get3A_1235, %get3A_1236, %get3A_1237] {strides = array<i32>} : memref<2x128x32xf32, #tpu.memory_space<vmem>>, vector<1x1x16xf32>,
        %get3A_1239 = vector.shape_cast %get3A_1238 : vector<1x1x16xf32> to vector<16xf32>
        %mul3A_1240 = vector.broadcast %squeeze3A_1218 : f32 to vector<16xf32>
        %mul3A_1241 = arith.mulf %get3A_1239, %mul3A_1240 : vector<16xf32>
        %swap3A_1242 = arith.constant 1 : i32
        %swap3A_1243 = arith.index_cast %swap3A_1242 : i32 to index
        %swap3A_1244 = arith.index_cast %add3A_1216 : i32 to index
        %swap3A_1245 = arith.constant 16 : index
        %swap3A_1246 = tpu.vector_load %arg11[%swap3A_1243, %swap3A_1244, %swap3A_1245] {strides = array<i32>} : memref<2x128x32xf32, #tpu.memory_space<vmem>>, vector<1x1x16xf32>,
        %swap3A_1247 = vector.shape_cast %swap3A_1246 : vector<1x1x16xf32> to vector<16xf32>
        %swap3A_1248 = vector.shape_cast %mul3A_1241 : vector<16xf32> to vector<1x1x16xf32>
        tpu.vector_store %arg11[%swap3A_1243, %swap3A_1244, %swap3A_1245], %swap3A_1248 {strides = array<i32>} : memref<2x128x32xf32, #tpu.memory_space<vmem>>, vector<1x1x16xf32>,
      }
      %scan3A_82 = arith.constant 8 : i32
      %add3A_83 = arith.constant 1 : i32
      %add3A_84 = arith.addi %mul3A_28, %add3A_83 : i32
      %run_scoped3A_85 = arith.constant 1 : i32
      "tpu.region"() ({
        %run_scoped3A_86 = tpu.sem_alloc : memref<!tpu.dma_semaphore, #tpu.memory_space<semaphore_mem>>
        %dma_start3A_87 = arith.constant 0 : i32
        %dma_start3A_88 = arith.constant 0 : i32
        %dma_start3A_89 = tpu.memref_slice %arg11[%run_scoped3A_85, %dma_start3A_87, %dma_start3A_88] : memref<2x128x32xf32, #tpu.memory_space<vmem>> -> memref<1x128x32xf32, #tpu.memory_space<vmem>>
        %dma_start3A_90 = tpu.memref_squeeze %dma_start3A_89 : memref<1x128x32xf32, #tpu.memory_space<vmem>> -> memref<128x32xf32, #tpu.memory_space<vmem>>
        %dma_start3A_91 = arith.constant 0 : i32
        %dma_start3A_92 = tpu.memref_slice %arg9[%add3A_84, %dma_start3A_91] : memref<82x128xi32, #tpu.memory_space<vmem>> -> memref<1x128xi32, #tpu.memory_space<vmem>>
        %dma_start3A_93 = tpu.memref_squeeze %dma_start3A_92 : memref<1x128xi32, #tpu.memory_space<vmem>> -> memref<128xi32, #tpu.memory_space<vmem>>
        %dma_start3A_94 = arith.constant 0 : i32
        %dma_start3A_95 = arith.constant 0 : i32
        %dma_start3A_96 = tpu.memref_slice %arg13[%dma_start3A_94, %dma_start3A_95] : memref<10240x32xf32, #tpu.memory_space<vmem_shared>> -> memref<10240x32xf32, #tpu.memory_space<vmem_shared>>
        tpu.enqueue_indirect_dma source(%dma_start3A_90 : memref<128x32xf32, #tpu.memory_space<vmem>>) target(%dma_start3A_96 : memref<10240x32xf32, #tpu.memory_space<vmem_shared>>) offsets(%dma_start3A_93 : memref<128xi32, #tpu.memory_space<vmem>>) semaphore(%run_scoped3A_86 : memref<!tpu.dma_semaphore, #tpu.memory_space<semaphore_mem>>) {add = true}
        %dma_wait3A_97 = arith.constant 0 : i32
        %dma_wait3A_98 = arith.constant 0 : i32
        %dma_wait3A_99 = tpu.memref_slice %arg11[%run_scoped3A_85, %dma_wait3A_97, %dma_wait3A_98] : memref<2x128x32xf32, #tpu.memory_space<vmem>> -> memref<1x128x32xf32, #tpu.memory_space<vmem>>
        %dma_wait3A_100 = tpu.memref_squeeze %dma_wait3A_99 : memref<1x128x32xf32, #tpu.memory_space<vmem>> -> memref<128x32xf32, #tpu.memory_space<vmem>>
        %dma_wait3A_101 = arith.constant 0 : i32
        %dma_wait3A_102 = tpu.memref_slice %arg9[%add3A_84, %dma_wait3A_101] : memref<82x128xi32, #tpu.memory_space<vmem>> -> memref<1x128xi32, #tpu.memory_space<vmem>>
        %dma_wait3A_103 = tpu.memref_squeeze %dma_wait3A_102 : memref<1x128xi32, #tpu.memory_space<vmem>> -> memref<128xi32, #tpu.memory_space<vmem>>
        %dma_wait3A_104 = arith.constant 0 : i32
        %dma_wait3A_105 = arith.constant 0 : i32
        %dma_wait3A_106 = tpu.memref_slice %arg13[%dma_wait3A_104, %dma_wait3A_105] : memref<10240x32xf32, #tpu.memory_space<vmem_shared>> -> memref<10240x32xf32, #tpu.memory_space<vmem_shared>>
        tpu.wait_indirect_dma semaphore(%run_scoped3A_86 : memref<!tpu.dma_semaphore, #tpu.memory_space<semaphore_mem>>) src(%dma_wait3A_100 : memref<128x32xf32, #tpu.memory_space<vmem>>) dst(%dma_wait3A_106 : memref<10240x32xf32, #tpu.memory_space<vmem_shared>>)
        tpu.yield
      }) : () -> ()
    }
    %scan3A_18 = arith.constant 41 : i32
    %barrier3A_19 = arith.constant 0 : index
    tpu.barrier barrier_id(%barrier3A_19)
    %scan3A_20 = arith.constant 0 : i32
    %scan3A_21 = arith.constant 0 : i32
    %scan3A_22 = arith.constant 5 : i32
    %scan3A_23 = arith.addi %scan3A_21, %scan3A_22 : i32
    %scan3A_24 = arith.constant 1 : i32
    scf.for %scan3A_26 = %scan3A_21 to %scan3A_23 step %scan3A_24  : i32 {
      %mul3A_27 = arith.constant 640 : i32
      %mul3A_28 = arith.muli %arg1, %mul3A_27 : i32
      %mul3A_29 = arith.constant 128 : i32
      %mul3A_30 = arith.muli %scan3A_26, %mul3A_29 : i32
      %add3A_31 = arith.addi %mul3A_28, %mul3A_30 : i32
      "tpu.region"() ({
        %run_scoped3A = tpu.sem_alloc : memref<!tpu.dma_semaphore, #tpu.memory_space<semaphore_mem>>
        %dma_start3A_32 = arith.constant 0 : i32
        %dma_start3A_33 = tpu.memref_slice %arg13[%add3A_31, %dma_start3A_32] : memref<10240x32xf32, #tpu.memory_space<vmem_shared>> -> memref<128x32xf32, #tpu.memory_space<vmem_shared>>
        %dma_start3A_34 = arith.constant 0 : i32
        %dma_start3A_35 = tpu.memref_slice %arg13[%add3A_31, %dma_start3A_34] : memref<10240x32xf32, #tpu.memory_space<vmem_shared>> -> memref<128x32xf32, #tpu.memory_space<vmem_shared>>
        tpu.enqueue_dma source(%dma_start3A_35 : memref<128x32xf32, #tpu.memory_space<vmem_shared>>) target(%arg12 : memref<128x32xf32, #tpu.memory_space<vmem>>) target_semaphore(%run_scoped3A : memref<!tpu.dma_semaphore, #tpu.memory_space<semaphore_mem>>)
        %dma_wait3A = arith.constant 0 : i32
        %dma_wait3A_36 = tpu.memref_slice %arg13[%add3A_31, %dma_wait3A] : memref<10240x32xf32, #tpu.memory_space<vmem_shared>> -> memref<128x32xf32, #tpu.memory_space<vmem_shared>>
        %dma_wait3A_37 = arith.constant 0 : i32
        %dma_wait3A_38 = tpu.memref_slice %arg13[%add3A_31, %dma_wait3A_37] : memref<10240x32xf32, #tpu.memory_space<vmem_shared>> -> memref<128x32xf32, #tpu.memory_space<vmem_shared>>
        tpu.wait_dma2 semaphore(%run_scoped3A : memref<!tpu.dma_semaphore, #tpu.memory_space<semaphore_mem>>) src(%dma_wait3A_38 : memref<128x32xf32, #tpu.memory_space<vmem_shared>>) dst(%arg12 : memref<128x32xf32, #tpu.memory_space<vmem>>)
        tpu.yield
      }) : () -> ()
      "tpu.region"() ({
        %run_scoped3A = tpu.sem_alloc : memref<!tpu.dma_semaphore, #tpu.memory_space<semaphore_mem>>
        %dma_start3A_32 = arith.constant 0 : i32
        %dma_start3A_33 = tpu.memref_slice %arg7[%arg0, %add3A_31, %dma_start3A_32] : memref<2x10240x32xf32, #tpu.memory_space<hbm>> -> memref<1x128x32xf32, #tpu.memory_space<hbm>>
        %dma_start3A_34 = tpu.memref_squeeze %dma_start3A_33 : memref<1x128x32xf32, #tpu.memory_space<hbm>> -> memref<128x32xf32, #tpu.memory_space<hbm>>
        %dma_start3A_35 = arith.constant 0 : i32
        %dma_start3A_36 = tpu.memref_slice %arg7[%arg0, %add3A_31, %dma_start3A_35] : memref<2x10240x32xf32, #tpu.memory_space<hbm>> -> memref<1x128x32xf32, #tpu.memory_space<hbm>>
        %dma_start3A_37 = tpu.memref_squeeze %dma_start3A_36 : memref<1x128x32xf32, #tpu.memory_space<hbm>> -> memref<128x32xf32, #tpu.memory_space<hbm>>
        tpu.enqueue_dma source(%arg12 : memref<128x32xf32, #tpu.memory_space<vmem>>) target(%dma_start3A_37 : memref<128x32xf32, #tpu.memory_space<hbm>>) target_semaphore(%run_scoped3A : memref<!tpu.dma_semaphore, #tpu.memory_space<semaphore_mem>>)
        %dma_wait3A = arith.constant 0 : i32
        %dma_wait3A_38 = tpu.memref_slice %arg7[%arg0, %add3A_31, %dma_wait3A] : memref<2x10240x32xf32, #tpu.memory_space<hbm>> -> memref<1x128x32xf32, #tpu.memory_space<hbm>>
        %dma_wait3A_39 = tpu.memref_squeeze %dma_wait3A_38 : memref<1x128x32xf32, #tpu.memory_space<hbm>> -> memref<128x32xf32, #tpu.memory_space<hbm>>
        %dma_wait3A_40 = arith.constant 0 : i32
        %dma_wait3A_41 = tpu.memref_slice %arg7[%arg0, %add3A_31, %dma_wait3A_40] : memref<2x10240x32xf32, #tpu.memory_space<hbm>> -> memref<1x128x32xf32, #tpu.memory_space<hbm>>
        %dma_wait3A_42 = tpu.memref_squeeze %dma_wait3A_41 : memref<1x128x32xf32, #tpu.memory_space<hbm>> -> memref<128x32xf32, #tpu.memory_space<hbm>>
        tpu.wait_dma2 semaphore(%run_scoped3A : memref<!tpu.dma_semaphore, #tpu.memory_space<semaphore_mem>>) src(%arg12 : memref<128x32xf32, #tpu.memory_space<vmem>>) dst(%dma_wait3A_42 : memref<128x32xf32, #tpu.memory_space<hbm>>)
        tpu.yield
      }) : () -> ()
    }
    %scan3A_25 = arith.constant 5 : i32
    return
  }
}

#map = affine_map<(d0, d1) -> (0, 0, 0)>
#map1 = affine_map<(d0, d1) -> (0, 0)>
module attributes {stable_mosaic.version = 14 : i64} {
  func.func @deg_kernel(%arg0: i32, %arg1: i32, %arg2: memref<32x82x128xi32, #tpu.memory_space<hbm>>, %arg3: memref<32x82x128xf32, #tpu.memory_space<hbm>>, %arg4: memref<2x10240xf32, #tpu.memory_space<hbm>>, %arg5: memref<82x128xi32, #tpu.memory_space<vmem>>, %arg6: memref<82x128xf32, #tpu.memory_space<vmem>>, %arg7: memref<640xf32, #tpu.memory_space<vmem>>, %arg8: memref<10240xf32, #tpu.memory_space<vmem_shared>>) attributes {dimension_semantics = [#tpu.dimension_semantics<core_parallel>, #tpu.dimension_semantics<subcore_parallel>], iteration_bounds = array<i64: 2, 16>, scalar_prefetch = 0 : i64, scratch_operands = 4 : i64, tpu.core_type = #tpu.core_type<sc_vector_subcore>, window_params = [{transform_indices = #map}, {transform_indices = #map}, {transform_indices = #map1}]} {
    %mul3A = arith.constant 2 : i32
    %mul3A_0 = arith.muli %arg1, %mul3A : i32
    %add3A = arith.addi %mul3A_0, %arg0 : i32
    %scan3A = arith.constant 0 : i32
    %scan3A_1 = arith.constant 0 : i32
    %scan3A_2 = arith.constant 40 : i32
    %scan3A_3 = arith.addi %scan3A_1, %scan3A_2 : i32
    %scan3A_4 = arith.constant 1 : i32
    scf.for %scan3A_19 = %scan3A_1 to %scan3A_3 step %scan3A_4  : i32 {
      %broadcast_in_dim3A = arith.constant 0.000000e+00 : f32
      %broadcast_in_dim3A_20 = vector.broadcast %broadcast_in_dim3A : f32 to vector<16xf32>
      %mul3A_21 = arith.constant 16 : i32
      %mul3A_22 = arith.muli %scan3A_19, %mul3A_21 : i32
      %swap3A = arith.index_cast %mul3A_22 : i32 to index
      %swap3A_23 = tpu.vector_load %arg7[%swap3A] {strides = array<i32>} : memref<640xf32, #tpu.memory_space<vmem>>, vector<16xf32>,
      %swap3A_24 = vector.shape_cast %swap3A_23 : vector<16xf32> to vector<16xf32>
      %swap3A_25 = vector.shape_cast %broadcast_in_dim3A_20 : vector<16xf32> to vector<16xf32>
      tpu.vector_store %arg7[%swap3A], %swap3A_25 {strides = array<i32>} : memref<640xf32, #tpu.memory_space<vmem>>, vector<16xf32>,
    }
    %scan3A_5 = arith.constant 40 : i32
    %mul3A_6 = arith.constant 640 : i32
    %mul3A_7 = arith.muli %arg1, %mul3A_6 : i32
    "tpu.region"() ({
      %run_scoped3A = tpu.sem_alloc : memref<!tpu.dma_semaphore, #tpu.memory_space<semaphore_mem>>
      %dma_start3A = tpu.memref_slice %arg8[%mul3A_7] : memref<10240xf32, #tpu.memory_space<vmem_shared>> -> memref<640xf32, #tpu.memory_space<vmem_shared>>
      %dma_start3A_19 = tpu.memref_slice %arg8[%mul3A_7] : memref<10240xf32, #tpu.memory_space<vmem_shared>> -> memref<640xf32, #tpu.memory_space<vmem_shared>>
      tpu.enqueue_dma source(%arg7 : memref<640xf32, #tpu.memory_space<vmem>>) target(%dma_start3A_19 : memref<640xf32, #tpu.memory_space<vmem_shared>>) target_semaphore(%run_scoped3A : memref<!tpu.dma_semaphore, #tpu.memory_space<semaphore_mem>>)
      %dma_wait3A = tpu.memref_slice %arg8[%mul3A_7] : memref<10240xf32, #tpu.memory_space<vmem_shared>> -> memref<640xf32, #tpu.memory_space<vmem_shared>>
      %dma_wait3A_20 = tpu.memref_slice %arg8[%mul3A_7] : memref<10240xf32, #tpu.memory_space<vmem_shared>> -> memref<640xf32, #tpu.memory_space<vmem_shared>>
      tpu.wait_dma2 semaphore(%run_scoped3A : memref<!tpu.dma_semaphore, #tpu.memory_space<semaphore_mem>>) src(%arg7 : memref<640xf32, #tpu.memory_space<vmem>>) dst(%dma_wait3A_20 : memref<640xf32, #tpu.memory_space<vmem_shared>>)
      tpu.yield
    }) : () -> ()
    "tpu.region"() ({
      %run_scoped3A = tpu.sem_alloc : memref<!tpu.dma_semaphore, #tpu.memory_space<semaphore_mem>>
      %dma_start3A = arith.constant 0 : i32
      %dma_start3A_19 = arith.constant 0 : i32
      %dma_start3A_20 = tpu.memref_slice %arg2[%add3A, %dma_start3A, %dma_start3A_19] : memref<32x82x128xi32, #tpu.memory_space<hbm>> -> memref<1x82x128xi32, #tpu.memory_space<hbm>>
      %dma_start3A_21 = tpu.memref_squeeze %dma_start3A_20 : memref<1x82x128xi32, #tpu.memory_space<hbm>> -> memref<82x128xi32, #tpu.memory_space<hbm>>
      %dma_start3A_22 = arith.constant 0 : i32
      %dma_start3A_23 = arith.constant 0 : i32
      %dma_start3A_24 = tpu.memref_slice %arg2[%add3A, %dma_start3A_22, %dma_start3A_23] : memref<32x82x128xi32, #tpu.memory_space<hbm>> -> memref<1x82x128xi32, #tpu.memory_space<hbm>>
      %dma_start3A_25 = tpu.memref_squeeze %dma_start3A_24 : memref<1x82x128xi32, #tpu.memory_space<hbm>> -> memref<82x128xi32, #tpu.memory_space<hbm>>
      tpu.enqueue_dma source(%dma_start3A_25 : memref<82x128xi32, #tpu.memory_space<hbm>>) target(%arg5 : memref<82x128xi32, #tpu.memory_space<vmem>>) target_semaphore(%run_scoped3A : memref<!tpu.dma_semaphore, #tpu.memory_space<semaphore_mem>>)
      %dma_wait3A = arith.constant 0 : i32
      %dma_wait3A_26 = arith.constant 0 : i32
      %dma_wait3A_27 = tpu.memref_slice %arg2[%add3A, %dma_wait3A, %dma_wait3A_26] : memref<32x82x128xi32, #tpu.memory_space<hbm>> -> memref<1x82x128xi32, #tpu.memory_space<hbm>>
      %dma_wait3A_28 = tpu.memref_squeeze %dma_wait3A_27 : memref<1x82x128xi32, #tpu.memory_space<hbm>> -> memref<82x128xi32, #tpu.memory_space<hbm>>
      %dma_wait3A_29 = arith.constant 0 : i32
      %dma_wait3A_30 = arith.constant 0 : i32
      %dma_wait3A_31 = tpu.memref_slice %arg2[%add3A, %dma_wait3A_29, %dma_wait3A_30] : memref<32x82x128xi32, #tpu.memory_space<hbm>> -> memref<1x82x128xi32, #tpu.memory_space<hbm>>
      %dma_wait3A_32 = tpu.memref_squeeze %dma_wait3A_31 : memref<1x82x128xi32, #tpu.memory_space<hbm>> -> memref<82x128xi32, #tpu.memory_space<hbm>>
      tpu.wait_dma2 semaphore(%run_scoped3A : memref<!tpu.dma_semaphore, #tpu.memory_space<semaphore_mem>>) src(%dma_wait3A_32 : memref<82x128xi32, #tpu.memory_space<hbm>>) dst(%arg5 : memref<82x128xi32, #tpu.memory_space<vmem>>)
      tpu.yield
    }) : () -> ()
    "tpu.region"() ({
      %run_scoped3A = tpu.sem_alloc : memref<!tpu.dma_semaphore, #tpu.memory_space<semaphore_mem>>
      %dma_start3A = arith.constant 0 : i32
      %dma_start3A_19 = arith.constant 0 : i32
      %dma_start3A_20 = tpu.memref_slice %arg3[%add3A, %dma_start3A, %dma_start3A_19] : memref<32x82x128xf32, #tpu.memory_space<hbm>> -> memref<1x82x128xf32, #tpu.memory_space<hbm>>
      %dma_start3A_21 = tpu.memref_squeeze %dma_start3A_20 : memref<1x82x128xf32, #tpu.memory_space<hbm>> -> memref<82x128xf32, #tpu.memory_space<hbm>>
      %dma_start3A_22 = arith.constant 0 : i32
      %dma_start3A_23 = arith.constant 0 : i32
      %dma_start3A_24 = tpu.memref_slice %arg3[%add3A, %dma_start3A_22, %dma_start3A_23] : memref<32x82x128xf32, #tpu.memory_space<hbm>> -> memref<1x82x128xf32, #tpu.memory_space<hbm>>
      %dma_start3A_25 = tpu.memref_squeeze %dma_start3A_24 : memref<1x82x128xf32, #tpu.memory_space<hbm>> -> memref<82x128xf32, #tpu.memory_space<hbm>>
      tpu.enqueue_dma source(%dma_start3A_25 : memref<82x128xf32, #tpu.memory_space<hbm>>) target(%arg6 : memref<82x128xf32, #tpu.memory_space<vmem>>) target_semaphore(%run_scoped3A : memref<!tpu.dma_semaphore, #tpu.memory_space<semaphore_mem>>)
      %dma_wait3A = arith.constant 0 : i32
      %dma_wait3A_26 = arith.constant 0 : i32
      %dma_wait3A_27 = tpu.memref_slice %arg3[%add3A, %dma_wait3A, %dma_wait3A_26] : memref<32x82x128xf32, #tpu.memory_space<hbm>> -> memref<1x82x128xf32, #tpu.memory_space<hbm>>
      %dma_wait3A_28 = tpu.memref_squeeze %dma_wait3A_27 : memref<1x82x128xf32, #tpu.memory_space<hbm>> -> memref<82x128xf32, #tpu.memory_space<hbm>>
      %dma_wait3A_29 = arith.constant 0 : i32
      %dma_wait3A_30 = arith.constant 0 : i32
      %dma_wait3A_31 = tpu.memref_slice %arg3[%add3A, %dma_wait3A_29, %dma_wait3A_30] : memref<32x82x128xf32, #tpu.memory_space<hbm>> -> memref<1x82x128xf32, #tpu.memory_space<hbm>>
      %dma_wait3A_32 = tpu.memref_squeeze %dma_wait3A_31 : memref<1x82x128xf32, #tpu.memory_space<hbm>> -> memref<82x128xf32, #tpu.memory_space<hbm>>
      tpu.wait_dma2 semaphore(%run_scoped3A : memref<!tpu.dma_semaphore, #tpu.memory_space<semaphore_mem>>) src(%dma_wait3A_32 : memref<82x128xf32, #tpu.memory_space<hbm>>) dst(%arg6 : memref<82x128xf32, #tpu.memory_space<vmem>>)
      tpu.yield
    }) : () -> ()
    %barrier3A = arith.constant 0 : index
    tpu.barrier barrier_id(%barrier3A)
    %scan3A_8 = arith.constant 0 : i32
    %scan3A_9 = arith.constant 0 : i32
    %scan3A_10 = arith.constant 82 : i32
    %scan3A_11 = arith.addi %scan3A_9, %scan3A_10 : i32
    %scan3A_12 = arith.constant 1 : i32
    scf.for %scan3A_19 = %scan3A_9 to %scan3A_11 step %scan3A_12  : i32 {
      "tpu.region"() ({
        %run_scoped3A = tpu.sem_alloc : memref<!tpu.dma_semaphore, #tpu.memory_space<semaphore_mem>>
        %dma_start3A = arith.constant 0 : i32
        %dma_start3A_20 = tpu.memref_slice %arg6[%scan3A_19, %dma_start3A] : memref<82x128xf32, #tpu.memory_space<vmem>> -> memref<1x128xf32, #tpu.memory_space<vmem>>
        %dma_start3A_21 = tpu.memref_squeeze %dma_start3A_20 : memref<1x128xf32, #tpu.memory_space<vmem>> -> memref<128xf32, #tpu.memory_space<vmem>>
        %dma_start3A_22 = arith.constant 0 : i32
        %dma_start3A_23 = tpu.memref_slice %arg5[%scan3A_19, %dma_start3A_22] : memref<82x128xi32, #tpu.memory_space<vmem>> -> memref<1x128xi32, #tpu.memory_space<vmem>>
        %dma_start3A_24 = tpu.memref_squeeze %dma_start3A_23 : memref<1x128xi32, #tpu.memory_space<vmem>> -> memref<128xi32, #tpu.memory_space<vmem>>
        %dma_start3A_25 = arith.constant 0 : i32
        %dma_start3A_26 = tpu.memref_slice %arg8[%dma_start3A_25] : memref<10240xf32, #tpu.memory_space<vmem_shared>> -> memref<10240xf32, #tpu.memory_space<vmem_shared>>
        tpu.enqueue_indirect_dma source(%dma_start3A_21 : memref<128xf32, #tpu.memory_space<vmem>>) target(%dma_start3A_26 : memref<10240xf32, #tpu.memory_space<vmem_shared>>) offsets(%dma_start3A_24 : memref<128xi32, #tpu.memory_space<vmem>>) semaphore(%run_scoped3A : memref<!tpu.dma_semaphore, #tpu.memory_space<semaphore_mem>>) {add = true}
        %dma_wait3A = arith.constant 0 : i32
        %dma_wait3A_27 = tpu.memref_slice %arg6[%scan3A_19, %dma_wait3A] : memref<82x128xf32, #tpu.memory_space<vmem>> -> memref<1x128xf32, #tpu.memory_space<vmem>>
        %dma_wait3A_28 = tpu.memref_squeeze %dma_wait3A_27 : memref<1x128xf32, #tpu.memory_space<vmem>> -> memref<128xf32, #tpu.memory_space<vmem>>
        %dma_wait3A_29 = arith.constant 0 : i32
        %dma_wait3A_30 = tpu.memref_slice %arg5[%scan3A_19, %dma_wait3A_29] : memref<82x128xi32, #tpu.memory_space<vmem>> -> memref<1x128xi32, #tpu.memory_space<vmem>>
        %dma_wait3A_31 = tpu.memref_squeeze %dma_wait3A_30 : memref<1x128xi32, #tpu.memory_space<vmem>> -> memref<128xi32, #tpu.memory_space<vmem>>
        %dma_wait3A_32 = arith.constant 0 : i32
        %dma_wait3A_33 = tpu.memref_slice %arg8[%dma_wait3A_32] : memref<10240xf32, #tpu.memory_space<vmem_shared>> -> memref<10240xf32, #tpu.memory_space<vmem_shared>>
        tpu.wait_indirect_dma semaphore(%run_scoped3A : memref<!tpu.dma_semaphore, #tpu.memory_space<semaphore_mem>>) src(%dma_wait3A_28 : memref<128xf32, #tpu.memory_space<vmem>>) dst(%dma_wait3A_33 : memref<10240xf32, #tpu.memory_space<vmem_shared>>)
        tpu.yield
      }) : () -> ()
    }
    %scan3A_13 = arith.constant 82 : i32
    %barrier3A_14 = arith.constant 0 : index
    tpu.barrier barrier_id(%barrier3A_14)
    %mul3A_15 = arith.constant 640 : i32
    %mul3A_16 = arith.muli %arg1, %mul3A_15 : i32
    %mul3A_17 = arith.constant 640 : i32
    %mul3A_18 = arith.muli %arg1, %mul3A_17 : i32
    "tpu.region"() ({
      %run_scoped3A = tpu.sem_alloc : memref<!tpu.dma_semaphore, #tpu.memory_space<semaphore_mem>>
      %dma_start3A = tpu.memref_slice %arg4[%arg0, %mul3A_18] : memref<2x10240xf32, #tpu.memory_space<hbm>> -> memref<1x640xf32, #tpu.memory_space<hbm>>
      %dma_start3A_19 = tpu.memref_squeeze %dma_start3A : memref<1x640xf32, #tpu.memory_space<hbm>> -> memref<640xf32, #tpu.memory_space<hbm>>
      %dma_start3A_20 = tpu.memref_slice %arg8[%mul3A_16] : memref<10240xf32, #tpu.memory_space<vmem_shared>> -> memref<640xf32, #tpu.memory_space<vmem_shared>>
      tpu.enqueue_dma source(%dma_start3A_20 : memref<640xf32, #tpu.memory_space<vmem_shared>>) target(%dma_start3A_19 : memref<640xf32, #tpu.memory_space<hbm>>) target_semaphore(%run_scoped3A : memref<!tpu.dma_semaphore, #tpu.memory_space<semaphore_mem>>)
      %dma_wait3A = tpu.memref_slice %arg4[%arg0, %mul3A_18] : memref<2x10240xf32, #tpu.memory_space<hbm>> -> memref<1x640xf32, #tpu.memory_space<hbm>>
      %dma_wait3A_21 = tpu.memref_squeeze %dma_wait3A : memref<1x640xf32, #tpu.memory_space<hbm>> -> memref<640xf32, #tpu.memory_space<hbm>>
      %dma_wait3A_22 = tpu.memref_slice %arg8[%mul3A_16] : memref<10240xf32, #tpu.memory_space<vmem_shared>> -> memref<640xf32, #tpu.memory_space<vmem_shared>>
      tpu.wait_dma2 semaphore(%run_scoped3A : memref<!tpu.dma_semaphore, #tpu.memory_space<semaphore_mem>>) src(%dma_wait3A_22 : memref<640xf32, #tpu.memory_space<vmem_shared>>) dst(%dma_wait3A_21 : memref<640xf32, #tpu.memory_space<hbm>>)
      tpu.yield
    }) : () -> ()
    return
  }
}

#map = affine_map<(d0, d1) -> (0, 0, 0)>
#map1 = affine_map<(d0, d1) -> (0, 0)>
module attributes {stable_mosaic.version = 14 : i64} {
  func.func @agg_kernel(%arg0: i32, %arg1: i32, %arg2: memref<32x82x128xi32, #tpu.memory_space<hbm>>, %arg3: memref<32x82x128xi32, #tpu.memory_space<hbm>>, %arg4: memref<32x82x128xf32, #tpu.memory_space<hbm>>, %arg5: memref<10240x16xf32, #tpu.memory_space<hbm>>, %arg6: memref<10240x16xf32, #tpu.memory_space<hbm>>, %arg7: memref<2x10240x16xf32, #tpu.memory_space<hbm>>, %arg8: memref<82x128xi32, #tpu.memory_space<vmem>>, %arg9: memref<82x128xi32, #tpu.memory_space<vmem>>, %arg10: memref<82x128xf32, #tpu.memory_space<vmem>>, %arg11: memref<2x128x16xf32, #tpu.memory_space<vmem>>, %arg12: memref<128x16xf32, #tpu.memory_space<vmem>>, %arg13: memref<10240x16xf32, #tpu.memory_space<vmem_shared>>, %arg14: memref<!tpu.dma_semaphore, #tpu.memory_space<semaphore_mem>>, %arg15: memref<!tpu.dma_semaphore, #tpu.memory_space<semaphore_mem>>) attributes {dimension_semantics = [#tpu.dimension_semantics<core_parallel>, #tpu.dimension_semantics<subcore_parallel>], iteration_bounds = array<i64: 2, 16>, scalar_prefetch = 0 : i64, scratch_operands = 8 : i64, tpu.core_type = #tpu.core_type<sc_vector_subcore>, window_params = [{transform_indices = #map}, {transform_indices = #map}, {transform_indices = #map}, {transform_indices = #map1}, {transform_indices = #map1}, {transform_indices = #map}]} {
    %mul3A = arith.constant 2 : i32
    %mul3A_0 = arith.muli %arg1, %mul3A : i32
    %add3A = arith.addi %mul3A_0, %arg0 : i32
    %mul3A_1 = arith.constant 640 : i32
    %mul3A_2 = arith.muli %arg1, %mul3A_1 : i32
    "tpu.region"() ({
      %run_scoped3A = tpu.sem_alloc : memref<!tpu.dma_semaphore, #tpu.memory_space<semaphore_mem>>
      %dma_start3A_26 = arith.constant 0 : i32
      %dma_start3A_27 = tpu.memref_slice %arg13[%mul3A_2, %dma_start3A_26] : memref<10240x16xf32, #tpu.memory_space<vmem_shared>> -> memref<640x16xf32, #tpu.memory_space<vmem_shared>>
      %dma_start3A_28 = arith.constant 0 : i32
      %dma_start3A_29 = tpu.memref_slice %arg6[%mul3A_2, %dma_start3A_28] : memref<10240x16xf32, #tpu.memory_space<hbm>> -> memref<640x16xf32, #tpu.memory_space<hbm>>
      tpu.enqueue_dma source(%dma_start3A_29 : memref<640x16xf32, #tpu.memory_space<hbm>>) target(%dma_start3A_27 : memref<640x16xf32, #tpu.memory_space<vmem_shared>>) target_semaphore(%run_scoped3A : memref<!tpu.dma_semaphore, #tpu.memory_space<semaphore_mem>>)
      %dma_wait3A = arith.constant 0 : i32
      %dma_wait3A_30 = tpu.memref_slice %arg13[%mul3A_2, %dma_wait3A] : memref<10240x16xf32, #tpu.memory_space<vmem_shared>> -> memref<640x16xf32, #tpu.memory_space<vmem_shared>>
      %dma_wait3A_31 = arith.constant 0 : i32
      %dma_wait3A_32 = tpu.memref_slice %arg6[%mul3A_2, %dma_wait3A_31] : memref<10240x16xf32, #tpu.memory_space<hbm>> -> memref<640x16xf32, #tpu.memory_space<hbm>>
      tpu.wait_dma2 semaphore(%run_scoped3A : memref<!tpu.dma_semaphore, #tpu.memory_space<semaphore_mem>>) src(%dma_wait3A_32 : memref<640x16xf32, #tpu.memory_space<hbm>>) dst(%dma_wait3A_30 : memref<640x16xf32, #tpu.memory_space<vmem_shared>>)
      tpu.yield
    }) : () -> ()
    "tpu.region"() ({
      %run_scoped3A = tpu.sem_alloc : memref<!tpu.dma_semaphore, #tpu.memory_space<semaphore_mem>>
      %dma_start3A_26 = arith.constant 0 : i32
      %dma_start3A_27 = arith.constant 0 : i32
      %dma_start3A_28 = tpu.memref_slice %arg2[%add3A, %dma_start3A_26, %dma_start3A_27] : memref<32x82x128xi32, #tpu.memory_space<hbm>> -> memref<1x82x128xi32, #tpu.memory_space<hbm>>
      %dma_start3A_29 = tpu.memref_squeeze %dma_start3A_28 : memref<1x82x128xi32, #tpu.memory_space<hbm>> -> memref<82x128xi32, #tpu.memory_space<hbm>>
      %dma_start3A_30 = arith.constant 0 : i32
      %dma_start3A_31 = arith.constant 0 : i32
      %dma_start3A_32 = tpu.memref_slice %arg2[%add3A, %dma_start3A_30, %dma_start3A_31] : memref<32x82x128xi32, #tpu.memory_space<hbm>> -> memref<1x82x128xi32, #tpu.memory_space<hbm>>
      %dma_start3A_33 = tpu.memref_squeeze %dma_start3A_32 : memref<1x82x128xi32, #tpu.memory_space<hbm>> -> memref<82x128xi32, #tpu.memory_space<hbm>>
      tpu.enqueue_dma source(%dma_start3A_33 : memref<82x128xi32, #tpu.memory_space<hbm>>) target(%arg8 : memref<82x128xi32, #tpu.memory_space<vmem>>) target_semaphore(%run_scoped3A : memref<!tpu.dma_semaphore, #tpu.memory_space<semaphore_mem>>)
      %dma_wait3A = arith.constant 0 : i32
      %dma_wait3A_34 = arith.constant 0 : i32
      %dma_wait3A_35 = tpu.memref_slice %arg2[%add3A, %dma_wait3A, %dma_wait3A_34] : memref<32x82x128xi32, #tpu.memory_space<hbm>> -> memref<1x82x128xi32, #tpu.memory_space<hbm>>
      %dma_wait3A_36 = tpu.memref_squeeze %dma_wait3A_35 : memref<1x82x128xi32, #tpu.memory_space<hbm>> -> memref<82x128xi32, #tpu.memory_space<hbm>>
      %dma_wait3A_37 = arith.constant 0 : i32
      %dma_wait3A_38 = arith.constant 0 : i32
      %dma_wait3A_39 = tpu.memref_slice %arg2[%add3A, %dma_wait3A_37, %dma_wait3A_38] : memref<32x82x128xi32, #tpu.memory_space<hbm>> -> memref<1x82x128xi32, #tpu.memory_space<hbm>>
      %dma_wait3A_40 = tpu.memref_squeeze %dma_wait3A_39 : memref<1x82x128xi32, #tpu.memory_space<hbm>> -> memref<82x128xi32, #tpu.memory_space<hbm>>
      tpu.wait_dma2 semaphore(%run_scoped3A : memref<!tpu.dma_semaphore, #tpu.memory_space<semaphore_mem>>) src(%dma_wait3A_40 : memref<82x128xi32, #tpu.memory_space<hbm>>) dst(%arg8 : memref<82x128xi32, #tpu.memory_space<vmem>>)
      tpu.yield
    }) : () -> ()
    "tpu.region"() ({
      %run_scoped3A = tpu.sem_alloc : memref<!tpu.dma_semaphore, #tpu.memory_space<semaphore_mem>>
      %dma_start3A_26 = arith.constant 0 : i32
      %dma_start3A_27 = arith.constant 0 : i32
      %dma_start3A_28 = tpu.memref_slice %arg3[%add3A, %dma_start3A_26, %dma_start3A_27] : memref<32x82x128xi32, #tpu.memory_space<hbm>> -> memref<1x82x128xi32, #tpu.memory_space<hbm>>
      %dma_start3A_29 = tpu.memref_squeeze %dma_start3A_28 : memref<1x82x128xi32, #tpu.memory_space<hbm>> -> memref<82x128xi32, #tpu.memory_space<hbm>>
      %dma_start3A_30 = arith.constant 0 : i32
      %dma_start3A_31 = arith.constant 0 : i32
      %dma_start3A_32 = tpu.memref_slice %arg3[%add3A, %dma_start3A_30, %dma_start3A_31] : memref<32x82x128xi32, #tpu.memory_space<hbm>> -> memref<1x82x128xi32, #tpu.memory_space<hbm>>
      %dma_start3A_33 = tpu.memref_squeeze %dma_start3A_32 : memref<1x82x128xi32, #tpu.memory_space<hbm>> -> memref<82x128xi32, #tpu.memory_space<hbm>>
      tpu.enqueue_dma source(%dma_start3A_33 : memref<82x128xi32, #tpu.memory_space<hbm>>) target(%arg9 : memref<82x128xi32, #tpu.memory_space<vmem>>) target_semaphore(%run_scoped3A : memref<!tpu.dma_semaphore, #tpu.memory_space<semaphore_mem>>)
      %dma_wait3A = arith.constant 0 : i32
      %dma_wait3A_34 = arith.constant 0 : i32
      %dma_wait3A_35 = tpu.memref_slice %arg3[%add3A, %dma_wait3A, %dma_wait3A_34] : memref<32x82x128xi32, #tpu.memory_space<hbm>> -> memref<1x82x128xi32, #tpu.memory_space<hbm>>
      %dma_wait3A_36 = tpu.memref_squeeze %dma_wait3A_35 : memref<1x82x128xi32, #tpu.memory_space<hbm>> -> memref<82x128xi32, #tpu.memory_space<hbm>>
      %dma_wait3A_37 = arith.constant 0 : i32
      %dma_wait3A_38 = arith.constant 0 : i32
      %dma_wait3A_39 = tpu.memref_slice %arg3[%add3A, %dma_wait3A_37, %dma_wait3A_38] : memref<32x82x128xi32, #tpu.memory_space<hbm>> -> memref<1x82x128xi32, #tpu.memory_space<hbm>>
      %dma_wait3A_40 = tpu.memref_squeeze %dma_wait3A_39 : memref<1x82x128xi32, #tpu.memory_space<hbm>> -> memref<82x128xi32, #tpu.memory_space<hbm>>
      tpu.wait_dma2 semaphore(%run_scoped3A : memref<!tpu.dma_semaphore, #tpu.memory_space<semaphore_mem>>) src(%dma_wait3A_40 : memref<82x128xi32, #tpu.memory_space<hbm>>) dst(%arg9 : memref<82x128xi32, #tpu.memory_space<vmem>>)
      tpu.yield
    }) : () -> ()
    "tpu.region"() ({
      %run_scoped3A = tpu.sem_alloc : memref<!tpu.dma_semaphore, #tpu.memory_space<semaphore_mem>>
      %dma_start3A_26 = arith.constant 0 : i32
      %dma_start3A_27 = arith.constant 0 : i32
      %dma_start3A_28 = tpu.memref_slice %arg4[%add3A, %dma_start3A_26, %dma_start3A_27] : memref<32x82x128xf32, #tpu.memory_space<hbm>> -> memref<1x82x128xf32, #tpu.memory_space<hbm>>
      %dma_start3A_29 = tpu.memref_squeeze %dma_start3A_28 : memref<1x82x128xf32, #tpu.memory_space<hbm>> -> memref<82x128xf32, #tpu.memory_space<hbm>>
      %dma_start3A_30 = arith.constant 0 : i32
      %dma_start3A_31 = arith.constant 0 : i32
      %dma_start3A_32 = tpu.memref_slice %arg4[%add3A, %dma_start3A_30, %dma_start3A_31] : memref<32x82x128xf32, #tpu.memory_space<hbm>> -> memref<1x82x128xf32, #tpu.memory_space<hbm>>
      %dma_start3A_33 = tpu.memref_squeeze %dma_start3A_32 : memref<1x82x128xf32, #tpu.memory_space<hbm>> -> memref<82x128xf32, #tpu.memory_space<hbm>>
      tpu.enqueue_dma source(%dma_start3A_33 : memref<82x128xf32, #tpu.memory_space<hbm>>) target(%arg10 : memref<82x128xf32, #tpu.memory_space<vmem>>) target_semaphore(%run_scoped3A : memref<!tpu.dma_semaphore, #tpu.memory_space<semaphore_mem>>)
      %dma_wait3A = arith.constant 0 : i32
      %dma_wait3A_34 = arith.constant 0 : i32
      %dma_wait3A_35 = tpu.memref_slice %arg4[%add3A, %dma_wait3A, %dma_wait3A_34] : memref<32x82x128xf32, #tpu.memory_space<hbm>> -> memref<1x82x128xf32, #tpu.memory_space<hbm>>
      %dma_wait3A_36 = tpu.memref_squeeze %dma_wait3A_35 : memref<1x82x128xf32, #tpu.memory_space<hbm>> -> memref<82x128xf32, #tpu.memory_space<hbm>>
      %dma_wait3A_37 = arith.constant 0 : i32
      %dma_wait3A_38 = arith.constant 0 : i32
      %dma_wait3A_39 = tpu.memref_slice %arg4[%add3A, %dma_wait3A_37, %dma_wait3A_38] : memref<32x82x128xf32, #tpu.memory_space<hbm>> -> memref<1x82x128xf32, #tpu.memory_space<hbm>>
      %dma_wait3A_40 = tpu.memref_squeeze %dma_wait3A_39 : memref<1x82x128xf32, #tpu.memory_space<hbm>> -> memref<82x128xf32, #tpu.memory_space<hbm>>
      tpu.wait_dma2 semaphore(%run_scoped3A : memref<!tpu.dma_semaphore, #tpu.memory_space<semaphore_mem>>) src(%dma_wait3A_40 : memref<82x128xf32, #tpu.memory_space<hbm>>) dst(%arg10 : memref<82x128xf32, #tpu.memory_space<vmem>>)
      tpu.yield
    }) : () -> ()
    %barrier3A = arith.constant 0 : index
    tpu.barrier barrier_id(%barrier3A)
    %dma_start3A = arith.constant 0 : i32
    %dma_start3A_3 = arith.constant 0 : i32
    %dma_start3A_4 = arith.constant 0 : i32
    %dma_start3A_5 = arith.constant 0 : i32
    %dma_start3A_6 = tpu.memref_slice %arg11[%dma_start3A_3, %dma_start3A_4, %dma_start3A_5] : memref<2x128x16xf32, #tpu.memory_space<vmem>> -> memref<1x128x16xf32, #tpu.memory_space<vmem>>
    %dma_start3A_7 = tpu.memref_squeeze %dma_start3A_6 : memref<1x128x16xf32, #tpu.memory_space<vmem>> -> memref<128x16xf32, #tpu.memory_space<vmem>>
    %dma_start3A_8 = arith.constant 0 : i32
    %dma_start3A_9 = tpu.memref_slice %arg8[%dma_start3A, %dma_start3A_8] : memref<82x128xi32, #tpu.memory_space<vmem>> -> memref<1x128xi32, #tpu.memory_space<vmem>>
    %dma_start3A_10 = tpu.memref_squeeze %dma_start3A_9 : memref<1x128xi32, #tpu.memory_space<vmem>> -> memref<128xi32, #tpu.memory_space<vmem>>
    %dma_start3A_11 = arith.constant 0 : i32
    %dma_start3A_12 = arith.constant 0 : i32
    %dma_start3A_13 = tpu.memref_slice %arg5[%dma_start3A_11, %dma_start3A_12] : memref<10240x16xf32, #tpu.memory_space<hbm>> -> memref<10240x16xf32, #tpu.memory_space<hbm>>
    tpu.enqueue_indirect_dma source(%dma_start3A_13 : memref<10240x16xf32, #tpu.memory_space<hbm>>) target(%dma_start3A_7 : memref<128x16xf32, #tpu.memory_space<vmem>>) offsets(%dma_start3A_10 : memref<128xi32, #tpu.memory_space<vmem>>) semaphore(%arg14 : memref<!tpu.dma_semaphore, #tpu.memory_space<semaphore_mem>>)
    %scan3A = arith.constant 0 : i32
    %scan3A_14 = arith.constant 0 : i32
    %scan3A_15 = arith.constant 41 : i32
    %scan3A_16 = arith.addi %scan3A_14, %scan3A_15 : i32
    %scan3A_17 = arith.constant 1 : i32
    scf.for %scan3A_26 = %scan3A_14 to %scan3A_16 step %scan3A_17  : i32 {
      %mul3A_27 = arith.constant 2 : i32
      %mul3A_28 = arith.muli %mul3A_27, %scan3A_26 : i32
      %add3A_29 = arith.constant 1 : i32
      %add3A_30 = arith.addi %mul3A_28, %add3A_29 : i32
      %dma_start3A_31 = arith.constant 1 : i32
      %dma_start3A_32 = arith.constant 0 : i32
      %dma_start3A_33 = arith.constant 0 : i32
      %dma_start3A_34 = tpu.memref_slice %arg11[%dma_start3A_31, %dma_start3A_32, %dma_start3A_33] : memref<2x128x16xf32, #tpu.memory_space<vmem>> -> memref<1x128x16xf32, #tpu.memory_space<vmem>>
      %dma_start3A_35 = tpu.memref_squeeze %dma_start3A_34 : memref<1x128x16xf32, #tpu.memory_space<vmem>> -> memref<128x16xf32, #tpu.memory_space<vmem>>
      %dma_start3A_36 = arith.constant 0 : i32
      %dma_start3A_37 = tpu.memref_slice %arg8[%add3A_30, %dma_start3A_36] : memref<82x128xi32, #tpu.memory_space<vmem>> -> memref<1x128xi32, #tpu.memory_space<vmem>>
      %dma_start3A_38 = tpu.memref_squeeze %dma_start3A_37 : memref<1x128xi32, #tpu.memory_space<vmem>> -> memref<128xi32, #tpu.memory_space<vmem>>
      %dma_start3A_39 = arith.constant 0 : i32
      %dma_start3A_40 = arith.constant 0 : i32
      %dma_start3A_41 = tpu.memref_slice %arg5[%dma_start3A_39, %dma_start3A_40] : memref<10240x16xf32, #tpu.memory_space<hbm>> -> memref<10240x16xf32, #tpu.memory_space<hbm>>
      tpu.enqueue_indirect_dma source(%dma_start3A_41 : memref<10240x16xf32, #tpu.memory_space<hbm>>) target(%dma_start3A_35 : memref<128x16xf32, #tpu.memory_space<vmem>>) offsets(%dma_start3A_38 : memref<128xi32, #tpu.memory_space<vmem>>) semaphore(%arg15 : memref<!tpu.dma_semaphore, #tpu.memory_space<semaphore_mem>>)
      %dma_wait3A = arith.constant 0 : i32
      %dma_wait3A_42 = arith.constant 0 : i32
      %dma_wait3A_43 = arith.constant 0 : i32
      %dma_wait3A_44 = tpu.memref_slice %arg11[%dma_wait3A, %dma_wait3A_42, %dma_wait3A_43] : memref<2x128x16xf32, #tpu.memory_space<vmem>> -> memref<1x128x16xf32, #tpu.memory_space<vmem>>
      %dma_wait3A_45 = tpu.memref_squeeze %dma_wait3A_44 : memref<1x128x16xf32, #tpu.memory_space<vmem>> -> memref<128x16xf32, #tpu.memory_space<vmem>>
      %dma_wait3A_46 = arith.constant 0 : i32
      %dma_wait3A_47 = tpu.memref_slice %arg8[%mul3A_28, %dma_wait3A_46] : memref<82x128xi32, #tpu.memory_space<vmem>> -> memref<1x128xi32, #tpu.memory_space<vmem>>
      %dma_wait3A_48 = tpu.memref_squeeze %dma_wait3A_47 : memref<1x128xi32, #tpu.memory_space<vmem>> -> memref<128xi32, #tpu.memory_space<vmem>>
      %dma_wait3A_49 = arith.constant 0 : i32
      %dma_wait3A_50 = arith.constant 0 : i32
      %dma_wait3A_51 = tpu.memref_slice %arg5[%dma_wait3A_49, %dma_wait3A_50] : memref<10240x16xf32, #tpu.memory_space<hbm>> -> memref<10240x16xf32, #tpu.memory_space<hbm>>
      tpu.wait_indirect_dma semaphore(%arg14 : memref<!tpu.dma_semaphore, #tpu.memory_space<semaphore_mem>>) src(%dma_wait3A_51 : memref<10240x16xf32, #tpu.memory_space<hbm>>) dst(%dma_wait3A_45 : memref<128x16xf32, #tpu.memory_space<vmem>>)
      %scan3A_52 = arith.constant 0 : i32
      %scan3A_53 = arith.constant 0 : i32
      %scan3A_54 = arith.constant 8 : i32
      %scan3A_55 = arith.addi %scan3A_53, %scan3A_54 : i32
      %scan3A_56 = arith.constant 2 : i32
      scf.for %scan3A_86 = %scan3A_53 to %scan3A_55 step %scan3A_56  : i32 {
        %mul3A_87 = arith.constant 16 : i32
        %mul3A_88 = arith.muli %scan3A_86, %mul3A_87 : i32
        %get3A = arith.index_cast %mul3A_28 : i32 to index
        %get3A_89 = arith.index_cast %mul3A_88 : i32 to index
        %get3A_90 = tpu.vector_load %arg10[%get3A, %get3A_89] {strides = array<i32>} : memref<82x128xf32, #tpu.memory_space<vmem>>, vector<1x16xf32>,
        %get3A_91 = vector.shape_cast %get3A_90 : vector<1x16xf32> to vector<16xf32>
        %mul3A_92 = arith.constant 16 : i32
        %mul3A_93 = arith.muli %scan3A_86, %mul3A_92 : i32
        %add3A_94 = arith.constant 0 : i32
        %add3A_95 = arith.addi %mul3A_93, %add3A_94 : i32
        %slice3A = vector.extract_strided_slice %get3A_91 {offsets = [0], sizes = [1], strides = [1]} : vector<16xf32> to vector<1xf32>
        %squeeze3A = vector.extract %slice3A[0] : f32 from vector<1xf32>
        %get3A_96 = arith.constant 0 : i32
        %get3A_97 = arith.index_cast %get3A_96 : i32 to index
        %get3A_98 = arith.index_cast %add3A_95 : i32 to index
        %get3A_99 = arith.constant 0 : index
        %get3A_100 = tpu.vector_load %arg11[%get3A_97, %get3A_98, %get3A_99] {strides = array<i32>} : memref<2x128x16xf32, #tpu.memory_space<vmem>>, vector<1x1x16xf32>,
        %get3A_101 = vector.shape_cast %get3A_100 : vector<1x1x16xf32> to vector<16xf32>
        %mul3A_102 = vector.broadcast %squeeze3A : f32 to vector<16xf32>
        %mul3A_103 = arith.mulf %get3A_101, %mul3A_102 : vector<16xf32>
        %swap3A = arith.constant 0 : i32
        %swap3A_104 = arith.index_cast %swap3A : i32 to index
        %swap3A_105 = arith.index_cast %add3A_95 : i32 to index
        %swap3A_106 = arith.constant 0 : index
        %swap3A_107 = tpu.vector_load %arg11[%swap3A_104, %swap3A_105, %swap3A_106] {strides = array<i32>} : memref<2x128x16xf32, #tpu.memory_space<vmem>>, vector<1x1x16xf32>,
        %swap3A_108 = vector.shape_cast %swap3A_107 : vector<1x1x16xf32> to vector<16xf32>
        %swap3A_109 = vector.shape_cast %mul3A_103 : vector<16xf32> to vector<1x1x16xf32>
        tpu.vector_store %arg11[%swap3A_104, %swap3A_105, %swap3A_106], %swap3A_109 {strides = array<i32>} : memref<2x128x16xf32, #tpu.memory_space<vmem>>, vector<1x1x16xf32>,
        %mul3A_110 = arith.constant 16 : i32
        %mul3A_111 = arith.muli %scan3A_86, %mul3A_110 : i32
        %add3A_112 = arith.constant 1 : i32
        %add3A_113 = arith.addi %mul3A_111, %add3A_112 : i32
        %slice3A_114 = vector.extract_strided_slice %get3A_91 {offsets = [1], sizes = [1], strides = [1]} : vector<16xf32> to vector<1xf32>
        %squeeze3A_115 = vector.extract %slice3A_114[0] : f32 from vector<1xf32>
        %get3A_116 = arith.constant 0 : i32
        %get3A_117 = arith.index_cast %get3A_116 : i32 to index
        %get3A_118 = arith.index_cast %add3A_113 : i32 to index
        %get3A_119 = arith.constant 0 : index
        %get3A_120 = tpu.vector_load %arg11[%get3A_117, %get3A_118, %get3A_119] {strides = array<i32>} : memref<2x128x16xf32, #tpu.memory_space<vmem>>, vector<1x1x16xf32>,
        %get3A_121 = vector.shape_cast %get3A_120 : vector<1x1x16xf32> to vector<16xf32>
        %mul3A_122 = vector.broadcast %squeeze3A_115 : f32 to vector<16xf32>
        %mul3A_123 = arith.mulf %get3A_121, %mul3A_122 : vector<16xf32>
        %swap3A_124 = arith.constant 0 : i32
        %swap3A_125 = arith.index_cast %swap3A_124 : i32 to index
        %swap3A_126 = arith.index_cast %add3A_113 : i32 to index
        %swap3A_127 = arith.constant 0 : index
        %swap3A_128 = tpu.vector_load %arg11[%swap3A_125, %swap3A_126, %swap3A_127] {strides = array<i32>} : memref<2x128x16xf32, #tpu.memory_space<vmem>>, vector<1x1x16xf32>,
        %swap3A_129 = vector.shape_cast %swap3A_128 : vector<1x1x16xf32> to vector<16xf32>
        %swap3A_130 = vector.shape_cast %mul3A_123 : vector<16xf32> to vector<1x1x16xf32>
        tpu.vector_store %arg11[%swap3A_125, %swap3A_126, %swap3A_127], %swap3A_130 {strides = array<i32>} : memref<2x128x16xf32, #tpu.memory_space<vmem>>, vector<1x1x16xf32>,
        %mul3A_131 = arith.constant 16 : i32
        %mul3A_132 = arith.muli %scan3A_86, %mul3A_131 : i32
        %add3A_133 = arith.constant 2 : i32
        %add3A_134 = arith.addi %mul3A_132, %add3A_133 : i32
        %slice3A_135 = vector.extract_strided_slice %get3A_91 {offsets = [2], sizes = [1], strides = [1]} : vector<16xf32> to vector<1xf32>
        %squeeze3A_136 = vector.extract %slice3A_135[0] : f32 from vector<1xf32>
        %get3A_137 = arith.constant 0 : i32
        %get3A_138 = arith.index_cast %get3A_137 : i32 to index
        %get3A_139 = arith.index_cast %add3A_134 : i32 to index
        %get3A_140 = arith.constant 0 : index
        %get3A_141 = tpu.vector_load %arg11[%get3A_138, %get3A_139, %get3A_140] {strides = array<i32>} : memref<2x128x16xf32, #tpu.memory_space<vmem>>, vector<1x1x16xf32>,
        %get3A_142 = vector.shape_cast %get3A_141 : vector<1x1x16xf32> to vector<16xf32>
        %mul3A_143 = vector.broadcast %squeeze3A_136 : f32 to vector<16xf32>
        %mul3A_144 = arith.mulf %get3A_142, %mul3A_143 : vector<16xf32>
        %swap3A_145 = arith.constant 0 : i32
        %swap3A_146 = arith.index_cast %swap3A_145 : i32 to index
        %swap3A_147 = arith.index_cast %add3A_134 : i32 to index
        %swap3A_148 = arith.constant 0 : index
        %swap3A_149 = tpu.vector_load %arg11[%swap3A_146, %swap3A_147, %swap3A_148] {strides = array<i32>} : memref<2x128x16xf32, #tpu.memory_space<vmem>>, vector<1x1x16xf32>,
        %swap3A_150 = vector.shape_cast %swap3A_149 : vector<1x1x16xf32> to vector<16xf32>
        %swap3A_151 = vector.shape_cast %mul3A_144 : vector<16xf32> to vector<1x1x16xf32>
        tpu.vector_store %arg11[%swap3A_146, %swap3A_147, %swap3A_148], %swap3A_151 {strides = array<i32>} : memref<2x128x16xf32, #tpu.memory_space<vmem>>, vector<1x1x16xf32>,
        %mul3A_152 = arith.constant 16 : i32
        %mul3A_153 = arith.muli %scan3A_86, %mul3A_152 : i32
        %add3A_154 = arith.constant 3 : i32
        %add3A_155 = arith.addi %mul3A_153, %add3A_154 : i32
        %slice3A_156 = vector.extract_strided_slice %get3A_91 {offsets = [3], sizes = [1], strides = [1]} : vector<16xf32> to vector<1xf32>
        %squeeze3A_157 = vector.extract %slice3A_156[0] : f32 from vector<1xf32>
        %get3A_158 = arith.constant 0 : i32
        %get3A_159 = arith.index_cast %get3A_158 : i32 to index
        %get3A_160 = arith.index_cast %add3A_155 : i32 to index
        %get3A_161 = arith.constant 0 : index
        %get3A_162 = tpu.vector_load %arg11[%get3A_159, %get3A_160, %get3A_161] {strides = array<i32>} : memref<2x128x16xf32, #tpu.memory_space<vmem>>, vector<1x1x16xf32>,
        %get3A_163 = vector.shape_cast %get3A_162 : vector<1x1x16xf32> to vector<16xf32>
        %mul3A_164 = vector.broadcast %squeeze3A_157 : f32 to vector<16xf32>
        %mul3A_165 = arith.mulf %get3A_163, %mul3A_164 : vector<16xf32>
        %swap3A_166 = arith.constant 0 : i32
        %swap3A_167 = arith.index_cast %swap3A_166 : i32 to index
        %swap3A_168 = arith.index_cast %add3A_155 : i32 to index
        %swap3A_169 = arith.constant 0 : index
        %swap3A_170 = tpu.vector_load %arg11[%swap3A_167, %swap3A_168, %swap3A_169] {strides = array<i32>} : memref<2x128x16xf32, #tpu.memory_space<vmem>>, vector<1x1x16xf32>,
        %swap3A_171 = vector.shape_cast %swap3A_170 : vector<1x1x16xf32> to vector<16xf32>
        %swap3A_172 = vector.shape_cast %mul3A_165 : vector<16xf32> to vector<1x1x16xf32>
        tpu.vector_store %arg11[%swap3A_167, %swap3A_168, %swap3A_169], %swap3A_172 {strides = array<i32>} : memref<2x128x16xf32, #tpu.memory_space<vmem>>, vector<1x1x16xf32>,
        %mul3A_173 = arith.constant 16 : i32
        %mul3A_174 = arith.muli %scan3A_86, %mul3A_173 : i32
        %add3A_175 = arith.constant 4 : i32
        %add3A_176 = arith.addi %mul3A_174, %add3A_175 : i32
        %slice3A_177 = vector.extract_strided_slice %get3A_91 {offsets = [4], sizes = [1], strides = [1]} : vector<16xf32> to vector<1xf32>
        %squeeze3A_178 = vector.extract %slice3A_177[0] : f32 from vector<1xf32>
        %get3A_179 = arith.constant 0 : i32
        %get3A_180 = arith.index_cast %get3A_179 : i32 to index
        %get3A_181 = arith.index_cast %add3A_176 : i32 to index
        %get3A_182 = arith.constant 0 : index
        %get3A_183 = tpu.vector_load %arg11[%get3A_180, %get3A_181, %get3A_182] {strides = array<i32>} : memref<2x128x16xf32, #tpu.memory_space<vmem>>, vector<1x1x16xf32>,
        %get3A_184 = vector.shape_cast %get3A_183 : vector<1x1x16xf32> to vector<16xf32>
        %mul3A_185 = vector.broadcast %squeeze3A_178 : f32 to vector<16xf32>
        %mul3A_186 = arith.mulf %get3A_184, %mul3A_185 : vector<16xf32>
        %swap3A_187 = arith.constant 0 : i32
        %swap3A_188 = arith.index_cast %swap3A_187 : i32 to index
        %swap3A_189 = arith.index_cast %add3A_176 : i32 to index
        %swap3A_190 = arith.constant 0 : index
        %swap3A_191 = tpu.vector_load %arg11[%swap3A_188, %swap3A_189, %swap3A_190] {strides = array<i32>} : memref<2x128x16xf32, #tpu.memory_space<vmem>>, vector<1x1x16xf32>,
        %swap3A_192 = vector.shape_cast %swap3A_191 : vector<1x1x16xf32> to vector<16xf32>
        %swap3A_193 = vector.shape_cast %mul3A_186 : vector<16xf32> to vector<1x1x16xf32>
        tpu.vector_store %arg11[%swap3A_188, %swap3A_189, %swap3A_190], %swap3A_193 {strides = array<i32>} : memref<2x128x16xf32, #tpu.memory_space<vmem>>, vector<1x1x16xf32>,
        %mul3A_194 = arith.constant 16 : i32
        %mul3A_195 = arith.muli %scan3A_86, %mul3A_194 : i32
        %add3A_196 = arith.constant 5 : i32
        %add3A_197 = arith.addi %mul3A_195, %add3A_196 : i32
        %slice3A_198 = vector.extract_strided_slice %get3A_91 {offsets = [5], sizes = [1], strides = [1]} : vector<16xf32> to vector<1xf32>
        %squeeze3A_199 = vector.extract %slice3A_198[0] : f32 from vector<1xf32>
        %get3A_200 = arith.constant 0 : i32
        %get3A_201 = arith.index_cast %get3A_200 : i32 to index
        %get3A_202 = arith.index_cast %add3A_197 : i32 to index
        %get3A_203 = arith.constant 0 : index
        %get3A_204 = tpu.vector_load %arg11[%get3A_201, %get3A_202, %get3A_203] {strides = array<i32>} : memref<2x128x16xf32, #tpu.memory_space<vmem>>, vector<1x1x16xf32>,
        %get3A_205 = vector.shape_cast %get3A_204 : vector<1x1x16xf32> to vector<16xf32>
        %mul3A_206 = vector.broadcast %squeeze3A_199 : f32 to vector<16xf32>
        %mul3A_207 = arith.mulf %get3A_205, %mul3A_206 : vector<16xf32>
        %swap3A_208 = arith.constant 0 : i32
        %swap3A_209 = arith.index_cast %swap3A_208 : i32 to index
        %swap3A_210 = arith.index_cast %add3A_197 : i32 to index
        %swap3A_211 = arith.constant 0 : index
        %swap3A_212 = tpu.vector_load %arg11[%swap3A_209, %swap3A_210, %swap3A_211] {strides = array<i32>} : memref<2x128x16xf32, #tpu.memory_space<vmem>>, vector<1x1x16xf32>,
        %swap3A_213 = vector.shape_cast %swap3A_212 : vector<1x1x16xf32> to vector<16xf32>
        %swap3A_214 = vector.shape_cast %mul3A_207 : vector<16xf32> to vector<1x1x16xf32>
        tpu.vector_store %arg11[%swap3A_209, %swap3A_210, %swap3A_211], %swap3A_214 {strides = array<i32>} : memref<2x128x16xf32, #tpu.memory_space<vmem>>, vector<1x1x16xf32>,
        %mul3A_215 = arith.constant 16 : i32
        %mul3A_216 = arith.muli %scan3A_86, %mul3A_215 : i32
        %add3A_217 = arith.constant 6 : i32
        %add3A_218 = arith.addi %mul3A_216, %add3A_217 : i32
        %slice3A_219 = vector.extract_strided_slice %get3A_91 {offsets = [6], sizes = [1], strides = [1]} : vector<16xf32> to vector<1xf32>
        %squeeze3A_220 = vector.extract %slice3A_219[0] : f32 from vector<1xf32>
        %get3A_221 = arith.constant 0 : i32
        %get3A_222 = arith.index_cast %get3A_221 : i32 to index
        %get3A_223 = arith.index_cast %add3A_218 : i32 to index
        %get3A_224 = arith.constant 0 : index
        %get3A_225 = tpu.vector_load %arg11[%get3A_222, %get3A_223, %get3A_224] {strides = array<i32>} : memref<2x128x16xf32, #tpu.memory_space<vmem>>, vector<1x1x16xf32>,
        %get3A_226 = vector.shape_cast %get3A_225 : vector<1x1x16xf32> to vector<16xf32>
        %mul3A_227 = vector.broadcast %squeeze3A_220 : f32 to vector<16xf32>
        %mul3A_228 = arith.mulf %get3A_226, %mul3A_227 : vector<16xf32>
        %swap3A_229 = arith.constant 0 : i32
        %swap3A_230 = arith.index_cast %swap3A_229 : i32 to index
        %swap3A_231 = arith.index_cast %add3A_218 : i32 to index
        %swap3A_232 = arith.constant 0 : index
        %swap3A_233 = tpu.vector_load %arg11[%swap3A_230, %swap3A_231, %swap3A_232] {strides = array<i32>} : memref<2x128x16xf32, #tpu.memory_space<vmem>>, vector<1x1x16xf32>,
        %swap3A_234 = vector.shape_cast %swap3A_233 : vector<1x1x16xf32> to vector<16xf32>
        %swap3A_235 = vector.shape_cast %mul3A_228 : vector<16xf32> to vector<1x1x16xf32>
        tpu.vector_store %arg11[%swap3A_230, %swap3A_231, %swap3A_232], %swap3A_235 {strides = array<i32>} : memref<2x128x16xf32, #tpu.memory_space<vmem>>, vector<1x1x16xf32>,
        %mul3A_236 = arith.constant 16 : i32
        %mul3A_237 = arith.muli %scan3A_86, %mul3A_236 : i32
        %add3A_238 = arith.constant 7 : i32
        %add3A_239 = arith.addi %mul3A_237, %add3A_238 : i32
        %slice3A_240 = vector.extract_strided_slice %get3A_91 {offsets = [7], sizes = [1], strides = [1]} : vector<16xf32> to vector<1xf32>
        %squeeze3A_241 = vector.extract %slice3A_240[0] : f32 from vector<1xf32>
        %get3A_242 = arith.constant 0 : i32
        %get3A_243 = arith.index_cast %get3A_242 : i32 to index
        %get3A_244 = arith.index_cast %add3A_239 : i32 to index
        %get3A_245 = arith.constant 0 : index
        %get3A_246 = tpu.vector_load %arg11[%get3A_243, %get3A_244, %get3A_245] {strides = array<i32>} : memref<2x128x16xf32, #tpu.memory_space<vmem>>, vector<1x1x16xf32>,
        %get3A_247 = vector.shape_cast %get3A_246 : vector<1x1x16xf32> to vector<16xf32>
        %mul3A_248 = vector.broadcast %squeeze3A_241 : f32 to vector<16xf32>
        %mul3A_249 = arith.mulf %get3A_247, %mul3A_248 : vector<16xf32>
        %swap3A_250 = arith.constant 0 : i32
        %swap3A_251 = arith.index_cast %swap3A_250 : i32 to index
        %swap3A_252 = arith.index_cast %add3A_239 : i32 to index
        %swap3A_253 = arith.constant 0 : index
        %swap3A_254 = tpu.vector_load %arg11[%swap3A_251, %swap3A_252, %swap3A_253] {strides = array<i32>} : memref<2x128x16xf32, #tpu.memory_space<vmem>>, vector<1x1x16xf32>,
        %swap3A_255 = vector.shape_cast %swap3A_254 : vector<1x1x16xf32> to vector<16xf32>
        %swap3A_256 = vector.shape_cast %mul3A_249 : vector<16xf32> to vector<1x1x16xf32>
        tpu.vector_store %arg11[%swap3A_251, %swap3A_252, %swap3A_253], %swap3A_256 {strides = array<i32>} : memref<2x128x16xf32, #tpu.memory_space<vmem>>, vector<1x1x16xf32>,
        %mul3A_257 = arith.constant 16 : i32
        %mul3A_258 = arith.muli %scan3A_86, %mul3A_257 : i32
        %add3A_259 = arith.constant 8 : i32
        %add3A_260 = arith.addi %mul3A_258, %add3A_259 : i32
        %slice3A_261 = vector.extract_strided_slice %get3A_91 {offsets = [8], sizes = [1], strides = [1]} : vector<16xf32> to vector<1xf32>
        %squeeze3A_262 = vector.extract %slice3A_261[0] : f32 from vector<1xf32>
        %get3A_263 = arith.constant 0 : i32
        %get3A_264 = arith.index_cast %get3A_263 : i32 to index
        %get3A_265 = arith.index_cast %add3A_260 : i32 to index
        %get3A_266 = arith.constant 0 : index
        %get3A_267 = tpu.vector_load %arg11[%get3A_264, %get3A_265, %get3A_266] {strides = array<i32>} : memref<2x128x16xf32, #tpu.memory_space<vmem>>, vector<1x1x16xf32>,
        %get3A_268 = vector.shape_cast %get3A_267 : vector<1x1x16xf32> to vector<16xf32>
        %mul3A_269 = vector.broadcast %squeeze3A_262 : f32 to vector<16xf32>
        %mul3A_270 = arith.mulf %get3A_268, %mul3A_269 : vector<16xf32>
        %swap3A_271 = arith.constant 0 : i32
        %swap3A_272 = arith.index_cast %swap3A_271 : i32 to index
        %swap3A_273 = arith.index_cast %add3A_260 : i32 to index
        %swap3A_274 = arith.constant 0 : index
        %swap3A_275 = tpu.vector_load %arg11[%swap3A_272, %swap3A_273, %swap3A_274] {strides = array<i32>} : memref<2x128x16xf32, #tpu.memory_space<vmem>>, vector<1x1x16xf32>,
        %swap3A_276 = vector.shape_cast %swap3A_275 : vector<1x1x16xf32> to vector<16xf32>
        %swap3A_277 = vector.shape_cast %mul3A_270 : vector<16xf32> to vector<1x1x16xf32>
        tpu.vector_store %arg11[%swap3A_272, %swap3A_273, %swap3A_274], %swap3A_277 {strides = array<i32>} : memref<2x128x16xf32, #tpu.memory_space<vmem>>, vector<1x1x16xf32>,
        %mul3A_278 = arith.constant 16 : i32
        %mul3A_279 = arith.muli %scan3A_86, %mul3A_278 : i32
        %add3A_280 = arith.constant 9 : i32
        %add3A_281 = arith.addi %mul3A_279, %add3A_280 : i32
        %slice3A_282 = vector.extract_strided_slice %get3A_91 {offsets = [9], sizes = [1], strides = [1]} : vector<16xf32> to vector<1xf32>
        %squeeze3A_283 = vector.extract %slice3A_282[0] : f32 from vector<1xf32>
        %get3A_284 = arith.constant 0 : i32
        %get3A_285 = arith.index_cast %get3A_284 : i32 to index
        %get3A_286 = arith.index_cast %add3A_281 : i32 to index
        %get3A_287 = arith.constant 0 : index
        %get3A_288 = tpu.vector_load %arg11[%get3A_285, %get3A_286, %get3A_287] {strides = array<i32>} : memref<2x128x16xf32, #tpu.memory_space<vmem>>, vector<1x1x16xf32>,
        %get3A_289 = vector.shape_cast %get3A_288 : vector<1x1x16xf32> to vector<16xf32>
        %mul3A_290 = vector.broadcast %squeeze3A_283 : f32 to vector<16xf32>
        %mul3A_291 = arith.mulf %get3A_289, %mul3A_290 : vector<16xf32>
        %swap3A_292 = arith.constant 0 : i32
        %swap3A_293 = arith.index_cast %swap3A_292 : i32 to index
        %swap3A_294 = arith.index_cast %add3A_281 : i32 to index
        %swap3A_295 = arith.constant 0 : index
        %swap3A_296 = tpu.vector_load %arg11[%swap3A_293, %swap3A_294, %swap3A_295] {strides = array<i32>} : memref<2x128x16xf32, #tpu.memory_space<vmem>>, vector<1x1x16xf32>,
        %swap3A_297 = vector.shape_cast %swap3A_296 : vector<1x1x16xf32> to vector<16xf32>
        %swap3A_298 = vector.shape_cast %mul3A_291 : vector<16xf32> to vector<1x1x16xf32>
        tpu.vector_store %arg11[%swap3A_293, %swap3A_294, %swap3A_295], %swap3A_298 {strides = array<i32>} : memref<2x128x16xf32, #tpu.memory_space<vmem>>, vector<1x1x16xf32>,
        %mul3A_299 = arith.constant 16 : i32
        %mul3A_300 = arith.muli %scan3A_86, %mul3A_299 : i32
        %add3A_301 = arith.constant 10 : i32
        %add3A_302 = arith.addi %mul3A_300, %add3A_301 : i32
        %slice3A_303 = vector.extract_strided_slice %get3A_91 {offsets = [10], sizes = [1], strides = [1]} : vector<16xf32> to vector<1xf32>
        %squeeze3A_304 = vector.extract %slice3A_303[0] : f32 from vector<1xf32>
        %get3A_305 = arith.constant 0 : i32
        %get3A_306 = arith.index_cast %get3A_305 : i32 to index
        %get3A_307 = arith.index_cast %add3A_302 : i32 to index
        %get3A_308 = arith.constant 0 : index
        %get3A_309 = tpu.vector_load %arg11[%get3A_306, %get3A_307, %get3A_308] {strides = array<i32>} : memref<2x128x16xf32, #tpu.memory_space<vmem>>, vector<1x1x16xf32>,
        %get3A_310 = vector.shape_cast %get3A_309 : vector<1x1x16xf32> to vector<16xf32>
        %mul3A_311 = vector.broadcast %squeeze3A_304 : f32 to vector<16xf32>
        %mul3A_312 = arith.mulf %get3A_310, %mul3A_311 : vector<16xf32>
        %swap3A_313 = arith.constant 0 : i32
        %swap3A_314 = arith.index_cast %swap3A_313 : i32 to index
        %swap3A_315 = arith.index_cast %add3A_302 : i32 to index
        %swap3A_316 = arith.constant 0 : index
        %swap3A_317 = tpu.vector_load %arg11[%swap3A_314, %swap3A_315, %swap3A_316] {strides = array<i32>} : memref<2x128x16xf32, #tpu.memory_space<vmem>>, vector<1x1x16xf32>,
        %swap3A_318 = vector.shape_cast %swap3A_317 : vector<1x1x16xf32> to vector<16xf32>
        %swap3A_319 = vector.shape_cast %mul3A_312 : vector<16xf32> to vector<1x1x16xf32>
        tpu.vector_store %arg11[%swap3A_314, %swap3A_315, %swap3A_316], %swap3A_319 {strides = array<i32>} : memref<2x128x16xf32, #tpu.memory_space<vmem>>, vector<1x1x16xf32>,
        %mul3A_320 = arith.constant 16 : i32
        %mul3A_321 = arith.muli %scan3A_86, %mul3A_320 : i32
        %add3A_322 = arith.constant 11 : i32
        %add3A_323 = arith.addi %mul3A_321, %add3A_322 : i32
        %slice3A_324 = vector.extract_strided_slice %get3A_91 {offsets = [11], sizes = [1], strides = [1]} : vector<16xf32> to vector<1xf32>
        %squeeze3A_325 = vector.extract %slice3A_324[0] : f32 from vector<1xf32>
        %get3A_326 = arith.constant 0 : i32
        %get3A_327 = arith.index_cast %get3A_326 : i32 to index
        %get3A_328 = arith.index_cast %add3A_323 : i32 to index
        %get3A_329 = arith.constant 0 : index
        %get3A_330 = tpu.vector_load %arg11[%get3A_327, %get3A_328, %get3A_329] {strides = array<i32>} : memref<2x128x16xf32, #tpu.memory_space<vmem>>, vector<1x1x16xf32>,
        %get3A_331 = vector.shape_cast %get3A_330 : vector<1x1x16xf32> to vector<16xf32>
        %mul3A_332 = vector.broadcast %squeeze3A_325 : f32 to vector<16xf32>
        %mul3A_333 = arith.mulf %get3A_331, %mul3A_332 : vector<16xf32>
        %swap3A_334 = arith.constant 0 : i32
        %swap3A_335 = arith.index_cast %swap3A_334 : i32 to index
        %swap3A_336 = arith.index_cast %add3A_323 : i32 to index
        %swap3A_337 = arith.constant 0 : index
        %swap3A_338 = tpu.vector_load %arg11[%swap3A_335, %swap3A_336, %swap3A_337] {strides = array<i32>} : memref<2x128x16xf32, #tpu.memory_space<vmem>>, vector<1x1x16xf32>,
        %swap3A_339 = vector.shape_cast %swap3A_338 : vector<1x1x16xf32> to vector<16xf32>
        %swap3A_340 = vector.shape_cast %mul3A_333 : vector<16xf32> to vector<1x1x16xf32>
        tpu.vector_store %arg11[%swap3A_335, %swap3A_336, %swap3A_337], %swap3A_340 {strides = array<i32>} : memref<2x128x16xf32, #tpu.memory_space<vmem>>, vector<1x1x16xf32>,
        %mul3A_341 = arith.constant 16 : i32
        %mul3A_342 = arith.muli %scan3A_86, %mul3A_341 : i32
        %add3A_343 = arith.constant 12 : i32
        %add3A_344 = arith.addi %mul3A_342, %add3A_343 : i32
        %slice3A_345 = vector.extract_strided_slice %get3A_91 {offsets = [12], sizes = [1], strides = [1]} : vector<16xf32> to vector<1xf32>
        %squeeze3A_346 = vector.extract %slice3A_345[0] : f32 from vector<1xf32>
        %get3A_347 = arith.constant 0 : i32
        %get3A_348 = arith.index_cast %get3A_347 : i32 to index
        %get3A_349 = arith.index_cast %add3A_344 : i32 to index
        %get3A_350 = arith.constant 0 : index
        %get3A_351 = tpu.vector_load %arg11[%get3A_348, %get3A_349, %get3A_350] {strides = array<i32>} : memref<2x128x16xf32, #tpu.memory_space<vmem>>, vector<1x1x16xf32>,
        %get3A_352 = vector.shape_cast %get3A_351 : vector<1x1x16xf32> to vector<16xf32>
        %mul3A_353 = vector.broadcast %squeeze3A_346 : f32 to vector<16xf32>
        %mul3A_354 = arith.mulf %get3A_352, %mul3A_353 : vector<16xf32>
        %swap3A_355 = arith.constant 0 : i32
        %swap3A_356 = arith.index_cast %swap3A_355 : i32 to index
        %swap3A_357 = arith.index_cast %add3A_344 : i32 to index
        %swap3A_358 = arith.constant 0 : index
        %swap3A_359 = tpu.vector_load %arg11[%swap3A_356, %swap3A_357, %swap3A_358] {strides = array<i32>} : memref<2x128x16xf32, #tpu.memory_space<vmem>>, vector<1x1x16xf32>,
        %swap3A_360 = vector.shape_cast %swap3A_359 : vector<1x1x16xf32> to vector<16xf32>
        %swap3A_361 = vector.shape_cast %mul3A_354 : vector<16xf32> to vector<1x1x16xf32>
        tpu.vector_store %arg11[%swap3A_356, %swap3A_357, %swap3A_358], %swap3A_361 {strides = array<i32>} : memref<2x128x16xf32, #tpu.memory_space<vmem>>, vector<1x1x16xf32>,
        %mul3A_362 = arith.constant 16 : i32
        %mul3A_363 = arith.muli %scan3A_86, %mul3A_362 : i32
        %add3A_364 = arith.constant 13 : i32
        %add3A_365 = arith.addi %mul3A_363, %add3A_364 : i32
        %slice3A_366 = vector.extract_strided_slice %get3A_91 {offsets = [13], sizes = [1], strides = [1]} : vector<16xf32> to vector<1xf32>
        %squeeze3A_367 = vector.extract %slice3A_366[0] : f32 from vector<1xf32>
        %get3A_368 = arith.constant 0 : i32
        %get3A_369 = arith.index_cast %get3A_368 : i32 to index
        %get3A_370 = arith.index_cast %add3A_365 : i32 to index
        %get3A_371 = arith.constant 0 : index
        %get3A_372 = tpu.vector_load %arg11[%get3A_369, %get3A_370, %get3A_371] {strides = array<i32>} : memref<2x128x16xf32, #tpu.memory_space<vmem>>, vector<1x1x16xf32>,
        %get3A_373 = vector.shape_cast %get3A_372 : vector<1x1x16xf32> to vector<16xf32>
        %mul3A_374 = vector.broadcast %squeeze3A_367 : f32 to vector<16xf32>
        %mul3A_375 = arith.mulf %get3A_373, %mul3A_374 : vector<16xf32>
        %swap3A_376 = arith.constant 0 : i32
        %swap3A_377 = arith.index_cast %swap3A_376 : i32 to index
        %swap3A_378 = arith.index_cast %add3A_365 : i32 to index
        %swap3A_379 = arith.constant 0 : index
        %swap3A_380 = tpu.vector_load %arg11[%swap3A_377, %swap3A_378, %swap3A_379] {strides = array<i32>} : memref<2x128x16xf32, #tpu.memory_space<vmem>>, vector<1x1x16xf32>,
        %swap3A_381 = vector.shape_cast %swap3A_380 : vector<1x1x16xf32> to vector<16xf32>
        %swap3A_382 = vector.shape_cast %mul3A_375 : vector<16xf32> to vector<1x1x16xf32>
        tpu.vector_store %arg11[%swap3A_377, %swap3A_378, %swap3A_379], %swap3A_382 {strides = array<i32>} : memref<2x128x16xf32, #tpu.memory_space<vmem>>, vector<1x1x16xf32>,
        %mul3A_383 = arith.constant 16 : i32
        %mul3A_384 = arith.muli %scan3A_86, %mul3A_383 : i32
        %add3A_385 = arith.constant 14 : i32
        %add3A_386 = arith.addi %mul3A_384, %add3A_385 : i32
        %slice3A_387 = vector.extract_strided_slice %get3A_91 {offsets = [14], sizes = [1], strides = [1]} : vector<16xf32> to vector<1xf32>
        %squeeze3A_388 = vector.extract %slice3A_387[0] : f32 from vector<1xf32>
        %get3A_389 = arith.constant 0 : i32
        %get3A_390 = arith.index_cast %get3A_389 : i32 to index
        %get3A_391 = arith.index_cast %add3A_386 : i32 to index
        %get3A_392 = arith.constant 0 : index
        %get3A_393 = tpu.vector_load %arg11[%get3A_390, %get3A_391, %get3A_392] {strides = array<i32>} : memref<2x128x16xf32, #tpu.memory_space<vmem>>, vector<1x1x16xf32>,
        %get3A_394 = vector.shape_cast %get3A_393 : vector<1x1x16xf32> to vector<16xf32>
        %mul3A_395 = vector.broadcast %squeeze3A_388 : f32 to vector<16xf32>
        %mul3A_396 = arith.mulf %get3A_394, %mul3A_395 : vector<16xf32>
        %swap3A_397 = arith.constant 0 : i32
        %swap3A_398 = arith.index_cast %swap3A_397 : i32 to index
        %swap3A_399 = arith.index_cast %add3A_386 : i32 to index
        %swap3A_400 = arith.constant 0 : index
        %swap3A_401 = tpu.vector_load %arg11[%swap3A_398, %swap3A_399, %swap3A_400] {strides = array<i32>} : memref<2x128x16xf32, #tpu.memory_space<vmem>>, vector<1x1x16xf32>,
        %swap3A_402 = vector.shape_cast %swap3A_401 : vector<1x1x16xf32> to vector<16xf32>
        %swap3A_403 = vector.shape_cast %mul3A_396 : vector<16xf32> to vector<1x1x16xf32>
        tpu.vector_store %arg11[%swap3A_398, %swap3A_399, %swap3A_400], %swap3A_403 {strides = array<i32>} : memref<2x128x16xf32, #tpu.memory_space<vmem>>, vector<1x1x16xf32>,
        %mul3A_404 = arith.constant 16 : i32
        %mul3A_405 = arith.muli %scan3A_86, %mul3A_404 : i32
        %add3A_406 = arith.constant 15 : i32
        %add3A_407 = arith.addi %mul3A_405, %add3A_406 : i32
        %slice3A_408 = vector.extract_strided_slice %get3A_91 {offsets = [15], sizes = [1], strides = [1]} : vector<16xf32> to vector<1xf32>
        %squeeze3A_409 = vector.extract %slice3A_408[0] : f32 from vector<1xf32>
        %get3A_410 = arith.constant 0 : i32
        %get3A_411 = arith.index_cast %get3A_410 : i32 to index
        %get3A_412 = arith.index_cast %add3A_407 : i32 to index
        %get3A_413 = arith.constant 0 : index
        %get3A_414 = tpu.vector_load %arg11[%get3A_411, %get3A_412, %get3A_413] {strides = array<i32>} : memref<2x128x16xf32, #tpu.memory_space<vmem>>, vector<1x1x16xf32>,
        %get3A_415 = vector.shape_cast %get3A_414 : vector<1x1x16xf32> to vector<16xf32>
        %mul3A_416 = vector.broadcast %squeeze3A_409 : f32 to vector<16xf32>
        %mul3A_417 = arith.mulf %get3A_415, %mul3A_416 : vector<16xf32>
        %swap3A_418 = arith.constant 0 : i32
        %swap3A_419 = arith.index_cast %swap3A_418 : i32 to index
        %swap3A_420 = arith.index_cast %add3A_407 : i32 to index
        %swap3A_421 = arith.constant 0 : index
        %swap3A_422 = tpu.vector_load %arg11[%swap3A_419, %swap3A_420, %swap3A_421] {strides = array<i32>} : memref<2x128x16xf32, #tpu.memory_space<vmem>>, vector<1x1x16xf32>,
        %swap3A_423 = vector.shape_cast %swap3A_422 : vector<1x1x16xf32> to vector<16xf32>
        %swap3A_424 = vector.shape_cast %mul3A_417 : vector<16xf32> to vector<1x1x16xf32>
        tpu.vector_store %arg11[%swap3A_419, %swap3A_420, %swap3A_421], %swap3A_424 {strides = array<i32>} : memref<2x128x16xf32, #tpu.memory_space<vmem>>, vector<1x1x16xf32>,
        %scan3A_425 = arith.constant 1 : i32
        %scan3A_426 = arith.addi %scan3A_86, %scan3A_425 : i32
        %mul3A_427 = arith.constant 16 : i32
        %mul3A_428 = arith.muli %scan3A_426, %mul3A_427 : i32
        %get3A_429 = arith.index_cast %mul3A_28 : i32 to index
        %get3A_430 = arith.index_cast %mul3A_428 : i32 to index
        %get3A_431 = tpu.vector_load %arg10[%get3A_429, %get3A_430] {strides = array<i32>} : memref<82x128xf32, #tpu.memory_space<vmem>>, vector<1x16xf32>,
        %get3A_432 = vector.shape_cast %get3A_431 : vector<1x16xf32> to vector<16xf32>
        %mul3A_433 = arith.constant 16 : i32
        %mul3A_434 = arith.muli %scan3A_426, %mul3A_433 : i32
        %add3A_435 = arith.constant 0 : i32
        %add3A_436 = arith.addi %mul3A_434, %add3A_435 : i32
        %slice3A_437 = vector.extract_strided_slice %get3A_432 {offsets = [0], sizes = [1], strides = [1]} : vector<16xf32> to vector<1xf32>
        %squeeze3A_438 = vector.extract %slice3A_437[0] : f32 from vector<1xf32>
        %get3A_439 = arith.constant 0 : i32
        %get3A_440 = arith.index_cast %get3A_439 : i32 to index
        %get3A_441 = arith.index_cast %add3A_436 : i32 to index
        %get3A_442 = arith.constant 0 : index
        %get3A_443 = tpu.vector_load %arg11[%get3A_440, %get3A_441, %get3A_442] {strides = array<i32>} : memref<2x128x16xf32, #tpu.memory_space<vmem>>, vector<1x1x16xf32>,
        %get3A_444 = vector.shape_cast %get3A_443 : vector<1x1x16xf32> to vector<16xf32>
        %mul3A_445 = vector.broadcast %squeeze3A_438 : f32 to vector<16xf32>
        %mul3A_446 = arith.mulf %get3A_444, %mul3A_445 : vector<16xf32>
        %swap3A_447 = arith.constant 0 : i32
        %swap3A_448 = arith.index_cast %swap3A_447 : i32 to index
        %swap3A_449 = arith.index_cast %add3A_436 : i32 to index
        %swap3A_450 = arith.constant 0 : index
        %swap3A_451 = tpu.vector_load %arg11[%swap3A_448, %swap3A_449, %swap3A_450] {strides = array<i32>} : memref<2x128x16xf32, #tpu.memory_space<vmem>>, vector<1x1x16xf32>,
        %swap3A_452 = vector.shape_cast %swap3A_451 : vector<1x1x16xf32> to vector<16xf32>
        %swap3A_453 = vector.shape_cast %mul3A_446 : vector<16xf32> to vector<1x1x16xf32>
        tpu.vector_store %arg11[%swap3A_448, %swap3A_449, %swap3A_450], %swap3A_453 {strides = array<i32>} : memref<2x128x16xf32, #tpu.memory_space<vmem>>, vector<1x1x16xf32>,
        %mul3A_454 = arith.constant 16 : i32
        %mul3A_455 = arith.muli %scan3A_426, %mul3A_454 : i32
        %add3A_456 = arith.constant 1 : i32
        %add3A_457 = arith.addi %mul3A_455, %add3A_456 : i32
        %slice3A_458 = vector.extract_strided_slice %get3A_432 {offsets = [1], sizes = [1], strides = [1]} : vector<16xf32> to vector<1xf32>
        %squeeze3A_459 = vector.extract %slice3A_458[0] : f32 from vector<1xf32>
        %get3A_460 = arith.constant 0 : i32
        %get3A_461 = arith.index_cast %get3A_460 : i32 to index
        %get3A_462 = arith.index_cast %add3A_457 : i32 to index
        %get3A_463 = arith.constant 0 : index
        %get3A_464 = tpu.vector_load %arg11[%get3A_461, %get3A_462, %get3A_463] {strides = array<i32>} : memref<2x128x16xf32, #tpu.memory_space<vmem>>, vector<1x1x16xf32>,
        %get3A_465 = vector.shape_cast %get3A_464 : vector<1x1x16xf32> to vector<16xf32>
        %mul3A_466 = vector.broadcast %squeeze3A_459 : f32 to vector<16xf32>
        %mul3A_467 = arith.mulf %get3A_465, %mul3A_466 : vector<16xf32>
        %swap3A_468 = arith.constant 0 : i32
        %swap3A_469 = arith.index_cast %swap3A_468 : i32 to index
        %swap3A_470 = arith.index_cast %add3A_457 : i32 to index
        %swap3A_471 = arith.constant 0 : index
        %swap3A_472 = tpu.vector_load %arg11[%swap3A_469, %swap3A_470, %swap3A_471] {strides = array<i32>} : memref<2x128x16xf32, #tpu.memory_space<vmem>>, vector<1x1x16xf32>,
        %swap3A_473 = vector.shape_cast %swap3A_472 : vector<1x1x16xf32> to vector<16xf32>
        %swap3A_474 = vector.shape_cast %mul3A_467 : vector<16xf32> to vector<1x1x16xf32>
        tpu.vector_store %arg11[%swap3A_469, %swap3A_470, %swap3A_471], %swap3A_474 {strides = array<i32>} : memref<2x128x16xf32, #tpu.memory_space<vmem>>, vector<1x1x16xf32>,
        %mul3A_475 = arith.constant 16 : i32
        %mul3A_476 = arith.muli %scan3A_426, %mul3A_475 : i32
        %add3A_477 = arith.constant 2 : i32
        %add3A_478 = arith.addi %mul3A_476, %add3A_477 : i32
        %slice3A_479 = vector.extract_strided_slice %get3A_432 {offsets = [2], sizes = [1], strides = [1]} : vector<16xf32> to vector<1xf32>
        %squeeze3A_480 = vector.extract %slice3A_479[0] : f32 from vector<1xf32>
        %get3A_481 = arith.constant 0 : i32
        %get3A_482 = arith.index_cast %get3A_481 : i32 to index
        %get3A_483 = arith.index_cast %add3A_478 : i32 to index
        %get3A_484 = arith.constant 0 : index
        %get3A_485 = tpu.vector_load %arg11[%get3A_482, %get3A_483, %get3A_484] {strides = array<i32>} : memref<2x128x16xf32, #tpu.memory_space<vmem>>, vector<1x1x16xf32>,
        %get3A_486 = vector.shape_cast %get3A_485 : vector<1x1x16xf32> to vector<16xf32>
        %mul3A_487 = vector.broadcast %squeeze3A_480 : f32 to vector<16xf32>
        %mul3A_488 = arith.mulf %get3A_486, %mul3A_487 : vector<16xf32>
        %swap3A_489 = arith.constant 0 : i32
        %swap3A_490 = arith.index_cast %swap3A_489 : i32 to index
        %swap3A_491 = arith.index_cast %add3A_478 : i32 to index
        %swap3A_492 = arith.constant 0 : index
        %swap3A_493 = tpu.vector_load %arg11[%swap3A_490, %swap3A_491, %swap3A_492] {strides = array<i32>} : memref<2x128x16xf32, #tpu.memory_space<vmem>>, vector<1x1x16xf32>,
        %swap3A_494 = vector.shape_cast %swap3A_493 : vector<1x1x16xf32> to vector<16xf32>
        %swap3A_495 = vector.shape_cast %mul3A_488 : vector<16xf32> to vector<1x1x16xf32>
        tpu.vector_store %arg11[%swap3A_490, %swap3A_491, %swap3A_492], %swap3A_495 {strides = array<i32>} : memref<2x128x16xf32, #tpu.memory_space<vmem>>, vector<1x1x16xf32>,
        %mul3A_496 = arith.constant 16 : i32
        %mul3A_497 = arith.muli %scan3A_426, %mul3A_496 : i32
        %add3A_498 = arith.constant 3 : i32
        %add3A_499 = arith.addi %mul3A_497, %add3A_498 : i32
        %slice3A_500 = vector.extract_strided_slice %get3A_432 {offsets = [3], sizes = [1], strides = [1]} : vector<16xf32> to vector<1xf32>
        %squeeze3A_501 = vector.extract %slice3A_500[0] : f32 from vector<1xf32>
        %get3A_502 = arith.constant 0 : i32
        %get3A_503 = arith.index_cast %get3A_502 : i32 to index
        %get3A_504 = arith.index_cast %add3A_499 : i32 to index
        %get3A_505 = arith.constant 0 : index
        %get3A_506 = tpu.vector_load %arg11[%get3A_503, %get3A_504, %get3A_505] {strides = array<i32>} : memref<2x128x16xf32, #tpu.memory_space<vmem>>, vector<1x1x16xf32>,
        %get3A_507 = vector.shape_cast %get3A_506 : vector<1x1x16xf32> to vector<16xf32>
        %mul3A_508 = vector.broadcast %squeeze3A_501 : f32 to vector<16xf32>
        %mul3A_509 = arith.mulf %get3A_507, %mul3A_508 : vector<16xf32>
        %swap3A_510 = arith.constant 0 : i32
        %swap3A_511 = arith.index_cast %swap3A_510 : i32 to index
        %swap3A_512 = arith.index_cast %add3A_499 : i32 to index
        %swap3A_513 = arith.constant 0 : index
        %swap3A_514 = tpu.vector_load %arg11[%swap3A_511, %swap3A_512, %swap3A_513] {strides = array<i32>} : memref<2x128x16xf32, #tpu.memory_space<vmem>>, vector<1x1x16xf32>,
        %swap3A_515 = vector.shape_cast %swap3A_514 : vector<1x1x16xf32> to vector<16xf32>
        %swap3A_516 = vector.shape_cast %mul3A_509 : vector<16xf32> to vector<1x1x16xf32>
        tpu.vector_store %arg11[%swap3A_511, %swap3A_512, %swap3A_513], %swap3A_516 {strides = array<i32>} : memref<2x128x16xf32, #tpu.memory_space<vmem>>, vector<1x1x16xf32>,
        %mul3A_517 = arith.constant 16 : i32
        %mul3A_518 = arith.muli %scan3A_426, %mul3A_517 : i32
        %add3A_519 = arith.constant 4 : i32
        %add3A_520 = arith.addi %mul3A_518, %add3A_519 : i32
        %slice3A_521 = vector.extract_strided_slice %get3A_432 {offsets = [4], sizes = [1], strides = [1]} : vector<16xf32> to vector<1xf32>
        %squeeze3A_522 = vector.extract %slice3A_521[0] : f32 from vector<1xf32>
        %get3A_523 = arith.constant 0 : i32
        %get3A_524 = arith.index_cast %get3A_523 : i32 to index
        %get3A_525 = arith.index_cast %add3A_520 : i32 to index
        %get3A_526 = arith.constant 0 : index
        %get3A_527 = tpu.vector_load %arg11[%get3A_524, %get3A_525, %get3A_526] {strides = array<i32>} : memref<2x128x16xf32, #tpu.memory_space<vmem>>, vector<1x1x16xf32>,
        %get3A_528 = vector.shape_cast %get3A_527 : vector<1x1x16xf32> to vector<16xf32>
        %mul3A_529 = vector.broadcast %squeeze3A_522 : f32 to vector<16xf32>
        %mul3A_530 = arith.mulf %get3A_528, %mul3A_529 : vector<16xf32>
        %swap3A_531 = arith.constant 0 : i32
        %swap3A_532 = arith.index_cast %swap3A_531 : i32 to index
        %swap3A_533 = arith.index_cast %add3A_520 : i32 to index
        %swap3A_534 = arith.constant 0 : index
        %swap3A_535 = tpu.vector_load %arg11[%swap3A_532, %swap3A_533, %swap3A_534] {strides = array<i32>} : memref<2x128x16xf32, #tpu.memory_space<vmem>>, vector<1x1x16xf32>,
        %swap3A_536 = vector.shape_cast %swap3A_535 : vector<1x1x16xf32> to vector<16xf32>
        %swap3A_537 = vector.shape_cast %mul3A_530 : vector<16xf32> to vector<1x1x16xf32>
        tpu.vector_store %arg11[%swap3A_532, %swap3A_533, %swap3A_534], %swap3A_537 {strides = array<i32>} : memref<2x128x16xf32, #tpu.memory_space<vmem>>, vector<1x1x16xf32>,
        %mul3A_538 = arith.constant 16 : i32
        %mul3A_539 = arith.muli %scan3A_426, %mul3A_538 : i32
        %add3A_540 = arith.constant 5 : i32
        %add3A_541 = arith.addi %mul3A_539, %add3A_540 : i32
        %slice3A_542 = vector.extract_strided_slice %get3A_432 {offsets = [5], sizes = [1], strides = [1]} : vector<16xf32> to vector<1xf32>
        %squeeze3A_543 = vector.extract %slice3A_542[0] : f32 from vector<1xf32>
        %get3A_544 = arith.constant 0 : i32
        %get3A_545 = arith.index_cast %get3A_544 : i32 to index
        %get3A_546 = arith.index_cast %add3A_541 : i32 to index
        %get3A_547 = arith.constant 0 : index
        %get3A_548 = tpu.vector_load %arg11[%get3A_545, %get3A_546, %get3A_547] {strides = array<i32>} : memref<2x128x16xf32, #tpu.memory_space<vmem>>, vector<1x1x16xf32>,
        %get3A_549 = vector.shape_cast %get3A_548 : vector<1x1x16xf32> to vector<16xf32>
        %mul3A_550 = vector.broadcast %squeeze3A_543 : f32 to vector<16xf32>
        %mul3A_551 = arith.mulf %get3A_549, %mul3A_550 : vector<16xf32>
        %swap3A_552 = arith.constant 0 : i32
        %swap3A_553 = arith.index_cast %swap3A_552 : i32 to index
        %swap3A_554 = arith.index_cast %add3A_541 : i32 to index
        %swap3A_555 = arith.constant 0 : index
        %swap3A_556 = tpu.vector_load %arg11[%swap3A_553, %swap3A_554, %swap3A_555] {strides = array<i32>} : memref<2x128x16xf32, #tpu.memory_space<vmem>>, vector<1x1x16xf32>,
        %swap3A_557 = vector.shape_cast %swap3A_556 : vector<1x1x16xf32> to vector<16xf32>
        %swap3A_558 = vector.shape_cast %mul3A_551 : vector<16xf32> to vector<1x1x16xf32>
        tpu.vector_store %arg11[%swap3A_553, %swap3A_554, %swap3A_555], %swap3A_558 {strides = array<i32>} : memref<2x128x16xf32, #tpu.memory_space<vmem>>, vector<1x1x16xf32>,
        %mul3A_559 = arith.constant 16 : i32
        %mul3A_560 = arith.muli %scan3A_426, %mul3A_559 : i32
        %add3A_561 = arith.constant 6 : i32
        %add3A_562 = arith.addi %mul3A_560, %add3A_561 : i32
        %slice3A_563 = vector.extract_strided_slice %get3A_432 {offsets = [6], sizes = [1], strides = [1]} : vector<16xf32> to vector<1xf32>
        %squeeze3A_564 = vector.extract %slice3A_563[0] : f32 from vector<1xf32>
        %get3A_565 = arith.constant 0 : i32
        %get3A_566 = arith.index_cast %get3A_565 : i32 to index
        %get3A_567 = arith.index_cast %add3A_562 : i32 to index
        %get3A_568 = arith.constant 0 : index
        %get3A_569 = tpu.vector_load %arg11[%get3A_566, %get3A_567, %get3A_568] {strides = array<i32>} : memref<2x128x16xf32, #tpu.memory_space<vmem>>, vector<1x1x16xf32>,
        %get3A_570 = vector.shape_cast %get3A_569 : vector<1x1x16xf32> to vector<16xf32>
        %mul3A_571 = vector.broadcast %squeeze3A_564 : f32 to vector<16xf32>
        %mul3A_572 = arith.mulf %get3A_570, %mul3A_571 : vector<16xf32>
        %swap3A_573 = arith.constant 0 : i32
        %swap3A_574 = arith.index_cast %swap3A_573 : i32 to index
        %swap3A_575 = arith.index_cast %add3A_562 : i32 to index
        %swap3A_576 = arith.constant 0 : index
        %swap3A_577 = tpu.vector_load %arg11[%swap3A_574, %swap3A_575, %swap3A_576] {strides = array<i32>} : memref<2x128x16xf32, #tpu.memory_space<vmem>>, vector<1x1x16xf32>,
        %swap3A_578 = vector.shape_cast %swap3A_577 : vector<1x1x16xf32> to vector<16xf32>
        %swap3A_579 = vector.shape_cast %mul3A_572 : vector<16xf32> to vector<1x1x16xf32>
        tpu.vector_store %arg11[%swap3A_574, %swap3A_575, %swap3A_576], %swap3A_579 {strides = array<i32>} : memref<2x128x16xf32, #tpu.memory_space<vmem>>, vector<1x1x16xf32>,
        %mul3A_580 = arith.constant 16 : i32
        %mul3A_581 = arith.muli %scan3A_426, %mul3A_580 : i32
        %add3A_582 = arith.constant 7 : i32
        %add3A_583 = arith.addi %mul3A_581, %add3A_582 : i32
        %slice3A_584 = vector.extract_strided_slice %get3A_432 {offsets = [7], sizes = [1], strides = [1]} : vector<16xf32> to vector<1xf32>
        %squeeze3A_585 = vector.extract %slice3A_584[0] : f32 from vector<1xf32>
        %get3A_586 = arith.constant 0 : i32
        %get3A_587 = arith.index_cast %get3A_586 : i32 to index
        %get3A_588 = arith.index_cast %add3A_583 : i32 to index
        %get3A_589 = arith.constant 0 : index
        %get3A_590 = tpu.vector_load %arg11[%get3A_587, %get3A_588, %get3A_589] {strides = array<i32>} : memref<2x128x16xf32, #tpu.memory_space<vmem>>, vector<1x1x16xf32>,
        %get3A_591 = vector.shape_cast %get3A_590 : vector<1x1x16xf32> to vector<16xf32>
        %mul3A_592 = vector.broadcast %squeeze3A_585 : f32 to vector<16xf32>
        %mul3A_593 = arith.mulf %get3A_591, %mul3A_592 : vector<16xf32>
        %swap3A_594 = arith.constant 0 : i32
        %swap3A_595 = arith.index_cast %swap3A_594 : i32 to index
        %swap3A_596 = arith.index_cast %add3A_583 : i32 to index
        %swap3A_597 = arith.constant 0 : index
        %swap3A_598 = tpu.vector_load %arg11[%swap3A_595, %swap3A_596, %swap3A_597] {strides = array<i32>} : memref<2x128x16xf32, #tpu.memory_space<vmem>>, vector<1x1x16xf32>,
        %swap3A_599 = vector.shape_cast %swap3A_598 : vector<1x1x16xf32> to vector<16xf32>
        %swap3A_600 = vector.shape_cast %mul3A_593 : vector<16xf32> to vector<1x1x16xf32>
        tpu.vector_store %arg11[%swap3A_595, %swap3A_596, %swap3A_597], %swap3A_600 {strides = array<i32>} : memref<2x128x16xf32, #tpu.memory_space<vmem>>, vector<1x1x16xf32>,
        %mul3A_601 = arith.constant 16 : i32
        %mul3A_602 = arith.muli %scan3A_426, %mul3A_601 : i32
        %add3A_603 = arith.constant 8 : i32
        %add3A_604 = arith.addi %mul3A_602, %add3A_603 : i32
        %slice3A_605 = vector.extract_strided_slice %get3A_432 {offsets = [8], sizes = [1], strides = [1]} : vector<16xf32> to vector<1xf32>
        %squeeze3A_606 = vector.extract %slice3A_605[0] : f32 from vector<1xf32>
        %get3A_607 = arith.constant 0 : i32
        %get3A_608 = arith.index_cast %get3A_607 : i32 to index
        %get3A_609 = arith.index_cast %add3A_604 : i32 to index
        %get3A_610 = arith.constant 0 : index
        %get3A_611 = tpu.vector_load %arg11[%get3A_608, %get3A_609, %get3A_610] {strides = array<i32>} : memref<2x128x16xf32, #tpu.memory_space<vmem>>, vector<1x1x16xf32>,
        %get3A_612 = vector.shape_cast %get3A_611 : vector<1x1x16xf32> to vector<16xf32>
        %mul3A_613 = vector.broadcast %squeeze3A_606 : f32 to vector<16xf32>
        %mul3A_614 = arith.mulf %get3A_612, %mul3A_613 : vector<16xf32>
        %swap3A_615 = arith.constant 0 : i32
        %swap3A_616 = arith.index_cast %swap3A_615 : i32 to index
        %swap3A_617 = arith.index_cast %add3A_604 : i32 to index
        %swap3A_618 = arith.constant 0 : index
        %swap3A_619 = tpu.vector_load %arg11[%swap3A_616, %swap3A_617, %swap3A_618] {strides = array<i32>} : memref<2x128x16xf32, #tpu.memory_space<vmem>>, vector<1x1x16xf32>,
        %swap3A_620 = vector.shape_cast %swap3A_619 : vector<1x1x16xf32> to vector<16xf32>
        %swap3A_621 = vector.shape_cast %mul3A_614 : vector<16xf32> to vector<1x1x16xf32>
        tpu.vector_store %arg11[%swap3A_616, %swap3A_617, %swap3A_618], %swap3A_621 {strides = array<i32>} : memref<2x128x16xf32, #tpu.memory_space<vmem>>, vector<1x1x16xf32>,
        %mul3A_622 = arith.constant 16 : i32
        %mul3A_623 = arith.muli %scan3A_426, %mul3A_622 : i32
        %add3A_624 = arith.constant 9 : i32
        %add3A_625 = arith.addi %mul3A_623, %add3A_624 : i32
        %slice3A_626 = vector.extract_strided_slice %get3A_432 {offsets = [9], sizes = [1], strides = [1]} : vector<16xf32> to vector<1xf32>
        %squeeze3A_627 = vector.extract %slice3A_626[0] : f32 from vector<1xf32>
        %get3A_628 = arith.constant 0 : i32
        %get3A_629 = arith.index_cast %get3A_628 : i32 to index
        %get3A_630 = arith.index_cast %add3A_625 : i32 to index
        %get3A_631 = arith.constant 0 : index
        %get3A_632 = tpu.vector_load %arg11[%get3A_629, %get3A_630, %get3A_631] {strides = array<i32>} : memref<2x128x16xf32, #tpu.memory_space<vmem>>, vector<1x1x16xf32>,
        %get3A_633 = vector.shape_cast %get3A_632 : vector<1x1x16xf32> to vector<16xf32>
        %mul3A_634 = vector.broadcast %squeeze3A_627 : f32 to vector<16xf32>
        %mul3A_635 = arith.mulf %get3A_633, %mul3A_634 : vector<16xf32>
        %swap3A_636 = arith.constant 0 : i32
        %swap3A_637 = arith.index_cast %swap3A_636 : i32 to index
        %swap3A_638 = arith.index_cast %add3A_625 : i32 to index
        %swap3A_639 = arith.constant 0 : index
        %swap3A_640 = tpu.vector_load %arg11[%swap3A_637, %swap3A_638, %swap3A_639] {strides = array<i32>} : memref<2x128x16xf32, #tpu.memory_space<vmem>>, vector<1x1x16xf32>,
        %swap3A_641 = vector.shape_cast %swap3A_640 : vector<1x1x16xf32> to vector<16xf32>
        %swap3A_642 = vector.shape_cast %mul3A_635 : vector<16xf32> to vector<1x1x16xf32>
        tpu.vector_store %arg11[%swap3A_637, %swap3A_638, %swap3A_639], %swap3A_642 {strides = array<i32>} : memref<2x128x16xf32, #tpu.memory_space<vmem>>, vector<1x1x16xf32>,
        %mul3A_643 = arith.constant 16 : i32
        %mul3A_644 = arith.muli %scan3A_426, %mul3A_643 : i32
        %add3A_645 = arith.constant 10 : i32
        %add3A_646 = arith.addi %mul3A_644, %add3A_645 : i32
        %slice3A_647 = vector.extract_strided_slice %get3A_432 {offsets = [10], sizes = [1], strides = [1]} : vector<16xf32> to vector<1xf32>
        %squeeze3A_648 = vector.extract %slice3A_647[0] : f32 from vector<1xf32>
        %get3A_649 = arith.constant 0 : i32
        %get3A_650 = arith.index_cast %get3A_649 : i32 to index
        %get3A_651 = arith.index_cast %add3A_646 : i32 to index
        %get3A_652 = arith.constant 0 : index
        %get3A_653 = tpu.vector_load %arg11[%get3A_650, %get3A_651, %get3A_652] {strides = array<i32>} : memref<2x128x16xf32, #tpu.memory_space<vmem>>, vector<1x1x16xf32>,
        %get3A_654 = vector.shape_cast %get3A_653 : vector<1x1x16xf32> to vector<16xf32>
        %mul3A_655 = vector.broadcast %squeeze3A_648 : f32 to vector<16xf32>
        %mul3A_656 = arith.mulf %get3A_654, %mul3A_655 : vector<16xf32>
        %swap3A_657 = arith.constant 0 : i32
        %swap3A_658 = arith.index_cast %swap3A_657 : i32 to index
        %swap3A_659 = arith.index_cast %add3A_646 : i32 to index
        %swap3A_660 = arith.constant 0 : index
        %swap3A_661 = tpu.vector_load %arg11[%swap3A_658, %swap3A_659, %swap3A_660] {strides = array<i32>} : memref<2x128x16xf32, #tpu.memory_space<vmem>>, vector<1x1x16xf32>,
        %swap3A_662 = vector.shape_cast %swap3A_661 : vector<1x1x16xf32> to vector<16xf32>
        %swap3A_663 = vector.shape_cast %mul3A_656 : vector<16xf32> to vector<1x1x16xf32>
        tpu.vector_store %arg11[%swap3A_658, %swap3A_659, %swap3A_660], %swap3A_663 {strides = array<i32>} : memref<2x128x16xf32, #tpu.memory_space<vmem>>, vector<1x1x16xf32>,
        %mul3A_664 = arith.constant 16 : i32
        %mul3A_665 = arith.muli %scan3A_426, %mul3A_664 : i32
        %add3A_666 = arith.constant 11 : i32
        %add3A_667 = arith.addi %mul3A_665, %add3A_666 : i32
        %slice3A_668 = vector.extract_strided_slice %get3A_432 {offsets = [11], sizes = [1], strides = [1]} : vector<16xf32> to vector<1xf32>
        %squeeze3A_669 = vector.extract %slice3A_668[0] : f32 from vector<1xf32>
        %get3A_670 = arith.constant 0 : i32
        %get3A_671 = arith.index_cast %get3A_670 : i32 to index
        %get3A_672 = arith.index_cast %add3A_667 : i32 to index
        %get3A_673 = arith.constant 0 : index
        %get3A_674 = tpu.vector_load %arg11[%get3A_671, %get3A_672, %get3A_673] {strides = array<i32>} : memref<2x128x16xf32, #tpu.memory_space<vmem>>, vector<1x1x16xf32>,
        %get3A_675 = vector.shape_cast %get3A_674 : vector<1x1x16xf32> to vector<16xf32>
        %mul3A_676 = vector.broadcast %squeeze3A_669 : f32 to vector<16xf32>
        %mul3A_677 = arith.mulf %get3A_675, %mul3A_676 : vector<16xf32>
        %swap3A_678 = arith.constant 0 : i32
        %swap3A_679 = arith.index_cast %swap3A_678 : i32 to index
        %swap3A_680 = arith.index_cast %add3A_667 : i32 to index
        %swap3A_681 = arith.constant 0 : index
        %swap3A_682 = tpu.vector_load %arg11[%swap3A_679, %swap3A_680, %swap3A_681] {strides = array<i32>} : memref<2x128x16xf32, #tpu.memory_space<vmem>>, vector<1x1x16xf32>,
        %swap3A_683 = vector.shape_cast %swap3A_682 : vector<1x1x16xf32> to vector<16xf32>
        %swap3A_684 = vector.shape_cast %mul3A_677 : vector<16xf32> to vector<1x1x16xf32>
        tpu.vector_store %arg11[%swap3A_679, %swap3A_680, %swap3A_681], %swap3A_684 {strides = array<i32>} : memref<2x128x16xf32, #tpu.memory_space<vmem>>, vector<1x1x16xf32>,
        %mul3A_685 = arith.constant 16 : i32
        %mul3A_686 = arith.muli %scan3A_426, %mul3A_685 : i32
        %add3A_687 = arith.constant 12 : i32
        %add3A_688 = arith.addi %mul3A_686, %add3A_687 : i32
        %slice3A_689 = vector.extract_strided_slice %get3A_432 {offsets = [12], sizes = [1], strides = [1]} : vector<16xf32> to vector<1xf32>
        %squeeze3A_690 = vector.extract %slice3A_689[0] : f32 from vector<1xf32>
        %get3A_691 = arith.constant 0 : i32
        %get3A_692 = arith.index_cast %get3A_691 : i32 to index
        %get3A_693 = arith.index_cast %add3A_688 : i32 to index
        %get3A_694 = arith.constant 0 : index
        %get3A_695 = tpu.vector_load %arg11[%get3A_692, %get3A_693, %get3A_694] {strides = array<i32>} : memref<2x128x16xf32, #tpu.memory_space<vmem>>, vector<1x1x16xf32>,
        %get3A_696 = vector.shape_cast %get3A_695 : vector<1x1x16xf32> to vector<16xf32>
        %mul3A_697 = vector.broadcast %squeeze3A_690 : f32 to vector<16xf32>
        %mul3A_698 = arith.mulf %get3A_696, %mul3A_697 : vector<16xf32>
        %swap3A_699 = arith.constant 0 : i32
        %swap3A_700 = arith.index_cast %swap3A_699 : i32 to index
        %swap3A_701 = arith.index_cast %add3A_688 : i32 to index
        %swap3A_702 = arith.constant 0 : index
        %swap3A_703 = tpu.vector_load %arg11[%swap3A_700, %swap3A_701, %swap3A_702] {strides = array<i32>} : memref<2x128x16xf32, #tpu.memory_space<vmem>>, vector<1x1x16xf32>,
        %swap3A_704 = vector.shape_cast %swap3A_703 : vector<1x1x16xf32> to vector<16xf32>
        %swap3A_705 = vector.shape_cast %mul3A_698 : vector<16xf32> to vector<1x1x16xf32>
        tpu.vector_store %arg11[%swap3A_700, %swap3A_701, %swap3A_702], %swap3A_705 {strides = array<i32>} : memref<2x128x16xf32, #tpu.memory_space<vmem>>, vector<1x1x16xf32>,
        %mul3A_706 = arith.constant 16 : i32
        %mul3A_707 = arith.muli %scan3A_426, %mul3A_706 : i32
        %add3A_708 = arith.constant 13 : i32
        %add3A_709 = arith.addi %mul3A_707, %add3A_708 : i32
        %slice3A_710 = vector.extract_strided_slice %get3A_432 {offsets = [13], sizes = [1], strides = [1]} : vector<16xf32> to vector<1xf32>
        %squeeze3A_711 = vector.extract %slice3A_710[0] : f32 from vector<1xf32>
        %get3A_712 = arith.constant 0 : i32
        %get3A_713 = arith.index_cast %get3A_712 : i32 to index
        %get3A_714 = arith.index_cast %add3A_709 : i32 to index
        %get3A_715 = arith.constant 0 : index
        %get3A_716 = tpu.vector_load %arg11[%get3A_713, %get3A_714, %get3A_715] {strides = array<i32>} : memref<2x128x16xf32, #tpu.memory_space<vmem>>, vector<1x1x16xf32>,
        %get3A_717 = vector.shape_cast %get3A_716 : vector<1x1x16xf32> to vector<16xf32>
        %mul3A_718 = vector.broadcast %squeeze3A_711 : f32 to vector<16xf32>
        %mul3A_719 = arith.mulf %get3A_717, %mul3A_718 : vector<16xf32>
        %swap3A_720 = arith.constant 0 : i32
        %swap3A_721 = arith.index_cast %swap3A_720 : i32 to index
        %swap3A_722 = arith.index_cast %add3A_709 : i32 to index
        %swap3A_723 = arith.constant 0 : index
        %swap3A_724 = tpu.vector_load %arg11[%swap3A_721, %swap3A_722, %swap3A_723] {strides = array<i32>} : memref<2x128x16xf32, #tpu.memory_space<vmem>>, vector<1x1x16xf32>,
        %swap3A_725 = vector.shape_cast %swap3A_724 : vector<1x1x16xf32> to vector<16xf32>
        %swap3A_726 = vector.shape_cast %mul3A_719 : vector<16xf32> to vector<1x1x16xf32>
        tpu.vector_store %arg11[%swap3A_721, %swap3A_722, %swap3A_723], %swap3A_726 {strides = array<i32>} : memref<2x128x16xf32, #tpu.memory_space<vmem>>, vector<1x1x16xf32>,
        %mul3A_727 = arith.constant 16 : i32
        %mul3A_728 = arith.muli %scan3A_426, %mul3A_727 : i32
        %add3A_729 = arith.constant 14 : i32
        %add3A_730 = arith.addi %mul3A_728, %add3A_729 : i32
        %slice3A_731 = vector.extract_strided_slice %get3A_432 {offsets = [14], sizes = [1], strides = [1]} : vector<16xf32> to vector<1xf32>
        %squeeze3A_732 = vector.extract %slice3A_731[0] : f32 from vector<1xf32>
        %get3A_733 = arith.constant 0 : i32
        %get3A_734 = arith.index_cast %get3A_733 : i32 to index
        %get3A_735 = arith.index_cast %add3A_730 : i32 to index
        %get3A_736 = arith.constant 0 : index
        %get3A_737 = tpu.vector_load %arg11[%get3A_734, %get3A_735, %get3A_736] {strides = array<i32>} : memref<2x128x16xf32, #tpu.memory_space<vmem>>, vector<1x1x16xf32>,
        %get3A_738 = vector.shape_cast %get3A_737 : vector<1x1x16xf32> to vector<16xf32>
        %mul3A_739 = vector.broadcast %squeeze3A_732 : f32 to vector<16xf32>
        %mul3A_740 = arith.mulf %get3A_738, %mul3A_739 : vector<16xf32>
        %swap3A_741 = arith.constant 0 : i32
        %swap3A_742 = arith.index_cast %swap3A_741 : i32 to index
        %swap3A_743 = arith.index_cast %add3A_730 : i32 to index
        %swap3A_744 = arith.constant 0 : index
        %swap3A_745 = tpu.vector_load %arg11[%swap3A_742, %swap3A_743, %swap3A_744] {strides = array<i32>} : memref<2x128x16xf32, #tpu.memory_space<vmem>>, vector<1x1x16xf32>,
        %swap3A_746 = vector.shape_cast %swap3A_745 : vector<1x1x16xf32> to vector<16xf32>
        %swap3A_747 = vector.shape_cast %mul3A_740 : vector<16xf32> to vector<1x1x16xf32>
        tpu.vector_store %arg11[%swap3A_742, %swap3A_743, %swap3A_744], %swap3A_747 {strides = array<i32>} : memref<2x128x16xf32, #tpu.memory_space<vmem>>, vector<1x1x16xf32>,
        %mul3A_748 = arith.constant 16 : i32
        %mul3A_749 = arith.muli %scan3A_426, %mul3A_748 : i32
        %add3A_750 = arith.constant 15 : i32
        %add3A_751 = arith.addi %mul3A_749, %add3A_750 : i32
        %slice3A_752 = vector.extract_strided_slice %get3A_432 {offsets = [15], sizes = [1], strides = [1]} : vector<16xf32> to vector<1xf32>
        %squeeze3A_753 = vector.extract %slice3A_752[0] : f32 from vector<1xf32>
        %get3A_754 = arith.constant 0 : i32
        %get3A_755 = arith.index_cast %get3A_754 : i32 to index
        %get3A_756 = arith.index_cast %add3A_751 : i32 to index
        %get3A_757 = arith.constant 0 : index
        %get3A_758 = tpu.vector_load %arg11[%get3A_755, %get3A_756, %get3A_757] {strides = array<i32>} : memref<2x128x16xf32, #tpu.memory_space<vmem>>, vector<1x1x16xf32>,
        %get3A_759 = vector.shape_cast %get3A_758 : vector<1x1x16xf32> to vector<16xf32>
        %mul3A_760 = vector.broadcast %squeeze3A_753 : f32 to vector<16xf32>
        %mul3A_761 = arith.mulf %get3A_759, %mul3A_760 : vector<16xf32>
        %swap3A_762 = arith.constant 0 : i32
        %swap3A_763 = arith.index_cast %swap3A_762 : i32 to index
        %swap3A_764 = arith.index_cast %add3A_751 : i32 to index
        %swap3A_765 = arith.constant 0 : index
        %swap3A_766 = tpu.vector_load %arg11[%swap3A_763, %swap3A_764, %swap3A_765] {strides = array<i32>} : memref<2x128x16xf32, #tpu.memory_space<vmem>>, vector<1x1x16xf32>,
        %swap3A_767 = vector.shape_cast %swap3A_766 : vector<1x1x16xf32> to vector<16xf32>
        %swap3A_768 = vector.shape_cast %mul3A_761 : vector<16xf32> to vector<1x1x16xf32>
        tpu.vector_store %arg11[%swap3A_763, %swap3A_764, %swap3A_765], %swap3A_768 {strides = array<i32>} : memref<2x128x16xf32, #tpu.memory_space<vmem>>, vector<1x1x16xf32>,
      }
      %scan3A_57 = arith.constant 8 : i32
      %run_scoped3A = arith.constant 0 : i32
      "tpu.region"() ({
        %run_scoped3A_86 = tpu.sem_alloc : memref<!tpu.dma_semaphore, #tpu.memory_space<semaphore_mem>>
        %dma_start3A_87 = arith.constant 0 : i32
        %dma_start3A_88 = arith.constant 0 : i32
        %dma_start3A_89 = tpu.memref_slice %arg11[%run_scoped3A, %dma_start3A_87, %dma_start3A_88] : memref<2x128x16xf32, #tpu.memory_space<vmem>> -> memref<1x128x16xf32, #tpu.memory_space<vmem>>
        %dma_start3A_90 = tpu.memref_squeeze %dma_start3A_89 : memref<1x128x16xf32, #tpu.memory_space<vmem>> -> memref<128x16xf32, #tpu.memory_space<vmem>>
        %dma_start3A_91 = arith.constant 0 : i32
        %dma_start3A_92 = tpu.memref_slice %arg9[%mul3A_28, %dma_start3A_91] : memref<82x128xi32, #tpu.memory_space<vmem>> -> memref<1x128xi32, #tpu.memory_space<vmem>>
        %dma_start3A_93 = tpu.memref_squeeze %dma_start3A_92 : memref<1x128xi32, #tpu.memory_space<vmem>> -> memref<128xi32, #tpu.memory_space<vmem>>
        %dma_start3A_94 = arith.constant 0 : i32
        %dma_start3A_95 = arith.constant 0 : i32
        %dma_start3A_96 = tpu.memref_slice %arg13[%dma_start3A_94, %dma_start3A_95] : memref<10240x16xf32, #tpu.memory_space<vmem_shared>> -> memref<10240x16xf32, #tpu.memory_space<vmem_shared>>
        tpu.enqueue_indirect_dma source(%dma_start3A_90 : memref<128x16xf32, #tpu.memory_space<vmem>>) target(%dma_start3A_96 : memref<10240x16xf32, #tpu.memory_space<vmem_shared>>) offsets(%dma_start3A_93 : memref<128xi32, #tpu.memory_space<vmem>>) semaphore(%run_scoped3A_86 : memref<!tpu.dma_semaphore, #tpu.memory_space<semaphore_mem>>) {add = true}
        %dma_wait3A_97 = arith.constant 0 : i32
        %dma_wait3A_98 = arith.constant 0 : i32
        %dma_wait3A_99 = tpu.memref_slice %arg11[%run_scoped3A, %dma_wait3A_97, %dma_wait3A_98] : memref<2x128x16xf32, #tpu.memory_space<vmem>> -> memref<1x128x16xf32, #tpu.memory_space<vmem>>
        %dma_wait3A_100 = tpu.memref_squeeze %dma_wait3A_99 : memref<1x128x16xf32, #tpu.memory_space<vmem>> -> memref<128x16xf32, #tpu.memory_space<vmem>>
        %dma_wait3A_101 = arith.constant 0 : i32
        %dma_wait3A_102 = tpu.memref_slice %arg9[%mul3A_28, %dma_wait3A_101] : memref<82x128xi32, #tpu.memory_space<vmem>> -> memref<1x128xi32, #tpu.memory_space<vmem>>
        %dma_wait3A_103 = tpu.memref_squeeze %dma_wait3A_102 : memref<1x128xi32, #tpu.memory_space<vmem>> -> memref<128xi32, #tpu.memory_space<vmem>>
        %dma_wait3A_104 = arith.constant 0 : i32
        %dma_wait3A_105 = arith.constant 0 : i32
        %dma_wait3A_106 = tpu.memref_slice %arg13[%dma_wait3A_104, %dma_wait3A_105] : memref<10240x16xf32, #tpu.memory_space<vmem_shared>> -> memref<10240x16xf32, #tpu.memory_space<vmem_shared>>
        tpu.wait_indirect_dma semaphore(%run_scoped3A_86 : memref<!tpu.dma_semaphore, #tpu.memory_space<semaphore_mem>>) src(%dma_wait3A_100 : memref<128x16xf32, #tpu.memory_space<vmem>>) dst(%dma_wait3A_106 : memref<10240x16xf32, #tpu.memory_space<vmem_shared>>)
        tpu.yield
      }) : () -> ()
      %add3A_58 = arith.constant 2 : i32
      %add3A_59 = arith.addi %mul3A_28, %add3A_58 : i32
      %lt3A = arith.constant 82 : i32
      %lt3A_60 = arith.cmpi slt, %add3A_59, %lt3A : i32
      %convert_element_type3A = arith.extui %lt3A_60 : i1 to i32
      %cond3A = arith.constant 0 : i32
      %cond3A_61 = arith.cmpi ne, %convert_element_type3A, %cond3A : i32
      scf.if %cond3A_61 {
        %add3A_86 = arith.constant 2 : i32
        %add3A_87 = arith.addi %mul3A_28, %add3A_86 : i32
        %dma_start3A_88 = arith.constant 0 : i32
        %dma_start3A_89 = arith.constant 0 : i32
        %dma_start3A_90 = arith.constant 0 : i32
        %dma_start3A_91 = tpu.memref_slice %arg11[%dma_start3A_88, %dma_start3A_89, %dma_start3A_90] : memref<2x128x16xf32, #tpu.memory_space<vmem>> -> memref<1x128x16xf32, #tpu.memory_space<vmem>>
        %dma_start3A_92 = tpu.memref_squeeze %dma_start3A_91 : memref<1x128x16xf32, #tpu.memory_space<vmem>> -> memref<128x16xf32, #tpu.memory_space<vmem>>
        %dma_start3A_93 = arith.constant 0 : i32
        %dma_start3A_94 = tpu.memref_slice %arg8[%add3A_87, %dma_start3A_93] : memref<82x128xi32, #tpu.memory_space<vmem>> -> memref<1x128xi32, #tpu.memory_space<vmem>>
        %dma_start3A_95 = tpu.memref_squeeze %dma_start3A_94 : memref<1x128xi32, #tpu.memory_space<vmem>> -> memref<128xi32, #tpu.memory_space<vmem>>
        %dma_start3A_96 = arith.constant 0 : i32
        %dma_start3A_97 = arith.constant 0 : i32
        %dma_start3A_98 = tpu.memref_slice %arg5[%dma_start3A_96, %dma_start3A_97] : memref<10240x16xf32, #tpu.memory_space<hbm>> -> memref<10240x16xf32, #tpu.memory_space<hbm>>
        tpu.enqueue_indirect_dma source(%dma_start3A_98 : memref<10240x16xf32, #tpu.memory_space<hbm>>) target(%dma_start3A_92 : memref<128x16xf32, #tpu.memory_space<vmem>>) offsets(%dma_start3A_95 : memref<128xi32, #tpu.memory_space<vmem>>) semaphore(%arg14 : memref<!tpu.dma_semaphore, #tpu.memory_space<semaphore_mem>>)
      } else {
      }
      %add3A_62 = arith.constant 1 : i32
      %add3A_63 = arith.addi %mul3A_28, %add3A_62 : i32
      %dma_wait3A_64 = arith.constant 1 : i32
      %dma_wait3A_65 = arith.constant 0 : i32
      %dma_wait3A_66 = arith.constant 0 : i32
      %dma_wait3A_67 = tpu.memref_slice %arg11[%dma_wait3A_64, %dma_wait3A_65, %dma_wait3A_66] : memref<2x128x16xf32, #tpu.memory_space<vmem>> -> memref<1x128x16xf32, #tpu.memory_space<vmem>>
      %dma_wait3A_68 = tpu.memref_squeeze %dma_wait3A_67 : memref<1x128x16xf32, #tpu.memory_space<vmem>> -> memref<128x16xf32, #tpu.memory_space<vmem>>
      %dma_wait3A_69 = arith.constant 0 : i32
      %dma_wait3A_70 = tpu.memref_slice %arg8[%add3A_63, %dma_wait3A_69] : memref<82x128xi32, #tpu.memory_space<vmem>> -> memref<1x128xi32, #tpu.memory_space<vmem>>
      %dma_wait3A_71 = tpu.memref_squeeze %dma_wait3A_70 : memref<1x128xi32, #tpu.memory_space<vmem>> -> memref<128xi32, #tpu.memory_space<vmem>>
      %dma_wait3A_72 = arith.constant 0 : i32
      %dma_wait3A_73 = arith.constant 0 : i32
      %dma_wait3A_74 = tpu.memref_slice %arg5[%dma_wait3A_72, %dma_wait3A_73] : memref<10240x16xf32, #tpu.memory_space<hbm>> -> memref<10240x16xf32, #tpu.memory_space<hbm>>
      tpu.wait_indirect_dma semaphore(%arg15 : memref<!tpu.dma_semaphore, #tpu.memory_space<semaphore_mem>>) src(%dma_wait3A_74 : memref<10240x16xf32, #tpu.memory_space<hbm>>) dst(%dma_wait3A_68 : memref<128x16xf32, #tpu.memory_space<vmem>>)
      %add3A_75 = arith.constant 1 : i32
      %add3A_76 = arith.addi %mul3A_28, %add3A_75 : i32
      %scan3A_77 = arith.constant 0 : i32
      %scan3A_78 = arith.constant 0 : i32
      %scan3A_79 = arith.constant 8 : i32
      %scan3A_80 = arith.addi %scan3A_78, %scan3A_79 : i32
      %scan3A_81 = arith.constant 2 : i32
      scf.for %scan3A_86 = %scan3A_78 to %scan3A_80 step %scan3A_81  : i32 {
        %mul3A_87 = arith.constant 16 : i32
        %mul3A_88 = arith.muli %scan3A_86, %mul3A_87 : i32
        %get3A = arith.index_cast %add3A_76 : i32 to index
        %get3A_89 = arith.index_cast %mul3A_88 : i32 to index
        %get3A_90 = tpu.vector_load %arg10[%get3A, %get3A_89] {strides = array<i32>} : memref<82x128xf32, #tpu.memory_space<vmem>>, vector<1x16xf32>,
        %get3A_91 = vector.shape_cast %get3A_90 : vector<1x16xf32> to vector<16xf32>
        %mul3A_92 = arith.constant 16 : i32
        %mul3A_93 = arith.muli %scan3A_86, %mul3A_92 : i32
        %add3A_94 = arith.constant 0 : i32
        %add3A_95 = arith.addi %mul3A_93, %add3A_94 : i32
        %slice3A = vector.extract_strided_slice %get3A_91 {offsets = [0], sizes = [1], strides = [1]} : vector<16xf32> to vector<1xf32>
        %squeeze3A = vector.extract %slice3A[0] : f32 from vector<1xf32>
        %get3A_96 = arith.constant 1 : i32
        %get3A_97 = arith.index_cast %get3A_96 : i32 to index
        %get3A_98 = arith.index_cast %add3A_95 : i32 to index
        %get3A_99 = arith.constant 0 : index
        %get3A_100 = tpu.vector_load %arg11[%get3A_97, %get3A_98, %get3A_99] {strides = array<i32>} : memref<2x128x16xf32, #tpu.memory_space<vmem>>, vector<1x1x16xf32>,
        %get3A_101 = vector.shape_cast %get3A_100 : vector<1x1x16xf32> to vector<16xf32>
        %mul3A_102 = vector.broadcast %squeeze3A : f32 to vector<16xf32>
        %mul3A_103 = arith.mulf %get3A_101, %mul3A_102 : vector<16xf32>
        %swap3A = arith.constant 1 : i32
        %swap3A_104 = arith.index_cast %swap3A : i32 to index
        %swap3A_105 = arith.index_cast %add3A_95 : i32 to index
        %swap3A_106 = arith.constant 0 : index
        %swap3A_107 = tpu.vector_load %arg11[%swap3A_104, %swap3A_105, %swap3A_106] {strides = array<i32>} : memref<2x128x16xf32, #tpu.memory_space<vmem>>, vector<1x1x16xf32>,
        %swap3A_108 = vector.shape_cast %swap3A_107 : vector<1x1x16xf32> to vector<16xf32>
        %swap3A_109 = vector.shape_cast %mul3A_103 : vector<16xf32> to vector<1x1x16xf32>
        tpu.vector_store %arg11[%swap3A_104, %swap3A_105, %swap3A_106], %swap3A_109 {strides = array<i32>} : memref<2x128x16xf32, #tpu.memory_space<vmem>>, vector<1x1x16xf32>,
        %mul3A_110 = arith.constant 16 : i32
        %mul3A_111 = arith.muli %scan3A_86, %mul3A_110 : i32
        %add3A_112 = arith.constant 1 : i32
        %add3A_113 = arith.addi %mul3A_111, %add3A_112 : i32
        %slice3A_114 = vector.extract_strided_slice %get3A_91 {offsets = [1], sizes = [1], strides = [1]} : vector<16xf32> to vector<1xf32>
        %squeeze3A_115 = vector.extract %slice3A_114[0] : f32 from vector<1xf32>
        %get3A_116 = arith.constant 1 : i32
        %get3A_117 = arith.index_cast %get3A_116 : i32 to index
        %get3A_118 = arith.index_cast %add3A_113 : i32 to index
        %get3A_119 = arith.constant 0 : index
        %get3A_120 = tpu.vector_load %arg11[%get3A_117, %get3A_118, %get3A_119] {strides = array<i32>} : memref<2x128x16xf32, #tpu.memory_space<vmem>>, vector<1x1x16xf32>,
        %get3A_121 = vector.shape_cast %get3A_120 : vector<1x1x16xf32> to vector<16xf32>
        %mul3A_122 = vector.broadcast %squeeze3A_115 : f32 to vector<16xf32>
        %mul3A_123 = arith.mulf %get3A_121, %mul3A_122 : vector<16xf32>
        %swap3A_124 = arith.constant 1 : i32
        %swap3A_125 = arith.index_cast %swap3A_124 : i32 to index
        %swap3A_126 = arith.index_cast %add3A_113 : i32 to index
        %swap3A_127 = arith.constant 0 : index
        %swap3A_128 = tpu.vector_load %arg11[%swap3A_125, %swap3A_126, %swap3A_127] {strides = array<i32>} : memref<2x128x16xf32, #tpu.memory_space<vmem>>, vector<1x1x16xf32>,
        %swap3A_129 = vector.shape_cast %swap3A_128 : vector<1x1x16xf32> to vector<16xf32>
        %swap3A_130 = vector.shape_cast %mul3A_123 : vector<16xf32> to vector<1x1x16xf32>
        tpu.vector_store %arg11[%swap3A_125, %swap3A_126, %swap3A_127], %swap3A_130 {strides = array<i32>} : memref<2x128x16xf32, #tpu.memory_space<vmem>>, vector<1x1x16xf32>,
        %mul3A_131 = arith.constant 16 : i32
        %mul3A_132 = arith.muli %scan3A_86, %mul3A_131 : i32
        %add3A_133 = arith.constant 2 : i32
        %add3A_134 = arith.addi %mul3A_132, %add3A_133 : i32
        %slice3A_135 = vector.extract_strided_slice %get3A_91 {offsets = [2], sizes = [1], strides = [1]} : vector<16xf32> to vector<1xf32>
        %squeeze3A_136 = vector.extract %slice3A_135[0] : f32 from vector<1xf32>
        %get3A_137 = arith.constant 1 : i32
        %get3A_138 = arith.index_cast %get3A_137 : i32 to index
        %get3A_139 = arith.index_cast %add3A_134 : i32 to index
        %get3A_140 = arith.constant 0 : index
        %get3A_141 = tpu.vector_load %arg11[%get3A_138, %get3A_139, %get3A_140] {strides = array<i32>} : memref<2x128x16xf32, #tpu.memory_space<vmem>>, vector<1x1x16xf32>,
        %get3A_142 = vector.shape_cast %get3A_141 : vector<1x1x16xf32> to vector<16xf32>
        %mul3A_143 = vector.broadcast %squeeze3A_136 : f32 to vector<16xf32>
        %mul3A_144 = arith.mulf %get3A_142, %mul3A_143 : vector<16xf32>
        %swap3A_145 = arith.constant 1 : i32
        %swap3A_146 = arith.index_cast %swap3A_145 : i32 to index
        %swap3A_147 = arith.index_cast %add3A_134 : i32 to index
        %swap3A_148 = arith.constant 0 : index
        %swap3A_149 = tpu.vector_load %arg11[%swap3A_146, %swap3A_147, %swap3A_148] {strides = array<i32>} : memref<2x128x16xf32, #tpu.memory_space<vmem>>, vector<1x1x16xf32>,
        %swap3A_150 = vector.shape_cast %swap3A_149 : vector<1x1x16xf32> to vector<16xf32>
        %swap3A_151 = vector.shape_cast %mul3A_144 : vector<16xf32> to vector<1x1x16xf32>
        tpu.vector_store %arg11[%swap3A_146, %swap3A_147, %swap3A_148], %swap3A_151 {strides = array<i32>} : memref<2x128x16xf32, #tpu.memory_space<vmem>>, vector<1x1x16xf32>,
        %mul3A_152 = arith.constant 16 : i32
        %mul3A_153 = arith.muli %scan3A_86, %mul3A_152 : i32
        %add3A_154 = arith.constant 3 : i32
        %add3A_155 = arith.addi %mul3A_153, %add3A_154 : i32
        %slice3A_156 = vector.extract_strided_slice %get3A_91 {offsets = [3], sizes = [1], strides = [1]} : vector<16xf32> to vector<1xf32>
        %squeeze3A_157 = vector.extract %slice3A_156[0] : f32 from vector<1xf32>
        %get3A_158 = arith.constant 1 : i32
        %get3A_159 = arith.index_cast %get3A_158 : i32 to index
        %get3A_160 = arith.index_cast %add3A_155 : i32 to index
        %get3A_161 = arith.constant 0 : index
        %get3A_162 = tpu.vector_load %arg11[%get3A_159, %get3A_160, %get3A_161] {strides = array<i32>} : memref<2x128x16xf32, #tpu.memory_space<vmem>>, vector<1x1x16xf32>,
        %get3A_163 = vector.shape_cast %get3A_162 : vector<1x1x16xf32> to vector<16xf32>
        %mul3A_164 = vector.broadcast %squeeze3A_157 : f32 to vector<16xf32>
        %mul3A_165 = arith.mulf %get3A_163, %mul3A_164 : vector<16xf32>
        %swap3A_166 = arith.constant 1 : i32
        %swap3A_167 = arith.index_cast %swap3A_166 : i32 to index
        %swap3A_168 = arith.index_cast %add3A_155 : i32 to index
        %swap3A_169 = arith.constant 0 : index
        %swap3A_170 = tpu.vector_load %arg11[%swap3A_167, %swap3A_168, %swap3A_169] {strides = array<i32>} : memref<2x128x16xf32, #tpu.memory_space<vmem>>, vector<1x1x16xf32>,
        %swap3A_171 = vector.shape_cast %swap3A_170 : vector<1x1x16xf32> to vector<16xf32>
        %swap3A_172 = vector.shape_cast %mul3A_165 : vector<16xf32> to vector<1x1x16xf32>
        tpu.vector_store %arg11[%swap3A_167, %swap3A_168, %swap3A_169], %swap3A_172 {strides = array<i32>} : memref<2x128x16xf32, #tpu.memory_space<vmem>>, vector<1x1x16xf32>,
        %mul3A_173 = arith.constant 16 : i32
        %mul3A_174 = arith.muli %scan3A_86, %mul3A_173 : i32
        %add3A_175 = arith.constant 4 : i32
        %add3A_176 = arith.addi %mul3A_174, %add3A_175 : i32
        %slice3A_177 = vector.extract_strided_slice %get3A_91 {offsets = [4], sizes = [1], strides = [1]} : vector<16xf32> to vector<1xf32>
        %squeeze3A_178 = vector.extract %slice3A_177[0] : f32 from vector<1xf32>
        %get3A_179 = arith.constant 1 : i32
        %get3A_180 = arith.index_cast %get3A_179 : i32 to index
        %get3A_181 = arith.index_cast %add3A_176 : i32 to index
        %get3A_182 = arith.constant 0 : index
        %get3A_183 = tpu.vector_load %arg11[%get3A_180, %get3A_181, %get3A_182] {strides = array<i32>} : memref<2x128x16xf32, #tpu.memory_space<vmem>>, vector<1x1x16xf32>,
        %get3A_184 = vector.shape_cast %get3A_183 : vector<1x1x16xf32> to vector<16xf32>
        %mul3A_185 = vector.broadcast %squeeze3A_178 : f32 to vector<16xf32>
        %mul3A_186 = arith.mulf %get3A_184, %mul3A_185 : vector<16xf32>
        %swap3A_187 = arith.constant 1 : i32
        %swap3A_188 = arith.index_cast %swap3A_187 : i32 to index
        %swap3A_189 = arith.index_cast %add3A_176 : i32 to index
        %swap3A_190 = arith.constant 0 : index
        %swap3A_191 = tpu.vector_load %arg11[%swap3A_188, %swap3A_189, %swap3A_190] {strides = array<i32>} : memref<2x128x16xf32, #tpu.memory_space<vmem>>, vector<1x1x16xf32>,
        %swap3A_192 = vector.shape_cast %swap3A_191 : vector<1x1x16xf32> to vector<16xf32>
        %swap3A_193 = vector.shape_cast %mul3A_186 : vector<16xf32> to vector<1x1x16xf32>
        tpu.vector_store %arg11[%swap3A_188, %swap3A_189, %swap3A_190], %swap3A_193 {strides = array<i32>} : memref<2x128x16xf32, #tpu.memory_space<vmem>>, vector<1x1x16xf32>,
        %mul3A_194 = arith.constant 16 : i32
        %mul3A_195 = arith.muli %scan3A_86, %mul3A_194 : i32
        %add3A_196 = arith.constant 5 : i32
        %add3A_197 = arith.addi %mul3A_195, %add3A_196 : i32
        %slice3A_198 = vector.extract_strided_slice %get3A_91 {offsets = [5], sizes = [1], strides = [1]} : vector<16xf32> to vector<1xf32>
        %squeeze3A_199 = vector.extract %slice3A_198[0] : f32 from vector<1xf32>
        %get3A_200 = arith.constant 1 : i32
        %get3A_201 = arith.index_cast %get3A_200 : i32 to index
        %get3A_202 = arith.index_cast %add3A_197 : i32 to index
        %get3A_203 = arith.constant 0 : index
        %get3A_204 = tpu.vector_load %arg11[%get3A_201, %get3A_202, %get3A_203] {strides = array<i32>} : memref<2x128x16xf32, #tpu.memory_space<vmem>>, vector<1x1x16xf32>,
        %get3A_205 = vector.shape_cast %get3A_204 : vector<1x1x16xf32> to vector<16xf32>
        %mul3A_206 = vector.broadcast %squeeze3A_199 : f32 to vector<16xf32>
        %mul3A_207 = arith.mulf %get3A_205, %mul3A_206 : vector<16xf32>
        %swap3A_208 = arith.constant 1 : i32
        %swap3A_209 = arith.index_cast %swap3A_208 : i32 to index
        %swap3A_210 = arith.index_cast %add3A_197 : i32 to index
        %swap3A_211 = arith.constant 0 : index
        %swap3A_212 = tpu.vector_load %arg11[%swap3A_209, %swap3A_210, %swap3A_211] {strides = array<i32>} : memref<2x128x16xf32, #tpu.memory_space<vmem>>, vector<1x1x16xf32>,
        %swap3A_213 = vector.shape_cast %swap3A_212 : vector<1x1x16xf32> to vector<16xf32>
        %swap3A_214 = vector.shape_cast %mul3A_207 : vector<16xf32> to vector<1x1x16xf32>
        tpu.vector_store %arg11[%swap3A_209, %swap3A_210, %swap3A_211], %swap3A_214 {strides = array<i32>} : memref<2x128x16xf32, #tpu.memory_space<vmem>>, vector<1x1x16xf32>,
        %mul3A_215 = arith.constant 16 : i32
        %mul3A_216 = arith.muli %scan3A_86, %mul3A_215 : i32
        %add3A_217 = arith.constant 6 : i32
        %add3A_218 = arith.addi %mul3A_216, %add3A_217 : i32
        %slice3A_219 = vector.extract_strided_slice %get3A_91 {offsets = [6], sizes = [1], strides = [1]} : vector<16xf32> to vector<1xf32>
        %squeeze3A_220 = vector.extract %slice3A_219[0] : f32 from vector<1xf32>
        %get3A_221 = arith.constant 1 : i32
        %get3A_222 = arith.index_cast %get3A_221 : i32 to index
        %get3A_223 = arith.index_cast %add3A_218 : i32 to index
        %get3A_224 = arith.constant 0 : index
        %get3A_225 = tpu.vector_load %arg11[%get3A_222, %get3A_223, %get3A_224] {strides = array<i32>} : memref<2x128x16xf32, #tpu.memory_space<vmem>>, vector<1x1x16xf32>,
        %get3A_226 = vector.shape_cast %get3A_225 : vector<1x1x16xf32> to vector<16xf32>
        %mul3A_227 = vector.broadcast %squeeze3A_220 : f32 to vector<16xf32>
        %mul3A_228 = arith.mulf %get3A_226, %mul3A_227 : vector<16xf32>
        %swap3A_229 = arith.constant 1 : i32
        %swap3A_230 = arith.index_cast %swap3A_229 : i32 to index
        %swap3A_231 = arith.index_cast %add3A_218 : i32 to index
        %swap3A_232 = arith.constant 0 : index
        %swap3A_233 = tpu.vector_load %arg11[%swap3A_230, %swap3A_231, %swap3A_232] {strides = array<i32>} : memref<2x128x16xf32, #tpu.memory_space<vmem>>, vector<1x1x16xf32>,
        %swap3A_234 = vector.shape_cast %swap3A_233 : vector<1x1x16xf32> to vector<16xf32>
        %swap3A_235 = vector.shape_cast %mul3A_228 : vector<16xf32> to vector<1x1x16xf32>
        tpu.vector_store %arg11[%swap3A_230, %swap3A_231, %swap3A_232], %swap3A_235 {strides = array<i32>} : memref<2x128x16xf32, #tpu.memory_space<vmem>>, vector<1x1x16xf32>,
        %mul3A_236 = arith.constant 16 : i32
        %mul3A_237 = arith.muli %scan3A_86, %mul3A_236 : i32
        %add3A_238 = arith.constant 7 : i32
        %add3A_239 = arith.addi %mul3A_237, %add3A_238 : i32
        %slice3A_240 = vector.extract_strided_slice %get3A_91 {offsets = [7], sizes = [1], strides = [1]} : vector<16xf32> to vector<1xf32>
        %squeeze3A_241 = vector.extract %slice3A_240[0] : f32 from vector<1xf32>
        %get3A_242 = arith.constant 1 : i32
        %get3A_243 = arith.index_cast %get3A_242 : i32 to index
        %get3A_244 = arith.index_cast %add3A_239 : i32 to index
        %get3A_245 = arith.constant 0 : index
        %get3A_246 = tpu.vector_load %arg11[%get3A_243, %get3A_244, %get3A_245] {strides = array<i32>} : memref<2x128x16xf32, #tpu.memory_space<vmem>>, vector<1x1x16xf32>,
        %get3A_247 = vector.shape_cast %get3A_246 : vector<1x1x16xf32> to vector<16xf32>
        %mul3A_248 = vector.broadcast %squeeze3A_241 : f32 to vector<16xf32>
        %mul3A_249 = arith.mulf %get3A_247, %mul3A_248 : vector<16xf32>
        %swap3A_250 = arith.constant 1 : i32
        %swap3A_251 = arith.index_cast %swap3A_250 : i32 to index
        %swap3A_252 = arith.index_cast %add3A_239 : i32 to index
        %swap3A_253 = arith.constant 0 : index
        %swap3A_254 = tpu.vector_load %arg11[%swap3A_251, %swap3A_252, %swap3A_253] {strides = array<i32>} : memref<2x128x16xf32, #tpu.memory_space<vmem>>, vector<1x1x16xf32>,
        %swap3A_255 = vector.shape_cast %swap3A_254 : vector<1x1x16xf32> to vector<16xf32>
        %swap3A_256 = vector.shape_cast %mul3A_249 : vector<16xf32> to vector<1x1x16xf32>
        tpu.vector_store %arg11[%swap3A_251, %swap3A_252, %swap3A_253], %swap3A_256 {strides = array<i32>} : memref<2x128x16xf32, #tpu.memory_space<vmem>>, vector<1x1x16xf32>,
        %mul3A_257 = arith.constant 16 : i32
        %mul3A_258 = arith.muli %scan3A_86, %mul3A_257 : i32
        %add3A_259 = arith.constant 8 : i32
        %add3A_260 = arith.addi %mul3A_258, %add3A_259 : i32
        %slice3A_261 = vector.extract_strided_slice %get3A_91 {offsets = [8], sizes = [1], strides = [1]} : vector<16xf32> to vector<1xf32>
        %squeeze3A_262 = vector.extract %slice3A_261[0] : f32 from vector<1xf32>
        %get3A_263 = arith.constant 1 : i32
        %get3A_264 = arith.index_cast %get3A_263 : i32 to index
        %get3A_265 = arith.index_cast %add3A_260 : i32 to index
        %get3A_266 = arith.constant 0 : index
        %get3A_267 = tpu.vector_load %arg11[%get3A_264, %get3A_265, %get3A_266] {strides = array<i32>} : memref<2x128x16xf32, #tpu.memory_space<vmem>>, vector<1x1x16xf32>,
        %get3A_268 = vector.shape_cast %get3A_267 : vector<1x1x16xf32> to vector<16xf32>
        %mul3A_269 = vector.broadcast %squeeze3A_262 : f32 to vector<16xf32>
        %mul3A_270 = arith.mulf %get3A_268, %mul3A_269 : vector<16xf32>
        %swap3A_271 = arith.constant 1 : i32
        %swap3A_272 = arith.index_cast %swap3A_271 : i32 to index
        %swap3A_273 = arith.index_cast %add3A_260 : i32 to index
        %swap3A_274 = arith.constant 0 : index
        %swap3A_275 = tpu.vector_load %arg11[%swap3A_272, %swap3A_273, %swap3A_274] {strides = array<i32>} : memref<2x128x16xf32, #tpu.memory_space<vmem>>, vector<1x1x16xf32>,
        %swap3A_276 = vector.shape_cast %swap3A_275 : vector<1x1x16xf32> to vector<16xf32>
        %swap3A_277 = vector.shape_cast %mul3A_270 : vector<16xf32> to vector<1x1x16xf32>
        tpu.vector_store %arg11[%swap3A_272, %swap3A_273, %swap3A_274], %swap3A_277 {strides = array<i32>} : memref<2x128x16xf32, #tpu.memory_space<vmem>>, vector<1x1x16xf32>,
        %mul3A_278 = arith.constant 16 : i32
        %mul3A_279 = arith.muli %scan3A_86, %mul3A_278 : i32
        %add3A_280 = arith.constant 9 : i32
        %add3A_281 = arith.addi %mul3A_279, %add3A_280 : i32
        %slice3A_282 = vector.extract_strided_slice %get3A_91 {offsets = [9], sizes = [1], strides = [1]} : vector<16xf32> to vector<1xf32>
        %squeeze3A_283 = vector.extract %slice3A_282[0] : f32 from vector<1xf32>
        %get3A_284 = arith.constant 1 : i32
        %get3A_285 = arith.index_cast %get3A_284 : i32 to index
        %get3A_286 = arith.index_cast %add3A_281 : i32 to index
        %get3A_287 = arith.constant 0 : index
        %get3A_288 = tpu.vector_load %arg11[%get3A_285, %get3A_286, %get3A_287] {strides = array<i32>} : memref<2x128x16xf32, #tpu.memory_space<vmem>>, vector<1x1x16xf32>,
        %get3A_289 = vector.shape_cast %get3A_288 : vector<1x1x16xf32> to vector<16xf32>
        %mul3A_290 = vector.broadcast %squeeze3A_283 : f32 to vector<16xf32>
        %mul3A_291 = arith.mulf %get3A_289, %mul3A_290 : vector<16xf32>
        %swap3A_292 = arith.constant 1 : i32
        %swap3A_293 = arith.index_cast %swap3A_292 : i32 to index
        %swap3A_294 = arith.index_cast %add3A_281 : i32 to index
        %swap3A_295 = arith.constant 0 : index
        %swap3A_296 = tpu.vector_load %arg11[%swap3A_293, %swap3A_294, %swap3A_295] {strides = array<i32>} : memref<2x128x16xf32, #tpu.memory_space<vmem>>, vector<1x1x16xf32>,
        %swap3A_297 = vector.shape_cast %swap3A_296 : vector<1x1x16xf32> to vector<16xf32>
        %swap3A_298 = vector.shape_cast %mul3A_291 : vector<16xf32> to vector<1x1x16xf32>
        tpu.vector_store %arg11[%swap3A_293, %swap3A_294, %swap3A_295], %swap3A_298 {strides = array<i32>} : memref<2x128x16xf32, #tpu.memory_space<vmem>>, vector<1x1x16xf32>,
        %mul3A_299 = arith.constant 16 : i32
        %mul3A_300 = arith.muli %scan3A_86, %mul3A_299 : i32
        %add3A_301 = arith.constant 10 : i32
        %add3A_302 = arith.addi %mul3A_300, %add3A_301 : i32
        %slice3A_303 = vector.extract_strided_slice %get3A_91 {offsets = [10], sizes = [1], strides = [1]} : vector<16xf32> to vector<1xf32>
        %squeeze3A_304 = vector.extract %slice3A_303[0] : f32 from vector<1xf32>
        %get3A_305 = arith.constant 1 : i32
        %get3A_306 = arith.index_cast %get3A_305 : i32 to index
        %get3A_307 = arith.index_cast %add3A_302 : i32 to index
        %get3A_308 = arith.constant 0 : index
        %get3A_309 = tpu.vector_load %arg11[%get3A_306, %get3A_307, %get3A_308] {strides = array<i32>} : memref<2x128x16xf32, #tpu.memory_space<vmem>>, vector<1x1x16xf32>,
        %get3A_310 = vector.shape_cast %get3A_309 : vector<1x1x16xf32> to vector<16xf32>
        %mul3A_311 = vector.broadcast %squeeze3A_304 : f32 to vector<16xf32>
        %mul3A_312 = arith.mulf %get3A_310, %mul3A_311 : vector<16xf32>
        %swap3A_313 = arith.constant 1 : i32
        %swap3A_314 = arith.index_cast %swap3A_313 : i32 to index
        %swap3A_315 = arith.index_cast %add3A_302 : i32 to index
        %swap3A_316 = arith.constant 0 : index
        %swap3A_317 = tpu.vector_load %arg11[%swap3A_314, %swap3A_315, %swap3A_316] {strides = array<i32>} : memref<2x128x16xf32, #tpu.memory_space<vmem>>, vector<1x1x16xf32>,
        %swap3A_318 = vector.shape_cast %swap3A_317 : vector<1x1x16xf32> to vector<16xf32>
        %swap3A_319 = vector.shape_cast %mul3A_312 : vector<16xf32> to vector<1x1x16xf32>
        tpu.vector_store %arg11[%swap3A_314, %swap3A_315, %swap3A_316], %swap3A_319 {strides = array<i32>} : memref<2x128x16xf32, #tpu.memory_space<vmem>>, vector<1x1x16xf32>,
        %mul3A_320 = arith.constant 16 : i32
        %mul3A_321 = arith.muli %scan3A_86, %mul3A_320 : i32
        %add3A_322 = arith.constant 11 : i32
        %add3A_323 = arith.addi %mul3A_321, %add3A_322 : i32
        %slice3A_324 = vector.extract_strided_slice %get3A_91 {offsets = [11], sizes = [1], strides = [1]} : vector<16xf32> to vector<1xf32>
        %squeeze3A_325 = vector.extract %slice3A_324[0] : f32 from vector<1xf32>
        %get3A_326 = arith.constant 1 : i32
        %get3A_327 = arith.index_cast %get3A_326 : i32 to index
        %get3A_328 = arith.index_cast %add3A_323 : i32 to index
        %get3A_329 = arith.constant 0 : index
        %get3A_330 = tpu.vector_load %arg11[%get3A_327, %get3A_328, %get3A_329] {strides = array<i32>} : memref<2x128x16xf32, #tpu.memory_space<vmem>>, vector<1x1x16xf32>,
        %get3A_331 = vector.shape_cast %get3A_330 : vector<1x1x16xf32> to vector<16xf32>
        %mul3A_332 = vector.broadcast %squeeze3A_325 : f32 to vector<16xf32>
        %mul3A_333 = arith.mulf %get3A_331, %mul3A_332 : vector<16xf32>
        %swap3A_334 = arith.constant 1 : i32
        %swap3A_335 = arith.index_cast %swap3A_334 : i32 to index
        %swap3A_336 = arith.index_cast %add3A_323 : i32 to index
        %swap3A_337 = arith.constant 0 : index
        %swap3A_338 = tpu.vector_load %arg11[%swap3A_335, %swap3A_336, %swap3A_337] {strides = array<i32>} : memref<2x128x16xf32, #tpu.memory_space<vmem>>, vector<1x1x16xf32>,
        %swap3A_339 = vector.shape_cast %swap3A_338 : vector<1x1x16xf32> to vector<16xf32>
        %swap3A_340 = vector.shape_cast %mul3A_333 : vector<16xf32> to vector<1x1x16xf32>
        tpu.vector_store %arg11[%swap3A_335, %swap3A_336, %swap3A_337], %swap3A_340 {strides = array<i32>} : memref<2x128x16xf32, #tpu.memory_space<vmem>>, vector<1x1x16xf32>,
        %mul3A_341 = arith.constant 16 : i32
        %mul3A_342 = arith.muli %scan3A_86, %mul3A_341 : i32
        %add3A_343 = arith.constant 12 : i32
        %add3A_344 = arith.addi %mul3A_342, %add3A_343 : i32
        %slice3A_345 = vector.extract_strided_slice %get3A_91 {offsets = [12], sizes = [1], strides = [1]} : vector<16xf32> to vector<1xf32>
        %squeeze3A_346 = vector.extract %slice3A_345[0] : f32 from vector<1xf32>
        %get3A_347 = arith.constant 1 : i32
        %get3A_348 = arith.index_cast %get3A_347 : i32 to index
        %get3A_349 = arith.index_cast %add3A_344 : i32 to index
        %get3A_350 = arith.constant 0 : index
        %get3A_351 = tpu.vector_load %arg11[%get3A_348, %get3A_349, %get3A_350] {strides = array<i32>} : memref<2x128x16xf32, #tpu.memory_space<vmem>>, vector<1x1x16xf32>,
        %get3A_352 = vector.shape_cast %get3A_351 : vector<1x1x16xf32> to vector<16xf32>
        %mul3A_353 = vector.broadcast %squeeze3A_346 : f32 to vector<16xf32>
        %mul3A_354 = arith.mulf %get3A_352, %mul3A_353 : vector<16xf32>
        %swap3A_355 = arith.constant 1 : i32
        %swap3A_356 = arith.index_cast %swap3A_355 : i32 to index
        %swap3A_357 = arith.index_cast %add3A_344 : i32 to index
        %swap3A_358 = arith.constant 0 : index
        %swap3A_359 = tpu.vector_load %arg11[%swap3A_356, %swap3A_357, %swap3A_358] {strides = array<i32>} : memref<2x128x16xf32, #tpu.memory_space<vmem>>, vector<1x1x16xf32>,
        %swap3A_360 = vector.shape_cast %swap3A_359 : vector<1x1x16xf32> to vector<16xf32>
        %swap3A_361 = vector.shape_cast %mul3A_354 : vector<16xf32> to vector<1x1x16xf32>
        tpu.vector_store %arg11[%swap3A_356, %swap3A_357, %swap3A_358], %swap3A_361 {strides = array<i32>} : memref<2x128x16xf32, #tpu.memory_space<vmem>>, vector<1x1x16xf32>,
        %mul3A_362 = arith.constant 16 : i32
        %mul3A_363 = arith.muli %scan3A_86, %mul3A_362 : i32
        %add3A_364 = arith.constant 13 : i32
        %add3A_365 = arith.addi %mul3A_363, %add3A_364 : i32
        %slice3A_366 = vector.extract_strided_slice %get3A_91 {offsets = [13], sizes = [1], strides = [1]} : vector<16xf32> to vector<1xf32>
        %squeeze3A_367 = vector.extract %slice3A_366[0] : f32 from vector<1xf32>
        %get3A_368 = arith.constant 1 : i32
        %get3A_369 = arith.index_cast %get3A_368 : i32 to index
        %get3A_370 = arith.index_cast %add3A_365 : i32 to index
        %get3A_371 = arith.constant 0 : index
        %get3A_372 = tpu.vector_load %arg11[%get3A_369, %get3A_370, %get3A_371] {strides = array<i32>} : memref<2x128x16xf32, #tpu.memory_space<vmem>>, vector<1x1x16xf32>,
        %get3A_373 = vector.shape_cast %get3A_372 : vector<1x1x16xf32> to vector<16xf32>
        %mul3A_374 = vector.broadcast %squeeze3A_367 : f32 to vector<16xf32>
        %mul3A_375 = arith.mulf %get3A_373, %mul3A_374 : vector<16xf32>
        %swap3A_376 = arith.constant 1 : i32
        %swap3A_377 = arith.index_cast %swap3A_376 : i32 to index
        %swap3A_378 = arith.index_cast %add3A_365 : i32 to index
        %swap3A_379 = arith.constant 0 : index
        %swap3A_380 = tpu.vector_load %arg11[%swap3A_377, %swap3A_378, %swap3A_379] {strides = array<i32>} : memref<2x128x16xf32, #tpu.memory_space<vmem>>, vector<1x1x16xf32>,
        %swap3A_381 = vector.shape_cast %swap3A_380 : vector<1x1x16xf32> to vector<16xf32>
        %swap3A_382 = vector.shape_cast %mul3A_375 : vector<16xf32> to vector<1x1x16xf32>
        tpu.vector_store %arg11[%swap3A_377, %swap3A_378, %swap3A_379], %swap3A_382 {strides = array<i32>} : memref<2x128x16xf32, #tpu.memory_space<vmem>>, vector<1x1x16xf32>,
        %mul3A_383 = arith.constant 16 : i32
        %mul3A_384 = arith.muli %scan3A_86, %mul3A_383 : i32
        %add3A_385 = arith.constant 14 : i32
        %add3A_386 = arith.addi %mul3A_384, %add3A_385 : i32
        %slice3A_387 = vector.extract_strided_slice %get3A_91 {offsets = [14], sizes = [1], strides = [1]} : vector<16xf32> to vector<1xf32>
        %squeeze3A_388 = vector.extract %slice3A_387[0] : f32 from vector<1xf32>
        %get3A_389 = arith.constant 1 : i32
        %get3A_390 = arith.index_cast %get3A_389 : i32 to index
        %get3A_391 = arith.index_cast %add3A_386 : i32 to index
        %get3A_392 = arith.constant 0 : index
        %get3A_393 = tpu.vector_load %arg11[%get3A_390, %get3A_391, %get3A_392] {strides = array<i32>} : memref<2x128x16xf32, #tpu.memory_space<vmem>>, vector<1x1x16xf32>,
        %get3A_394 = vector.shape_cast %get3A_393 : vector<1x1x16xf32> to vector<16xf32>
        %mul3A_395 = vector.broadcast %squeeze3A_388 : f32 to vector<16xf32>
        %mul3A_396 = arith.mulf %get3A_394, %mul3A_395 : vector<16xf32>
        %swap3A_397 = arith.constant 1 : i32
        %swap3A_398 = arith.index_cast %swap3A_397 : i32 to index
        %swap3A_399 = arith.index_cast %add3A_386 : i32 to index
        %swap3A_400 = arith.constant 0 : index
        %swap3A_401 = tpu.vector_load %arg11[%swap3A_398, %swap3A_399, %swap3A_400] {strides = array<i32>} : memref<2x128x16xf32, #tpu.memory_space<vmem>>, vector<1x1x16xf32>,
        %swap3A_402 = vector.shape_cast %swap3A_401 : vector<1x1x16xf32> to vector<16xf32>
        %swap3A_403 = vector.shape_cast %mul3A_396 : vector<16xf32> to vector<1x1x16xf32>
        tpu.vector_store %arg11[%swap3A_398, %swap3A_399, %swap3A_400], %swap3A_403 {strides = array<i32>} : memref<2x128x16xf32, #tpu.memory_space<vmem>>, vector<1x1x16xf32>,
        %mul3A_404 = arith.constant 16 : i32
        %mul3A_405 = arith.muli %scan3A_86, %mul3A_404 : i32
        %add3A_406 = arith.constant 15 : i32
        %add3A_407 = arith.addi %mul3A_405, %add3A_406 : i32
        %slice3A_408 = vector.extract_strided_slice %get3A_91 {offsets = [15], sizes = [1], strides = [1]} : vector<16xf32> to vector<1xf32>
        %squeeze3A_409 = vector.extract %slice3A_408[0] : f32 from vector<1xf32>
        %get3A_410 = arith.constant 1 : i32
        %get3A_411 = arith.index_cast %get3A_410 : i32 to index
        %get3A_412 = arith.index_cast %add3A_407 : i32 to index
        %get3A_413 = arith.constant 0 : index
        %get3A_414 = tpu.vector_load %arg11[%get3A_411, %get3A_412, %get3A_413] {strides = array<i32>} : memref<2x128x16xf32, #tpu.memory_space<vmem>>, vector<1x1x16xf32>,
        %get3A_415 = vector.shape_cast %get3A_414 : vector<1x1x16xf32> to vector<16xf32>
        %mul3A_416 = vector.broadcast %squeeze3A_409 : f32 to vector<16xf32>
        %mul3A_417 = arith.mulf %get3A_415, %mul3A_416 : vector<16xf32>
        %swap3A_418 = arith.constant 1 : i32
        %swap3A_419 = arith.index_cast %swap3A_418 : i32 to index
        %swap3A_420 = arith.index_cast %add3A_407 : i32 to index
        %swap3A_421 = arith.constant 0 : index
        %swap3A_422 = tpu.vector_load %arg11[%swap3A_419, %swap3A_420, %swap3A_421] {strides = array<i32>} : memref<2x128x16xf32, #tpu.memory_space<vmem>>, vector<1x1x16xf32>,
        %swap3A_423 = vector.shape_cast %swap3A_422 : vector<1x1x16xf32> to vector<16xf32>
        %swap3A_424 = vector.shape_cast %mul3A_417 : vector<16xf32> to vector<1x1x16xf32>
        tpu.vector_store %arg11[%swap3A_419, %swap3A_420, %swap3A_421], %swap3A_424 {strides = array<i32>} : memref<2x128x16xf32, #tpu.memory_space<vmem>>, vector<1x1x16xf32>,
        %scan3A_425 = arith.constant 1 : i32
        %scan3A_426 = arith.addi %scan3A_86, %scan3A_425 : i32
        %mul3A_427 = arith.constant 16 : i32
        %mul3A_428 = arith.muli %scan3A_426, %mul3A_427 : i32
        %get3A_429 = arith.index_cast %add3A_76 : i32 to index
        %get3A_430 = arith.index_cast %mul3A_428 : i32 to index
        %get3A_431 = tpu.vector_load %arg10[%get3A_429, %get3A_430] {strides = array<i32>} : memref<82x128xf32, #tpu.memory_space<vmem>>, vector<1x16xf32>,
        %get3A_432 = vector.shape_cast %get3A_431 : vector<1x16xf32> to vector<16xf32>
        %mul3A_433 = arith.constant 16 : i32
        %mul3A_434 = arith.muli %scan3A_426, %mul3A_433 : i32
        %add3A_435 = arith.constant 0 : i32
        %add3A_436 = arith.addi %mul3A_434, %add3A_435 : i32
        %slice3A_437 = vector.extract_strided_slice %get3A_432 {offsets = [0], sizes = [1], strides = [1]} : vector<16xf32> to vector<1xf32>
        %squeeze3A_438 = vector.extract %slice3A_437[0] : f32 from vector<1xf32>
        %get3A_439 = arith.constant 1 : i32
        %get3A_440 = arith.index_cast %get3A_439 : i32 to index
        %get3A_441 = arith.index_cast %add3A_436 : i32 to index
        %get3A_442 = arith.constant 0 : index
        %get3A_443 = tpu.vector_load %arg11[%get3A_440, %get3A_441, %get3A_442] {strides = array<i32>} : memref<2x128x16xf32, #tpu.memory_space<vmem>>, vector<1x1x16xf32>,
        %get3A_444 = vector.shape_cast %get3A_443 : vector<1x1x16xf32> to vector<16xf32>
        %mul3A_445 = vector.broadcast %squeeze3A_438 : f32 to vector<16xf32>
        %mul3A_446 = arith.mulf %get3A_444, %mul3A_445 : vector<16xf32>
        %swap3A_447 = arith.constant 1 : i32
        %swap3A_448 = arith.index_cast %swap3A_447 : i32 to index
        %swap3A_449 = arith.index_cast %add3A_436 : i32 to index
        %swap3A_450 = arith.constant 0 : index
        %swap3A_451 = tpu.vector_load %arg11[%swap3A_448, %swap3A_449, %swap3A_450] {strides = array<i32>} : memref<2x128x16xf32, #tpu.memory_space<vmem>>, vector<1x1x16xf32>,
        %swap3A_452 = vector.shape_cast %swap3A_451 : vector<1x1x16xf32> to vector<16xf32>
        %swap3A_453 = vector.shape_cast %mul3A_446 : vector<16xf32> to vector<1x1x16xf32>
        tpu.vector_store %arg11[%swap3A_448, %swap3A_449, %swap3A_450], %swap3A_453 {strides = array<i32>} : memref<2x128x16xf32, #tpu.memory_space<vmem>>, vector<1x1x16xf32>,
        %mul3A_454 = arith.constant 16 : i32
        %mul3A_455 = arith.muli %scan3A_426, %mul3A_454 : i32
        %add3A_456 = arith.constant 1 : i32
        %add3A_457 = arith.addi %mul3A_455, %add3A_456 : i32
        %slice3A_458 = vector.extract_strided_slice %get3A_432 {offsets = [1], sizes = [1], strides = [1]} : vector<16xf32> to vector<1xf32>
        %squeeze3A_459 = vector.extract %slice3A_458[0] : f32 from vector<1xf32>
        %get3A_460 = arith.constant 1 : i32
        %get3A_461 = arith.index_cast %get3A_460 : i32 to index
        %get3A_462 = arith.index_cast %add3A_457 : i32 to index
        %get3A_463 = arith.constant 0 : index
        %get3A_464 = tpu.vector_load %arg11[%get3A_461, %get3A_462, %get3A_463] {strides = array<i32>} : memref<2x128x16xf32, #tpu.memory_space<vmem>>, vector<1x1x16xf32>,
        %get3A_465 = vector.shape_cast %get3A_464 : vector<1x1x16xf32> to vector<16xf32>
        %mul3A_466 = vector.broadcast %squeeze3A_459 : f32 to vector<16xf32>
        %mul3A_467 = arith.mulf %get3A_465, %mul3A_466 : vector<16xf32>
        %swap3A_468 = arith.constant 1 : i32
        %swap3A_469 = arith.index_cast %swap3A_468 : i32 to index
        %swap3A_470 = arith.index_cast %add3A_457 : i32 to index
        %swap3A_471 = arith.constant 0 : index
        %swap3A_472 = tpu.vector_load %arg11[%swap3A_469, %swap3A_470, %swap3A_471] {strides = array<i32>} : memref<2x128x16xf32, #tpu.memory_space<vmem>>, vector<1x1x16xf32>,
        %swap3A_473 = vector.shape_cast %swap3A_472 : vector<1x1x16xf32> to vector<16xf32>
        %swap3A_474 = vector.shape_cast %mul3A_467 : vector<16xf32> to vector<1x1x16xf32>
        tpu.vector_store %arg11[%swap3A_469, %swap3A_470, %swap3A_471], %swap3A_474 {strides = array<i32>} : memref<2x128x16xf32, #tpu.memory_space<vmem>>, vector<1x1x16xf32>,
        %mul3A_475 = arith.constant 16 : i32
        %mul3A_476 = arith.muli %scan3A_426, %mul3A_475 : i32
        %add3A_477 = arith.constant 2 : i32
        %add3A_478 = arith.addi %mul3A_476, %add3A_477 : i32
        %slice3A_479 = vector.extract_strided_slice %get3A_432 {offsets = [2], sizes = [1], strides = [1]} : vector<16xf32> to vector<1xf32>
        %squeeze3A_480 = vector.extract %slice3A_479[0] : f32 from vector<1xf32>
        %get3A_481 = arith.constant 1 : i32
        %get3A_482 = arith.index_cast %get3A_481 : i32 to index
        %get3A_483 = arith.index_cast %add3A_478 : i32 to index
        %get3A_484 = arith.constant 0 : index
        %get3A_485 = tpu.vector_load %arg11[%get3A_482, %get3A_483, %get3A_484] {strides = array<i32>} : memref<2x128x16xf32, #tpu.memory_space<vmem>>, vector<1x1x16xf32>,
        %get3A_486 = vector.shape_cast %get3A_485 : vector<1x1x16xf32> to vector<16xf32>
        %mul3A_487 = vector.broadcast %squeeze3A_480 : f32 to vector<16xf32>
        %mul3A_488 = arith.mulf %get3A_486, %mul3A_487 : vector<16xf32>
        %swap3A_489 = arith.constant 1 : i32
        %swap3A_490 = arith.index_cast %swap3A_489 : i32 to index
        %swap3A_491 = arith.index_cast %add3A_478 : i32 to index
        %swap3A_492 = arith.constant 0 : index
        %swap3A_493 = tpu.vector_load %arg11[%swap3A_490, %swap3A_491, %swap3A_492] {strides = array<i32>} : memref<2x128x16xf32, #tpu.memory_space<vmem>>, vector<1x1x16xf32>,
        %swap3A_494 = vector.shape_cast %swap3A_493 : vector<1x1x16xf32> to vector<16xf32>
        %swap3A_495 = vector.shape_cast %mul3A_488 : vector<16xf32> to vector<1x1x16xf32>
        tpu.vector_store %arg11[%swap3A_490, %swap3A_491, %swap3A_492], %swap3A_495 {strides = array<i32>} : memref<2x128x16xf32, #tpu.memory_space<vmem>>, vector<1x1x16xf32>,
        %mul3A_496 = arith.constant 16 : i32
        %mul3A_497 = arith.muli %scan3A_426, %mul3A_496 : i32
        %add3A_498 = arith.constant 3 : i32
        %add3A_499 = arith.addi %mul3A_497, %add3A_498 : i32
        %slice3A_500 = vector.extract_strided_slice %get3A_432 {offsets = [3], sizes = [1], strides = [1]} : vector<16xf32> to vector<1xf32>
        %squeeze3A_501 = vector.extract %slice3A_500[0] : f32 from vector<1xf32>
        %get3A_502 = arith.constant 1 : i32
        %get3A_503 = arith.index_cast %get3A_502 : i32 to index
        %get3A_504 = arith.index_cast %add3A_499 : i32 to index
        %get3A_505 = arith.constant 0 : index
        %get3A_506 = tpu.vector_load %arg11[%get3A_503, %get3A_504, %get3A_505] {strides = array<i32>} : memref<2x128x16xf32, #tpu.memory_space<vmem>>, vector<1x1x16xf32>,
        %get3A_507 = vector.shape_cast %get3A_506 : vector<1x1x16xf32> to vector<16xf32>
        %mul3A_508 = vector.broadcast %squeeze3A_501 : f32 to vector<16xf32>
        %mul3A_509 = arith.mulf %get3A_507, %mul3A_508 : vector<16xf32>
        %swap3A_510 = arith.constant 1 : i32
        %swap3A_511 = arith.index_cast %swap3A_510 : i32 to index
        %swap3A_512 = arith.index_cast %add3A_499 : i32 to index
        %swap3A_513 = arith.constant 0 : index
        %swap3A_514 = tpu.vector_load %arg11[%swap3A_511, %swap3A_512, %swap3A_513] {strides = array<i32>} : memref<2x128x16xf32, #tpu.memory_space<vmem>>, vector<1x1x16xf32>,
        %swap3A_515 = vector.shape_cast %swap3A_514 : vector<1x1x16xf32> to vector<16xf32>
        %swap3A_516 = vector.shape_cast %mul3A_509 : vector<16xf32> to vector<1x1x16xf32>
        tpu.vector_store %arg11[%swap3A_511, %swap3A_512, %swap3A_513], %swap3A_516 {strides = array<i32>} : memref<2x128x16xf32, #tpu.memory_space<vmem>>, vector<1x1x16xf32>,
        %mul3A_517 = arith.constant 16 : i32
        %mul3A_518 = arith.muli %scan3A_426, %mul3A_517 : i32
        %add3A_519 = arith.constant 4 : i32
        %add3A_520 = arith.addi %mul3A_518, %add3A_519 : i32
        %slice3A_521 = vector.extract_strided_slice %get3A_432 {offsets = [4], sizes = [1], strides = [1]} : vector<16xf32> to vector<1xf32>
        %squeeze3A_522 = vector.extract %slice3A_521[0] : f32 from vector<1xf32>
        %get3A_523 = arith.constant 1 : i32
        %get3A_524 = arith.index_cast %get3A_523 : i32 to index
        %get3A_525 = arith.index_cast %add3A_520 : i32 to index
        %get3A_526 = arith.constant 0 : index
        %get3A_527 = tpu.vector_load %arg11[%get3A_524, %get3A_525, %get3A_526] {strides = array<i32>} : memref<2x128x16xf32, #tpu.memory_space<vmem>>, vector<1x1x16xf32>,
        %get3A_528 = vector.shape_cast %get3A_527 : vector<1x1x16xf32> to vector<16xf32>
        %mul3A_529 = vector.broadcast %squeeze3A_522 : f32 to vector<16xf32>
        %mul3A_530 = arith.mulf %get3A_528, %mul3A_529 : vector<16xf32>
        %swap3A_531 = arith.constant 1 : i32
        %swap3A_532 = arith.index_cast %swap3A_531 : i32 to index
        %swap3A_533 = arith.index_cast %add3A_520 : i32 to index
        %swap3A_534 = arith.constant 0 : index
        %swap3A_535 = tpu.vector_load %arg11[%swap3A_532, %swap3A_533, %swap3A_534] {strides = array<i32>} : memref<2x128x16xf32, #tpu.memory_space<vmem>>, vector<1x1x16xf32>,
        %swap3A_536 = vector.shape_cast %swap3A_535 : vector<1x1x16xf32> to vector<16xf32>
        %swap3A_537 = vector.shape_cast %mul3A_530 : vector<16xf32> to vector<1x1x16xf32>
        tpu.vector_store %arg11[%swap3A_532, %swap3A_533, %swap3A_534], %swap3A_537 {strides = array<i32>} : memref<2x128x16xf32, #tpu.memory_space<vmem>>, vector<1x1x16xf32>,
        %mul3A_538 = arith.constant 16 : i32
        %mul3A_539 = arith.muli %scan3A_426, %mul3A_538 : i32
        %add3A_540 = arith.constant 5 : i32
        %add3A_541 = arith.addi %mul3A_539, %add3A_540 : i32
        %slice3A_542 = vector.extract_strided_slice %get3A_432 {offsets = [5], sizes = [1], strides = [1]} : vector<16xf32> to vector<1xf32>
        %squeeze3A_543 = vector.extract %slice3A_542[0] : f32 from vector<1xf32>
        %get3A_544 = arith.constant 1 : i32
        %get3A_545 = arith.index_cast %get3A_544 : i32 to index
        %get3A_546 = arith.index_cast %add3A_541 : i32 to index
        %get3A_547 = arith.constant 0 : index
        %get3A_548 = tpu.vector_load %arg11[%get3A_545, %get3A_546, %get3A_547] {strides = array<i32>} : memref<2x128x16xf32, #tpu.memory_space<vmem>>, vector<1x1x16xf32>,
        %get3A_549 = vector.shape_cast %get3A_548 : vector<1x1x16xf32> to vector<16xf32>
        %mul3A_550 = vector.broadcast %squeeze3A_543 : f32 to vector<16xf32>
        %mul3A_551 = arith.mulf %get3A_549, %mul3A_550 : vector<16xf32>
        %swap3A_552 = arith.constant 1 : i32
        %swap3A_553 = arith.index_cast %swap3A_552 : i32 to index
        %swap3A_554 = arith.index_cast %add3A_541 : i32 to index
        %swap3A_555 = arith.constant 0 : index
        %swap3A_556 = tpu.vector_load %arg11[%swap3A_553, %swap3A_554, %swap3A_555] {strides = array<i32>} : memref<2x128x16xf32, #tpu.memory_space<vmem>>, vector<1x1x16xf32>,
        %swap3A_557 = vector.shape_cast %swap3A_556 : vector<1x1x16xf32> to vector<16xf32>
        %swap3A_558 = vector.shape_cast %mul3A_551 : vector<16xf32> to vector<1x1x16xf32>
        tpu.vector_store %arg11[%swap3A_553, %swap3A_554, %swap3A_555], %swap3A_558 {strides = array<i32>} : memref<2x128x16xf32, #tpu.memory_space<vmem>>, vector<1x1x16xf32>,
        %mul3A_559 = arith.constant 16 : i32
        %mul3A_560 = arith.muli %scan3A_426, %mul3A_559 : i32
        %add3A_561 = arith.constant 6 : i32
        %add3A_562 = arith.addi %mul3A_560, %add3A_561 : i32
        %slice3A_563 = vector.extract_strided_slice %get3A_432 {offsets = [6], sizes = [1], strides = [1]} : vector<16xf32> to vector<1xf32>
        %squeeze3A_564 = vector.extract %slice3A_563[0] : f32 from vector<1xf32>
        %get3A_565 = arith.constant 1 : i32
        %get3A_566 = arith.index_cast %get3A_565 : i32 to index
        %get3A_567 = arith.index_cast %add3A_562 : i32 to index
        %get3A_568 = arith.constant 0 : index
        %get3A_569 = tpu.vector_load %arg11[%get3A_566, %get3A_567, %get3A_568] {strides = array<i32>} : memref<2x128x16xf32, #tpu.memory_space<vmem>>, vector<1x1x16xf32>,
        %get3A_570 = vector.shape_cast %get3A_569 : vector<1x1x16xf32> to vector<16xf32>
        %mul3A_571 = vector.broadcast %squeeze3A_564 : f32 to vector<16xf32>
        %mul3A_572 = arith.mulf %get3A_570, %mul3A_571 : vector<16xf32>
        %swap3A_573 = arith.constant 1 : i32
        %swap3A_574 = arith.index_cast %swap3A_573 : i32 to index
        %swap3A_575 = arith.index_cast %add3A_562 : i32 to index
        %swap3A_576 = arith.constant 0 : index
        %swap3A_577 = tpu.vector_load %arg11[%swap3A_574, %swap3A_575, %swap3A_576] {strides = array<i32>} : memref<2x128x16xf32, #tpu.memory_space<vmem>>, vector<1x1x16xf32>,
        %swap3A_578 = vector.shape_cast %swap3A_577 : vector<1x1x16xf32> to vector<16xf32>
        %swap3A_579 = vector.shape_cast %mul3A_572 : vector<16xf32> to vector<1x1x16xf32>
        tpu.vector_store %arg11[%swap3A_574, %swap3A_575, %swap3A_576], %swap3A_579 {strides = array<i32>} : memref<2x128x16xf32, #tpu.memory_space<vmem>>, vector<1x1x16xf32>,
        %mul3A_580 = arith.constant 16 : i32
        %mul3A_581 = arith.muli %scan3A_426, %mul3A_580 : i32
        %add3A_582 = arith.constant 7 : i32
        %add3A_583 = arith.addi %mul3A_581, %add3A_582 : i32
        %slice3A_584 = vector.extract_strided_slice %get3A_432 {offsets = [7], sizes = [1], strides = [1]} : vector<16xf32> to vector<1xf32>
        %squeeze3A_585 = vector.extract %slice3A_584[0] : f32 from vector<1xf32>
        %get3A_586 = arith.constant 1 : i32
        %get3A_587 = arith.index_cast %get3A_586 : i32 to index
        %get3A_588 = arith.index_cast %add3A_583 : i32 to index
        %get3A_589 = arith.constant 0 : index
        %get3A_590 = tpu.vector_load %arg11[%get3A_587, %get3A_588, %get3A_589] {strides = array<i32>} : memref<2x128x16xf32, #tpu.memory_space<vmem>>, vector<1x1x16xf32>,
        %get3A_591 = vector.shape_cast %get3A_590 : vector<1x1x16xf32> to vector<16xf32>
        %mul3A_592 = vector.broadcast %squeeze3A_585 : f32 to vector<16xf32>
        %mul3A_593 = arith.mulf %get3A_591, %mul3A_592 : vector<16xf32>
        %swap3A_594 = arith.constant 1 : i32
        %swap3A_595 = arith.index_cast %swap3A_594 : i32 to index
        %swap3A_596 = arith.index_cast %add3A_583 : i32 to index
        %swap3A_597 = arith.constant 0 : index
        %swap3A_598 = tpu.vector_load %arg11[%swap3A_595, %swap3A_596, %swap3A_597] {strides = array<i32>} : memref<2x128x16xf32, #tpu.memory_space<vmem>>, vector<1x1x16xf32>,
        %swap3A_599 = vector.shape_cast %swap3A_598 : vector<1x1x16xf32> to vector<16xf32>
        %swap3A_600 = vector.shape_cast %mul3A_593 : vector<16xf32> to vector<1x1x16xf32>
        tpu.vector_store %arg11[%swap3A_595, %swap3A_596, %swap3A_597], %swap3A_600 {strides = array<i32>} : memref<2x128x16xf32, #tpu.memory_space<vmem>>, vector<1x1x16xf32>,
        %mul3A_601 = arith.constant 16 : i32
        %mul3A_602 = arith.muli %scan3A_426, %mul3A_601 : i32
        %add3A_603 = arith.constant 8 : i32
        %add3A_604 = arith.addi %mul3A_602, %add3A_603 : i32
        %slice3A_605 = vector.extract_strided_slice %get3A_432 {offsets = [8], sizes = [1], strides = [1]} : vector<16xf32> to vector<1xf32>
        %squeeze3A_606 = vector.extract %slice3A_605[0] : f32 from vector<1xf32>
        %get3A_607 = arith.constant 1 : i32
        %get3A_608 = arith.index_cast %get3A_607 : i32 to index
        %get3A_609 = arith.index_cast %add3A_604 : i32 to index
        %get3A_610 = arith.constant 0 : index
        %get3A_611 = tpu.vector_load %arg11[%get3A_608, %get3A_609, %get3A_610] {strides = array<i32>} : memref<2x128x16xf32, #tpu.memory_space<vmem>>, vector<1x1x16xf32>,
        %get3A_612 = vector.shape_cast %get3A_611 : vector<1x1x16xf32> to vector<16xf32>
        %mul3A_613 = vector.broadcast %squeeze3A_606 : f32 to vector<16xf32>
        %mul3A_614 = arith.mulf %get3A_612, %mul3A_613 : vector<16xf32>
        %swap3A_615 = arith.constant 1 : i32
        %swap3A_616 = arith.index_cast %swap3A_615 : i32 to index
        %swap3A_617 = arith.index_cast %add3A_604 : i32 to index
        %swap3A_618 = arith.constant 0 : index
        %swap3A_619 = tpu.vector_load %arg11[%swap3A_616, %swap3A_617, %swap3A_618] {strides = array<i32>} : memref<2x128x16xf32, #tpu.memory_space<vmem>>, vector<1x1x16xf32>,
        %swap3A_620 = vector.shape_cast %swap3A_619 : vector<1x1x16xf32> to vector<16xf32>
        %swap3A_621 = vector.shape_cast %mul3A_614 : vector<16xf32> to vector<1x1x16xf32>
        tpu.vector_store %arg11[%swap3A_616, %swap3A_617, %swap3A_618], %swap3A_621 {strides = array<i32>} : memref<2x128x16xf32, #tpu.memory_space<vmem>>, vector<1x1x16xf32>,
        %mul3A_622 = arith.constant 16 : i32
        %mul3A_623 = arith.muli %scan3A_426, %mul3A_622 : i32
        %add3A_624 = arith.constant 9 : i32
        %add3A_625 = arith.addi %mul3A_623, %add3A_624 : i32
        %slice3A_626 = vector.extract_strided_slice %get3A_432 {offsets = [9], sizes = [1], strides = [1]} : vector<16xf32> to vector<1xf32>
        %squeeze3A_627 = vector.extract %slice3A_626[0] : f32 from vector<1xf32>
        %get3A_628 = arith.constant 1 : i32
        %get3A_629 = arith.index_cast %get3A_628 : i32 to index
        %get3A_630 = arith.index_cast %add3A_625 : i32 to index
        %get3A_631 = arith.constant 0 : index
        %get3A_632 = tpu.vector_load %arg11[%get3A_629, %get3A_630, %get3A_631] {strides = array<i32>} : memref<2x128x16xf32, #tpu.memory_space<vmem>>, vector<1x1x16xf32>,
        %get3A_633 = vector.shape_cast %get3A_632 : vector<1x1x16xf32> to vector<16xf32>
        %mul3A_634 = vector.broadcast %squeeze3A_627 : f32 to vector<16xf32>
        %mul3A_635 = arith.mulf %get3A_633, %mul3A_634 : vector<16xf32>
        %swap3A_636 = arith.constant 1 : i32
        %swap3A_637 = arith.index_cast %swap3A_636 : i32 to index
        %swap3A_638 = arith.index_cast %add3A_625 : i32 to index
        %swap3A_639 = arith.constant 0 : index
        %swap3A_640 = tpu.vector_load %arg11[%swap3A_637, %swap3A_638, %swap3A_639] {strides = array<i32>} : memref<2x128x16xf32, #tpu.memory_space<vmem>>, vector<1x1x16xf32>,
        %swap3A_641 = vector.shape_cast %swap3A_640 : vector<1x1x16xf32> to vector<16xf32>
        %swap3A_642 = vector.shape_cast %mul3A_635 : vector<16xf32> to vector<1x1x16xf32>
        tpu.vector_store %arg11[%swap3A_637, %swap3A_638, %swap3A_639], %swap3A_642 {strides = array<i32>} : memref<2x128x16xf32, #tpu.memory_space<vmem>>, vector<1x1x16xf32>,
        %mul3A_643 = arith.constant 16 : i32
        %mul3A_644 = arith.muli %scan3A_426, %mul3A_643 : i32
        %add3A_645 = arith.constant 10 : i32
        %add3A_646 = arith.addi %mul3A_644, %add3A_645 : i32
        %slice3A_647 = vector.extract_strided_slice %get3A_432 {offsets = [10], sizes = [1], strides = [1]} : vector<16xf32> to vector<1xf32>
        %squeeze3A_648 = vector.extract %slice3A_647[0] : f32 from vector<1xf32>
        %get3A_649 = arith.constant 1 : i32
        %get3A_650 = arith.index_cast %get3A_649 : i32 to index
        %get3A_651 = arith.index_cast %add3A_646 : i32 to index
        %get3A_652 = arith.constant 0 : index
        %get3A_653 = tpu.vector_load %arg11[%get3A_650, %get3A_651, %get3A_652] {strides = array<i32>} : memref<2x128x16xf32, #tpu.memory_space<vmem>>, vector<1x1x16xf32>,
        %get3A_654 = vector.shape_cast %get3A_653 : vector<1x1x16xf32> to vector<16xf32>
        %mul3A_655 = vector.broadcast %squeeze3A_648 : f32 to vector<16xf32>
        %mul3A_656 = arith.mulf %get3A_654, %mul3A_655 : vector<16xf32>
        %swap3A_657 = arith.constant 1 : i32
        %swap3A_658 = arith.index_cast %swap3A_657 : i32 to index
        %swap3A_659 = arith.index_cast %add3A_646 : i32 to index
        %swap3A_660 = arith.constant 0 : index
        %swap3A_661 = tpu.vector_load %arg11[%swap3A_658, %swap3A_659, %swap3A_660] {strides = array<i32>} : memref<2x128x16xf32, #tpu.memory_space<vmem>>, vector<1x1x16xf32>,
        %swap3A_662 = vector.shape_cast %swap3A_661 : vector<1x1x16xf32> to vector<16xf32>
        %swap3A_663 = vector.shape_cast %mul3A_656 : vector<16xf32> to vector<1x1x16xf32>
        tpu.vector_store %arg11[%swap3A_658, %swap3A_659, %swap3A_660], %swap3A_663 {strides = array<i32>} : memref<2x128x16xf32, #tpu.memory_space<vmem>>, vector<1x1x16xf32>,
        %mul3A_664 = arith.constant 16 : i32
        %mul3A_665 = arith.muli %scan3A_426, %mul3A_664 : i32
        %add3A_666 = arith.constant 11 : i32
        %add3A_667 = arith.addi %mul3A_665, %add3A_666 : i32
        %slice3A_668 = vector.extract_strided_slice %get3A_432 {offsets = [11], sizes = [1], strides = [1]} : vector<16xf32> to vector<1xf32>
        %squeeze3A_669 = vector.extract %slice3A_668[0] : f32 from vector<1xf32>
        %get3A_670 = arith.constant 1 : i32
        %get3A_671 = arith.index_cast %get3A_670 : i32 to index
        %get3A_672 = arith.index_cast %add3A_667 : i32 to index
        %get3A_673 = arith.constant 0 : index
        %get3A_674 = tpu.vector_load %arg11[%get3A_671, %get3A_672, %get3A_673] {strides = array<i32>} : memref<2x128x16xf32, #tpu.memory_space<vmem>>, vector<1x1x16xf32>,
        %get3A_675 = vector.shape_cast %get3A_674 : vector<1x1x16xf32> to vector<16xf32>
        %mul3A_676 = vector.broadcast %squeeze3A_669 : f32 to vector<16xf32>
        %mul3A_677 = arith.mulf %get3A_675, %mul3A_676 : vector<16xf32>
        %swap3A_678 = arith.constant 1 : i32
        %swap3A_679 = arith.index_cast %swap3A_678 : i32 to index
        %swap3A_680 = arith.index_cast %add3A_667 : i32 to index
        %swap3A_681 = arith.constant 0 : index
        %swap3A_682 = tpu.vector_load %arg11[%swap3A_679, %swap3A_680, %swap3A_681] {strides = array<i32>} : memref<2x128x16xf32, #tpu.memory_space<vmem>>, vector<1x1x16xf32>,
        %swap3A_683 = vector.shape_cast %swap3A_682 : vector<1x1x16xf32> to vector<16xf32>
        %swap3A_684 = vector.shape_cast %mul3A_677 : vector<16xf32> to vector<1x1x16xf32>
        tpu.vector_store %arg11[%swap3A_679, %swap3A_680, %swap3A_681], %swap3A_684 {strides = array<i32>} : memref<2x128x16xf32, #tpu.memory_space<vmem>>, vector<1x1x16xf32>,
        %mul3A_685 = arith.constant 16 : i32
        %mul3A_686 = arith.muli %scan3A_426, %mul3A_685 : i32
        %add3A_687 = arith.constant 12 : i32
        %add3A_688 = arith.addi %mul3A_686, %add3A_687 : i32
        %slice3A_689 = vector.extract_strided_slice %get3A_432 {offsets = [12], sizes = [1], strides = [1]} : vector<16xf32> to vector<1xf32>
        %squeeze3A_690 = vector.extract %slice3A_689[0] : f32 from vector<1xf32>
        %get3A_691 = arith.constant 1 : i32
        %get3A_692 = arith.index_cast %get3A_691 : i32 to index
        %get3A_693 = arith.index_cast %add3A_688 : i32 to index
        %get3A_694 = arith.constant 0 : index
        %get3A_695 = tpu.vector_load %arg11[%get3A_692, %get3A_693, %get3A_694] {strides = array<i32>} : memref<2x128x16xf32, #tpu.memory_space<vmem>>, vector<1x1x16xf32>,
        %get3A_696 = vector.shape_cast %get3A_695 : vector<1x1x16xf32> to vector<16xf32>
        %mul3A_697 = vector.broadcast %squeeze3A_690 : f32 to vector<16xf32>
        %mul3A_698 = arith.mulf %get3A_696, %mul3A_697 : vector<16xf32>
        %swap3A_699 = arith.constant 1 : i32
        %swap3A_700 = arith.index_cast %swap3A_699 : i32 to index
        %swap3A_701 = arith.index_cast %add3A_688 : i32 to index
        %swap3A_702 = arith.constant 0 : index
        %swap3A_703 = tpu.vector_load %arg11[%swap3A_700, %swap3A_701, %swap3A_702] {strides = array<i32>} : memref<2x128x16xf32, #tpu.memory_space<vmem>>, vector<1x1x16xf32>,
        %swap3A_704 = vector.shape_cast %swap3A_703 : vector<1x1x16xf32> to vector<16xf32>
        %swap3A_705 = vector.shape_cast %mul3A_698 : vector<16xf32> to vector<1x1x16xf32>
        tpu.vector_store %arg11[%swap3A_700, %swap3A_701, %swap3A_702], %swap3A_705 {strides = array<i32>} : memref<2x128x16xf32, #tpu.memory_space<vmem>>, vector<1x1x16xf32>,
        %mul3A_706 = arith.constant 16 : i32
        %mul3A_707 = arith.muli %scan3A_426, %mul3A_706 : i32
        %add3A_708 = arith.constant 13 : i32
        %add3A_709 = arith.addi %mul3A_707, %add3A_708 : i32
        %slice3A_710 = vector.extract_strided_slice %get3A_432 {offsets = [13], sizes = [1], strides = [1]} : vector<16xf32> to vector<1xf32>
        %squeeze3A_711 = vector.extract %slice3A_710[0] : f32 from vector<1xf32>
        %get3A_712 = arith.constant 1 : i32
        %get3A_713 = arith.index_cast %get3A_712 : i32 to index
        %get3A_714 = arith.index_cast %add3A_709 : i32 to index
        %get3A_715 = arith.constant 0 : index
        %get3A_716 = tpu.vector_load %arg11[%get3A_713, %get3A_714, %get3A_715] {strides = array<i32>} : memref<2x128x16xf32, #tpu.memory_space<vmem>>, vector<1x1x16xf32>,
        %get3A_717 = vector.shape_cast %get3A_716 : vector<1x1x16xf32> to vector<16xf32>
        %mul3A_718 = vector.broadcast %squeeze3A_711 : f32 to vector<16xf32>
        %mul3A_719 = arith.mulf %get3A_717, %mul3A_718 : vector<16xf32>
        %swap3A_720 = arith.constant 1 : i32
        %swap3A_721 = arith.index_cast %swap3A_720 : i32 to index
        %swap3A_722 = arith.index_cast %add3A_709 : i32 to index
        %swap3A_723 = arith.constant 0 : index
        %swap3A_724 = tpu.vector_load %arg11[%swap3A_721, %swap3A_722, %swap3A_723] {strides = array<i32>} : memref<2x128x16xf32, #tpu.memory_space<vmem>>, vector<1x1x16xf32>,
        %swap3A_725 = vector.shape_cast %swap3A_724 : vector<1x1x16xf32> to vector<16xf32>
        %swap3A_726 = vector.shape_cast %mul3A_719 : vector<16xf32> to vector<1x1x16xf32>
        tpu.vector_store %arg11[%swap3A_721, %swap3A_722, %swap3A_723], %swap3A_726 {strides = array<i32>} : memref<2x128x16xf32, #tpu.memory_space<vmem>>, vector<1x1x16xf32>,
        %mul3A_727 = arith.constant 16 : i32
        %mul3A_728 = arith.muli %scan3A_426, %mul3A_727 : i32
        %add3A_729 = arith.constant 14 : i32
        %add3A_730 = arith.addi %mul3A_728, %add3A_729 : i32
        %slice3A_731 = vector.extract_strided_slice %get3A_432 {offsets = [14], sizes = [1], strides = [1]} : vector<16xf32> to vector<1xf32>
        %squeeze3A_732 = vector.extract %slice3A_731[0] : f32 from vector<1xf32>
        %get3A_733 = arith.constant 1 : i32
        %get3A_734 = arith.index_cast %get3A_733 : i32 to index
        %get3A_735 = arith.index_cast %add3A_730 : i32 to index
        %get3A_736 = arith.constant 0 : index
        %get3A_737 = tpu.vector_load %arg11[%get3A_734, %get3A_735, %get3A_736] {strides = array<i32>} : memref<2x128x16xf32, #tpu.memory_space<vmem>>, vector<1x1x16xf32>,
        %get3A_738 = vector.shape_cast %get3A_737 : vector<1x1x16xf32> to vector<16xf32>
        %mul3A_739 = vector.broadcast %squeeze3A_732 : f32 to vector<16xf32>
        %mul3A_740 = arith.mulf %get3A_738, %mul3A_739 : vector<16xf32>
        %swap3A_741 = arith.constant 1 : i32
        %swap3A_742 = arith.index_cast %swap3A_741 : i32 to index
        %swap3A_743 = arith.index_cast %add3A_730 : i32 to index
        %swap3A_744 = arith.constant 0 : index
        %swap3A_745 = tpu.vector_load %arg11[%swap3A_742, %swap3A_743, %swap3A_744] {strides = array<i32>} : memref<2x128x16xf32, #tpu.memory_space<vmem>>, vector<1x1x16xf32>,
        %swap3A_746 = vector.shape_cast %swap3A_745 : vector<1x1x16xf32> to vector<16xf32>
        %swap3A_747 = vector.shape_cast %mul3A_740 : vector<16xf32> to vector<1x1x16xf32>
        tpu.vector_store %arg11[%swap3A_742, %swap3A_743, %swap3A_744], %swap3A_747 {strides = array<i32>} : memref<2x128x16xf32, #tpu.memory_space<vmem>>, vector<1x1x16xf32>,
        %mul3A_748 = arith.constant 16 : i32
        %mul3A_749 = arith.muli %scan3A_426, %mul3A_748 : i32
        %add3A_750 = arith.constant 15 : i32
        %add3A_751 = arith.addi %mul3A_749, %add3A_750 : i32
        %slice3A_752 = vector.extract_strided_slice %get3A_432 {offsets = [15], sizes = [1], strides = [1]} : vector<16xf32> to vector<1xf32>
        %squeeze3A_753 = vector.extract %slice3A_752[0] : f32 from vector<1xf32>
        %get3A_754 = arith.constant 1 : i32
        %get3A_755 = arith.index_cast %get3A_754 : i32 to index
        %get3A_756 = arith.index_cast %add3A_751 : i32 to index
        %get3A_757 = arith.constant 0 : index
        %get3A_758 = tpu.vector_load %arg11[%get3A_755, %get3A_756, %get3A_757] {strides = array<i32>} : memref<2x128x16xf32, #tpu.memory_space<vmem>>, vector<1x1x16xf32>,
        %get3A_759 = vector.shape_cast %get3A_758 : vector<1x1x16xf32> to vector<16xf32>
        %mul3A_760 = vector.broadcast %squeeze3A_753 : f32 to vector<16xf32>
        %mul3A_761 = arith.mulf %get3A_759, %mul3A_760 : vector<16xf32>
        %swap3A_762 = arith.constant 1 : i32
        %swap3A_763 = arith.index_cast %swap3A_762 : i32 to index
        %swap3A_764 = arith.index_cast %add3A_751 : i32 to index
        %swap3A_765 = arith.constant 0 : index
        %swap3A_766 = tpu.vector_load %arg11[%swap3A_763, %swap3A_764, %swap3A_765] {strides = array<i32>} : memref<2x128x16xf32, #tpu.memory_space<vmem>>, vector<1x1x16xf32>,
        %swap3A_767 = vector.shape_cast %swap3A_766 : vector<1x1x16xf32> to vector<16xf32>
        %swap3A_768 = vector.shape_cast %mul3A_761 : vector<16xf32> to vector<1x1x16xf32>
        tpu.vector_store %arg11[%swap3A_763, %swap3A_764, %swap3A_765], %swap3A_768 {strides = array<i32>} : memref<2x128x16xf32, #tpu.memory_space<vmem>>, vector<1x1x16xf32>,
      }
      %scan3A_82 = arith.constant 8 : i32
      %add3A_83 = arith.constant 1 : i32
      %add3A_84 = arith.addi %mul3A_28, %add3A_83 : i32
      %run_scoped3A_85 = arith.constant 1 : i32
      "tpu.region"() ({
        %run_scoped3A_86 = tpu.sem_alloc : memref<!tpu.dma_semaphore, #tpu.memory_space<semaphore_mem>>
        %dma_start3A_87 = arith.constant 0 : i32
        %dma_start3A_88 = arith.constant 0 : i32
        %dma_start3A_89 = tpu.memref_slice %arg11[%run_scoped3A_85, %dma_start3A_87, %dma_start3A_88] : memref<2x128x16xf32, #tpu.memory_space<vmem>> -> memref<1x128x16xf32, #tpu.memory_space<vmem>>
        %dma_start3A_90 = tpu.memref_squeeze %dma_start3A_89 : memref<1x128x16xf32, #tpu.memory_space<vmem>> -> memref<128x16xf32, #tpu.memory_space<vmem>>
        %dma_start3A_91 = arith.constant 0 : i32
        %dma_start3A_92 = tpu.memref_slice %arg9[%add3A_84, %dma_start3A_91] : memref<82x128xi32, #tpu.memory_space<vmem>> -> memref<1x128xi32, #tpu.memory_space<vmem>>
        %dma_start3A_93 = tpu.memref_squeeze %dma_start3A_92 : memref<1x128xi32, #tpu.memory_space<vmem>> -> memref<128xi32, #tpu.memory_space<vmem>>
        %dma_start3A_94 = arith.constant 0 : i32
        %dma_start3A_95 = arith.constant 0 : i32
        %dma_start3A_96 = tpu.memref_slice %arg13[%dma_start3A_94, %dma_start3A_95] : memref<10240x16xf32, #tpu.memory_space<vmem_shared>> -> memref<10240x16xf32, #tpu.memory_space<vmem_shared>>
        tpu.enqueue_indirect_dma source(%dma_start3A_90 : memref<128x16xf32, #tpu.memory_space<vmem>>) target(%dma_start3A_96 : memref<10240x16xf32, #tpu.memory_space<vmem_shared>>) offsets(%dma_start3A_93 : memref<128xi32, #tpu.memory_space<vmem>>) semaphore(%run_scoped3A_86 : memref<!tpu.dma_semaphore, #tpu.memory_space<semaphore_mem>>) {add = true}
        %dma_wait3A_97 = arith.constant 0 : i32
        %dma_wait3A_98 = arith.constant 0 : i32
        %dma_wait3A_99 = tpu.memref_slice %arg11[%run_scoped3A_85, %dma_wait3A_97, %dma_wait3A_98] : memref<2x128x16xf32, #tpu.memory_space<vmem>> -> memref<1x128x16xf32, #tpu.memory_space<vmem>>
        %dma_wait3A_100 = tpu.memref_squeeze %dma_wait3A_99 : memref<1x128x16xf32, #tpu.memory_space<vmem>> -> memref<128x16xf32, #tpu.memory_space<vmem>>
        %dma_wait3A_101 = arith.constant 0 : i32
        %dma_wait3A_102 = tpu.memref_slice %arg9[%add3A_84, %dma_wait3A_101] : memref<82x128xi32, #tpu.memory_space<vmem>> -> memref<1x128xi32, #tpu.memory_space<vmem>>
        %dma_wait3A_103 = tpu.memref_squeeze %dma_wait3A_102 : memref<1x128xi32, #tpu.memory_space<vmem>> -> memref<128xi32, #tpu.memory_space<vmem>>
        %dma_wait3A_104 = arith.constant 0 : i32
        %dma_wait3A_105 = arith.constant 0 : i32
        %dma_wait3A_106 = tpu.memref_slice %arg13[%dma_wait3A_104, %dma_wait3A_105] : memref<10240x16xf32, #tpu.memory_space<vmem_shared>> -> memref<10240x16xf32, #tpu.memory_space<vmem_shared>>
        tpu.wait_indirect_dma semaphore(%run_scoped3A_86 : memref<!tpu.dma_semaphore, #tpu.memory_space<semaphore_mem>>) src(%dma_wait3A_100 : memref<128x16xf32, #tpu.memory_space<vmem>>) dst(%dma_wait3A_106 : memref<10240x16xf32, #tpu.memory_space<vmem_shared>>)
        tpu.yield
      }) : () -> ()
    }
    %scan3A_18 = arith.constant 41 : i32
    %barrier3A_19 = arith.constant 0 : index
    tpu.barrier barrier_id(%barrier3A_19)
    %scan3A_20 = arith.constant 0 : i32
    %scan3A_21 = arith.constant 0 : i32
    %scan3A_22 = arith.constant 5 : i32
    %scan3A_23 = arith.addi %scan3A_21, %scan3A_22 : i32
    %scan3A_24 = arith.constant 1 : i32
    scf.for %scan3A_26 = %scan3A_21 to %scan3A_23 step %scan3A_24  : i32 {
      %mul3A_27 = arith.constant 640 : i32
      %mul3A_28 = arith.muli %arg1, %mul3A_27 : i32
      %mul3A_29 = arith.constant 128 : i32
      %mul3A_30 = arith.muli %scan3A_26, %mul3A_29 : i32
      %add3A_31 = arith.addi %mul3A_28, %mul3A_30 : i32
      "tpu.region"() ({
        %run_scoped3A = tpu.sem_alloc : memref<!tpu.dma_semaphore, #tpu.memory_space<semaphore_mem>>
        %dma_start3A_32 = arith.constant 0 : i32
        %dma_start3A_33 = tpu.memref_slice %arg13[%add3A_31, %dma_start3A_32] : memref<10240x16xf32, #tpu.memory_space<vmem_shared>> -> memref<128x16xf32, #tpu.memory_space<vmem_shared>>
        %dma_start3A_34 = arith.constant 0 : i32
        %dma_start3A_35 = tpu.memref_slice %arg13[%add3A_31, %dma_start3A_34] : memref<10240x16xf32, #tpu.memory_space<vmem_shared>> -> memref<128x16xf32, #tpu.memory_space<vmem_shared>>
        tpu.enqueue_dma source(%dma_start3A_35 : memref<128x16xf32, #tpu.memory_space<vmem_shared>>) target(%arg12 : memref<128x16xf32, #tpu.memory_space<vmem>>) target_semaphore(%run_scoped3A : memref<!tpu.dma_semaphore, #tpu.memory_space<semaphore_mem>>)
        %dma_wait3A = arith.constant 0 : i32
        %dma_wait3A_36 = tpu.memref_slice %arg13[%add3A_31, %dma_wait3A] : memref<10240x16xf32, #tpu.memory_space<vmem_shared>> -> memref<128x16xf32, #tpu.memory_space<vmem_shared>>
        %dma_wait3A_37 = arith.constant 0 : i32
        %dma_wait3A_38 = tpu.memref_slice %arg13[%add3A_31, %dma_wait3A_37] : memref<10240x16xf32, #tpu.memory_space<vmem_shared>> -> memref<128x16xf32, #tpu.memory_space<vmem_shared>>
        tpu.wait_dma2 semaphore(%run_scoped3A : memref<!tpu.dma_semaphore, #tpu.memory_space<semaphore_mem>>) src(%dma_wait3A_38 : memref<128x16xf32, #tpu.memory_space<vmem_shared>>) dst(%arg12 : memref<128x16xf32, #tpu.memory_space<vmem>>)
        tpu.yield
      }) : () -> ()
      "tpu.region"() ({
        %run_scoped3A = tpu.sem_alloc : memref<!tpu.dma_semaphore, #tpu.memory_space<semaphore_mem>>
        %dma_start3A_32 = arith.constant 0 : i32
        %dma_start3A_33 = tpu.memref_slice %arg7[%arg0, %add3A_31, %dma_start3A_32] : memref<2x10240x16xf32, #tpu.memory_space<hbm>> -> memref<1x128x16xf32, #tpu.memory_space<hbm>>
        %dma_start3A_34 = tpu.memref_squeeze %dma_start3A_33 : memref<1x128x16xf32, #tpu.memory_space<hbm>> -> memref<128x16xf32, #tpu.memory_space<hbm>>
        %dma_start3A_35 = arith.constant 0 : i32
        %dma_start3A_36 = tpu.memref_slice %arg7[%arg0, %add3A_31, %dma_start3A_35] : memref<2x10240x16xf32, #tpu.memory_space<hbm>> -> memref<1x128x16xf32, #tpu.memory_space<hbm>>
        %dma_start3A_37 = tpu.memref_squeeze %dma_start3A_36 : memref<1x128x16xf32, #tpu.memory_space<hbm>> -> memref<128x16xf32, #tpu.memory_space<hbm>>
        tpu.enqueue_dma source(%arg12 : memref<128x16xf32, #tpu.memory_space<vmem>>) target(%dma_start3A_37 : memref<128x16xf32, #tpu.memory_space<hbm>>) target_semaphore(%run_scoped3A : memref<!tpu.dma_semaphore, #tpu.memory_space<semaphore_mem>>)
        %dma_wait3A = arith.constant 0 : i32
        %dma_wait3A_38 = tpu.memref_slice %arg7[%arg0, %add3A_31, %dma_wait3A] : memref<2x10240x16xf32, #tpu.memory_space<hbm>> -> memref<1x128x16xf32, #tpu.memory_space<hbm>>
        %dma_wait3A_39 = tpu.memref_squeeze %dma_wait3A_38 : memref<1x128x16xf32, #tpu.memory_space<hbm>> -> memref<128x16xf32, #tpu.memory_space<hbm>>
        %dma_wait3A_40 = arith.constant 0 : i32
        %dma_wait3A_41 = tpu.memref_slice %arg7[%arg0, %add3A_31, %dma_wait3A_40] : memref<2x10240x16xf32, #tpu.memory_space<hbm>> -> memref<1x128x16xf32, #tpu.memory_space<hbm>>
        %dma_wait3A_42 = tpu.memref_squeeze %dma_wait3A_41 : memref<1x128x16xf32, #tpu.memory_space<hbm>> -> memref<128x16xf32, #tpu.memory_space<hbm>>
        tpu.wait_dma2 semaphore(%run_scoped3A : memref<!tpu.dma_semaphore, #tpu.memory_space<semaphore_mem>>) src(%arg12 : memref<128x16xf32, #tpu.memory_space<vmem>>) dst(%dma_wait3A_42 : memref<128x16xf32, #tpu.memory_space<hbm>>)
        tpu.yield
      }) : () -> ()
    }
    %scan3A_25 = arith.constant 5 : i32
    return
  }
}

module attributes {stable_mosaic.version = 14 : i64} {
  func.func @body(%arg0: memref<2x10240xf32, #tpu.memory_space<vmem>>, %arg1: memref<10240x128xf32, #tpu.memory_space<vmem>>, %arg2: memref<128x32xf32, #tpu.memory_space<vmem>>, %arg3: memref<10240xf32, #tpu.memory_space<vmem>>, %arg4: memref<10240x32xf32, #tpu.memory_space<vmem>>) attributes {dimension_semantics = [], scalar_prefetch = 0 : i64, scratch_operands = 0 : i64, tpu.core_type = #tpu.core_type<tc>} {
    %get3A = arith.constant 0 : index
    %get3A_0 = arith.constant 0 : index
    %get3A_1 = vector.load %arg0[%get3A, %get3A_0] : memref<2x10240xf32, #tpu.memory_space<vmem>>, vector<1x10240xf32>
    %get3A_2 = vector.shape_cast %get3A_1 : vector<1x10240xf32> to vector<10240xf32>
    %get3A_3 = arith.constant 1 : index
    %get3A_4 = arith.constant 0 : index
    %get3A_5 = vector.load %arg0[%get3A_3, %get3A_4] : memref<2x10240xf32, #tpu.memory_space<vmem>>, vector<1x10240xf32>
    %get3A_6 = vector.shape_cast %get3A_5 : vector<1x10240xf32> to vector<10240xf32>
    %add3A = arith.addf %get3A_2, %get3A_6 : vector<10240xf32>
    %gt3A = arith.constant 0.000000e+00 : f32
    %gt3A_7 = vector.broadcast %gt3A : f32 to vector<10240xf32>
    %gt3A_8 = arith.cmpf ogt, %add3A, %gt3A_7 : vector<10240xf32>
    %max3A = arith.constant 9.99999996E-13 : f32
    %max3A_9 = vector.broadcast %max3A : f32 to vector<10240xf32>
    %max3A_10 = arith.maximumf %add3A, %max3A_9 : vector<10240xf32>
    %rsqrt3A = math.rsqrt %max3A_10 : vector<10240xf32>
    %jit3A = arith.constant 0.000000e+00 : f32
    %broadcast_in_dim3A = vector.broadcast %jit3A : f32 to vector<10240xf32>
    %select_n3A = arith.select %gt3A_8, %rsqrt3A, %broadcast_in_dim3A : vector<10240xi1>, vector<10240xf32>
    %swap3A = arith.constant 0 : index
    %swap3A_11 = vector.load %arg3[%swap3A] : memref<10240xf32, #tpu.memory_space<vmem>>, vector<10240xf32>
    tpu.vector_store %arg3[%swap3A], %select_n3A {strides = array<i32>} : memref<10240xf32, #tpu.memory_space<vmem>>, vector<10240xf32>,
    %get3A_12 = arith.constant 0 : index
    %get3A_13 = arith.constant 0 : index
    %get3A_14 = vector.load %arg1[%get3A_12, %get3A_13] : memref<10240x128xf32, #tpu.memory_space<vmem>>, vector<10240x128xf32>
    %get3A_15 = arith.constant 0 : index
    %get3A_16 = arith.constant 0 : index
    %get3A_17 = vector.load %arg2[%get3A_15, %get3A_16] : memref<128x32xf32, #tpu.memory_space<vmem>>, vector<128x32xf32>
    %dot_general3A = arith.constant dense<0.000000e+00> : vector<10240x32xf32>
    %dot_general3A_18 = tpu.matmul %get3A_14, %get3A_17, %dot_general3A {dimension_numbers = #tpu.dot_dimension_numbers<[1], [0], [0], [1], [0, 0, 1, 1], [], []>, transpose_lhs_hint = false} : vector<10240x128xf32>, vector<128x32xf32>, vector<10240x32xf32> -> vector<10240x32xf32>
    %broadcast_in_dim3A_19 = vector.shape_cast %select_n3A : vector<10240xf32> to vector<10240x1xf32>
    %mul3A = vector.broadcast %broadcast_in_dim3A_19 : vector<10240x1xf32> to vector<10240x32xf32>
    %mul3A_20 = arith.mulf %dot_general3A_18, %mul3A : vector<10240x32xf32>
    %swap3A_21 = arith.constant 0 : index
    %swap3A_22 = arith.constant 0 : index
    %swap3A_23 = vector.load %arg4[%swap3A_21, %swap3A_22] : memref<10240x32xf32, #tpu.memory_space<vmem>>, vector<10240x32xf32>
    tpu.vector_store %arg4[%swap3A_21, %swap3A_22], %mul3A_20 {strides = array<i32>} : memref<10240x32xf32, #tpu.memory_space<vmem>>, vector<10240x32xf32>,
    return
  }
}

module attributes {stable_mosaic.version = 14 : i64} {
  func.func @body(%arg0: memref<2x10240x32xf32, #tpu.memory_space<vmem>>, %arg1: memref<10240xf32, #tpu.memory_space<vmem>>, %arg2: memref<32xf32, #tpu.memory_space<vmem>>, %arg3: memref<32x16xf32, #tpu.memory_space<vmem>>, %arg4: memref<10240x16xf32, #tpu.memory_space<vmem>>) attributes {dimension_semantics = [], scalar_prefetch = 0 : i64, scratch_operands = 0 : i64, tpu.core_type = #tpu.core_type<tc>} {
    %get3A = arith.constant 0 : index
    %get3A_0 = vector.load %arg1[%get3A] : memref<10240xf32, #tpu.memory_space<vmem>>, vector<10240xf32>
    %get3A_1 = arith.constant 0 : index
    %get3A_2 = arith.constant 0 : index
    %get3A_3 = arith.constant 0 : index
    %get3A_4 = vector.load %arg0[%get3A_1, %get3A_2, %get3A_3] : memref<2x10240x32xf32, #tpu.memory_space<vmem>>, vector<1x10240x32xf32>
    %get3A_5 = vector.shape_cast %get3A_4 : vector<1x10240x32xf32> to vector<10240x32xf32>
    %get3A_6 = arith.constant 1 : index
    %get3A_7 = arith.constant 0 : index
    %get3A_8 = arith.constant 0 : index
    %get3A_9 = vector.load %arg0[%get3A_6, %get3A_7, %get3A_8] : memref<2x10240x32xf32, #tpu.memory_space<vmem>>, vector<1x10240x32xf32>
    %get3A_10 = vector.shape_cast %get3A_9 : vector<1x10240x32xf32> to vector<10240x32xf32>
    %add3A = arith.addf %get3A_5, %get3A_10 : vector<10240x32xf32>
    %broadcast_in_dim3A = vector.shape_cast %get3A_0 : vector<10240xf32> to vector<10240x1xf32>
    %mul3A = vector.broadcast %broadcast_in_dim3A : vector<10240x1xf32> to vector<10240x32xf32>
    %mul3A_11 = arith.mulf %add3A, %mul3A : vector<10240x32xf32>
    %get3A_12 = arith.constant 0 : index
    %get3A_13 = vector.load %arg2[%get3A_12] : memref<32xf32, #tpu.memory_space<vmem>>, vector<32xf32>
    %broadcast_in_dim3A_14 = vector.shape_cast %get3A_13 : vector<32xf32> to vector<1x32xf32>
    %add3A_15 = vector.broadcast %broadcast_in_dim3A_14 : vector<1x32xf32> to vector<10240x32xf32>
    %add3A_16 = arith.addf %mul3A_11, %add3A_15 : vector<10240x32xf32>
    %max3A = arith.constant 0.000000e+00 : f32
    %max3A_17 = vector.broadcast %max3A : f32 to vector<10240x32xf32>
    %max3A_18 = arith.maximumf %add3A_16, %max3A_17 : vector<10240x32xf32>
    %get3A_19 = arith.constant 0 : index
    %get3A_20 = arith.constant 0 : index
    %get3A_21 = vector.load %arg3[%get3A_19, %get3A_20] : memref<32x16xf32, #tpu.memory_space<vmem>>, vector<32x16xf32>
    %dot_general3A = arith.constant dense<0.000000e+00> : vector<10240x16xf32>
    %dot_general3A_22 = tpu.matmul %max3A_18, %get3A_21, %dot_general3A {dimension_numbers = #tpu.dot_dimension_numbers<[1], [0], [0], [1], [0, 0, 1, 1], [], []>, transpose_lhs_hint = false} : vector<10240x32xf32>, vector<32x16xf32>, vector<10240x16xf32> -> vector<10240x16xf32>
    %broadcast_in_dim3A_23 = vector.shape_cast %get3A_0 : vector<10240xf32> to vector<10240x1xf32>
    %mul3A_24 = vector.broadcast %broadcast_in_dim3A_23 : vector<10240x1xf32> to vector<10240x16xf32>
    %mul3A_25 = arith.mulf %dot_general3A_22, %mul3A_24 : vector<10240x16xf32>
    %swap3A = arith.constant 0 : index
    %swap3A_26 = arith.constant 0 : index
    %swap3A_27 = vector.load %arg4[%swap3A, %swap3A_26] : memref<10240x16xf32, #tpu.memory_space<vmem>>, vector<10240x16xf32>
    tpu.vector_store %arg4[%swap3A, %swap3A_26], %mul3A_25 {strides = array<i32>} : memref<10240x16xf32, #tpu.memory_space<vmem>>, vector<10240x16xf32>,
    return
  }
}

module attributes {stable_mosaic.version = 14 : i64} {
  func.func @body(%arg0: memref<2x10240x16xf32, #tpu.memory_space<vmem>>, %arg1: memref<10240xf32, #tpu.memory_space<vmem>>, %arg2: memref<16xf32, #tpu.memory_space<vmem>>, %arg3: memref<10240x16xf32, #tpu.memory_space<vmem>>) attributes {dimension_semantics = [], scalar_prefetch = 0 : i64, scratch_operands = 0 : i64, tpu.core_type = #tpu.core_type<tc>} {
    %get3A = arith.constant 0 : index
    %get3A_0 = arith.constant 0 : index
    %get3A_1 = arith.constant 0 : index
    %get3A_2 = vector.load %arg0[%get3A, %get3A_0, %get3A_1] : memref<2x10240x16xf32, #tpu.memory_space<vmem>>, vector<1x10240x16xf32>
    %get3A_3 = vector.shape_cast %get3A_2 : vector<1x10240x16xf32> to vector<10240x16xf32>
    %get3A_4 = arith.constant 1 : index
    %get3A_5 = arith.constant 0 : index
    %get3A_6 = arith.constant 0 : index
    %get3A_7 = vector.load %arg0[%get3A_4, %get3A_5, %get3A_6] : memref<2x10240x16xf32, #tpu.memory_space<vmem>>, vector<1x10240x16xf32>
    %get3A_8 = vector.shape_cast %get3A_7 : vector<1x10240x16xf32> to vector<10240x16xf32>
    %add3A = arith.addf %get3A_3, %get3A_8 : vector<10240x16xf32>
    %get3A_9 = arith.constant 0 : index
    %get3A_10 = vector.load %arg1[%get3A_9] : memref<10240xf32, #tpu.memory_space<vmem>>, vector<10240xf32>
    %broadcast_in_dim3A = vector.shape_cast %get3A_10 : vector<10240xf32> to vector<10240x1xf32>
    %mul3A = vector.broadcast %broadcast_in_dim3A : vector<10240x1xf32> to vector<10240x16xf32>
    %mul3A_11 = arith.mulf %add3A, %mul3A : vector<10240x16xf32>
    %get3A_12 = arith.constant 0 : index
    %get3A_13 = vector.load %arg2[%get3A_12] : memref<16xf32, #tpu.memory_space<vmem>>, vector<16xf32>
    %broadcast_in_dim3A_14 = vector.shape_cast %get3A_13 : vector<16xf32> to vector<1x16xf32>
    %add3A_15 = vector.broadcast %broadcast_in_dim3A_14 : vector<1x16xf32> to vector<10240x16xf32>
    %add3A_16 = arith.addf %mul3A_11, %add3A_15 : vector<10240x16xf32>
    %swap3A = arith.constant 0 : index
    %swap3A_17 = arith.constant 0 : index
    %swap3A_18 = vector.load %arg3[%swap3A, %swap3A_17] : memref<10240x16xf32, #tpu.memory_space<vmem>>, vector<10240x16xf32>
    tpu.vector_store %arg3[%swap3A, %swap3A_17], %add3A_16 {strides = array<i32>} : memref<10240x16xf32, #tpu.memory_space<vmem>>, vector<10240x16xf32>,
    return
  }
}

</mosaic_0001>

<sc_bundles>
// kernel: kernel.11.cloned.1.call-start
scs
__scs_entry_jumppad:
0x0: {  	(pc) =	sbr.rel $0x88, $3  }
0x1: {  	(tag) =	ssettag $0x0;
	lr =	simm.s32 $0x1  }
0x2: {  	[smem:$0x3F9A] =	sst lr;
	_ =	strace $0xD0000000  }
0x3: {  	_ = 	snop  }
0x4: {  	_ = 	snop  }
0x5: {  	_ = 	snop  }
0x6: {  	_ = 	snop  }
0x7: {  	_ = 	snop  }
__scs_overlays_trampoline_lowered:
0x8: {  	[smem:$0x3FA9] =	sst s0  }
0x9: {  	[smem:$0x3FAA] =	sst s1  }
0xa: {  	[smem:$0x3FAB] =	sst s2  }
0xb: {  	[smem:$0x3FAC] =	sst s3  }
0xc: {  	[smem:$0x3FAD] =	sst s4  }
0xd: {  	[smem:$0x3FAE] =	sst s5  }
0xe: {  	[smem:$0x3FAF] =	sst s6  }
0xf: {  	[smem:$0x3FB0] =	sst s7  }
0x10: {  	[smem:$0x3FB1] =	sst s8  }
0x11: {  	[smem:$0x3FB2] =	sst s9;
	s0 =	simm.s32 @!p0 $0x0  }
0x12: {  	s1 =	sld [smem:$0x3F98];
	s0 =	simm.s32 @p0 $0x1  }
0x13: {  	[smem:$0x3FB3] =	sst s0;
	s0 =	simm.s32 @!p1 $0x0  }
0x14: {  	s2 =	sld [smem:$0x3F97];
	s0 =	simm.s32 @p1 $0x1  }
0x15: {  	[smem:$0x3FB4] =	sst s0;
	s0 =	simm.s32 @!p2 $0x0  }
0x16: {  	s3 =	sld [smem:$0x3FDB];
	s0 =	simm.s32 @p2 $0x1  }
0x17: {  	s4 =	simm.s32 $0x1BF5;
	[smem:$0x3FB6] =	sst s0  }
0x18: {  	s0 =	sld [smem:$0x3F99];
	_ =	swait.ge [sflag:s4], $0x0  }
0x19: {  	s7 =	sld [smem:$0x3F9A]  }
0x1a: {  	s8 =	sadd.s32 $0xFFFFE003, lr  }
0x1b: {  	s9 =	sadd.s32 $0xFFFFFEF7, lr;
	s5 =	simm.s32 $0xFFFFFFFF;
	p2 =	slt.u32 s8, $0xFFFFF086  }
0x1c: {  	p1 =	slt.u32 s9, $0xF7A;
	s5 =	simm.s32 @!p2 $0x0  }
0x1d: {  	s5 =	simm.s32 @p1 $0x1;
	p0 =	seq.s32 s7, s2  }
0x1e: {  	s7 =	smul.u32 @!p0 $0xF7A, s2;
	p2 =	seq.s32 @!p0 s5, $0x0  }
0x1f: {  	s9 =	smul.u32 $0xF7A, s1;
	s8 =	simm.s32 @!p0 $0x1BF5;
	p2 =	por !p2, p0  }
0x20: {  	[sflag:s8] =	ssyncset.s32 @!p0 $0xFFFFF086;
	s6 =	sadd.s32 @!p0 s3, s7;
	s7 =	simm.s32 @!p0 $0x108  }
0x21: {  	s3 =	sadd.s32 s3, s9;
	s6 =	sadd.s32 @!p0 $0x88, s6;
	s7 =	simm.s32 @p2 $0x1082  }
0x22: {  	[simem:s7], [sflag:s8] =	dma.local @!p0 [hbm:s6], $0xF7A  }
0x23: {  	s9 =	sor.u32 $0xD0000000, s2;
	s6 =	simm.s32 $0x108;
	_ =	swait.ge @!p0 [sflag:s8], $0x0  }
0x24: {  	s3 =	sadd.s32 $0x88, s3;
	s6 =	simm.s32 @!p1 $0x1082;
	[sflag:s4] =	ssyncset.s32 $0xFFFFF086  }
0x25: {  	[simem:s6], [sflag:s4] =	dma.local [hbm:s3], $0xF7A  }
0x26: {  	[smem:$0x3F9A] =	sst s1;
	(tag) =	ssettag s2;
	_ =	strace s9  }
0x27: {  	s1 =	sld [smem:$0x3FAA]  }
0x28: {  	s2 =	sld [smem:$0x3FAB]  }
0x29: {  	s4 =	sld [smem:$0x3FAD]  }
0x2a: {  	p0 =	seq.s32 s5, $0x0;
	s5 =	sld [smem:$0x3FAE]  }
0x2b: {  	s6 =	sld [smem:$0x3FAF]  }
0x2c: {  	s7 =	sld [smem:$0x3FB0]  }
0x2d: {  	s3 =	simm.s32 $0x108;
	s8 =	sld [smem:$0x3FB1]  }
0x2e: {  	s3 =	simm.s32 @!p0 $0x1082;
	s9 =	sld [smem:$0x3FB2]  }
0x2f: {  	lr =	sadd.s32 s0, s3;
	s0 =	sld [smem:$0x3FA9]  }
0x30: {  	s3 =	sld [smem:$0x3FAC]  }
0x31: {  	[smem:$0x3FB5] =	sst s10  }
0x32: {  	s10 =	sld [smem:$0x3FB3];
	_ =	sdelay $0x3  }
0x33: {  	p0 =	seq.s32 s10, $0x1;
	s10 =	sld [smem:$0x3FB5];
	_ =	sdelay $0x3  }
0x34: {  	[smem:$0x3FB5] =	sst s10  }
0x35: {  	s10 =	sld [smem:$0x3FB4];
	_ =	sdelay $0x3  }
0x36: {  	p1 =	seq.s32 s10, $0x1;
	s10 =	sld [smem:$0x3FB5];
	_ =	sdelay $0x3  }
0x37: {  	[smem:$0x3FB5] =	sst s10  }
0x38: {  	s10 =	sld [smem:$0x3FB6]  }
0x39: {  	_ = 	snop;
	(pc) =	sbr.ind lr, $3  }
0x3a: {  	_ = 	snop  }
0x3b: {  	_ = 	snop  }
0x3c: {  	p2 =	seq.s32 s10, $0x1;
	s10 =	sld [smem:$0x3FB5]  }
0x3d: {  	_ =	shalt  }
0x3e: {  	_ =	shalt  }
0x3f: {  	_ =	shalt  }
0x40: {  	_ =	shalt  }
0x41: {  	_ =	shalt  }
0x42: {  	_ =	shalt  }
0x43: {  	_ =	shalt  }
0x44: {  	_ =	shalt  }
0x45: {  	_ =	shalt  }
0x46: {  	_ =	shalt  }
0x47: {  	_ =	shalt  }
0x48: {  	_ =	shalt  }
0x49: {  	_ =	shalt  }
0x4a: {  	_ =	shalt  }
0x4b: {  	_ =	shalt  }
0x4c: {  	_ =	shalt  }
0x4d: {  	_ =	shalt  }
0x4e: {  	_ =	shalt  }
0x4f: {  	_ =	shalt  }
0x50: {  	_ =	shalt  }
0x51: {  	_ =	shalt  }
0x52: {  	_ =	shalt  }
0x53: {  	_ =	shalt  }
0x54: {  	_ =	shalt  }
0x55: {  	_ =	shalt  }
0x56: {  	_ =	shalt  }
0x57: {  	_ =	shalt  }
0x58: {  	_ =	shalt  }
0x59: {  	_ =	shalt  }
0x5a: {  	_ =	shalt  }
0x5b: {  	_ =	shalt  }
0x5c: {  	_ =	shalt  }
0x5d: {  	_ =	shalt  }
0x5e: {  	_ =	shalt  }
0x5f: {  	_ =	shalt  }
0x60: {  	_ =	shalt  }
0x61: {  	_ =	shalt  }
0x62: {  	_ =	shalt  }
0x63: {  	_ =	shalt  }
0x64: {  	_ =	shalt  }
0x65: {  	_ =	shalt  }
0x66: {  	_ =	shalt  }
0x67: {  	_ =	shalt  }
0x68: {  	_ =	shalt  }
0x69: {  	_ =	shalt  }
0x6a: {  	_ =	shalt  }
0x6b: {  	_ =	shalt  }
0x6c: {  	_ =	shalt  }
0x6d: {  	_ =	shalt  }
0x6e: {  	_ =	shalt  }
0x6f: {  	_ =	shalt  }
0x70: {  	_ =	shalt  }
0x71: {  	_ =	shalt  }
0x72: {  	_ =	shalt  }
0x73: {  	_ =	shalt  }
0x74: {  	_ =	shalt  }
0x75: {  	_ =	shalt  }
0x76: {  	_ =	shalt  }
0x77: {  	_ =	shalt  }
0x78: {  	_ =	shalt  }
0x79: {  	_ =	shalt  }
0x7a: {  	_ =	shalt  }
0x7b: {  	_ =	shalt  }
0x7c: {  	_ =	shalt  }
0x7d: {  	_ =	shalt  }
0x7e: {  	_ =	shalt  }
0x7f: {  	_ =	shalt  }
0x80: {  	_ =	shalt  }
0x81: {  	_ =	shalt  }
0x82: {  	_ =	shalt  }
0x83: {  	_ =	shalt  }
0x84: {  	_ =	shalt  }
0x85: {  	_ =	shalt  }
0x86: {  	_ =	shalt  }
0x87: {  	_ =	shalt  }
.Lfunc_end0:
.L_simem_size_0:
called_computation.1_lowered:
.L_overlay_start_0:
0x88: {  	s2 =	sld [smem:$0x3FD9]  }
0x89: {  	s3 =	sld [smem:$0x3FFE];
	_ =	sdelay $0x1  }
0x8a: {  	s1 =	srdreg.scid  }
0x8b: {  	s0 =	sand.u32 $0x1, s1  }
0x8c: {  	s16 =	sshll.u32 s0, $0xA;
	s2 =	sadd.s32 s3, s2  }
0x8d: {  	s2 =	sadd.s32 s2, s16  }
0x8e: {  	[smem:$0x3FC1] =	sst s2  }
0x8f: {  	_ = 	snop  }
0x90: {  	(tm) =	ssettm $0x1  }
0x91: {  	s17 =	sld [smem:$0x3FFB];
	_ =	sdelay $0x3  }
0x92: {  	_ =	strace s17  }
0x93: {  	s2 =	sld [smem:$0x3FFC];
	_ =	sdelay $0x3  }
0x94: {  	_ =	strace s2  }
0x95: {  	s2 =	sld [smem:$0x3FFD];
	_ =	sdelay $0x3  }
0x96: {  	_ =	strace s2  }
0x97: {  	_ =	strace $0x8FFFFFFF  }
0x98: {  	s18 =	sld [smem:$0x3FDB];
	_ =	sdelay $0x1  }
0x99: {  	s19 =	simm.s32 $_scs_section_size  }
0x9a: {  	s4 =	simm.s32 $_size__tile_overlayer_lowered;
	s5 =	simm.s32 $_tile_overlayer_lowered  }
0x9b: {  	s22 =	simm.s32 $0x1BFF;
	s21 =	sshll.u32 s5, $0x1;
	s2 =	sadd.s32 s19, s18  }
0x9c: {  	s6 =	simm.s32 $0x0;
	s20 =	sshll.u32 s4, $0x1;
	s4 =	sadd.s32 s21, s2  }
0x9d: {  	[timem:s6], [sflag:s22] =	dma.local [hbm:s4], s20  }
0x9e: {  	_ =	swait.ge [sflag:s22], s20  }
0x9f: {  	s3 =	ssub.s32 $0x0, s20;
	[sflag:s22] =	ssyncset.done $0x0  }
0xa0: {  	[sflag:s22] =	ssyncadd.s32 s3;
	_ =	sdelay $0x1  }
0xa1: {  	s23 =	simm.s32 $0x1B8B  }
0xa2: {  	_ =	swait.ge [sflag:s23], $0x1  }
0xa3: {  	[sflag:s23] =	ssyncset.done $0x0  }
0xa4: {  	s25 =	simm.s32 $0x1B8E;
	s24 =	sld [smem:$0x3FFE];
	[sflag:s23] =	ssyncadd.s32 $0xFFFFFFFF  }
0xa5: {  	s26 =	simm.s32 $execute0_lowered;
	[smem:$0x3FD2] =	sst s25  }
0xa6: {  	s4 =	sshll.u32 s26, $0x1;
	_ =	strace $0x80000049;
	[dreg:$0x1] =	wrdreg $0xFFFFFFFF  }
0xa7: {  	s28 =	simm.s32 $_size_execute0_lowered;
	s2 =	sadd.s32 s2, s4;
	[dreg:$0x0] =	wrdreg $0x0  }
0xa8: {  	s4 =	sshll.u32 s28, $0x1;
	[dreg:$0x2] =	wrdreg s2  }
0xa9: {  	[dreg:$0x3] =	wrdreg s4  }
0xaa: {  	[dreg:$0x4] =	wrdreg $0xC0  }
0xab: {  	_ =	task [dreg:s6], $0x5FFFF  }
0xac: {  	[dreg:$0x1] =	wrdreg $0xFFFFFFFF  }
0xad: {  	[dreg:$0x0] =	wrdreg $0x60  }
0xae: {  	[dreg:$0x2] =	wrdreg s24  }
0xaf: {  	[dreg:$0x3] =	wrdreg $0xAB000  }
0xb0: {  	[dreg:$0x4] =	wrdreg $0x9  }
0xb1: {  	_ =	task.clear_ibuf [dreg:s6], $0x5FFFF;
	_ =	strace $0x90000049  }
0xb2: {  	s29 =	simm.s32 $0x9;
	_ =	strace $0x8000004B  }
0xb3: {  	_ =	swait.ge [sflag:s29], $0x1  }
0xb4: {  	[sflag:s29] =	ssyncadd.s32 $0xFFFFFFFF  }
0xb5: {  	_ =	strace $0x9000004B  }
0xb6: {  	_ =	sfence  }
0xb7: {  	s30 =	sld [smem:$0x0];
	_ =	sdelay $0x2  }
0xb8: {  	s31 =	sshll.u32 s1, $0xD;
	s1 =	sshrl.u32 s1, $0x2  }
0xb9: {  	s3 =	sand.u32 $0x4000, s31;
	s1 =	sadd.s32 s1, s30  }
0xba: {  	s0 =	sor.u32 s3, s0;
	s1 =	sshll.u32 s1, $0x11  }
0xbb: {  	s0 =	sor.u32 s1, s0  }
0xbc: {  	s0 =	sadd.s32 $0x8F2B, s0  }
0xbd: {  	[sflag:s0] =	ssyncadd.remote.s32 $0x1  }
0xbe: {  	_ =	sfence.sel $0xFFFF  }
0xbf: {  	[dreg:$0x0] =	wrdreg $0xFFFFFFFF;
	(pc) =	sbr.abs _section_cstart, $3  }
0xc0: {  	[dreg:$0x1] =	wrdreg $0xFFFFFFFF  }
0xc1: {  	_ =	task.clear_ibuf [dreg:s6], $0x2FFFF;
	_ =	strace $0x9FFFFFFF  }
0xc2: {  	(tm) =	ssettm $0x7FFFFFFF  }
0xc3: {  	_ =	shalt  }
tec
execute0_lowered:
.L_overlay_start_1:
0x0: {  	(tag) =	ssettag $0x1  }
0x1: {  	s0 =	srdreg.scid  }
0x2: {  	s10 =	stileid.u32;
	s1 =	rddreg [dreg:$0x0]  }
0x3: {  	s2 =	rddreg [dreg:$0x1];
	s28 =	simm.s32 $0x1;
	s29 =	simm.s32 $0x2  }
0x4: {  	s30 =	simm.s32 $0x9B00;
	s31 =	simm.s32 $0x0;
	s0 =	sand.u32 $0x1, s0  }
0x5: {  	s3 =	sshll.u32 s10, $0x1;
	s6 =	smul.u32 $0x5000, s10;
	s17 =	sshll.u32 s10, $0x6  }
0x6: {  	s4 =	sor.u32 s0, s3;
	s5 =	ssub.s32 $0x2, s0;
	s0 =	smul.u32 $0x50000, s0  }
0x7: {  	s3 =	simm.s32 $0x0;
	s18 =	sor.u32 $0x1C03, s17;
	s4 =	smul.u32 $0x520, s4  }
0x8: {  	[smem:$0x7FF] =	sst s3;
	s8 =	sshrl.u32 s6, $0x3;
	s9 =	sshrl.u32 s5, $0x1  }
0x9: {  	s13 =	sadd.s32 $0x1000, s6;
	s24 =	sadd.s32 $0x2000, s6;
	s25 =	sadd.s32 $0x3000, s6  }
0xa: {  	_ =	strace $0x8000004A;
	s8 =	sadd.s32 s8, s1;
	s11 =	ssub.s32 s5, s9  }
0xb: {  	s5 =	sadd.s32 s6, s2;
	[dreg:$0x4] =	wrdreg s18;
	s20 =	sadd.s32 s0, s6  }
0xc: {  	s22 =	sadd.s32 s0, s13;
	s13 =	sadd.s32 s13, s2;
	s15 =	sadd.s32 s24, s2  }
0xd: {  	s17 =	sadd.s32 s0, s25;
	s6 =	sadd.s32 $0x4000, s6;
	s7 =	sadd.s32 s4, s1  }
0xe: {  	s4 =	sadd.s32 $0xC400, s1;
	s1 =	sadd.s32 $0x36C00, s1;
	s8 =	sadd.s32 $0x21800, s8  }
0xf: {  	s21 =	sshrl.u32 s20, $0x3;
	s11 =	smax.u32 s11, $0x1;
	s23 =	sshrl.u32 s22, $0x3  }
0x10: {  	s26 =	sshrl.u32 s17, $0x3;
	s17 =	sadd.s32 s25, s2;
	s25 =	simm.s32 $0x7B00  }
0x11: {  	[dreg:$0x3] =	wrdreg s8;
	s19 =	sadd.s32 $0x2C800, s7;
	s9 =	sadd.s32 $0x2000, s7  }
0x12: {  	s10 =	sadd.s32 $0x17400, s7;
	s12 =	sadd.s32 s1, s21;
	s14 =	sadd.s32 s1, s23  }
0x13: {  	s7 =	sadd.s32 s0, s24;
	s0 =	sadd.s32 s0, s6;
	s18 =	sadd.s32 s1, s26  }
0x14: {  	s21 =	simm.s32 $0x3;
	s24 =	simm.s32 $0x80;
	s26 =	simm.s32 $0x8B00  }
0x15: {  	[dreg:$0x5] =	wrdreg s19;
	s7 =	sshrl.u32 s7, $0x3;
	s0 =	sshrl.u32 s0, $0x3  }
0x16: {  	s19 =	sadd.s32 s6, s2;
	s16 =	sadd.s32 s1, s7;
	s20 =	sadd.s32 s1, s0  }
.LBB2_1:
0x17: {  	s1 =	rddreg [dreg:$0x3]  }
0x18: {  	s0 =	sshrl.u32 s5, $0x3;
	s6 =	rddreg [dreg:$0x4]  }
0x19: {  	[spmem:s0], [sflag:s6] =	dma.local [hbm:s1], $0xA00  }
0x1a: {  	_ =	swait.ge [sflag:s21], $0xA00  }
0x1b: {  	[sflag:s21] =	ssyncset.done $0x0  }
0x1c: {  	s8 =	rddreg [dreg:$0x5];
	[sflag:s21] =	ssyncadd.s32 $0xFFFFF600  }
0x1d: {  	[tilespmem:s3], [sflag:$0x3] =	stream.linear.gather [hbm4b:s8+s3], $0x2900, $0x38;
	[tilespmem:$0xFB00] =	vst v63  }
0x1e: {  	_ =	swait.ge [sflag:s21], $0x2900  }
0x1f: {  	[sflag:s21] =	ssyncset.done $0x0  }
0x20: {  	s22 =	simm.s32 $0x2900;
	[sflag:s21] =	ssyncadd.s32 $0xFFFFD700  }
0x21: {  	[tilespmem:s22], [sflag:$0x3] =	stream.linear.gather [hbm4b:s9+s3], $0x2900, $0x38;
	[tilespmem:$0xFB00] =	vst v63  }
0x22: {  	_ =	swait.ge [sflag:s21], $0x2900  }
0x23: {  	[sflag:s21] =	ssyncset.done $0x0  }
0x24: {  	s23 =	simm.s32 $0x5200;
	[sflag:s21] =	ssyncadd.s32 $0xFFFFD700  }
0x25: {  	[tilespmem:s23], [sflag:$0x3] =	stream.linear.gather [hbm4b:s10+s3], $0x2900, $0x38;
	[tilespmem:$0xFB00] =	vst v63  }
0x26: {  	_ =	swait.ge [sflag:s21], $0x2900  }
0x27: {  	[sflag:s21] =	ssyncset.done $0x0  }
0x28: {  	s0 =	simm.s32 $0x5290;
	[sflag:s21] =	ssyncadd.s32 $0xFFFFD700  }
0x29: {  	s8 =	simm.s32 $0x5210;
	s22 =	simm.s32 $0x0;
	[bflag:$0x0] =	sbarrier.arrive $0xFFFF  }
0x2a: {  	[tilespmem:s25], [sflag:$0x1] =	stream.indirect.gather [hbm4b:s4+s24], $0x20, s3, s24, $0xb8;
	[tilespmem:$0xFB00] =	vst v63  }
.LBB2_2:
0x2b: {  	s1 =	sshll.u32 s22, $0x8  }
0x2c: {  	s23 =	sor.u32 $0x80, s1  }
0x2d: {  	[tilespmem:s26], [sflag:$0x2] =	stream.indirect.gather [hbm4b:s4+s24], $0x20, s23, s24, $0xb8;
	[tilespmem:$0xFB00] =	vst v63  }
0x2e: {  	_ =	swait.ge [sflag:s28], $0x1000  }
0x2f: {  	s6 =	simm.s32 $0xFFFFFFFE;
	[sflag:s28] =	ssyncset.done $0x0  }
0x30: {  	s7 =	simm.s32 $0x7D00;
	s1 =	smov.u32 s8;
	[sflag:s28] =	ssyncadd.s32 $0xFFFFF000  }
.LBB2_3:
0x31: {  	v0 =	vld [tilespmem:s1+$0xFFFFFFF0];
	_ =	sdelay $0x1  }
0x32: {  	v1 =	vld [tilespmem:s7+$0xFFFFFE00];
	_ =	sdelay $0x1  }
0x33: {  	v32 =	vld [tilespmem:s7+$0xFFFFFE10]  }
0x34: {  	v2 =	vbroadcast v0, $0x0  }
0x35: {  	v33 =	vld [tilespmem:s7+$0xFFFFFE20]  }
0x36: {  	v1 =	vmul.f32 v2, v1  }
0x37: {  	v35 =	vld [tilespmem:s7+$0xFFFFFE30]  }
0x38: {  	v34 =	vbroadcast v0, $0x1;
	[tilespmem:s7+$0xFFFFFE00] =	vst v1;
	v1 =	vmul.f32 v32, v2  }
0x39: {  	v36 =	vld [tilespmem:s7+$0xFFFFFE40]  }
0x3a: {  	[tilespmem:s7+$0xFFFFFE10] =	vst v1;
	v1 =	vmul.f32 v33, v34  }
0x3b: {  	v38 =	vld [tilespmem:s7+$0xFFFFFE50]  }
0x3c: {  	v37 =	vbroadcast v0, $0x2;
	[tilespmem:s7+$0xFFFFFE20] =	vst v1;
	v1 =	vmul.f32 v35, v34  }
0x3d: {  	v39 =	vld [tilespmem:s7+$0xFFFFFE60]  }
0x3e: {  	[tilespmem:s7+$0xFFFFFE30] =	vst v1;
	v1 =	vmul.f32 v36, v37  }
0x3f: {  	v41 =	vld [tilespmem:s7+$0xFFFFFE70]  }
0x40: {  	v40 =	vbroadcast v0, $0x3;
	[tilespmem:s7+$0xFFFFFE40] =	vst v1;
	v1 =	vmul.f32 v38, v37  }
0x41: {  	v42 =	vld [tilespmem:s7+$0xFFFFFE80]  }
0x42: {  	[tilespmem:s7+$0xFFFFFE50] =	vst v1;
	v1 =	vmul.f32 v39, v40  }
0x43: {  	v44 =	vld [tilespmem:s7+$0xFFFFFE90]  }
0x44: {  	v43 =	vbroadcast v0, $0x4;
	[tilespmem:s7+$0xFFFFFE60] =	vst v1;
	v1 =	vmul.f32 v41, v40  }
0x45: {  	v45 =	vld [tilespmem:s7+$0xFFFFFEA0]  }
0x46: {  	[tilespmem:s7+$0xFFFFFE70] =	vst v1;
	v1 =	vmul.f32 v42, v43  }
0x47: {  	v47 =	vld [tilespmem:s7+$0xFFFFFEB0]  }
0x48: {  	v46 =	vbroadcast v0, $0x5;
	[tilespmem:s7+$0xFFFFFE80] =	vst v1;
	v1 =	vmul.f32 v44, v43  }
0x49: {  	v48 =	vld [tilespmem:s7+$0xFFFFFEC0]  }
0x4a: {  	[tilespmem:s7+$0xFFFFFE90] =	vst v1;
	v1 =	vmul.f32 v45, v46  }
0x4b: {  	v50 =	vld [tilespmem:s7+$0xFFFFFED0]  }
0x4c: {  	v49 =	vbroadcast v0, $0x6;
	[tilespmem:s7+$0xFFFFFEA0] =	vst v1;
	v1 =	vmul.f32 v47, v46  }
0x4d: {  	v51 =	vld [tilespmem:s7+$0xFFFFFEE0]  }
0x4e: {  	[tilespmem:s7+$0xFFFFFEB0] =	vst v1;
	v1 =	vmul.f32 v48, v49  }
0x4f: {  	v53 =	vld [tilespmem:s7+$0xFFFFFEF0]  }
0x50: {  	v52 =	vbroadcast v0, $0x7;
	[tilespmem:s7+$0xFFFFFEC0] =	vst v1;
	v1 =	vmul.f32 v50, v49  }
0x51: {  	v54 =	vld [tilespmem:s7+$0xFFFFFF00]  }
0x52: {  	[tilespmem:s7+$0xFFFFFED0] =	vst v1;
	v1 =	vmul.f32 v51, v52  }
0x53: {  	v56 =	vld [tilespmem:s7+$0xFFFFFF10]  }
0x54: {  	v55 =	vbroadcast v0, $0x8;
	[tilespmem:s7+$0xFFFFFEE0] =	vst v1;
	v1 =	vmul.f32 v53, v52  }
0x55: {  	v57 =	vld [tilespmem:s7+$0xFFFFFF20]  }
0x56: {  	[tilespmem:s7+$0xFFFFFEF0] =	vst v1;
	v1 =	vmul.f32 v54, v55  }
0x57: {  	v59 =	vld [tilespmem:s7+$0xFFFFFF30]  }
0x58: {  	v58 =	vbroadcast v0, $0x9;
	[tilespmem:s7+$0xFFFFFF00] =	vst v1;
	v1 =	vmul.f32 v56, v55  }
0x59: {  	v60 =	vld [tilespmem:s7+$0xFFFFFF40]  }
0x5a: {  	[tilespmem:s7+$0xFFFFFF10] =	vst v1;
	v1 =	vmul.f32 v57, v58  }
0x5b: {  	v62 =	vld [tilespmem:s7+$0xFFFFFF50]  }
0x5c: {  	v61 =	vbroadcast v0, $0xA;
	[tilespmem:s7+$0xFFFFFF20] =	vst v1;
	v1 =	vmul.f32 v59, v58  }
0x5d: {  	v63 =	vld [tilespmem:s7+$0xFFFFFF60]  }
0x5e: {  	[tilespmem:s7+$0xFFFFFF30] =	vst v1;
	v1 =	vmul.f32 v60, v61  }
0x5f: {  	v5 =	vld [tilespmem:s7+$0xFFFFFF70]  }
0x60: {  	v4 =	vbroadcast v0, $0xB;
	[tilespmem:s7+$0xFFFFFF40] =	vst v1;
	v1 =	vmul.f32 v62, v61  }
0x61: {  	v6 =	vld [tilespmem:s7+$0xFFFFFF80]  }
0x62: {  	[tilespmem:s7+$0xFFFFFF50] =	vst v1;
	v1 =	vmul.f32 v63, v4  }
0x63: {  	v8 =	vld [tilespmem:s7+$0xFFFFFF90]  }
0x64: {  	v7 =	vbroadcast v0, $0xC;
	[tilespmem:s7+$0xFFFFFF60] =	vst v1;
	v1 =	vmul.f32 v5, v4  }
0x65: {  	v9 =	vld [tilespmem:s7+$0xFFFFFFA0]  }
0x66: {  	[tilespmem:s7+$0xFFFFFF70] =	vst v1;
	v1 =	vmul.f32 v6, v7  }
0x67: {  	v11 =	vld [tilespmem:s7+$0xFFFFFFB0]  }
0x68: {  	v10 =	vbroadcast v0, $0xD;
	[tilespmem:s7+$0xFFFFFF80] =	vst v1;
	v1 =	vmul.f32 v8, v7  }
0x69: {  	v12 =	vld [tilespmem:s7+$0xFFFFFFC0]  }
0x6a: {  	[tilespmem:s7+$0xFFFFFF90] =	vst v1;
	v1 =	vmul.f32 v9, v10  }
0x6b: {  	v14 =	vld [tilespmem:s7+$0xFFFFFFD0]  }
0x6c: {  	v13 =	vbroadcast v0, $0xE;
	[tilespmem:s7+$0xFFFFFFA0] =	vst v1;
	v1 =	vmul.f32 v11, v10  }
0x6d: {  	v15 =	vld [tilespmem:s7+$0xFFFFFFE0]  }
0x6e: {  	v16 =	vld [tilespmem:s7+$0xFFFFFFF0];
	[tilespmem:s7+$0xFFFFFFB0] =	vst v1;
	v1 =	vmul.f32 v12, v13;
	_ =	sdelay $0x1  }
0x6f: {  	v0 =	vbroadcast v0, $0xF;
	[tilespmem:s7+$0xFFFFFFC0] =	vst v1;
	v1 =	vmul.f32 v14, v13;
	_ =	sdelay $0x1  }
0x70: {  	[tilespmem:s7+$0xFFFFFFD0] =	vst v1;
	v1 =	vmul.f32 v15, v0  }
0x71: {  	v0 =	vmul.f32 v16, v0  }
0x72: {  	[tilespmem:s7+$0xFFFFFFE0] =	vst v1  }
0x73: {  	[tilespmem:s7+$0xFFFFFFF0] =	vst v0  }
0x74: {  	v0 =	vld [tilespmem:s1+$0x0];
	_ =	sdelay $0x1  }
0x75: {  	v17 =	vld [tilespmem:s7+$0x0];
	_ =	sdelay $0x1  }
0x76: {  	v19 =	vld [tilespmem:s7+$0x10]  }
0x77: {  	v18 =	vbroadcast v0, $0x0  }
0x78: {  	v20 =	vld [tilespmem:s7+$0x20]  }
0x79: {  	v1 =	vmul.f32 v18, v17  }
0x7a: {  	v22 =	vld [tilespmem:s7+$0x30]  }
0x7b: {  	v21 =	vbroadcast v0, $0x1;
	[tilespmem:s7+$0x0] =	vst v1;
	v1 =	vmul.f32 v19, v18  }
0x7c: {  	v23 =	vld [tilespmem:s7+$0x40]  }
0x7d: {  	[tilespmem:s7+$0x10] =	vst v1;
	v1 =	vmul.f32 v20, v21  }
0x7e: {  	v25 =	vld [tilespmem:s7+$0x50]  }
0x7f: {  	v24 =	vbroadcast v0, $0x2;
	[tilespmem:s7+$0x20] =	vst v1;
	v1 =	vmul.f32 v22, v21  }
0x80: {  	v26 =	vld [tilespmem:s7+$0x60]  }
0x81: {  	[tilespmem:s7+$0x30] =	vst v1;
	v1 =	vmul.f32 v23, v24  }
0x82: {  	v28 =	vld [tilespmem:s7+$0x70]  }
0x83: {  	v27 =	vbroadcast v0, $0x3;
	[tilespmem:s7+$0x40] =	vst v1;
	v1 =	vmul.f32 v25, v24  }
0x84: {  	v29 =	vld [tilespmem:s7+$0x80]  }
0x85: {  	[tilespmem:s7+$0x50] =	vst v1;
	v1 =	vmul.f32 v26, v27  }
0x86: {  	v31 =	vld [tilespmem:s7+$0x90]  }
0x87: {  	v30 =	vbroadcast v0, $0x4;
	[tilespmem:s7+$0x60] =	vst v1;
	v1 =	vmul.f32 v28, v27  }
0x88: {  	v32 =	vld [tilespmem:s7+$0xA0]  }
0x89: {  	[tilespmem:s7+$0x70] =	vst v1;
	v1 =	vmul.f32 v29, v30  }
0x8a: {  	v34 =	vld [tilespmem:s7+$0xB0]  }
0x8b: {  	v33 =	vbroadcast v0, $0x5;
	[tilespmem:s7+$0x80] =	vst v1;
	v1 =	vmul.f32 v31, v30  }
0x8c: {  	v35 =	vld [tilespmem:s7+$0xC0]  }
0x8d: {  	[tilespmem:s7+$0x90] =	vst v1;
	v1 =	vmul.f32 v32, v33  }
0x8e: {  	v37 =	vld [tilespmem:s7+$0xD0]  }
0x8f: {  	v36 =	vbroadcast v0, $0x6;
	[tilespmem:s7+$0xA0] =	vst v1;
	v1 =	vmul.f32 v34, v33  }
0x90: {  	v38 =	vld [tilespmem:s7+$0xE0]  }
0x91: {  	[tilespmem:s7+$0xB0] =	vst v1;
	v1 =	vmul.f32 v35, v36  }
0x92: {  	v40 =	vld [tilespmem:s7+$0xF0]  }
0x93: {  	v39 =	vbroadcast v0, $0x7;
	[tilespmem:s7+$0xC0] =	vst v1;
	v1 =	vmul.f32 v37, v36  }
0x94: {  	v41 =	vld [tilespmem:s7+$0x100]  }
0x95: {  	[tilespmem:s7+$0xD0] =	vst v1;
	v1 =	vmul.f32 v38, v39  }
0x96: {  	v43 =	vld [tilespmem:s7+$0x110]  }
0x97: {  	v42 =	vbroadcast v0, $0x8;
	[tilespmem:s7+$0xE0] =	vst v1;
	v1 =	vmul.f32 v40, v39  }
0x98: {  	v44 =	vld [tilespmem:s7+$0x120]  }
0x99: {  	[tilespmem:s7+$0xF0] =	vst v1;
	v1 =	vmul.f32 v41, v42  }
0x9a: {  	v46 =	vld [tilespmem:s7+$0x130]  }
0x9b: {  	v45 =	vbroadcast v0, $0x9;
	[tilespmem:s7+$0x100] =	vst v1;
	v1 =	vmul.f32 v43, v42  }
0x9c: {  	v47 =	vld [tilespmem:s7+$0x140]  }
0x9d: {  	[tilespmem:s7+$0x110] =	vst v1;
	v1 =	vmul.f32 v44, v45  }
0x9e: {  	v49 =	vld [tilespmem:s7+$0x150]  }
0x9f: {  	v48 =	vbroadcast v0, $0xA;
	[tilespmem:s7+$0x120] =	vst v1;
	v1 =	vmul.f32 v46, v45  }
0xa0: {  	v50 =	vld [tilespmem:s7+$0x160]  }
0xa1: {  	[tilespmem:s7+$0x130] =	vst v1;
	v1 =	vmul.f32 v47, v48  }
0xa2: {  	v52 =	vld [tilespmem:s7+$0x170]  }
0xa3: {  	v51 =	vbroadcast v0, $0xB;
	[tilespmem:s7+$0x140] =	vst v1;
	v1 =	vmul.f32 v49, v48  }
0xa4: {  	v53 =	vld [tilespmem:s7+$0x180]  }
0xa5: {  	[tilespmem:s7+$0x150] =	vst v1;
	v1 =	vmul.f32 v50, v51  }
0xa6: {  	v55 =	vld [tilespmem:s7+$0x190]  }
0xa7: {  	v54 =	vbroadcast v0, $0xC;
	[tilespmem:s7+$0x160] =	vst v1;
	v1 =	vmul.f32 v52, v51  }
0xa8: {  	v56 =	vld [tilespmem:s7+$0x1A0]  }
0xa9: {  	[tilespmem:s7+$0x170] =	vst v1;
	v1 =	vmul.f32 v53, v54  }
0xaa: {  	v58 =	vld [tilespmem:s7+$0x1B0]  }
0xab: {  	v57 =	vbroadcast v0, $0xD;
	[tilespmem:s7+$0x180] =	vst v1;
	v1 =	vmul.f32 v55, v54  }
0xac: {  	v59 =	vld [tilespmem:s7+$0x1C0]  }
0xad: {  	[tilespmem:s7+$0x190] =	vst v1;
	v1 =	vmul.f32 v56, v57  }
0xae: {  	v61 =	vld [tilespmem:s7+$0x1D0]  }
0xaf: {  	v60 =	vbroadcast v0, $0xE;
	[tilespmem:s7+$0x1A0] =	vst v1;
	v1 =	vmul.f32 v58, v57  }
0xb0: {  	v62 =	vld [tilespmem:s7+$0x1E0]  }
0xb1: {  	v63 =	vld [tilespmem:s7+$0x1F0];
	[tilespmem:s7+$0x1B0] =	vst v1;
	v1 =	vmul.f32 v59, v60  }
0xb2: {  	s6 =	sadd.s32 $0x2, s6  }
0xb3: {  	p0 =	slt.u32 s6, $0x6;
	v0 =	vbroadcast v0, $0xF;
	[tilespmem:s7+$0x1C0] =	vst v1;
	v1 =	vmul.f32 v61, v60  }
.Ltmp0:
0xb4: {  	_ = 	snop;
	(pc) =	sbr.rel @p0 .LBB2_3-.Ltmp0, $4  }
0xb5: {  	[tilespmem:s7+$0x1D0] =	vst v1;
	v1 =	vmul.f32 v62, v0  }
0xb6: {  	v0 =	vmul.f32 v63, v0  }
0xb7: {  	[tilespmem:s7+$0x1E0] =	vst v1  }
0xb8: {  	s1 =	sadd.s32 $0x20, s1;
	[tilespmem:s7+$0x1F0] =	vst v0;
	s7 =	sadd.s32 $0x400, s7  }
0xb9: {  	s1 =	sshll.u32 s22, $0xA  }
0xba: {  	s6 =	sshrl.u32 s1, $0x2  }
0xbb: {  	s6 =	sadd.s32 $0x2900, s6  }
0xbc: {  	[spmem:s2] =	stream.indirect.scatter.add.f32 [tilespmem:s25], [sflag:$0x3], $0x20, s6, s24, $0xb8;
	[tilespmem:$0xFB00] =	vst v63  }
0xbd: {  	p0 =	seq.s32 s22, $0x28;
	_ =	swait.ge [sflag:s21], $0x1000  }
0xbe: {  	s1 =	sshrl.u32 @!p0 s1, $0x2;
	s7 =	simm.s32 @!p0 $0x7B00;
	[sflag:s21] =	ssyncset.done $0x0  }
0xbf: {  	s1 =	sadd.s32 @!p0 $0x100, s1;
	s6 =	simm.s32 @!p0 $0x80;
	[sflag:s21] =	ssyncadd.s32 $0xFFFFF000  }
0xc0: {  	[tilespmem:s7], [sflag:$0x1] =	stream.indirect.gather @!p0 [hbm4b:s4+s6], $0x20, s1, s6, $0xb8;
	[tilespmem:$0xFB00] =	vst v63  }
0xc1: {  	_ =	swait.ge [sflag:s29], $0x1000  }
0xc2: {  	s6 =	simm.s32 $0xFFFFFFFE;
	[sflag:s29] =	ssyncset.done $0x0  }
0xc3: {  	s7 =	simm.s32 $0x8EF0;
	s1 =	smov.u32 s0;
	[sflag:s29] =	ssyncadd.s32 $0xFFFFF000  }
.LBB2_5:
0xc4: {  	v0 =	vld [tilespmem:s1+$0xFFFFFFF0];
	_ =	sdelay $0x1  }
0xc5: {  	v1 =	vld [tilespmem:s7+$0xFFFFFC10];
	_ =	sdelay $0x1  }
0xc6: {  	v32 =	vld [tilespmem:s7+$0xFFFFFC20]  }
0xc7: {  	v2 =	vbroadcast v0, $0x0  }
0xc8: {  	v33 =	vld [tilespmem:s7+$0xFFFFFC30]  }
0xc9: {  	v1 =	vmul.f32 v2, v1  }
0xca: {  	v35 =	vld [tilespmem:s7+$0xFFFFFC40]  }
0xcb: {  	v34 =	vbroadcast v0, $0x1;
	[tilespmem:s7+$0xFFFFFC10] =	vst v1;
	v1 =	vmul.f32 v32, v2  }
0xcc: {  	v36 =	vld [tilespmem:s7+$0xFFFFFC50]  }
0xcd: {  	[tilespmem:s7+$0xFFFFFC20] =	vst v1;
	v1 =	vmul.f32 v33, v34  }
0xce: {  	v38 =	vld [tilespmem:s7+$0xFFFFFC60]  }
0xcf: {  	v37 =	vbroadcast v0, $0x2;
	[tilespmem:s7+$0xFFFFFC30] =	vst v1;
	v1 =	vmul.f32 v35, v34  }
0xd0: {  	v39 =	vld [tilespmem:s7+$0xFFFFFC70]  }
0xd1: {  	[tilespmem:s7+$0xFFFFFC40] =	vst v1;
	v1 =	vmul.f32 v36, v37  }
0xd2: {  	v41 =	vld [tilespmem:s7+$0xFFFFFC80]  }
0xd3: {  	v40 =	vbroadcast v0, $0x3;
	[tilespmem:s7+$0xFFFFFC50] =	vst v1;
	v1 =	vmul.f32 v38, v37  }
0xd4: {  	v42 =	vld [tilespmem:s7+$0xFFFFFC90]  }
0xd5: {  	[tilespmem:s7+$0xFFFFFC60] =	vst v1;
	v1 =	vmul.f32 v39, v40  }
0xd6: {  	v44 =	vld [tilespmem:s7+$0xFFFFFCA0]  }
0xd7: {  	v43 =	vbroadcast v0, $0x4;
	[tilespmem:s7+$0xFFFFFC70] =	vst v1;
	v1 =	vmul.f32 v41, v40  }
0xd8: {  	v45 =	vld [tilespmem:s7+$0xFFFFFCB0]  }
0xd9: {  	[tilespmem:s7+$0xFFFFFC80] =	vst v1;
	v1 =	vmul.f32 v42, v43  }
0xda: {  	v47 =	vld [tilespmem:s7+$0xFFFFFCC0]  }
0xdb: {  	v46 =	vbroadcast v0, $0x5;
	[tilespmem:s7+$0xFFFFFC90] =	vst v1;
	v1 =	vmul.f32 v44, v43  }
0xdc: {  	v48 =	vld [tilespmem:s7+$0xFFFFFCD0]  }
0xdd: {  	[tilespmem:s7+$0xFFFFFCA0] =	vst v1;
	v1 =	vmul.f32 v45, v46  }
0xde: {  	v50 =	vld [tilespmem:s7+$0xFFFFFCE0]  }
0xdf: {  	v49 =	vbroadcast v0, $0x6;
	[tilespmem:s7+$0xFFFFFCB0] =	vst v1;
	v1 =	vmul.f32 v47, v46  }
0xe0: {  	v51 =	vld [tilespmem:s7+$0xFFFFFCF0]  }
0xe1: {  	[tilespmem:s7+$0xFFFFFCC0] =	vst v1;
	v1 =	vmul.f32 v48, v49  }
0xe2: {  	v53 =	vld [tilespmem:s7+$0xFFFFFD00]  }
0xe3: {  	v52 =	vbroadcast v0, $0x7;
	[tilespmem:s7+$0xFFFFFCD0] =	vst v1;
	v1 =	vmul.f32 v50, v49  }
0xe4: {  	v54 =	vld [tilespmem:s7+$0xFFFFFD10]  }
0xe5: {  	[tilespmem:s7+$0xFFFFFCE0] =	vst v1;
	v1 =	vmul.f32 v51, v52  }
0xe6: {  	v56 =	vld [tilespmem:s7+$0xFFFFFD20]  }
0xe7: {  	v55 =	vbroadcast v0, $0x8;
	[tilespmem:s7+$0xFFFFFCF0] =	vst v1;
	v1 =	vmul.f32 v53, v52  }
0xe8: {  	v57 =	vld [tilespmem:s7+$0xFFFFFD30]  }
0xe9: {  	[tilespmem:s7+$0xFFFFFD00] =	vst v1;
	v1 =	vmul.f32 v54, v55  }
0xea: {  	v59 =	vld [tilespmem:s7+$0xFFFFFD40]  }
0xeb: {  	v58 =	vbroadcast v0, $0x9;
	[tilespmem:s7+$0xFFFFFD10] =	vst v1;
	v1 =	vmul.f32 v56, v55  }
0xec: {  	v60 =	vld [tilespmem:s7+$0xFFFFFD50]  }
0xed: {  	[tilespmem:s7+$0xFFFFFD20] =	vst v1;
	v1 =	vmul.f32 v57, v58  }
0xee: {  	v62 =	vld [tilespmem:s7+$0xFFFFFD60]  }
0xef: {  	v61 =	vbroadcast v0, $0xA;
	[tilespmem:s7+$0xFFFFFD30] =	vst v1;
	v1 =	vmul.f32 v59, v58  }
0xf0: {  	v63 =	vld [tilespmem:s7+$0xFFFFFD70]  }
0xf1: {  	[tilespmem:s7+$0xFFFFFD40] =	vst v1;
	v1 =	vmul.f32 v60, v61  }
0xf2: {  	v5 =	vld [tilespmem:s7+$0xFFFFFD80]  }
0xf3: {  	v4 =	vbroadcast v0, $0xB;
	[tilespmem:s7+$0xFFFFFD50] =	vst v1;
	v1 =	vmul.f32 v62, v61  }
0xf4: {  	v6 =	vld [tilespmem:s7+$0xFFFFFD90]  }
0xf5: {  	[tilespmem:s7+$0xFFFFFD60] =	vst v1;
	v1 =	vmul.f32 v63, v4  }
0xf6: {  	v8 =	vld [tilespmem:s7+$0xFFFFFDA0]  }
0xf7: {  	v7 =	vbroadcast v0, $0xC;
	[tilespmem:s7+$0xFFFFFD70] =	vst v1;
	v1 =	vmul.f32 v5, v4  }
0xf8: {  	v9 =	vld [tilespmem:s7+$0xFFFFFDB0]  }
0xf9: {  	[tilespmem:s7+$0xFFFFFD80] =	vst v1;
	v1 =	vmul.f32 v6, v7  }
0xfa: {  	v11 =	vld [tilespmem:s7+$0xFFFFFDC0]  }
0xfb: {  	v10 =	vbroadcast v0, $0xD;
	[tilespmem:s7+$0xFFFFFD90] =	vst v1;
	v1 =	vmul.f32 v8, v7  }
0xfc: {  	v12 =	vld [tilespmem:s7+$0xFFFFFDD0]  }
0xfd: {  	[tilespmem:s7+$0xFFFFFDA0] =	vst v1;
	v1 =	vmul.f32 v9, v10  }
0xfe: {  	v14 =	vld [tilespmem:s7+$0xFFFFFDE0]  }
0xff: {  	v13 =	vbroadcast v0, $0xE;
	[tilespmem:s7+$0xFFFFFDB0] =	vst v1;
	v1 =	vmul.f32 v11, v10  }
0x100: {  	v15 =	vld [tilespmem:s7+$0xFFFFFDF0]  }
0x101: {  	v16 =	vld [tilespmem:s7+$0xFFFFFE00];
	[tilespmem:s7+$0xFFFFFDC0] =	vst v1;
	v1 =	vmul.f32 v12, v13;
	_ =	sdelay $0x1  }
0x102: {  	v0 =	vbroadcast v0, $0xF;
	[tilespmem:s7+$0xFFFFFDD0] =	vst v1;
	v1 =	vmul.f32 v14, v13;
	_ =	sdelay $0x1  }
0x103: {  	[tilespmem:s7+$0xFFFFFDE0] =	vst v1;
	v1 =	vmul.f32 v15, v0  }
0x104: {  	v0 =	vmul.f32 v16, v0  }
0x105: {  	[tilespmem:s7+$0xFFFFFDF0] =	vst v1  }
0x106: {  	[tilespmem:s7+$0xFFFFFE00] =	vst v0  }
0x107: {  	v0 =	vld [tilespmem:s1+$0x0];
	_ =	sdelay $0x1  }
0x108: {  	v17 =	vld [tilespmem:s7+$0xFFFFFE10];
	_ =	sdelay $0x1  }
0x109: {  	v19 =	vld [tilespmem:s7+$0xFFFFFE20]  }
0x10a: {  	v18 =	vbroadcast v0, $0x0  }
0x10b: {  	v20 =	vld [tilespmem:s7+$0xFFFFFE30]  }
0x10c: {  	v1 =	vmul.f32 v18, v17  }
0x10d: {  	v22 =	vld [tilespmem:s7+$0xFFFFFE40]  }
0x10e: {  	v21 =	vbroadcast v0, $0x1;
	[tilespmem:s7+$0xFFFFFE10] =	vst v1;
	v1 =	vmul.f32 v19, v18  }
0x10f: {  	v23 =	vld [tilespmem:s7+$0xFFFFFE50]  }
0x110: {  	[tilespmem:s7+$0xFFFFFE20] =	vst v1;
	v1 =	vmul.f32 v20, v21  }
0x111: {  	v25 =	vld [tilespmem:s7+$0xFFFFFE60]  }
0x112: {  	v24 =	vbroadcast v0, $0x2;
	[tilespmem:s7+$0xFFFFFE30] =	vst v1;
	v1 =	vmul.f32 v22, v21  }
0x113: {  	v26 =	vld [tilespmem:s7+$0xFFFFFE70]  }
0x114: {  	[tilespmem:s7+$0xFFFFFE40] =	vst v1;
	v1 =	vmul.f32 v23, v24  }
0x115: {  	v28 =	vld [tilespmem:s7+$0xFFFFFE80]  }
0x116: {  	v27 =	vbroadcast v0, $0x3;
	[tilespmem:s7+$0xFFFFFE50] =	vst v1;
	v1 =	vmul.f32 v25, v24  }
0x117: {  	v29 =	vld [tilespmem:s7+$0xFFFFFE90]  }
0x118: {  	[tilespmem:s7+$0xFFFFFE60] =	vst v1;
	v1 =	vmul.f32 v26, v27  }
0x119: {  	v31 =	vld [tilespmem:s7+$0xFFFFFEA0]  }
0x11a: {  	v30 =	vbroadcast v0, $0x4;
	[tilespmem:s7+$0xFFFFFE70] =	vst v1;
	v1 =	vmul.f32 v28, v27  }
0x11b: {  	v32 =	vld [tilespmem:s7+$0xFFFFFEB0]  }
0x11c: {  	[tilespmem:s7+$0xFFFFFE80] =	vst v1;
	v1 =	vmul.f32 v29, v30  }
0x11d: {  	v34 =	vld [tilespmem:s7+$0xFFFFFEC0]  }
0x11e: {  	v33 =	vbroadcast v0, $0x5;
	[tilespmem:s7+$0xFFFFFE90] =	vst v1;
	v1 =	vmul.f32 v31, v30  }
0x11f: {  	v35 =	vld [tilespmem:s7+$0xFFFFFED0]  }
0x120: {  	[tilespmem:s7+$0xFFFFFEA0] =	vst v1;
	v1 =	vmul.f32 v32, v33  }
0x121: {  	v37 =	vld [tilespmem:s7+$0xFFFFFEE0]  }
0x122: {  	v36 =	vbroadcast v0, $0x6;
	[tilespmem:s7+$0xFFFFFEB0] =	vst v1;
	v1 =	vmul.f32 v34, v33  }
0x123: {  	v38 =	vld [tilespmem:s7+$0xFFFFFEF0]  }
0x124: {  	[tilespmem:s7+$0xFFFFFEC0] =	vst v1;
	v1 =	vmul.f32 v35, v36  }
0x125: {  	v40 =	vld [tilespmem:s7+$0xFFFFFF00]  }
0x126: {  	v39 =	vbroadcast v0, $0x7;
	[tilespmem:s7+$0xFFFFFED0] =	vst v1;
	v1 =	vmul.f32 v37, v36  }
0x127: {  	v41 =	vld [tilespmem:s7+$0xFFFFFF10]  }
0x128: {  	[tilespmem:s7+$0xFFFFFEE0] =	vst v1;
	v1 =	vmul.f32 v38, v39  }
0x129: {  	v43 =	vld [tilespmem:s7+$0xFFFFFF20]  }
0x12a: {  	v42 =	vbroadcast v0, $0x8;
	[tilespmem:s7+$0xFFFFFEF0] =	vst v1;
	v1 =	vmul.f32 v40, v39  }
0x12b: {  	v44 =	vld [tilespmem:s7+$0xFFFFFF30]  }
0x12c: {  	[tilespmem:s7+$0xFFFFFF00] =	vst v1;
	v1 =	vmul.f32 v41, v42  }
0x12d: {  	v46 =	vld [tilespmem:s7+$0xFFFFFF40]  }
0x12e: {  	v45 =	vbroadcast v0, $0x9;
	[tilespmem:s7+$0xFFFFFF10] =	vst v1;
	v1 =	vmul.f32 v43, v42  }
0x12f: {  	v47 =	vld [tilespmem:s7+$0xFFFFFF50]  }
0x130: {  	[tilespmem:s7+$0xFFFFFF20] =	vst v1;
	v1 =	vmul.f32 v44, v45  }
0x131: {  	v49 =	vld [tilespmem:s7+$0xFFFFFF60]  }
0x132: {  	v48 =	vbroadcast v0, $0xA;
	[tilespmem:s7+$0xFFFFFF30] =	vst v1;
	v1 =	vmul.f32 v46, v45  }
0x133: {  	v50 =	vld [tilespmem:s7+$0xFFFFFF70]  }
0x134: {  	[tilespmem:s7+$0xFFFFFF40] =	vst v1;
	v1 =	vmul.f32 v47, v48  }
0x135: {  	v52 =	vld [tilespmem:s7+$0xFFFFFF80]  }
0x136: {  	v51 =	vbroadcast v0, $0xB;
	[tilespmem:s7+$0xFFFFFF50] =	vst v1;
	v1 =	vmul.f32 v49, v48  }
0x137: {  	v53 =	vld [tilespmem:s7+$0xFFFFFF90]  }
0x138: {  	[tilespmem:s7+$0xFFFFFF60] =	vst v1;
	v1 =	vmul.f32 v50, v51  }
0x139: {  	v55 =	vld [tilespmem:s7+$0xFFFFFFA0]  }
0x13a: {  	v54 =	vbroadcast v0, $0xC;
	[tilespmem:s7+$0xFFFFFF70] =	vst v1;
	v1 =	vmul.f32 v52, v51  }
0x13b: {  	v56 =	vld [tilespmem:s7+$0xFFFFFFB0]  }
0x13c: {  	[tilespmem:s7+$0xFFFFFF80] =	vst v1;
	v1 =	vmul.f32 v53, v54  }
0x13d: {  	v58 =	vld [tilespmem:s7+$0xFFFFFFC0]  }
0x13e: {  	v57 =	vbroadcast v0, $0xD;
	[tilespmem:s7+$0xFFFFFF90] =	vst v1;
	v1 =	vmul.f32 v55, v54  }
0x13f: {  	v59 =	vld [tilespmem:s7+$0xFFFFFFD0]  }
0x140: {  	[tilespmem:s7+$0xFFFFFFA0] =	vst v1;
	v1 =	vmul.f32 v56, v57  }
0x141: {  	v61 =	vld [tilespmem:s7+$0xFFFFFFE0]  }
0x142: {  	v60 =	vbroadcast v0, $0xE;
	[tilespmem:s7+$0xFFFFFFB0] =	vst v1;
	v1 =	vmul.f32 v58, v57  }
0x143: {  	v62 =	vld [tilespmem:s7+$0xFFFFFFF0]  }
0x144: {  	v63 =	vld [tilespmem:s7+$0x0];
	[tilespmem:s7+$0xFFFFFFC0] =	vst v1;
	v1 =	vmul.f32 v59, v60  }
0x145: {  	s6 =	sadd.s32 $0x2, s6  }
0x146: {  	p0 =	slt.u32 s6, $0x6;
	v0 =	vbroadcast v0, $0xF;
	[tilespmem:s7+$0xFFFFFFD0] =	vst v1;
	v1 =	vmul.f32 v61, v60  }
.Ltmp1:
0x147: {  	_ = 	snop;
	(pc) =	sbr.rel @p0 .LBB2_5-.Ltmp1, $4  }
0x148: {  	[tilespmem:s7+$0xFFFFFFE0] =	vst v1;
	v1 =	vmul.f32 v62, v0  }
0x149: {  	v0 =	vmul.f32 v63, v0  }
0x14a: {  	[tilespmem:s7+$0xFFFFFFF0] =	vst v1  }
0x14b: {  	s1 =	sadd.s32 $0x20, s1;
	[tilespmem:s7+$0x0] =	vst v0;
	s7 =	sadd.s32 $0x400, s7  }
0x14c: {  	s22 =	sadd.s32 $0x1, s22  }
0x14d: {  	p0 =	sne.s32 s22, $0x29  }
.Ltmp2:
0x14e: {  	s1 =	sadd.s32 $0x2900, s23;
	(pc) =	sbr.rel @p0 .LBB2_2-.Ltmp2, $4  }
0x14f: {  	[spmem:s2] =	stream.indirect.scatter.add.f32 [tilespmem:s26], [sflag:$0x3], $0x20, s1, s24, $0xb8;
	[tilespmem:$0xFB00] =	vst v63  }
0x150: {  	_ =	swait.ge [sflag:s21], $0x1000  }
0x151: {  	[sflag:s21] =	ssyncset.done $0x0  }
0x152: {  	s8 =	sadd.s32 $0x100, s8;
	s0 =	sadd.s32 $0x100, s0;
	[sflag:s21] =	ssyncadd.s32 $0xFFFFF000  }
0x153: {  	[bflag:$0x0] =	sbarrier.arrive $0xFFFF  }
0x154: {  	[tilespmem:s30], [sflag:$0x3] =	stream.linear.gather [spmem:s5], $0x1000, $0x38;
	[tilespmem:$0xFB00] =	vst v63  }
0x155: {  	_ =	swait.ge [sflag:s21], $0x1000  }
0x156: {  	[sflag:s21] =	ssyncset.done $0x0  }
0x157: {  	[sflag:s21] =	ssyncadd.s32 $0xFFFFF000  }
0x158: {  	[hbm4b:s12+s3] =	stream.linear.scatter [tilespmem:s30], [sflag:$0x3], $0x1000, $0x38;
	[tilespmem:$0xFB00] =	vst v63  }
0x159: {  	_ =	swait.ge [sflag:s21], $0x1000  }
0x15a: {  	[sflag:s21] =	ssyncset.done $0x0  }
0x15b: {  	[sflag:s21] =	ssyncadd.s32 $0xFFFFF000  }
0x15c: {  	[tilespmem:s30], [sflag:$0x3] =	stream.linear.gather [spmem:s13], $0x1000, $0x38;
	[tilespmem:$0xFB00] =	vst v63  }
0x15d: {  	_ =	swait.ge [sflag:s21], $0x1000  }
0x15e: {  	[sflag:s21] =	ssyncset.done $0x0  }
0x15f: {  	[sflag:s21] =	ssyncadd.s32 $0xFFFFF000  }
0x160: {  	[hbm4b:s14+s3] =	stream.linear.scatter [tilespmem:s30], [sflag:$0x3], $0x1000, $0x38;
	[tilespmem:$0xFB00] =	vst v63  }
0x161: {  	_ =	swait.ge [sflag:s21], $0x1000  }
0x162: {  	[sflag:s21] =	ssyncset.done $0x0  }
0x163: {  	[sflag:s21] =	ssyncadd.s32 $0xFFFFF000  }
0x164: {  	[tilespmem:s30], [sflag:$0x3] =	stream.linear.gather [spmem:s15], $0x1000, $0x38;
	[tilespmem:$0xFB00] =	vst v63  }
0x165: {  	_ =	swait.ge [sflag:s21], $0x1000  }
0x166: {  	[sflag:s21] =	ssyncset.done $0x0  }
0x167: {  	[sflag:s21] =	ssyncadd.s32 $0xFFFFF000  }
0x168: {  	[hbm4b:s16+s3] =	stream.linear.scatter [tilespmem:s30], [sflag:$0x3], $0x1000, $0x38;
	[tilespmem:$0xFB00] =	vst v63  }
0x169: {  	_ =	swait.ge [sflag:s21], $0x1000  }
0x16a: {  	[sflag:s21] =	ssyncset.done $0x0  }
0x16b: {  	[sflag:s21] =	ssyncadd.s32 $0xFFFFF000  }
0x16c: {  	[tilespmem:s30], [sflag:$0x3] =	stream.linear.gather [spmem:s17], $0x1000, $0x38;
	[tilespmem:$0xFB00] =	vst v63  }
0x16d: {  	_ =	swait.ge [sflag:s21], $0x1000  }
0x16e: {  	[sflag:s21] =	ssyncset.done $0x0  }
0x16f: {  	[sflag:s21] =	ssyncadd.s32 $0xFFFFF000  }
0x170: {  	[hbm4b:s18+s3] =	stream.linear.scatter [tilespmem:s30], [sflag:$0x3], $0x1000, $0x38;
	[tilespmem:$0xFB00] =	vst v63  }
0x171: {  	_ =	swait.ge [sflag:s21], $0x1000  }
0x172: {  	[sflag:s21] =	ssyncset.done $0x0  }
0x173: {  	[sflag:s21] =	ssyncadd.s32 $0xFFFFF000  }
0x174: {  	[tilespmem:s30], [sflag:$0x3] =	stream.linear.gather [spmem:s19], $0x1000, $0x38;
	[tilespmem:$0xFB00] =	vst v63  }
0x175: {  	s31 =	sadd.s32 $0x1, s31;
	_ =	swait.ge [sflag:s21], $0x1000  }
0x176: {  	p0 =	sne.s32 s31, s11;
	[sflag:s21] =	ssyncset.done $0x0  }
.Ltmp3:
0x177: {  	[sflag:s21] =	ssyncadd.s32 $0xFFFFF000;
	(pc) =	sbr.rel @p0 .LBB2_1-.Ltmp3, $4  }
0x178: {  	[hbm4b:s20+s3] =	stream.linear.scatter [tilespmem:s30], [sflag:$0x3], $0x1000, $0x38;
	[tilespmem:$0xFB00] =	vst v63  }
0x179: {  	_ =	swait.ge [sflag:s21], $0x1000  }
0x17a: {  	[sflag:s21] =	ssyncset.done $0x0  }
0x17b: {  	[sflag:s21] =	ssyncadd.s32 $0xFFFFF000  }
0x17c: {  	_ =	sfence.sel $0x180000  }
0x17d: {  	[bflag:$0x0] =	sbarrier.arrive $0xFFFF  }
0x17e: {  	_ =	strace $0x9000004A  }
0x17f: {  	s0 =	stileid.u32;
	[bflag:$0x2] =	sbarrier.arrive $0xFFFF  }
0x180: {  	p0 =	sne.s32 s0, $0x0;
	s0 =	rddreg [dreg:$0x2]  }
0x181: {  	s0 =	sadd.s32 @!p0 $0x100000, s0  }
0x182: {  	[sflag:s0] =	ssyncadd.tile.s32 @!p0 $0x1;
	_ =	shalt  }
.Lfunc_end2:
_tile_overlayer_lowered:
.L_overlay_start_2:
0x183: {  	(tag) =	ssettag $0x2  }
0x184: {  	s0 =	rddreg [dreg:$0x0];
	s2 =	stileid.u32  }
0x185: {  	s1 =	rddreg [dreg:$0x1];
	p0 =	sne.s32 s2, $0x0  }
0x186: {  	s3 =	rddreg [dreg:$0x2];
	[bflag:$0x3] =	sbarrier.arrive $0xFFFF;
	s2 =	simm.s32 @!p0 $0x1C03  }
0x187: {  	[timem:s3], [sflag:s2] =	dma.local @!p0 [hbm:s0], s1  }
0x188: {  	s0 =	simm.s32 @!p0 $0x3  }
0x189: {  	_ =	swait.ge @!p0 [sflag:s0], s1  }
0x18a: {  	s1 =	ssub.s32 @!p0 $0x0, s1;
	[sflag:s0] =	ssyncset.done @!p0 $0x0  }
0x18b: {  	[sflag:s0] =	ssyncadd.s32 @!p0 s1  }
0x18c: {  	[bflag:$0x3] =	sbarrier.arrive $0xFFFF  }
0x18d: {  	_ =	shalt  }

// kernel: kernel.14.cloned.1.call-start
scs
__scs_entry_jumppad:
0x0: {  	(pc) =	sbr.rel $0x88, $3  }
0x1: {  	(tag) =	ssettag $0x0;
	lr =	simm.s32 $0x1  }
0x2: {  	[smem:$0x3F9A] =	sst lr;
	_ =	strace $0xD0000000  }
0x3: {  	_ = 	snop  }
0x4: {  	_ = 	snop  }
0x5: {  	_ = 	snop  }
0x6: {  	_ = 	snop  }
0x7: {  	_ = 	snop  }
__scs_overlays_trampoline_lowered:
0x8: {  	[smem:$0x3FA9] =	sst s0  }
0x9: {  	[smem:$0x3FAA] =	sst s1  }
0xa: {  	[smem:$0x3FAB] =	sst s2  }
0xb: {  	[smem:$0x3FAC] =	sst s3  }
0xc: {  	[smem:$0x3FAD] =	sst s4  }
0xd: {  	[smem:$0x3FAE] =	sst s5  }
0xe: {  	[smem:$0x3FAF] =	sst s6  }
0xf: {  	[smem:$0x3FB0] =	sst s7  }
0x10: {  	[smem:$0x3FB1] =	sst s8  }
0x11: {  	[smem:$0x3FB2] =	sst s9;
	s0 =	simm.s32 @!p0 $0x0  }
0x12: {  	s1 =	sld [smem:$0x3F98];
	s0 =	simm.s32 @p0 $0x1  }
0x13: {  	[smem:$0x3FB3] =	sst s0;
	s0 =	simm.s32 @!p1 $0x0  }
0x14: {  	s2 =	sld [smem:$0x3F97];
	s0 =	simm.s32 @p1 $0x1  }
0x15: {  	[smem:$0x3FB4] =	sst s0;
	s0 =	simm.s32 @!p2 $0x0  }
0x16: {  	s3 =	sld [smem:$0x3FDB];
	s0 =	simm.s32 @p2 $0x1  }
0x17: {  	s4 =	simm.s32 $0x1BF5;
	[smem:$0x3FB6] =	sst s0  }
0x18: {  	s0 =	sld [smem:$0x3F99];
	_ =	swait.ge [sflag:s4], $0x0  }
0x19: {  	s7 =	sld [smem:$0x3F9A]  }
0x1a: {  	s8 =	sadd.s32 $0xFFFFE003, lr  }
0x1b: {  	s9 =	sadd.s32 $0xFFFFFEF7, lr;
	s5 =	simm.s32 $0xFFFFFFFF;
	p2 =	slt.u32 s8, $0xFFFFF086  }
0x1c: {  	p1 =	slt.u32 s9, $0xF7A;
	s5 =	simm.s32 @!p2 $0x0  }
0x1d: {  	s5 =	simm.s32 @p1 $0x1;
	p0 =	seq.s32 s7, s2  }
0x1e: {  	s7 =	smul.u32 @!p0 $0xF7A, s2;
	p2 =	seq.s32 @!p0 s5, $0x0  }
0x1f: {  	s9 =	smul.u32 $0xF7A, s1;
	s8 =	simm.s32 @!p0 $0x1BF5;
	p2 =	por !p2, p0  }
0x20: {  	[sflag:s8] =	ssyncset.s32 @!p0 $0xFFFFF086;
	s6 =	sadd.s32 @!p0 s3, s7;
	s7 =	simm.s32 @!p0 $0x108  }
0x21: {  	s3 =	sadd.s32 s3, s9;
	s6 =	sadd.s32 @!p0 $0x88, s6;
	s7 =	simm.s32 @p2 $0x1082  }
0x22: {  	[simem:s7], [sflag:s8] =	dma.local @!p0 [hbm:s6], $0xF7A  }
0x23: {  	s9 =	sor.u32 $0xD0000000, s2;
	s6 =	simm.s32 $0x108;
	_ =	swait.ge @!p0 [sflag:s8], $0x0  }
0x24: {  	s3 =	sadd.s32 $0x88, s3;
	s6 =	simm.s32 @!p1 $0x1082;
	[sflag:s4] =	ssyncset.s32 $0xFFFFF086  }
0x25: {  	[simem:s6], [sflag:s4] =	dma.local [hbm:s3], $0xF7A  }
0x26: {  	[smem:$0x3F9A] =	sst s1;
	(tag) =	ssettag s2;
	_ =	strace s9  }
0x27: {  	s1 =	sld [smem:$0x3FAA]  }
0x28: {  	s2 =	sld [smem:$0x3FAB]  }
0x29: {  	s4 =	sld [smem:$0x3FAD]  }
0x2a: {  	p0 =	seq.s32 s5, $0x0;
	s5 =	sld [smem:$0x3FAE]  }
0x2b: {  	s6 =	sld [smem:$0x3FAF]  }
0x2c: {  	s7 =	sld [smem:$0x3FB0]  }
0x2d: {  	s3 =	simm.s32 $0x108;
	s8 =	sld [smem:$0x3FB1]  }
0x2e: {  	s3 =	simm.s32 @!p0 $0x1082;
	s9 =	sld [smem:$0x3FB2]  }
0x2f: {  	lr =	sadd.s32 s0, s3;
	s0 =	sld [smem:$0x3FA9]  }
0x30: {  	s3 =	sld [smem:$0x3FAC]  }
0x31: {  	[smem:$0x3FB5] =	sst s10  }
0x32: {  	s10 =	sld [smem:$0x3FB3];
	_ =	sdelay $0x3  }
0x33: {  	p0 =	seq.s32 s10, $0x1;
	s10 =	sld [smem:$0x3FB5];
	_ =	sdelay $0x3  }
0x34: {  	[smem:$0x3FB5] =	sst s10  }
0x35: {  	s10 =	sld [smem:$0x3FB4];
	_ =	sdelay $0x3  }
0x36: {  	p1 =	seq.s32 s10, $0x1;
	s10 =	sld [smem:$0x3FB5];
	_ =	sdelay $0x3  }
0x37: {  	[smem:$0x3FB5] =	sst s10  }
0x38: {  	s10 =	sld [smem:$0x3FB6]  }
0x39: {  	_ = 	snop;
	(pc) =	sbr.ind lr, $3  }
0x3a: {  	_ = 	snop  }
0x3b: {  	_ = 	snop  }
0x3c: {  	p2 =	seq.s32 s10, $0x1;
	s10 =	sld [smem:$0x3FB5]  }
0x3d: {  	_ =	shalt  }
0x3e: {  	_ =	shalt  }
0x3f: {  	_ =	shalt  }
0x40: {  	_ =	shalt  }
0x41: {  	_ =	shalt  }
0x42: {  	_ =	shalt  }
0x43: {  	_ =	shalt  }
0x44: {  	_ =	shalt  }
0x45: {  	_ =	shalt  }
0x46: {  	_ =	shalt  }
0x47: {  	_ =	shalt  }
0x48: {  	_ =	shalt  }
0x49: {  	_ =	shalt  }
0x4a: {  	_ =	shalt  }
0x4b: {  	_ =	shalt  }
0x4c: {  	_ =	shalt  }
0x4d: {  	_ =	shalt  }
0x4e: {  	_ =	shalt  }
0x4f: {  	_ =	shalt  }
0x50: {  	_ =	shalt  }
0x51: {  	_ =	shalt  }
0x52: {  	_ =	shalt  }
0x53: {  	_ =	shalt  }
0x54: {  	_ =	shalt  }
0x55: {  	_ =	shalt  }
0x56: {  	_ =	shalt  }
0x57: {  	_ =	shalt  }
0x58: {  	_ =	shalt  }
0x59: {  	_ =	shalt  }
0x5a: {  	_ =	shalt  }
0x5b: {  	_ =	shalt  }
0x5c: {  	_ =	shalt  }
0x5d: {  	_ =	shalt  }
0x5e: {  	_ =	shalt  }
0x5f: {  	_ =	shalt  }
0x60: {  	_ =	shalt  }
0x61: {  	_ =	shalt  }
0x62: {  	_ =	shalt  }
0x63: {  	_ =	shalt  }
0x64: {  	_ =	shalt  }
0x65: {  	_ =	shalt  }
0x66: {  	_ =	shalt  }
0x67: {  	_ =	shalt  }
0x68: {  	_ =	shalt  }
0x69: {  	_ =	shalt  }
0x6a: {  	_ =	shalt  }
0x6b: {  	_ =	shalt  }
0x6c: {  	_ =	shalt  }
0x6d: {  	_ =	shalt  }
0x6e: {  	_ =	shalt  }
0x6f: {  	_ =	shalt  }
0x70: {  	_ =	shalt  }
0x71: {  	_ =	shalt  }
0x72: {  	_ =	shalt  }
0x73: {  	_ =	shalt  }
0x74: {  	_ =	shalt  }
0x75: {  	_ =	shalt  }
0x76: {  	_ =	shalt  }
0x77: {  	_ =	shalt  }
0x78: {  	_ =	shalt  }
0x79: {  	_ =	shalt  }
0x7a: {  	_ =	shalt  }
0x7b: {  	_ =	shalt  }
0x7c: {  	_ =	shalt  }
0x7d: {  	_ =	shalt  }
0x7e: {  	_ =	shalt  }
0x7f: {  	_ =	shalt  }
0x80: {  	_ =	shalt  }
0x81: {  	_ =	shalt  }
0x82: {  	_ =	shalt  }
0x83: {  	_ =	shalt  }
0x84: {  	_ =	shalt  }
0x85: {  	_ =	shalt  }
0x86: {  	_ =	shalt  }
0x87: {  	_ =	shalt  }
.Lfunc_end0:
.L_simem_size_0:
called_computation.2_lowered:
.L_overlay_start_0:
0x88: {  	s2 =	sld [smem:$0x3FD9]  }
0x89: {  	s3 =	sld [smem:$0x3FFE];
	_ =	sdelay $0x1  }
0x8a: {  	s1 =	srdreg.scid  }
0x8b: {  	s0 =	sand.u32 $0x1, s1  }
0x8c: {  	s16 =	sshll.u32 s0, $0xA;
	s2 =	sadd.s32 s3, s2  }
0x8d: {  	s2 =	sadd.s32 s2, s16  }
0x8e: {  	[smem:$0x3FC1] =	sst s2  }
0x8f: {  	_ = 	snop  }
0x90: {  	(tm) =	ssettm $0x1  }
0x91: {  	s17 =	sld [smem:$0x3FFB];
	_ =	sdelay $0x3  }
0x92: {  	_ =	strace s17  }
0x93: {  	s2 =	sld [smem:$0x3FFC];
	_ =	sdelay $0x3  }
0x94: {  	_ =	strace s2  }
0x95: {  	s2 =	sld [smem:$0x3FFD];
	_ =	sdelay $0x3  }
0x96: {  	_ =	strace s2  }
0x97: {  	_ =	strace $0x8FFFFFFF  }
0x98: {  	s18 =	sld [smem:$0x3FDB];
	_ =	sdelay $0x1  }
0x99: {  	s19 =	simm.s32 $_scs_section_size  }
0x9a: {  	s4 =	simm.s32 $_size__tile_overlayer_lowered;
	s5 =	simm.s32 $_tile_overlayer_lowered  }
0x9b: {  	s22 =	simm.s32 $0x1BFF;
	s21 =	sshll.u32 s5, $0x1;
	s2 =	sadd.s32 s19, s18  }
0x9c: {  	s6 =	simm.s32 $0x0;
	s20 =	sshll.u32 s4, $0x1;
	s4 =	sadd.s32 s21, s2  }
0x9d: {  	[timem:s6], [sflag:s22] =	dma.local [hbm:s4], s20  }
0x9e: {  	_ =	swait.ge [sflag:s22], s20  }
0x9f: {  	s3 =	ssub.s32 $0x0, s20;
	[sflag:s22] =	ssyncset.done $0x0  }
0xa0: {  	[sflag:s22] =	ssyncadd.s32 s3;
	_ =	sdelay $0x1  }
0xa1: {  	s23 =	simm.s32 $0x1B8B  }
0xa2: {  	_ =	swait.ge [sflag:s23], $0x1  }
0xa3: {  	[sflag:s23] =	ssyncset.done $0x0  }
0xa4: {  	s25 =	simm.s32 $0x1B8E;
	s24 =	sld [smem:$0x3FFE];
	[sflag:s23] =	ssyncadd.s32 $0xFFFFFFFF  }
0xa5: {  	s26 =	simm.s32 $execute0_lowered;
	[smem:$0x3FD2] =	sst s25  }
0xa6: {  	s4 =	sshll.u32 s26, $0x1;
	_ =	strace $0x8000004C;
	[dreg:$0x1] =	wrdreg $0xFFFFFFFF  }
0xa7: {  	s28 =	simm.s32 $_size_execute0_lowered;
	s2 =	sadd.s32 s2, s4;
	[dreg:$0x0] =	wrdreg $0x0  }
0xa8: {  	s4 =	sshll.u32 s28, $0x1;
	[dreg:$0x2] =	wrdreg s2  }
0xa9: {  	[dreg:$0x3] =	wrdreg s4  }
0xaa: {  	[dreg:$0x4] =	wrdreg $0xC0  }
0xab: {  	_ =	task [dreg:s6], $0x5FFFF  }
0xac: {  	[dreg:$0x1] =	wrdreg $0xFFFFFFFF  }
0xad: {  	[dreg:$0x0] =	wrdreg $0x60  }
0xae: {  	[dreg:$0x2] =	wrdreg s24  }
0xaf: {  	[dreg:$0x3] =	wrdreg $0x93000  }
0xb0: {  	[dreg:$0x4] =	wrdreg $0x9  }
0xb1: {  	_ =	task.clear_ibuf [dreg:s6], $0x5FFFF;
	_ =	strace $0x9000004C  }
0xb2: {  	s29 =	simm.s32 $0x9;
	_ =	strace $0x8000004E  }
0xb3: {  	_ =	swait.ge [sflag:s29], $0x1  }
0xb4: {  	[sflag:s29] =	ssyncadd.s32 $0xFFFFFFFF  }
0xb5: {  	_ =	strace $0x9000004E  }
0xb6: {  	_ =	sfence  }
0xb7: {  	s30 =	sld [smem:$0x0];
	_ =	sdelay $0x2  }
0xb8: {  	s31 =	sshll.u32 s1, $0xD;
	s1 =	sshrl.u32 s1, $0x2  }
0xb9: {  	s3 =	sand.u32 $0x4000, s31;
	s1 =	sadd.s32 s1, s30  }
0xba: {  	s0 =	sor.u32 s3, s0;
	s1 =	sshll.u32 s1, $0x11  }
0xbb: {  	s0 =	sor.u32 s1, s0  }
0xbc: {  	s0 =	sadd.s32 $0x8F2B, s0  }
0xbd: {  	[sflag:s0] =	ssyncadd.remote.s32 $0x1  }
0xbe: {  	_ =	sfence.sel $0xFFFF  }
0xbf: {  	[dreg:$0x0] =	wrdreg $0xFFFFFFFF;
	(pc) =	sbr.abs _section_cstart, $3  }
0xc0: {  	[dreg:$0x1] =	wrdreg $0xFFFFFFFF  }
0xc1: {  	_ =	task.clear_ibuf [dreg:s6], $0x2FFFF;
	_ =	strace $0x9FFFFFFF  }
0xc2: {  	(tm) =	ssettm $0x7FFFFFFF  }
0xc3: {  	_ =	shalt  }
tec
execute0_lowered:
.L_overlay_start_1:
0x0: {  	(tag) =	ssettag $0x1  }
0x1: {  	s0 =	srdreg.scid;
	s1 =	rddreg [dreg:$0x0]  }
0x2: {  	s10 =	stileid.u32;
	s2 =	rddreg [dreg:$0x1];
	s28 =	simm.s32 $0x1  }
0x3: {  	s29 =	simm.s32 $0x2;
	s30 =	simm.s32 $0x8B00;
	s31 =	simm.s32 $0x0  }
0x4: {  	s0 =	sand.u32 $0x1, s0;
	s3 =	sshll.u32 s10, $0x1;
	s6 =	smul.u32 $0x2800, s10  }
0x5: {  	s10 =	sshll.u32 s10, $0x6;
	s4 =	sor.u32 s0, s3;
	s3 =	simm.s32 $0x0  }
0x6: {  	s5 =	ssub.s32 $0x2, s0;
	s0 =	smul.u32 $0x28000, s0;
	s15 =	sor.u32 $0x1C03, s10  }
0x7: {  	s4 =	smul.u32 $0x520, s4;
	[smem:$0x7FF] =	sst s3;
	s8 =	sshrl.u32 s6, $0x3  }
0x8: {  	s9 =	sshrl.u32 s5, $0x1;
	s19 =	sadd.s32 $0x800, s6;
	s23 =	sadd.s32 $0x1000, s6  }
0x9: {  	s24 =	sadd.s32 $0x1800, s6;
	_ =	strace $0x8000004D;
	s8 =	sadd.s32 s8, s1  }
0xa: {  	s9 =	ssub.s32 s5, s9;
	s5 =	sadd.s32 s6, s2;
	[dreg:$0x4] =	wrdreg s15  }
0xb: {  	s18 =	sadd.s32 s0, s6;
	s21 =	sadd.s32 s0, s19;
	s13 =	sadd.s32 s19, s2  }
0xc: {  	s15 =	sadd.s32 s23, s2;
	s25 =	sadd.s32 s0, s24;
	s6 =	sadd.s32 $0x2000, s6  }
0xd: {  	s7 =	sadd.s32 s4, s1;
	s4 =	sadd.s32 $0xC400, s1;
	s1 =	sadd.s32 $0x21800, s1  }
0xe: {  	s8 =	sadd.s32 $0x11400, s8;
	s20 =	sshrl.u32 s18, $0x3;
	s11 =	smax.u32 s9, $0x1  }
0xf: {  	s22 =	sshrl.u32 s21, $0x3;
	s26 =	sshrl.u32 s25, $0x3;
	s19 =	sadd.s32 s6, s2  }
0x10: {  	s21 =	simm.s32 $0x3;
	s25 =	simm.s32 $0x7B00;
	[dreg:$0x3] =	wrdreg s8  }
0x11: {  	s16 =	sadd.s32 $0x2C800, s7;
	s17 =	sadd.s32 $0x2000, s7;
	s7 =	sadd.s32 $0x17400, s7  }
0x12: {  	s12 =	sadd.s32 s1, s20;
	s14 =	sadd.s32 s1, s22;
	[dreg:$0x5] =	wrdreg s16  }
0x13: {  	s18 =	sadd.s32 s1, s26;
	s26 =	simm.s32 $0x8300;
	[dreg:$0x6] =	wrdreg s17  }
0x14: {  	[dreg:$0x7] =	wrdreg s7;
	s7 =	sadd.s32 s0, s23;
	s0 =	sadd.s32 s0, s6  }
0x15: {  	s17 =	sadd.s32 s24, s2;
	s7 =	sshrl.u32 s7, $0x3;
	s0 =	sshrl.u32 s0, $0x3  }
0x16: {  	s24 =	simm.s32 $0x80;
	s16 =	sadd.s32 s1, s7;
	s20 =	sadd.s32 s1, s0  }
.LBB2_1:
0x17: {  	s1 =	rddreg [dreg:$0x3]  }
0x18: {  	s0 =	sshrl.u32 s5, $0x3;
	s6 =	rddreg [dreg:$0x4]  }
0x19: {  	[spmem:s0], [sflag:s6] =	dma.local [hbm:s1], $0x500  }
0x1a: {  	_ =	swait.ge [sflag:s21], $0x500  }
0x1b: {  	[sflag:s21] =	ssyncset.done $0x0  }
0x1c: {  	s8 =	rddreg [dreg:$0x5];
	[sflag:s21] =	ssyncadd.s32 $0xFFFFFB00  }
0x1d: {  	[tilespmem:s3], [sflag:$0x3] =	stream.linear.gather [hbm4b:s8+s3], $0x2900, $0x38;
	[tilespmem:$0xBB00] =	vst v63  }
0x1e: {  	_ =	swait.ge [sflag:s21], $0x2900  }
0x1f: {  	[sflag:s21] =	ssyncset.done $0x0  }
0x20: {  	s10 =	simm.s32 $0x2900;
	s9 =	rddreg [dreg:$0x6];
	[sflag:s21] =	ssyncadd.s32 $0xFFFFD700  }
0x21: {  	[tilespmem:s10], [sflag:$0x3] =	stream.linear.gather [hbm4b:s9+s3], $0x2900, $0x38;
	[tilespmem:$0xBB00] =	vst v63  }
0x22: {  	_ =	swait.ge [sflag:s21], $0x2900  }
0x23: {  	[sflag:s21] =	ssyncset.done $0x0  }
0x24: {  	s23 =	simm.s32 $0x5200;
	s22 =	rddreg [dreg:$0x7];
	[sflag:s21] =	ssyncadd.s32 $0xFFFFD700  }
0x25: {  	[tilespmem:s23], [sflag:$0x3] =	stream.linear.gather [hbm4b:s22+s3], $0x2900, $0x38;
	[tilespmem:$0xBB00] =	vst v63  }
0x26: {  	_ =	swait.ge [sflag:s21], $0x2900  }
0x27: {  	[sflag:s21] =	ssyncset.done $0x0  }
0x28: {  	s0 =	simm.s32 $0x5290;
	[sflag:s21] =	ssyncadd.s32 $0xFFFFD700  }
0x29: {  	s10 =	simm.s32 $0x5210;
	s22 =	simm.s32 $0x0;
	[bflag:$0x0] =	sbarrier.arrive $0xFFFF  }
0x2a: {  	[tilespmem:s25], [sflag:$0x1] =	stream.indirect.gather [hbm4b:s4+s24], $0x10, s3, s24, $0xb8;
	[tilespmem:$0xBB00] =	vst v63  }
.LBB2_2:
0x2b: {  	s1 =	sshll.u32 s22, $0x8  }
0x2c: {  	s23 =	sor.u32 $0x80, s1  }
0x2d: {  	[tilespmem:s26], [sflag:$0x2] =	stream.indirect.gather [hbm4b:s4+s24], $0x10, s23, s24, $0xb8;
	[tilespmem:$0xBB00] =	vst v63  }
0x2e: {  	_ =	swait.ge [sflag:s28], $0x800  }
0x2f: {  	[sflag:s28] =	ssyncset.done $0x0  }
0x30: {  	s6 =	simm.s32 $0x7C00;
	[sflag:s28] =	ssyncadd.s32 $0xFFFFF800  }
0x31: {  	v0 =	vld [tilespmem:s6+$0xFFFFFFD0]  }
0x32: {  	v2 =	vld [tilespmem:s10+$0xFFFFFFF0]  }
0x33: {  	v1 =	vld [tilespmem:s6+$0xFFFFFFC0]  }
0x34: {  	v5 =	vld [tilespmem:s6+$0xFFFFFF70]  }
0x35: {  	v7 =	vld [tilespmem:s6+$0xFFFFFFA0]  }
0x36: {  	s8 =	simm.s32 $0x0;
	v6 =	vld [tilespmem:s6+$0xFFFFFF00]  }
0x37: {  	s9 =	simm.s32 $0x7C00;
	s7 =	smov.u32 s10;
	s1 =	smov.u32 s10;
	v4 =	vld [tilespmem:s6+$0xFFFFFFF0];
	v8 =	vbroadcast v2, $0x7;
	v3 =	vbroadcast v2, $0x8  }
.LBB2_3:
0x38: {  	s8 =	sadd.s32 $0x2, s8;
	v9 =	vbroadcast v2, $0x2;
	v10 =	vld [tilespmem:s6+$0xFFFFFF60];
	v11 =	vbroadcast v2, $0xA;
	s9 =	sadd.s32 $0x200, s9;
	s7 =	sadd.s32 $0x20, s7  }
0x39: {  	v12 =	vbroadcast v2, $0x0;
	p0 =	slt.u32 s8, $0x6;
	v13 =	vld [tilespmem:s6+$0xFFFFFF50];
	v5 =	vmul.f32 v5, v8  }
0x3a: {  	v8 =	vld [tilespmem:s6+$0xFFFFFF20];
	v7 =	vmul.f32 v7, v11;
	v11 =	vbroadcast v2, $0xD  }
0x3b: {  	v14 =	vbroadcast v2, $0xC;
	v6 =	vmul.f32 v12, v6;
	v12 =	vld [tilespmem:s6+$0xFFFFFF80]  }
0x3c: {  	v16 =	vbroadcast v2, $0x5;
	v15 =	vld [tilespmem:s6+$0xFFFFFF10];
	[tilespmem:s6+$0xFFFFFFA0] =	vst v7;
	v7 =	vbroadcast v2, $0xF  }
0x3d: {  	v1 =	vmul.f32 v1, v14;
	v0 =	vmul.f32 v0, v11;
	[tilespmem:s6+$0xFFFFFF00] =	vst v6;
	v6 =	vld [tilespmem:s6+$0xFFFFFF40]  }
0x3e: {  	v11 =	vbroadcast v2, $0x6;
	[tilespmem:s6+$0xFFFFFF70] =	vst v5;
	v5 =	vld [tilespmem:s6+$0xFFFFFFE0];
	v4 =	vmul.f32 v4, v7  }
0x3f: {  	v7 =	vmul.f32 v8, v9;
	v8 =	vbroadcast v2, $0x3;
	v9 =	vld [tilespmem:s6+$0xFFFFFFB0];
	[tilespmem:s6+$0xFFFFFFC0] =	vst v1  }
0x40: {  	v13 =	vmul.f32 v13, v16;
	v14 =	vld [tilespmem:s6+$0xFFFFFF30];
	v3 =	vmul.f32 v12, v3;
	[tilespmem:s6+$0xFFFFFFD0] =	vst v0  }
0x41: {  	v12 =	vbroadcast v2, $0xE;
	v0 =	vld [tilespmem:s9+$0xFFFFFFD0];
	[tilespmem:s6+$0xFFFFFF20] =	vst v7;
	v7 =	vbroadcast v2, $0x4  }
0x42: {  	v16 =	vbroadcast v2, $0x1;
	v1 =	vld [tilespmem:s9+$0xFFFFFFC0];
	[tilespmem:s6+$0xFFFFFF50] =	vst v13;
	v13 =	vbroadcast v2, $0xB  }
0x43: {  	v6 =	vmul.f32 v6, v7;
	v7 =	vld [tilespmem:s6+$0xFFFFFF90];
	v5 =	vmul.f32 v5, v12;
	[tilespmem:s6+$0xFFFFFFF0] =	vst v4  }
0x44: {  	v4 =	vmul.f32 v15, v16;
	[tilespmem:s6+$0xFFFFFF80] =	vst v3;
	v3 =	vmul.f32 v9, v13  }
0x45: {  	v8 =	vmul.f32 v14, v8;
	[tilespmem:s6+$0xFFFFFF40] =	vst v6;
	v6 =	vmul.f32 v10, v11  }
0x46: {  	v2 =	vbroadcast v2, $0x9;
	[tilespmem:s6+$0xFFFFFF10] =	vst v4  }
0x47: {  	[tilespmem:s6+$0xFFFFFF60] =	vst v6  }
0x48: {  	[tilespmem:s6+$0xFFFFFF30] =	vst v8;
	v2 =	vmul.f32 v7, v2  }
0x49: {  	[tilespmem:s6+$0xFFFFFFB0] =	vst v3  }
0x4a: {  	[tilespmem:s6+$0xFFFFFFE0] =	vst v5  }
0x4b: {  	[tilespmem:s6+$0xFFFFFF90] =	vst v2;
	v2 =	vld [tilespmem:s6+$0xE0]  }
0x4c: {  	v3 =	vld [tilespmem:s1+$0x0];
	s1 =	smov.u32 s7  }
0x4d: {  	v4 =	vld [tilespmem:s6+$0xA0]  }
0x4e: {  	v5 =	vld [tilespmem:s6+$0x20]  }
0x4f: {  	v6 =	vld [tilespmem:s6+$0x30]  }
0x50: {  	v7 =	vld [tilespmem:s6+$0xF0]  }
0x51: {  	v8 =	vbroadcast v3, $0x0;
	v9 =	vbroadcast v3, $0x1;
	v10 =	vld [tilespmem:s6+$0x60]  }
0x52: {  	v11 =	vbroadcast v3, $0x2;
	v12 =	vbroadcast v3, $0x3;
	v13 =	vld [tilespmem:s6+$0x80]  }
0x53: {  	v14 =	vbroadcast v3, $0x4;
	v15 =	vbroadcast v3, $0x5;
	v16 =	vld [tilespmem:s6+$0xC0]  }
0x54: {  	v6 =	vmul.f32 v6, v12;
	v12 =	vbroadcast v3, $0x6;
	v17 =	vld [tilespmem:s6+$0xB0]  }
0x55: {  	v18 =	vbroadcast v3, $0x8;
	v19 =	vbroadcast v3, $0x9;
	v20 =	vld [tilespmem:s6+$0xD0]  }
0x56: {  	[tilespmem:s6+$0x30] =	vst v6;
	v6 =	vmul.f32 v10, v12;
	v10 =	vld [tilespmem:s6+$0x90];
	v12 =	vbroadcast v3, $0xA  }
0x57: {  	v21 =	vld [tilespmem:s6+$0x40];
	v13 =	vmul.f32 v13, v18;
	v18 =	vbroadcast v3, $0xB  }
0x58: {  	v5 =	vmul.f32 v5, v11;
	v11 =	vld [tilespmem:s6+$0x50];
	[tilespmem:s6+$0x60] =	vst v6;
	v6 =	vbroadcast v3, $0xC  }
0x59: {  	v4 =	vmul.f32 v4, v12;
	v22 =	vld [tilespmem:s6+$0x10];
	[tilespmem:s6+$0x80] =	vst v13;
	v12 =	vmul.f32 v17, v18  }
0x5a: {  	v13 =	vld [tilespmem:s6+$0x0];
	[tilespmem:s6+$0x20] =	vst v5;
	v5 =	vmul.f32 v16, v6;
	v6 =	vbroadcast v3, $0xD  }
0x5b: {  	v16 =	vld [tilespmem:s6+$0x70];
	v10 =	vmul.f32 v10, v19;
	[tilespmem:s6+$0xA0] =	vst v4;
	v4 =	vbroadcast v3, $0xE  }
0x5c: {  	v14 =	vmul.f32 v21, v14;
	[tilespmem:s6+$0xC0] =	vst v5;
	v5 =	vmul.f32 v20, v6  }
0x5d: {  	v6 =	vmul.f32 v11, v15;
	[tilespmem:s6+$0xB0] =	vst v12;
	v2 =	vmul.f32 v2, v4  }
0x5e: {  	v4 =	vbroadcast v3, $0x7;
	v3 =	vbroadcast v3, $0xF;
	[tilespmem:s6+$0xD0] =	vst v5  }
0x5f: {  	v5 =	vmul.f32 v8, v13;
	v8 =	vmul.f32 v22, v9;
	[tilespmem:s6+$0xE0] =	vst v2  }
0x60: {  	v3 =	vmul.f32 v7, v3;
	v2 =	vmul.f32 v16, v4;
	[tilespmem:s6+$0x90] =	vst v10  }
0x61: {  	[tilespmem:s6+$0x40] =	vst v14  }
0x62: {  	[tilespmem:s6+$0x50] =	vst v6  }
0x63: {  	[tilespmem:s6+$0xF0] =	vst v3  }
0x64: {  	[tilespmem:s6+$0x70] =	vst v2  }
0x65: {  	[tilespmem:s6+$0x0] =	vst v5  }
0x66: {  	[tilespmem:s6+$0x10] =	vst v8;
	s6 =	smov.u32 s9  }
0x67: {  	v2 =	vld [tilespmem:s7+$0xFFFFFFF0]  }
.Ltmp0:
0x68: {  	(pc) =	sbr.rel @p0 .LBB2_3-.Ltmp0, $4  }
0x69: {  	v5 =	vld [tilespmem:s9+$0xFFFFFF70]  }
0x6a: {  	v7 =	vld [tilespmem:s9+$0xFFFFFFA0]  }
0x6b: {  	v6 =	vld [tilespmem:s9+$0xFFFFFF00]  }
0x6c: {  	v8 =	vbroadcast v2, $0x7;
	v3 =	vbroadcast v2, $0x8;
	v4 =	vld [tilespmem:s9+$0xFFFFFFF0]  }
0x6d: {  	v10 =	vbroadcast v2, $0xA  }
0x6e: {  	v13 =	vld [tilespmem:s6+$0xFFFFFF20];
	v56 =	vbroadcast v2, $0xC;
	v5 =	vmul.f32 v5, v8  }
0x6f: {  	v11 =	vld [tilespmem:s6+$0xFFFFFF50];
	v12 =	vbroadcast v2, $0x0;
	v7 =	vmul.f32 v7, v10  }
0x70: {  	v8 =	vbroadcast v2, $0xD;
	v1 =	vmul.f32 v1, v56;
	[tilespmem:s6+$0xFFFFFF70] =	vst v5  }
0x71: {  	v15 =	vbroadcast v2, $0x2;
	v10 =	vld [tilespmem:s6+$0xFFFFFF80];
	v6 =	vmul.f32 v12, v6;
	[tilespmem:s6+$0xFFFFFFA0] =	vst v7  }
0x72: {  	v14 =	vld [tilespmem:s6+$0xFFFFFF10];
	v57 =	vbroadcast v2, $0x5;
	v0 =	vmul.f32 v0, v8;
	[tilespmem:s6+$0xFFFFFFC0] =	vst v1  }
0x73: {  	v8 =	vbroadcast v2, $0xF;
	v7 =	vld [tilespmem:s6+$0xFFFFFF40];
	[tilespmem:s6+$0xFFFFFF00] =	vst v6;
	v13 =	vmul.f32 v13, v15  }
0x74: {  	v1 =	vld [tilespmem:s6+$0xFFFFFF30];
	v11 =	vmul.f32 v11, v57;
	[tilespmem:s6+$0xFFFFFFD0] =	vst v0  }
0x75: {  	v9 =	vld [tilespmem:s6+$0xFFFFFF60];
	v0 =	vmul.f32 v4, v8;
	v8 =	vbroadcast v2, $0x1;
	[tilespmem:s6+$0xFFFFFF20] =	vst v13  }
0x76: {  	v5 =	vld [tilespmem:s6+$0xFFFFFFB0];
	v4 =	vbroadcast v2, $0x4;
	v3 =	vmul.f32 v10, v3;
	[tilespmem:s6+$0xFFFFFF50] =	vst v11  }
0x77: {  	v6 =	vld [tilespmem:s6+$0xFFFFFFE0];
	[tilespmem:s6+$0xFFFFFFF0] =	vst v0;
	v0 =	vbroadcast v2, $0x3;
	v8 =	vmul.f32 v14, v8  }
0x78: {  	v10 =	vbroadcast v2, $0x6;
	v4 =	vmul.f32 v7, v4;
	v7 =	vld [tilespmem:s6+$0xFFFFFF90];
	[tilespmem:s6+$0xFFFFFF80] =	vst v3  }
0x79: {  	v3 =	vbroadcast v2, $0xB;
	v0 =	vmul.f32 v1, v0;
	[tilespmem:s6+$0xFFFFFF10] =	vst v8  }
0x7a: {  	[tilespmem:s6+$0xFFFFFF40] =	vst v4;
	v4 =	vmul.f32 v9, v10;
	v9 =	vbroadcast v2, $0xE  }
0x7b: {  	v1 =	vmul.f32 v5, v3;
	v2 =	vbroadcast v2, $0x9;
	[tilespmem:s6+$0xFFFFFF30] =	vst v0  }
0x7c: {  	[tilespmem:s6+$0xFFFFFF60] =	vst v4;
	v3 =	vmul.f32 v6, v9  }
0x7d: {  	[tilespmem:s6+$0xFFFFFFB0] =	vst v1;
	v0 =	vmul.f32 v7, v2  }
0x7e: {  	[tilespmem:s6+$0xFFFFFFE0] =	vst v3  }
0x7f: {  	[tilespmem:s6+$0xFFFFFF90] =	vst v0  }
0x80: {  	v1 =	vld [tilespmem:s1+$0x0];
	_ =	sdelay $0x1  }
0x81: {  	v3 =	vld [tilespmem:s6+$0x30]  }
0x82: {  	v5 =	vld [tilespmem:s6+$0x60]  }
0x83: {  	v2 =	vld [tilespmem:s6+$0xA0]  }
0x84: {  	v4 =	vld [tilespmem:s6+$0x20];
	v6 =	vbroadcast v1, $0x3  }
0x85: {  	v7 =	vld [tilespmem:s6+$0x80];
	v9 =	vbroadcast v1, $0x6  }
0x86: {  	v8 =	vld [tilespmem:s6+$0xC0];
	v59 =	vbroadcast v1, $0xA;
	v3 =	vmul.f32 v3, v6  }
0x87: {  	v0 =	vld [tilespmem:s6+$0xE0];
	v58 =	vbroadcast v1, $0x2;
	v5 =	vmul.f32 v5, v9  }
0x88: {  	v11 =	vbroadcast v1, $0x8;
	v6 =	vld [tilespmem:s6+$0xB0];
	v2 =	vmul.f32 v2, v59;
	[tilespmem:s6+$0x30] =	vst v3  }
0x89: {  	v10 =	vld [tilespmem:s6+$0xD0];
	v4 =	vmul.f32 v4, v58;
	[tilespmem:s6+$0x60] =	vst v5;
	v5 =	vbroadcast v1, $0xC  }
0x8a: {  	v7 =	vmul.f32 v7, v11;
	v11 =	vld [tilespmem:s6+$0x50];
	[tilespmem:s6+$0xA0] =	vst v2;
	v2 =	vbroadcast v1, $0xE  }
0x8b: {  	v61 =	vbroadcast v1, $0xB;
	v3 =	vld [tilespmem:s6+$0x90];
	[tilespmem:s6+$0x20] =	vst v4;
	v4 =	vmul.f32 v8, v5  }
0x8c: {  	v9 =	vld [tilespmem:s6+$0x40];
	[tilespmem:s6+$0x80] =	vst v7;
	v5 =	vbroadcast v1, $0xD;
	v0 =	vmul.f32 v0, v2  }
0x8d: {  	v8 =	vld [tilespmem:s6+$0x70];
	v2 =	vbroadcast v1, $0x5;
	v6 =	vmul.f32 v6, v61;
	[tilespmem:s6+$0xC0] =	vst v4  }
0x8e: {  	v62 =	vld [tilespmem:s6+$0xF0];
	v63 =	vbroadcast v1, $0x9;
	v4 =	vmul.f32 v10, v5;
	[tilespmem:s6+$0xE0] =	vst v0  }
0x8f: {  	v7 =	vld [tilespmem:s6+$0x0];
	v5 =	vbroadcast v1, $0x4;
	v0 =	vmul.f32 v11, v2;
	[tilespmem:s6+$0xB0] =	vst v6  }
0x90: {  	v60 =	vld [tilespmem:s6+$0x10];
	v2 =	vbroadcast v1, $0x7;
	v3 =	vmul.f32 v3, v63;
	[tilespmem:s6+$0xD0] =	vst v4  }
0x91: {  	v4 =	vmul.f32 v9, v5;
	v5 =	vbroadcast v1, $0xF;
	[tilespmem:s6+$0x50] =	vst v0  }
0x92: {  	[tilespmem:s6+$0x90] =	vst v3;
	v3 =	vbroadcast v1, $0x0;
	v2 =	vmul.f32 v8, v2  }
0x93: {  	v1 =	vbroadcast v1, $0x1;
	v5 =	vmul.f32 v62, v5;
	[tilespmem:s6+$0x40] =	vst v4  }
0x94: {  	v0 =	vmul.f32 v3, v7;
	[tilespmem:s6+$0x70] =	vst v2  }
0x95: {  	s1 =	sshll.u32 s22, $0xA;
	v1 =	vmul.f32 v60, v1;
	[tilespmem:s6+$0xF0] =	vst v5  }
0x96: {  	s7 =	sshrl.u32 s1, $0x2;
	[tilespmem:s6+$0x0] =	vst v0  }
0x97: {  	p0 =	seq.s32 s22, $0x28;
	s9 =	sadd.s32 $0x2900, s7;
	[tilespmem:s6+$0x10] =	vst v1  }
0x98: {  	[spmem:s2] =	stream.indirect.scatter.add.f32 [tilespmem:s25], [sflag:$0x3], $0x10, s9, s24, $0xb8;
	[tilespmem:$0xBB00] =	vst v63  }
0x99: {  	s1 =	sshrl.u32 @!p0 s1, $0x2;
	_ =	swait.ge [sflag:s21], $0x800  }
0x9a: {  	s1 =	sadd.s32 @!p0 $0x100, s1;
	[sflag:s21] =	ssyncset.done $0x0  }
0x9b: {  	s7 =	simm.s32 @!p0 $0x7B00;
	s6 =	simm.s32 @!p0 $0x80;
	[sflag:s21] =	ssyncadd.s32 $0xFFFFF800  }
0x9c: {  	[tilespmem:s7], [sflag:$0x1] =	stream.indirect.gather @!p0 [hbm4b:s4+s6], $0x10, s1, s6, $0xb8;
	[tilespmem:$0xBB00] =	vst v63  }
0x9d: {  	_ =	swait.ge [sflag:s29], $0x800  }
0x9e: {  	[sflag:s29] =	ssyncset.done $0x0  }
0x9f: {  	s6 =	simm.s32 $0x84F0;
	[sflag:s29] =	ssyncadd.s32 $0xFFFFF800  }
0xa0: {  	v0 =	vld [tilespmem:s6+$0xFFFFFEE0]  }
0xa1: {  	v2 =	vld [tilespmem:s0+$0xFFFFFFF0]  }
0xa2: {  	v1 =	vld [tilespmem:s6+$0xFFFFFED0]  }
0xa3: {  	v5 =	vld [tilespmem:s6+$0xFFFFFE80]  }
0xa4: {  	v7 =	vld [tilespmem:s6+$0xFFFFFEB0]  }
0xa5: {  	s8 =	simm.s32 $0x0;
	v6 =	vld [tilespmem:s6+$0xFFFFFE10]  }
0xa6: {  	s9 =	simm.s32 $0x84F0;
	s7 =	smov.u32 s0;
	s1 =	smov.u32 s0;
	v3 =	vld [tilespmem:s6+$0xFFFFFE70];
	v8 =	vbroadcast v2, $0x7;
	v4 =	vbroadcast v2, $0x8  }
.LBB2_5:
0xa7: {  	s8 =	sadd.s32 $0x2, s8;
	v9 =	vbroadcast v2, $0x2;
	v10 =	vld [tilespmem:s6+$0xFFFFFE60];
	v11 =	vbroadcast v2, $0xA;
	s9 =	sadd.s32 $0x200, s9;
	s7 =	sadd.s32 $0x20, s7  }
0xa8: {  	v12 =	vbroadcast v2, $0x0;
	p0 =	slt.u32 s8, $0x6;
	v5 =	vmul.f32 v5, v8;
	v8 =	vld [tilespmem:s6+$0xFFFFFF00]  }
0xa9: {  	v13 =	vld [tilespmem:s6+$0xFFFFFE30];
	v7 =	vmul.f32 v7, v11;
	v11 =	vbroadcast v2, $0xD  }
0xaa: {  	v14 =	vbroadcast v2, $0xC;
	v6 =	vmul.f32 v12, v6;
	v12 =	vld [tilespmem:s6+$0xFFFFFE90]  }
0xab: {  	v16 =	vbroadcast v2, $0x5;
	v15 =	vld [tilespmem:s6+$0xFFFFFE20];
	[tilespmem:s6+$0xFFFFFEB0] =	vst v7;
	v7 =	vbroadcast v2, $0xF  }
0xac: {  	v1 =	vmul.f32 v1, v14;
	v0 =	vmul.f32 v0, v11;
	[tilespmem:s6+$0xFFFFFE10] =	vst v6;
	v6 =	vld [tilespmem:s6+$0xFFFFFE50]  }
0xad: {  	v11 =	vbroadcast v2, $0x6;
	[tilespmem:s6+$0xFFFFFE80] =	vst v5;
	v5 =	vld [tilespmem:s6+$0xFFFFFEF0];
	v7 =	vmul.f32 v8, v7  }
0xae: {  	v8 =	vmul.f32 v13, v9;
	v9 =	vbroadcast v2, $0x3;
	v13 =	vld [tilespmem:s6+$0xFFFFFEC0];
	[tilespmem:s6+$0xFFFFFED0] =	vst v1  }
0xaf: {  	v10 =	vmul.f32 v10, v16;
	v14 =	vld [tilespmem:s6+$0xFFFFFE40];
	v4 =	vmul.f32 v12, v4;
	[tilespmem:s6+$0xFFFFFEE0] =	vst v0  }
0xb0: {  	v12 =	vbroadcast v2, $0xE;
	v0 =	vld [tilespmem:s9+$0xFFFFFEE0];
	[tilespmem:s6+$0xFFFFFE30] =	vst v8;
	v8 =	vbroadcast v2, $0x4  }
0xb1: {  	v16 =	vbroadcast v2, $0x1;
	v1 =	vld [tilespmem:s9+$0xFFFFFED0];
	[tilespmem:s6+$0xFFFFFE60] =	vst v10;
	v10 =	vbroadcast v2, $0xB  }
0xb2: {  	v6 =	vmul.f32 v6, v8;
	v8 =	vld [tilespmem:s6+$0xFFFFFEA0];
	v5 =	vmul.f32 v5, v12;
	[tilespmem:s6+$0xFFFFFF00] =	vst v7  }
0xb3: {  	v7 =	vmul.f32 v15, v16;
	[tilespmem:s6+$0xFFFFFE90] =	vst v4;
	v4 =	vmul.f32 v13, v10  }
0xb4: {  	v3 =	vmul.f32 v3, v11;
	v9 =	vmul.f32 v14, v9;
	[tilespmem:s6+$0xFFFFFE50] =	vst v6  }
0xb5: {  	v2 =	vbroadcast v2, $0x9;
	[tilespmem:s6+$0xFFFFFE20] =	vst v7  }
0xb6: {  	[tilespmem:s6+$0xFFFFFE70] =	vst v3  }
0xb7: {  	[tilespmem:s6+$0xFFFFFE40] =	vst v9;
	v2 =	vmul.f32 v8, v2  }
0xb8: {  	[tilespmem:s6+$0xFFFFFEC0] =	vst v4  }
0xb9: {  	[tilespmem:s6+$0xFFFFFEF0] =	vst v5  }
0xba: {  	[tilespmem:s6+$0xFFFFFEA0] =	vst v2;
	v2 =	vld [tilespmem:s6+$0xFFFFFFF0]  }
0xbb: {  	v3 =	vld [tilespmem:s1+$0x0];
	s1 =	smov.u32 s7  }
0xbc: {  	v4 =	vld [tilespmem:s6+$0xFFFFFFB0]  }
0xbd: {  	v5 =	vld [tilespmem:s6+$0xFFFFFF30]  }
0xbe: {  	v6 =	vld [tilespmem:s6+$0xFFFFFF40]  }
0xbf: {  	v7 =	vld [tilespmem:s6+$0x0]  }
0xc0: {  	v8 =	vbroadcast v3, $0x0;
	v9 =	vbroadcast v3, $0x1;
	v10 =	vld [tilespmem:s6+$0xFFFFFF70]  }
0xc1: {  	v11 =	vbroadcast v3, $0x2;
	v12 =	vbroadcast v3, $0x3;
	v13 =	vld [tilespmem:s6+$0xFFFFFF90]  }
0xc2: {  	v14 =	vbroadcast v3, $0x4;
	v15 =	vbroadcast v3, $0x5;
	v16 =	vld [tilespmem:s6+$0xFFFFFFD0]  }
0xc3: {  	v6 =	vmul.f32 v6, v12;
	v12 =	vbroadcast v3, $0x6;
	v17 =	vld [tilespmem:s6+$0xFFFFFFC0]  }
0xc4: {  	v18 =	vbroadcast v3, $0x8;
	v19 =	vbroadcast v3, $0x9;
	v20 =	vld [tilespmem:s6+$0xFFFFFFE0]  }
0xc5: {  	[tilespmem:s6+$0xFFFFFF40] =	vst v6;
	v6 =	vmul.f32 v10, v12;
	v10 =	vld [tilespmem:s6+$0xFFFFFFA0];
	v12 =	vbroadcast v3, $0xA  }
0xc6: {  	v21 =	vld [tilespmem:s6+$0xFFFFFF50];
	v13 =	vmul.f32 v13, v18;
	v18 =	vbroadcast v3, $0xB  }
0xc7: {  	v5 =	vmul.f32 v5, v11;
	v11 =	vld [tilespmem:s6+$0xFFFFFF60];
	[tilespmem:s6+$0xFFFFFF70] =	vst v6;
	v6 =	vbroadcast v3, $0xC  }
0xc8: {  	v4 =	vmul.f32 v4, v12;
	v22 =	vld [tilespmem:s6+$0xFFFFFF20];
	[tilespmem:s6+$0xFFFFFF90] =	vst v13;
	v12 =	vmul.f32 v17, v18  }
0xc9: {  	v13 =	vld [tilespmem:s6+$0xFFFFFF10];
	[tilespmem:s6+$0xFFFFFF30] =	vst v5;
	v5 =	vmul.f32 v16, v6;
	v6 =	vbroadcast v3, $0xD  }
0xca: {  	v16 =	vld [tilespmem:s6+$0xFFFFFF80];
	v10 =	vmul.f32 v10, v19;
	[tilespmem:s6+$0xFFFFFFB0] =	vst v4;
	v4 =	vbroadcast v3, $0xE  }
0xcb: {  	v14 =	vmul.f32 v21, v14;
	[tilespmem:s6+$0xFFFFFFD0] =	vst v5;
	v5 =	vmul.f32 v20, v6  }
0xcc: {  	v6 =	vmul.f32 v11, v15;
	[tilespmem:s6+$0xFFFFFFC0] =	vst v12;
	v2 =	vmul.f32 v2, v4  }
0xcd: {  	v4 =	vbroadcast v3, $0x7;
	v3 =	vbroadcast v3, $0xF;
	[tilespmem:s6+$0xFFFFFFE0] =	vst v5  }
0xce: {  	v5 =	vmul.f32 v8, v13;
	v8 =	vmul.f32 v22, v9;
	[tilespmem:s6+$0xFFFFFFF0] =	vst v2  }
0xcf: {  	v3 =	vmul.f32 v7, v3;
	v2 =	vmul.f32 v16, v4;
	[tilespmem:s6+$0xFFFFFFA0] =	vst v10  }
0xd0: {  	[tilespmem:s6+$0xFFFFFF50] =	vst v14  }
0xd1: {  	[tilespmem:s6+$0xFFFFFF60] =	vst v6  }
0xd2: {  	[tilespmem:s6+$0x0] =	vst v3  }
0xd3: {  	[tilespmem:s6+$0xFFFFFF80] =	vst v2  }
0xd4: {  	[tilespmem:s6+$0xFFFFFF10] =	vst v5  }
0xd5: {  	[tilespmem:s6+$0xFFFFFF20] =	vst v8;
	s6 =	smov.u32 s9  }
0xd6: {  	v2 =	vld [tilespmem:s7+$0xFFFFFFF0]  }
.Ltmp1:
0xd7: {  	(pc) =	sbr.rel @p0 .LBB2_5-.Ltmp1, $4  }
0xd8: {  	v5 =	vld [tilespmem:s9+$0xFFFFFE80]  }
0xd9: {  	v7 =	vld [tilespmem:s9+$0xFFFFFEB0]  }
0xda: {  	v6 =	vld [tilespmem:s9+$0xFFFFFE10]  }
0xdb: {  	v3 =	vld [tilespmem:s9+$0xFFFFFE70];
	v8 =	vbroadcast v2, $0x7;
	v4 =	vbroadcast v2, $0x8  }
0xdc: {  	v10 =	vbroadcast v2, $0xA  }
0xdd: {  	v57 =	vbroadcast v2, $0xC;
	v5 =	vmul.f32 v5, v8  }
0xde: {  	v13 =	vld [tilespmem:s6+$0xFFFFFE30];
	v58 =	vbroadcast v2, $0xD;
	v7 =	vmul.f32 v7, v10  }
0xdf: {  	v9 =	vld [tilespmem:s6+$0xFFFFFE60];
	v12 =	vbroadcast v2, $0x0;
	v1 =	vmul.f32 v1, v57;
	[tilespmem:s6+$0xFFFFFE80] =	vst v5  }
0xe0: {  	v11 =	vld [tilespmem:s6+$0xFFFFFF00];
	v19 =	vbroadcast v2, $0x6;
	v0 =	vmul.f32 v0, v58;
	[tilespmem:s6+$0xFFFFFEB0] =	vst v7  }
0xe1: {  	v56 =	vld [tilespmem:s6+$0xFFFFFE90];
	v15 =	vbroadcast v2, $0x2;
	v6 =	vmul.f32 v12, v6;
	[tilespmem:s6+$0xFFFFFED0] =	vst v1  }
0xe2: {  	v59 =	vld [tilespmem:s6+$0xFFFFFE50];
	v61 =	vbroadcast v2, $0x5;
	[tilespmem:s6+$0xFFFFFEE0] =	vst v0;
	v3 =	vmul.f32 v3, v19  }
0xe3: {  	v14 =	vld [tilespmem:s6+$0xFFFFFE20];
	v63 =	vbroadcast v2, $0xF;
	[tilespmem:s6+$0xFFFFFE10] =	vst v6;
	v13 =	vmul.f32 v13, v15  }
0xe4: {  	v62 =	vld [tilespmem:s6+$0xFFFFFEC0];
	v9 =	vmul.f32 v9, v61;
	[tilespmem:s6+$0xFFFFFE70] =	vst v3  }
0xe5: {  	v60 =	vld [tilespmem:s6+$0xFFFFFEF0];
	v17 =	vbroadcast v2, $0x4;
	v16 =	vmul.f32 v11, v63;
	[tilespmem:s6+$0xFFFFFE30] =	vst v13  }
0xe6: {  	v18 =	vbroadcast v2, $0x1;
	v20 =	vld [tilespmem:s6+$0xFFFFFEA0];
	v4 =	vmul.f32 v56, v4;
	[tilespmem:s6+$0xFFFFFE60] =	vst v9  }
0xe7: {  	v22 =	vbroadcast v2, $0xB;
	v15 =	vld [tilespmem:s6+$0xFFFFFE40];
	v7 =	vmul.f32 v59, v17;
	[tilespmem:s6+$0xFFFFFF00] =	vst v16  }
0xe8: {  	v23 =	vbroadcast v2, $0xE;
	v10 =	vmul.f32 v14, v18;
	[tilespmem:s6+$0xFFFFFE90] =	vst v4  }
0xe9: {  	v25 =	vbroadcast v2, $0x9;
	v24 =	vmul.f32 v62, v22;
	[tilespmem:s6+$0xFFFFFE50] =	vst v7  }
0xea: {  	v21 =	vbroadcast v2, $0x3;
	v26 =	vmul.f32 v60, v23;
	[tilespmem:s6+$0xFFFFFE20] =	vst v10  }
0xeb: {  	v27 =	vmul.f32 v20, v25;
	[tilespmem:s6+$0xFFFFFEC0] =	vst v24  }
0xec: {  	[tilespmem:s6+$0xFFFFFEF0] =	vst v26;
	v0 =	vmul.f32 v15, v21  }
0xed: {  	[tilespmem:s6+$0xFFFFFEA0] =	vst v27  }
0xee: {  	[tilespmem:s6+$0xFFFFFE40] =	vst v0  }
0xef: {  	v1 =	vld [tilespmem:s1+$0x0];
	_ =	sdelay $0x2  }
0xf0: {  	v30 =	vld [tilespmem:s6+$0xFFFFFF40]  }
0xf1: {  	v32 =	vld [tilespmem:s6+$0xFFFFFF70]  }
0xf2: {  	v34 =	vld [tilespmem:s6+$0xFFFFFF90];
	v33 =	vbroadcast v1, $0x3  }
0xf3: {  	v31 =	vld [tilespmem:s6+$0xFFFFFF30];
	v37 =	vbroadcast v1, $0x6;
	v39 =	vbroadcast v1, $0x8  }
0xf4: {  	v29 =	vld [tilespmem:s6+$0xFFFFFFB0];
	v41 =	vbroadcast v1, $0x2;
	v43 =	vbroadcast v1, $0xA  }
0xf5: {  	v35 =	vld [tilespmem:s6+$0xFFFFFFD0];
	v45 =	vbroadcast v1, $0xC;
	v3 =	vmul.f32 v30, v33  }
0xf6: {  	v36 =	vld [tilespmem:s6+$0xFFFFFFC0];
	v47 =	vbroadcast v1, $0xB;
	v5 =	vmul.f32 v32, v37  }
0xf7: {  	v38 =	vld [tilespmem:s6+$0xFFFFFFE0];
	v50 =	vbroadcast v1, $0xD;
	v7 =	vmul.f32 v34, v39;
	[tilespmem:s6+$0xFFFFFF40] =	vst v3  }
0xf8: {  	v28 =	vld [tilespmem:s6+$0xFFFFFFF0];
	v53 =	vbroadcast v1, $0xE;
	v4 =	vmul.f32 v31, v41;
	[tilespmem:s6+$0xFFFFFF70] =	vst v5  }
0xf9: {  	v42 =	vld [tilespmem:s6+$0xFFFFFF50];
	v54 =	vbroadcast v1, $0x9;
	v2 =	vmul.f32 v29, v43;
	[tilespmem:s6+$0xFFFFFF90] =	vst v7  }
0xfa: {  	v44 =	vld [tilespmem:s6+$0xFFFFFF60];
	v56 =	vbroadcast v1, $0x4;
	v49 =	vmul.f32 v35, v45;
	[tilespmem:s6+$0xFFFFFF30] =	vst v4  }
0xfb: {  	v48 =	vld [tilespmem:s6+$0xFFFFFF10];
	v57 =	vbroadcast v1, $0x5;
	v6 =	vmul.f32 v36, v47;
	[tilespmem:s6+$0xFFFFFFB0] =	vst v2  }
0xfc: {  	v46 =	vld [tilespmem:s6+$0xFFFFFF20];
	v59 =	vbroadcast v1, $0xF;
	v55 =	vmul.f32 v38, v50;
	[tilespmem:s6+$0xFFFFFFD0] =	vst v49  }
0xfd: {  	v40 =	vld [tilespmem:s6+$0xFFFFFFA0];
	v61 =	vbroadcast v1, $0x7;
	v0 =	vmul.f32 v28, v53;
	[tilespmem:s6+$0xFFFFFFC0] =	vst v6  }
0xfe: {  	v52 =	vld [tilespmem:s6+$0x0];
	v62 =	vbroadcast v1, $0x0;
	v58 =	vmul.f32 v42, v56;
	[tilespmem:s6+$0xFFFFFFE0] =	vst v55  }
0xff: {  	v51 =	vld [tilespmem:s6+$0xFFFFFF80];
	v1 =	vbroadcast v1, $0x1;
	v60 =	vmul.f32 v44, v57;
	[tilespmem:s6+$0xFFFFFFF0] =	vst v0  }
0x100: {  	v63 =	vmul.f32 v62, v48;
	[tilespmem:s6+$0xFFFFFF50] =	vst v58  }
0x101: {  	v1 =	vmul.f32 v46, v1;
	[tilespmem:s6+$0xFFFFFF60] =	vst v60  }
0x102: {  	v3 =	vmul.f32 v40, v54;
	[tilespmem:s6+$0xFFFFFF10] =	vst v63  }
0x103: {  	v5 =	vmul.f32 v52, v59;
	[tilespmem:s6+$0xFFFFFF20] =	vst v1  }
0x104: {  	s22 =	sadd.s32 $0x1, s22;
	v2 =	vmul.f32 v51, v61;
	[tilespmem:s6+$0xFFFFFFA0] =	vst v3  }
0x105: {  	p0 =	sne.s32 s22, $0x29;
	[tilespmem:s6+$0x0] =	vst v5  }
.Ltmp2:
0x106: {  	s23 =	sadd.s32 $0x2900, s23;
	[tilespmem:s6+$0xFFFFFF80] =	vst v2;
	(pc) =	sbr.rel @p0 .LBB2_2-.Ltmp2, $4  }
0x107: {  	[spmem:s2] =	stream.indirect.scatter.add.f32 [tilespmem:s26], [sflag:$0x3], $0x10, s23, s24, $0xb8;
	[tilespmem:$0xBB00] =	vst v63  }
0x108: {  	_ =	swait.ge [sflag:s21], $0x800  }
0x109: {  	[sflag:s21] =	ssyncset.done $0x0  }
0x10a: {  	s10 =	sadd.s32 $0x100, s10;
	s0 =	sadd.s32 $0x100, s0;
	[sflag:s21] =	ssyncadd.s32 $0xFFFFF800  }
0x10b: {  	[bflag:$0x0] =	sbarrier.arrive $0xFFFF  }
0x10c: {  	[tilespmem:s30], [sflag:$0x3] =	stream.linear.gather [spmem:s5], $0x800, $0x38;
	[tilespmem:$0xBB00] =	vst v63  }
0x10d: {  	_ =	swait.ge [sflag:s21], $0x800  }
0x10e: {  	[sflag:s21] =	ssyncset.done $0x0  }
0x10f: {  	[sflag:s21] =	ssyncadd.s32 $0xFFFFF800  }
0x110: {  	[hbm4b:s12+s3] =	stream.linear.scatter [tilespmem:s30], [sflag:$0x3], $0x800, $0x38;
	[tilespmem:$0xBB00] =	vst v63  }
0x111: {  	_ =	swait.ge [sflag:s21], $0x800  }
0x112: {  	[sflag:s21] =	ssyncset.done $0x0  }
0x113: {  	[sflag:s21] =	ssyncadd.s32 $0xFFFFF800  }
0x114: {  	[tilespmem:s30], [sflag:$0x3] =	stream.linear.gather [spmem:s13], $0x800, $0x38;
	[tilespmem:$0xBB00] =	vst v63  }
0x115: {  	_ =	swait.ge [sflag:s21], $0x800  }
0x116: {  	[sflag:s21] =	ssyncset.done $0x0  }
0x117: {  	[sflag:s21] =	ssyncadd.s32 $0xFFFFF800  }
0x118: {  	[hbm4b:s14+s3] =	stream.linear.scatter [tilespmem:s30], [sflag:$0x3], $0x800, $0x38;
	[tilespmem:$0xBB00] =	vst v63  }
0x119: {  	_ =	swait.ge [sflag:s21], $0x800  }
0x11a: {  	[sflag:s21] =	ssyncset.done $0x0  }
0x11b: {  	[sflag:s21] =	ssyncadd.s32 $0xFFFFF800  }
0x11c: {  	[tilespmem:s30], [sflag:$0x3] =	stream.linear.gather [spmem:s15], $0x800, $0x38;
	[tilespmem:$0xBB00] =	vst v63  }
0x11d: {  	_ =	swait.ge [sflag:s21], $0x800  }
0x11e: {  	[sflag:s21] =	ssyncset.done $0x0  }
0x11f: {  	[sflag:s21] =	ssyncadd.s32 $0xFFFFF800  }
0x120: {  	[hbm4b:s16+s3] =	stream.linear.scatter [tilespmem:s30], [sflag:$0x3], $0x800, $0x38;
	[tilespmem:$0xBB00] =	vst v63  }
0x121: {  	_ =	swait.ge [sflag:s21], $0x800  }
0x122: {  	[sflag:s21] =	ssyncset.done $0x0  }
0x123: {  	[sflag:s21] =	ssyncadd.s32 $0xFFFFF800  }
0x124: {  	[tilespmem:s30], [sflag:$0x3] =	stream.linear.gather [spmem:s17], $0x800, $0x38;
	[tilespmem:$0xBB00] =	vst v63  }
0x125: {  	_ =	swait.ge [sflag:s21], $0x800  }
0x126: {  	[sflag:s21] =	ssyncset.done $0x0  }
0x127: {  	[sflag:s21] =	ssyncadd.s32 $0xFFFFF800  }
0x128: {  	[hbm4b:s18+s3] =	stream.linear.scatter [tilespmem:s30], [sflag:$0x3], $0x800, $0x38;
	[tilespmem:$0xBB00] =	vst v63  }
0x129: {  	_ =	swait.ge [sflag:s21], $0x800  }
0x12a: {  	[sflag:s21] =	ssyncset.done $0x0  }
0x12b: {  	[sflag:s21] =	ssyncadd.s32 $0xFFFFF800  }
0x12c: {  	[tilespmem:s30], [sflag:$0x3] =	stream.linear.gather [spmem:s19], $0x800, $0x38;
	[tilespmem:$0xBB00] =	vst v63  }
0x12d: {  	s31 =	sadd.s32 $0x1, s31;
	_ =	swait.ge [sflag:s21], $0x800  }
0x12e: {  	p0 =	sne.s32 s31, s11;
	[sflag:s21] =	ssyncset.done $0x0  }
.Ltmp3:
0x12f: {  	[sflag:s21] =	ssyncadd.s32 $0xFFFFF800;
	(pc) =	sbr.rel @p0 .LBB2_1-.Ltmp3, $4  }
0x130: {  	[hbm4b:s20+s3] =	stream.linear.scatter [tilespmem:s30], [sflag:$0x3], $0x800, $0x38;
	[tilespmem:$0xBB00] =	vst v63  }
0x131: {  	_ =	swait.ge [sflag:s21], $0x800  }
0x132: {  	[sflag:s21] =	ssyncset.done $0x0  }
0x133: {  	[sflag:s21] =	ssyncadd.s32 $0xFFFFF800  }
0x134: {  	_ =	sfence.sel $0x180000  }
0x135: {  	[bflag:$0x0] =	sbarrier.arrive $0xFFFF  }
0x136: {  	_ =	strace $0x9000004D  }
0x137: {  	s0 =	stileid.u32;
	[bflag:$0x2] =	sbarrier.arrive $0xFFFF  }
0x138: {  	p0 =	sne.s32 s0, $0x0;
	s0 =	rddreg [dreg:$0x2]  }
0x139: {  	s0 =	sadd.s32 @!p0 $0x100000, s0  }
0x13a: {  	[sflag:s0] =	ssyncadd.tile.s32 @!p0 $0x1;
	_ =	shalt  }
.Lfunc_end2:
_tile_overlayer_lowered:
.L_overlay_start_2:
0x13b: {  	(tag) =	ssettag $0x2  }
0x13c: {  	s0 =	rddreg [dreg:$0x0];
	s2 =	stileid.u32  }
0x13d: {  	s1 =	rddreg [dreg:$0x1];
	p0 =	sne.s32 s2, $0x0  }
0x13e: {  	s3 =	rddreg [dreg:$0x2];
	[bflag:$0x3] =	sbarrier.arrive $0xFFFF;
	s2 =	simm.s32 @!p0 $0x1C03  }
0x13f: {  	[timem:s3], [sflag:s2] =	dma.local @!p0 [hbm:s0], s1  }
0x140: {  	s0 =	simm.s32 @!p0 $0x3  }
0x141: {  	_ =	swait.ge @!p0 [sflag:s0], s1  }
0x142: {  	s1 =	ssub.s32 @!p0 $0x0, s1;
	[sflag:s0] =	ssyncset.done @!p0 $0x0  }
0x143: {  	[sflag:s0] =	ssyncadd.s32 @!p0 s1  }
0x144: {  	[bflag:$0x3] =	sbarrier.arrive $0xFFFF  }
0x145: {  	_ =	shalt  }

// kernel: kernel.8.cloned.1.call-start
scs
__scs_entry_jumppad:
0x0: {  	(pc) =	sbr.rel $0x88, $3  }
0x1: {  	(tag) =	ssettag $0x0;
	lr =	simm.s32 $0x1  }
0x2: {  	[smem:$0x3F9A] =	sst lr;
	_ =	strace $0xD0000000  }
0x3: {  	_ = 	snop  }
0x4: {  	_ = 	snop  }
0x5: {  	_ = 	snop  }
0x6: {  	_ = 	snop  }
0x7: {  	_ = 	snop  }
__scs_overlays_trampoline_lowered:
0x8: {  	[smem:$0x3FA9] =	sst s0  }
0x9: {  	[smem:$0x3FAA] =	sst s1  }
0xa: {  	[smem:$0x3FAB] =	sst s2  }
0xb: {  	[smem:$0x3FAC] =	sst s3  }
0xc: {  	[smem:$0x3FAD] =	sst s4  }
0xd: {  	[smem:$0x3FAE] =	sst s5  }
0xe: {  	[smem:$0x3FAF] =	sst s6  }
0xf: {  	[smem:$0x3FB0] =	sst s7  }
0x10: {  	[smem:$0x3FB1] =	sst s8  }
0x11: {  	[smem:$0x3FB2] =	sst s9;
	s0 =	simm.s32 @!p0 $0x0  }
0x12: {  	s1 =	sld [smem:$0x3F98];
	s0 =	simm.s32 @p0 $0x1  }
0x13: {  	[smem:$0x3FB3] =	sst s0;
	s0 =	simm.s32 @!p1 $0x0  }
0x14: {  	s2 =	sld [smem:$0x3F97];
	s0 =	simm.s32 @p1 $0x1  }
0x15: {  	[smem:$0x3FB4] =	sst s0;
	s0 =	simm.s32 @!p2 $0x0  }
0x16: {  	s3 =	sld [smem:$0x3FDB];
	s0 =	simm.s32 @p2 $0x1  }
0x17: {  	s4 =	simm.s32 $0x1BF5;
	[smem:$0x3FB6] =	sst s0  }
0x18: {  	s0 =	sld [smem:$0x3F99];
	_ =	swait.ge [sflag:s4], $0x0  }
0x19: {  	s7 =	sld [smem:$0x3F9A]  }
0x1a: {  	s8 =	sadd.s32 $0xFFFFE003, lr  }
0x1b: {  	s9 =	sadd.s32 $0xFFFFFEF7, lr;
	s5 =	simm.s32 $0xFFFFFFFF;
	p2 =	slt.u32 s8, $0xFFFFF086  }
0x1c: {  	p1 =	slt.u32 s9, $0xF7A;
	s5 =	simm.s32 @!p2 $0x0  }
0x1d: {  	s5 =	simm.s32 @p1 $0x1;
	p0 =	seq.s32 s7, s2  }
0x1e: {  	s7 =	smul.u32 @!p0 $0xF7A, s2;
	p2 =	seq.s32 @!p0 s5, $0x0  }
0x1f: {  	s9 =	smul.u32 $0xF7A, s1;
	s8 =	simm.s32 @!p0 $0x1BF5;
	p2 =	por !p2, p0  }
0x20: {  	[sflag:s8] =	ssyncset.s32 @!p0 $0xFFFFF086;
	s6 =	sadd.s32 @!p0 s3, s7;
	s7 =	simm.s32 @!p0 $0x108  }
0x21: {  	s3 =	sadd.s32 s3, s9;
	s6 =	sadd.s32 @!p0 $0x88, s6;
	s7 =	simm.s32 @p2 $0x1082  }
0x22: {  	[simem:s7], [sflag:s8] =	dma.local @!p0 [hbm:s6], $0xF7A  }
0x23: {  	s9 =	sor.u32 $0xD0000000, s2;
	s6 =	simm.s32 $0x108;
	_ =	swait.ge @!p0 [sflag:s8], $0x0  }
0x24: {  	s3 =	sadd.s32 $0x88, s3;
	s6 =	simm.s32 @!p1 $0x1082;
	[sflag:s4] =	ssyncset.s32 $0xFFFFF086  }
0x25: {  	[simem:s6], [sflag:s4] =	dma.local [hbm:s3], $0xF7A  }
0x26: {  	[smem:$0x3F9A] =	sst s1;
	(tag) =	ssettag s2;
	_ =	strace s9  }
0x27: {  	s1 =	sld [smem:$0x3FAA]  }
0x28: {  	s2 =	sld [smem:$0x3FAB]  }
0x29: {  	s4 =	sld [smem:$0x3FAD]  }
0x2a: {  	p0 =	seq.s32 s5, $0x0;
	s5 =	sld [smem:$0x3FAE]  }
0x2b: {  	s6 =	sld [smem:$0x3FAF]  }
0x2c: {  	s7 =	sld [smem:$0x3FB0]  }
0x2d: {  	s3 =	simm.s32 $0x108;
	s8 =	sld [smem:$0x3FB1]  }
0x2e: {  	s3 =	simm.s32 @!p0 $0x1082;
	s9 =	sld [smem:$0x3FB2]  }
0x2f: {  	lr =	sadd.s32 s0, s3;
	s0 =	sld [smem:$0x3FA9]  }
0x30: {  	s3 =	sld [smem:$0x3FAC]  }
0x31: {  	[smem:$0x3FB5] =	sst s10  }
0x32: {  	s10 =	sld [smem:$0x3FB3];
	_ =	sdelay $0x3  }
0x33: {  	p0 =	seq.s32 s10, $0x1;
	s10 =	sld [smem:$0x3FB5];
	_ =	sdelay $0x3  }
0x34: {  	[smem:$0x3FB5] =	sst s10  }
0x35: {  	s10 =	sld [smem:$0x3FB4];
	_ =	sdelay $0x3  }
0x36: {  	p1 =	seq.s32 s10, $0x1;
	s10 =	sld [smem:$0x3FB5];
	_ =	sdelay $0x3  }
0x37: {  	[smem:$0x3FB5] =	sst s10  }
0x38: {  	s10 =	sld [smem:$0x3FB6]  }
0x39: {  	_ = 	snop;
	(pc) =	sbr.ind lr, $3  }
0x3a: {  	_ = 	snop  }
0x3b: {  	_ = 	snop  }
0x3c: {  	p2 =	seq.s32 s10, $0x1;
	s10 =	sld [smem:$0x3FB5]  }
0x3d: {  	_ =	shalt  }
0x3e: {  	_ =	shalt  }
0x3f: {  	_ =	shalt  }
0x40: {  	_ =	shalt  }
0x41: {  	_ =	shalt  }
0x42: {  	_ =	shalt  }
0x43: {  	_ =	shalt  }
0x44: {  	_ =	shalt  }
0x45: {  	_ =	shalt  }
0x46: {  	_ =	shalt  }
0x47: {  	_ =	shalt  }
0x48: {  	_ =	shalt  }
0x49: {  	_ =	shalt  }
0x4a: {  	_ =	shalt  }
0x4b: {  	_ =	shalt  }
0x4c: {  	_ =	shalt  }
0x4d: {  	_ =	shalt  }
0x4e: {  	_ =	shalt  }
0x4f: {  	_ =	shalt  }
0x50: {  	_ =	shalt  }
0x51: {  	_ =	shalt  }
0x52: {  	_ =	shalt  }
0x53: {  	_ =	shalt  }
0x54: {  	_ =	shalt  }
0x55: {  	_ =	shalt  }
0x56: {  	_ =	shalt  }
0x57: {  	_ =	shalt  }
0x58: {  	_ =	shalt  }
0x59: {  	_ =	shalt  }
0x5a: {  	_ =	shalt  }
0x5b: {  	_ =	shalt  }
0x5c: {  	_ =	shalt  }
0x5d: {  	_ =	shalt  }
0x5e: {  	_ =	shalt  }
0x5f: {  	_ =	shalt  }
0x60: {  	_ =	shalt  }
0x61: {  	_ =	shalt  }
0x62: {  	_ =	shalt  }
0x63: {  	_ =	shalt  }
0x64: {  	_ =	shalt  }
0x65: {  	_ =	shalt  }
0x66: {  	_ =	shalt  }
0x67: {  	_ =	shalt  }
0x68: {  	_ =	shalt  }
0x69: {  	_ =	shalt  }
0x6a: {  	_ =	shalt  }
0x6b: {  	_ =	shalt  }
0x6c: {  	_ =	shalt  }
0x6d: {  	_ =	shalt  }
0x6e: {  	_ =	shalt  }
0x6f: {  	_ =	shalt  }
0x70: {  	_ =	shalt  }
0x71: {  	_ =	shalt  }
0x72: {  	_ =	shalt  }
0x73: {  	_ =	shalt  }
0x74: {  	_ =	shalt  }
0x75: {  	_ =	shalt  }
0x76: {  	_ =	shalt  }
0x77: {  	_ =	shalt  }
0x78: {  	_ =	shalt  }
0x79: {  	_ =	shalt  }
0x7a: {  	_ =	shalt  }
0x7b: {  	_ =	shalt  }
0x7c: {  	_ =	shalt  }
0x7d: {  	_ =	shalt  }
0x7e: {  	_ =	shalt  }
0x7f: {  	_ =	shalt  }
0x80: {  	_ =	shalt  }
0x81: {  	_ =	shalt  }
0x82: {  	_ =	shalt  }
0x83: {  	_ =	shalt  }
0x84: {  	_ =	shalt  }
0x85: {  	_ =	shalt  }
0x86: {  	_ =	shalt  }
0x87: {  	_ =	shalt  }
.Lfunc_end0:
.L_simem_size_0:
called_computation_lowered:
.L_overlay_start_0:
0x88: {  	s2 =	sld [smem:$0x3FD9]  }
0x89: {  	s3 =	sld [smem:$0x3FFE];
	_ =	sdelay $0x1  }
0x8a: {  	s1 =	srdreg.scid  }
0x8b: {  	s0 =	sand.u32 $0x1, s1  }
0x8c: {  	s17 =	sshll.u32 s0, $0xA;
	s2 =	sadd.s32 s3, s2  }
0x8d: {  	s2 =	sadd.s32 s2, s17  }
0x8e: {  	[smem:$0x3FC1] =	sst s2  }
0x8f: {  	_ = 	snop  }
0x90: {  	s2 =	sld [smem:$0x3FD0];
	(tm) =	ssettm $0x1  }
0x91: {  	s18 =	sld [smem:$0x3FFB];
	_ =	sdelay $0x3  }
0x92: {  	_ =	strace s18  }
0x93: {  	s3 =	sld [smem:$0x3FFC];
	_ =	sdelay $0x3  }
0x94: {  	_ =	strace s3  }
0x95: {  	s3 =	sld [smem:$0x3FFD];
	_ =	sdelay $0x3  }
0x96: {  	_ =	strace s3  }
0x97: {  	_ =	strace $0x8FFFFFFF  }
0x98: {  	s19 =	sld [smem:$0x3FDB];
	_ =	sdelay $0x1  }
0x99: {  	s4 =	simm.s32 $_scs_section_size  }
0x9a: {  	s5 =	simm.s32 $_size__tile_overlayer_lowered;
	s6 =	simm.s32 $_tile_overlayer_lowered  }
0x9b: {  	s22 =	simm.s32 $0x1BFF;
	s21 =	sshll.u32 s6, $0x1;
	s3 =	sadd.s32 s4, s19  }
0x9c: {  	s7 =	simm.s32 $0x0;
	s20 =	sshll.u32 s5, $0x1;
	s5 =	sadd.s32 s21, s3  }
0x9d: {  	[timem:s7], [sflag:s22] =	dma.local [hbm:s5], s20  }
0x9e: {  	_ =	swait.ge [sflag:s22], s20  }
0x9f: {  	s4 =	ssub.s32 $0x0, s20;
	[sflag:s22] =	ssyncset.done $0x0  }
0xa0: {  	[sflag:s22] =	ssyncadd.s32 s4;
	_ =	sdelay $0x1  }
0xa1: {  	s23 =	simm.s32 $0x1B8B  }
0xa2: {  	_ =	swait.ge [sflag:s23], $0x1  }
0xa3: {  	[sflag:s23] =	ssyncset.done $0x0  }
0xa4: {  	s25 =	simm.s32 $0x1B8E;
	s24 =	sld [smem:$0x3FFE];
	[sflag:s23] =	ssyncadd.s32 $0xFFFFFFFF  }
0xa5: {  	s26 =	simm.s32 $execute0_lowered;
	[smem:$0x3FD2] =	sst s25  }
0xa6: {  	s5 =	sshll.u32 s26, $0x1;
	_ =	strace $0x80000046;
	[dreg:$0x1] =	wrdreg $0xFFFFFFFF  }
0xa7: {  	s28 =	simm.s32 $_size_execute0_lowered;
	s3 =	sadd.s32 s3, s5;
	[dreg:$0x0] =	wrdreg $0x0  }
0xa8: {  	s5 =	sshll.u32 s28, $0x1;
	[dreg:$0x2] =	wrdreg s3  }
0xa9: {  	[dreg:$0x3] =	wrdreg s5  }
0xaa: {  	[dreg:$0x4] =	wrdreg $0xC0  }
0xab: {  	_ =	task [dreg:s7], $0x5FFFF  }
0xac: {  	[dreg:$0x1] =	wrdreg $0xFFFFFFFF  }
0xad: {  	[dreg:$0x0] =	wrdreg $0x60  }
0xae: {  	[dreg:$0x2] =	wrdreg s24  }
0xaf: {  	[dreg:$0x3] =	wrdreg s2  }
0xb0: {  	[dreg:$0x4] =	wrdreg $0x5A800  }
0xb1: {  	[dreg:$0x5] =	wrdreg $0x9  }
0xb2: {  	_ =	task.clear_ibuf [dreg:s7], $0x6FFFF;
	_ =	strace $0x90000046  }
0xb3: {  	s29 =	simm.s32 $0x9;
	_ =	strace $0x80000048  }
0xb4: {  	_ =	swait.ge [sflag:s29], $0x1  }
0xb5: {  	[sflag:s29] =	ssyncadd.s32 $0xFFFFFFFF  }
0xb6: {  	_ =	strace $0x90000048  }
0xb7: {  	_ =	sfence  }
0xb8: {  	s30 =	sld [smem:$0x0];
	_ =	sdelay $0x2  }
0xb9: {  	s31 =	sshll.u32 s1, $0xD;
	s1 =	sshrl.u32 s1, $0x2  }
0xba: {  	s3 =	sand.u32 $0x4000, s31;
	s1 =	sadd.s32 s1, s30  }
0xbb: {  	s0 =	sor.u32 s3, s0;
	s1 =	sshll.u32 s1, $0x11  }
0xbc: {  	s0 =	sor.u32 s1, s0  }
0xbd: {  	s0 =	sadd.s32 $0x8F2B, s0  }
0xbe: {  	[sflag:s0] =	ssyncadd.remote.s32 $0x1  }
0xbf: {  	_ =	sfence.sel $0xFFFF  }
0xc0: {  	[dreg:$0x0] =	wrdreg $0xFFFFFFFF;
	(pc) =	sbr.abs _section_cstart, $3  }
0xc1: {  	[dreg:$0x1] =	wrdreg $0xFFFFFFFF  }
0xc2: {  	_ =	task.clear_ibuf [dreg:s7], $0x2FFFF;
	_ =	strace $0x9FFFFFFF  }
0xc3: {  	(tm) =	ssettm $0x7FFFFFFF  }
tec
execute0_lowered:
.L_overlay_start_1:
0x0: {  	(tag) =	ssettag $0x1  }
0x1: {  	s4 =	rddreg [dreg:$0x0]  }
0x2: {  	s7 =	rddreg [dreg:$0x1];
	s1 =	srdreg.scid  }
0x3: {  	s0 =	stileid.u32;
	s2 =	rddreg [dreg:$0x2]  }
0x4: {  	s3 =	simm.s32 $0x0;
	s11 =	simm.s32 $0x2C00;
	s12 =	simm.s32 $0x80  }
0x5: {  	s15 =	simm.s32 $0x20;
	s16 =	simm.s32 $0x10;
	s17 =	simm.s32 $0x0  }
0x6: {  	s5 =	sand.u32 $0x1, s1;
	s1 =	rddreg [dreg:$0x3];
	s8 =	smul.u32 $0xA00, s0  }
0x7: {  	s6 =	sshll.u32 s0, $0x1;
	[smem:$0x7FF] =	sst s3;
	s9 =	smul.u32 $0x500, s0  }
0x8: {  	s13 =	sshll.u32 s0, $0x6;
	s6 =	sor.u32 s5, s6;
	_ =	strace $0x80000047  }
0x9: {  	s30 =	ssub.s32 $0x2, s5;
	s5 =	sshll.u32 s5, $0x7;
	s13 =	sor.u32 $0x1C01, s13  }
0xa: {  	s6 =	smul.u32 $0x580, s6;
	s10 =	sshrl.u32 s30, $0x1;
	s8 =	sshrl.u32 s8, $0x2  }
0xb: {  	s31 =	sor.u32 s5, s9;
	s9 =	simm.s32 $0x5800;
	s10 =	ssub.s32 s30, s10  }
0xc: {  	s6 =	sadd.s32 s6, s4;
	s4 =	sadd.s32 s8, s2;
	s8 =	sshrl.u32 s31, $0x3  }
0xd: {  	s5 =	sadd.s32 $0xC400, s6;
	s6 =	sadd.s32 $0x21800, s6;
	s7 =	sadd.s32 s7, s8  }
0xe: {  	v0 =	vimm.f32 $0.0e+00;
	s8 =	smax.u32 s10, $0x1;
	s10 =	simm.s32 $0x1;
	s14 =	sshrl.u32 s4, $0x3  }
.LBB2_1:
0xf: {  	[tilespmem:$0x5800] =	vst v0  }
0x10: {  	[tilespmem:$0x5810] =	vst v0  }
0x11: {  	[tilespmem:$0x5820] =	vst v0  }
0x12: {  	[tilespmem:$0x5830] =	vst v0  }
0x13: {  	[tilespmem:$0x5840] =	vst v0  }
0x14: {  	[tilespmem:$0x5850] =	vst v0  }
0x15: {  	[tilespmem:$0x5860] =	vst v0  }
0x16: {  	[tilespmem:$0x5870] =	vst v0  }
0x17: {  	[tilespmem:$0x5880] =	vst v0  }
0x18: {  	[tilespmem:$0x5890] =	vst v0  }
0x19: {  	[tilespmem:$0x58A0] =	vst v0  }
0x1a: {  	[tilespmem:$0x58B0] =	vst v0  }
0x1b: {  	[tilespmem:$0x58C0] =	vst v0  }
0x1c: {  	[tilespmem:$0x58D0] =	vst v0  }
0x1d: {  	[tilespmem:$0x58E0] =	vst v0  }
0x1e: {  	[tilespmem:$0x58F0] =	vst v0  }
0x1f: {  	[tilespmem:$0x5900] =	vst v0  }
0x20: {  	[tilespmem:$0x5910] =	vst v0  }
0x21: {  	[tilespmem:$0x5920] =	vst v0  }
0x22: {  	[tilespmem:$0x5930] =	vst v0  }
0x23: {  	[tilespmem:$0x5940] =	vst v0  }
0x24: {  	[tilespmem:$0x5950] =	vst v0  }
0x25: {  	[tilespmem:$0x5960] =	vst v0  }
0x26: {  	[tilespmem:$0x5970] =	vst v0  }
0x27: {  	[tilespmem:$0x5980] =	vst v0  }
0x28: {  	[tilespmem:$0x5990] =	vst v0  }
0x29: {  	[tilespmem:$0x59A0] =	vst v0  }
0x2a: {  	[tilespmem:$0x59B0] =	vst v0  }
0x2b: {  	[tilespmem:$0x59C0] =	vst v0  }
0x2c: {  	[tilespmem:$0x59D0] =	vst v0  }
0x2d: {  	[tilespmem:$0x59E0] =	vst v0  }
0x2e: {  	[tilespmem:$0x59F0] =	vst v0  }
0x2f: {  	[tilespmem:$0x5A00] =	vst v0  }
0x30: {  	[tilespmem:$0x5A10] =	vst v0  }
0x31: {  	[tilespmem:$0x5A20] =	vst v0  }
0x32: {  	[tilespmem:$0x5A30] =	vst v0  }
0x33: {  	[tilespmem:$0x5A40] =	vst v0  }
0x34: {  	[tilespmem:$0x5A50] =	vst v0  }
0x35: {  	[tilespmem:$0x5A60] =	vst v0  }
0x36: {  	[tilespmem:$0x5A70] =	vst v0  }
0x37: {  	[spmem:s4] =	stream.linear.scatter [tilespmem:s9], [sflag:$0x1], $0x280, $0x38;
	[tilespmem:$0x5D00] =	vst v63  }
0x38: {  	_ =	swait.ge [sflag:s10], $0x280  }
0x39: {  	[sflag:s10] =	ssyncset.done $0x0  }
0x3a: {  	[sflag:s10] =	ssyncadd.s32 $0xFFFFFD80  }
0x3b: {  	[tilespmem:s3], [sflag:$0x1] =	stream.linear.gather [hbm4b:s5+s3], $0x2900, $0x38;
	[tilespmem:$0x5D00] =	vst v63  }
0x3c: {  	_ =	swait.ge [sflag:s10], $0x2900  }
0x3d: {  	[sflag:s10] =	ssyncset.done $0x0  }
0x3e: {  	[sflag:s10] =	ssyncadd.s32 $0xFFFFD700  }
0x3f: {  	[tilespmem:s11], [sflag:$0x1] =	stream.linear.gather [hbm4b:s6+s3], $0x2900, $0x38;
	[tilespmem:$0x5D00] =	vst v63  }
0x40: {  	_ =	swait.ge [sflag:s10], $0x2900  }
0x41: {  	[sflag:s10] =	ssyncset.done $0x0  }
0x42: {  	[sflag:s10] =	ssyncadd.s32 $0xFFFFD700  }
0x43: {  	s18 =	simm.s32 $0x0;
	s19 =	simm.s32 $0x2C00;
	[bflag:$0x0] =	sbarrier.arrive $0xFFFF  }
0x44: {  	[spmem:s2] =	stream.indirect.scatter.add.f32 [tilespmem:s19], [sflag:$0x1], $0x1, s18, s12, $0xb8;
	[tilespmem:$0x5D00] =	vst v63  }
0x45: {  	s18 =	simm.s32 $0x200;
	_ =	swait.ge [sflag:s10], $0x80  }
.LBB2_2:
0x46: {  	s19 =	sshra.s32 s18, $0x2;
	[sflag:s10] =	ssyncset.done $0x0;
	p0 =	sne.s32 s18, $0xA200  }
.Ltmp0:
0x47: {  	s20 =	sadd.s32 $0x2C00, s19;
	[sflag:s10] =	ssyncadd.s32 $0xFFFFFF80;
	(pc) =	sbr.rel @p0 .LBB2_2-.Ltmp0, $3  }
0x48: {  	[spmem:s2] =	stream.indirect.scatter.add.f32 [tilespmem:s20], [sflag:$0x1], $0x1, s19, s12, $0xb8;
	[tilespmem:$0x5D00] =	vst v63  }
0x49: {  	s18 =	sadd.s32 $0x200, s18;
	_ =	sdelay $0x1  }
0x4a: {  	_ =	swait.ge [sflag:s10], $0x80  }
0x4b: {  	[sflag:s10] =	ssyncset.done $0x0;
	s17 =	sadd.s32 $0x1, s17  }
0x4c: {  	[sflag:s10] =	ssyncadd.s32 $0xFFFFFF80;
	p0 =	sne.s32 s17, s8  }
.Ltmp1:
0x4d: {  	[bflag:$0x0] =	sbarrier.arrive $0xFFFF;
	(pc) =	sbr.rel @p0 .LBB2_1-.Ltmp1, $4  }
0x4e: {  	[hbm:s7@s15], [sflag:s13] =	dma.strided [spmem:s14@s16], $0x50, s10, $0x10   }
0x4f: {  	_ =	swait.ge [sflag:s10], $0x50  }
0x50: {  	[sflag:s10] =	ssyncset.done $0x0  }
0x51: {  	[sflag:s10] =	ssyncadd.s32 $0xFFFFFFB0  }
0x52: {  	_ =	sfence.sel $0x180000  }
0x53: {  	[bflag:$0x0] =	sbarrier.arrive $0xFFFF  }
0x54: {  	p0 =	sne.s32 s0, $0x0;
	_ =	strace $0x90000047  }
0x55: {  	s0 =	sadd.s32 @!p0 $0x100000, s1;
	[bflag:$0x2] =	sbarrier.arrive $0xFFFF  }
0x56: {  	[sflag:s0] =	ssyncadd.tile.s32 @!p0 $0x1;
	_ =	shalt  }
.Lfunc_end2:
_tile_overlayer_lowered:
.L_overlay_start_2:
0x57: {  	(tag) =	ssettag $0x2  }
0x58: {  	s0 =	rddreg [dreg:$0x0];
	s2 =	stileid.u32  }
0x59: {  	s1 =	rddreg [dreg:$0x1];
	p0 =	sne.s32 s2, $0x0  }
0x5a: {  	s3 =	rddreg [dreg:$0x2];
	[bflag:$0x3] =	sbarrier.arrive $0xFFFF;
	s2 =	simm.s32 @!p0 $0x1C01  }
0x5b: {  	[timem:s3], [sflag:s2] =	dma.local @!p0 [hbm:s0], s1  }
0x5c: {  	s0 =	simm.s32 @!p0 $0x1  }
0x5d: {  	_ =	swait.ge @!p0 [sflag:s0], s1  }
0x5e: {  	s1 =	ssub.s32 @!p0 $0x0, s1;
	[sflag:s0] =	ssyncset.done @!p0 $0x0  }
0x5f: {  	[sflag:s0] =	ssyncadd.s32 @!p0 s1  }
0x60: {  	[bflag:$0x3] =	sbarrier.arrive $0xFFFF  }
0x61: {  	_ =	shalt  }

</sc_bundles>
